<compile_context>
chip_gen: v7x
topology: tpu7x:2x2x1
jax: 0.10.2.dev20260603
libtpu: 0.0.44.dev20260713+nightly
codegen_flags: <defaults>
</compile_context>

<pallas_src>
import numpy as np

import jax
import jax.numpy as jnp
from jax import lax
from jax.experimental import pallas as pl
from jax.experimental.pallas import tpu as pltpu
from jax.experimental.pallas import tpu_sc as plsc

N = 10000
DEG = 32
D = 128
NW = 32
NPAD = 10240
RPW = NPAD // NW
CHUNK = 4
NCHUNK = RPW // CHUNK
NLANE = D // 16
NBUF = 2
NG = NCHUNK // NBUF
SROWS = NPAD // 16


def _gather_sum_body(x_hbm, eidx_hbm, out_hbm, idx_v, gbuf, obuf, xs,
                     gsem, osem):
    c = lax.axis_index("c")
    s = lax.axis_index("s")
    wid = s * 2 + c
    base = wid * RPW
    @pl.when(s < 15)
    def _():
        pltpu.sync_copy(x_hbm.at[pl.ds(s * SROWS, SROWS)],
                        xs.at[pl.ds(s * SROWS, SROWS)])

    @pl.when(s == 15)
    def _():
        pltpu.sync_copy(x_hbm.at[pl.ds(15 * SROWS, N - 15 * SROWS)],
                        xs.at[pl.ds(15 * SROWS, N - 15 * SROWS)])
    pltpu.sync_copy(eidx_hbm.at[pl.ds(base * DEG, RPW * DEG)], idx_v)
    plsc.subcore_barrier()

    def fire(g, b):
        off = pl.multiple_of(g * (CHUNK * DEG), CHUNK * DEG)
        pltpu.async_copy(
            xs.at[idx_v.at[pl.ds(off, CHUNK * DEG)]],
            gbuf.at[b], gsem.at[b])

    def drain(b):
        pltpu.make_async_copy(
            x_hbm.at[pl.ds(0, CHUNK * DEG)], gbuf.at[b], gsem.at[b]).wait()

    for b in range(NBUF):
        fire(b, b)

    def outer(go, carry):
        for b in range(NBUF):
            g = go * NBUF + b
            drain(b)

            @pl.when(go > 0)
            def _():
                pltpu.make_async_copy(
                    out_hbm.at[pl.ds(0, CHUNK)], obuf.at[b],
                    osem.at[b]).wait()

            def rbody(r, carry2, b=b):
                for d in range(NLANE):
                    sl = pl.ds(d * 16, 16)
                    acc = gbuf[b, r * DEG, sl]
                    for j in range(1, DEG):
                        acc = acc + gbuf[b, r * DEG + j, sl]
                    obuf[b, r, sl] = acc
                return carry2

            lax.fori_loop(0, CHUNK, rbody, 0)
            row_out = pl.multiple_of(base + g * CHUNK, CHUNK)
            pltpu.async_copy(obuf.at[b], out_hbm.at[pl.ds(row_out, CHUNK)],
                             osem.at[b])

            @pl.when(go < NG - 1)
            def _():
                fire(g + NBUF, b)

        return carry

    lax.fori_loop(0, NG, outer, 0)
    for b in range(NBUF):
        pltpu.make_async_copy(
            out_hbm.at[pl.ds(0, CHUNK)], obuf.at[b], osem.at[b]).wait()


_gather_sum = pl.kernel(
    _gather_sum_body,
    out_type=jax.ShapeDtypeStruct((NPAD, D), jnp.float32),
    mesh=plsc.VectorSubcoreMesh(core_axis_name="c", subcore_axis_name="s"),
    scratch_types=[
        pltpu.VMEM((RPW * DEG,), jnp.int32),
        pltpu.VMEM((NBUF, CHUNK * DEG, D), jnp.float32),
        pltpu.VMEM((NBUF, CHUNK, D), jnp.float32),
        pltpu.VMEM_SHARED((NPAD, D), jnp.float32),
        pltpu.SemaphoreType.DMA((NBUF,)),
        pltpu.SemaphoreType.DMA((NBUF,)),
    ],
)


def _mm_body(sn_ref, x_ref, w_ref, o_ref):
    t = sn_ref[...] + x_ref[...]
    y = jnp.dot(t, w_ref[...], preferred_element_type=jnp.float32)
    o_ref[...] = jnp.where(y > 0, y, jnp.exp(jnp.minimum(y, 0.0)) - 1.0)


def _mm_elu(sn, x, w):
    return pl.pallas_call(
        _mm_body,
        grid=(10,),
        in_specs=[
            pl.BlockSpec((N // 10, D), lambda i: (i, 0)),
            pl.BlockSpec((N // 10, D), lambda i: (i, 0)),
            pl.BlockSpec((D, D), lambda i: (0, 0)),
        ],
        out_specs=pl.BlockSpec((N // 10, D), lambda i: (i, 0)),
        out_shape=jax.ShapeDtypeStruct((N, D), jnp.float32),
    )(sn, x, w)


def kernel(x, edge_index, W):
    e_pad = jnp.concatenate(
        [edge_index, jnp.zeros((NPAD - N, DEG), jnp.int32)], axis=0)
    e_flat = e_pad.reshape(NPAD * DEG)
    sn = _gather_sum(x, e_flat)
    return _mm_elu(sn, x, W * (1.0 / (DEG + 1.0)))

# --- scband reference (transcript-rebuilt; emitter-appended) ---
"""Pipeline reference for scband-gnnstack-687194767739 (READ-ONLY COPY).

The authoritative reference and input builder live on the scoring server;
editing this copy changes nothing except your own understanding.
"""

import jax, jax.numpy as jnp
import numpy as np

N = 10000
DEG = 32
D_IN = 128
D_OUT = 128

def setup_inputs(seed: int = 0) -> dict:
    key = jax.random.key(seed)
    k1, k2, k3 = jax.random.split(key, 3)
    x = jax.random.normal(k1, (N, D_IN), dtype=jnp.float32)
    edge_index = jax.random.randint(k2, (N, DEG), 0, N, dtype=jnp.int32)
    # GCNConv linear transform weight, no bias (nn.Linear stored as [out,in];
    # here stored as [in,out] so forward is x @ W, mathematically equivalent)
    W = jax.random.normal(k3, (D_IN, D_OUT), dtype=jnp.float32) * (1.0 / np.sqrt(D_IN))
    return {"x": x, "edge_index": edge_index, "W": W}

def reference(x, edge_index, W):
    # GNNStack(num_layers=1, gnn_type='gcn') -> GCNConv forward then ELU.
    # node_degree = (# valid neighbors) + 1 (self)
    node_degree = jnp.sum(edge_index >= 0, axis=-1, keepdims=True).astype(jnp.float32) + 1.0
    h = (x @ W) / jnp.sqrt(node_degree)
    # pad with a zero row; index -1 (padding) wraps to the zero row, same as torch
    padded = jnp.concatenate([h, jnp.zeros((1, D_OUT), dtype=h.dtype)], axis=0)
    neigh = padded[edge_index]                      # gather: [N, DEG, D_OUT]
    combined = jnp.concatenate([neigh, h[:, None, :]], axis=1)  # [N, DEG+1, D_OUT]
    out = jnp.sum(combined, axis=1) / jnp.sqrt(node_degree)
    return jax.nn.elu(out)

if __name__ == "__main__":
    import jax
    _d = setup_inputs()
    print(jax.jit(kernel)(*tuple(_d.values())))

</pallas_src>

<mosaic_0001>
#map = affine_map<(d0, d1) -> (0, 0)>
#map1 = affine_map<(d0, d1) -> (0)>
module attributes {stable_mosaic.version = 14 : i64} {
  func.func @_gather_sum_body(%arg0: i32, %arg1: i32, %arg2: memref<10000x128xf32, #tpu.memory_space<hbm>>, %arg3: memref<327680xi32, #tpu.memory_space<hbm>>, %arg4: memref<10240x128xf32, #tpu.memory_space<hbm>>, %arg5: memref<10240xi32, #tpu.memory_space<vmem>>, %arg6: memref<2x128x128xf32, #tpu.memory_space<vmem>>, %arg7: memref<2x4x128xf32, #tpu.memory_space<vmem>>, %arg8: memref<10240x128xf32, #tpu.memory_space<vmem_shared>>, %arg9: memref<2x!tpu.dma_semaphore, #tpu.memory_space<semaphore_mem>>, %arg10: memref<2x!tpu.dma_semaphore, #tpu.memory_space<semaphore_mem>>) attributes {dimension_semantics = [#tpu.dimension_semantics<core_parallel>, #tpu.dimension_semantics<subcore_parallel>], iteration_bounds = array<i64: 2, 16>, scalar_prefetch = 0 : i64, scratch_operands = 6 : i64, tpu.core_type = #tpu.core_type<sc_vector_subcore>, window_params = [{transform_indices = #map}, {transform_indices = #map1}, {transform_indices = #map}]} {
    %mul3A = arith.constant 2 : i32
    %mul3A_0 = arith.muli %arg1, %mul3A : i32
    %add3A = arith.addi %mul3A_0, %arg0 : i32
    %mul3A_1 = arith.constant 320 : i32
    %mul3A_2 = arith.muli %add3A, %mul3A_1 : i32
    %lt3A = arith.constant 15 : i32
    %lt3A_3 = arith.cmpi slt, %arg1, %lt3A : i32
    %convert_element_type3A = arith.extui %lt3A_3 : i1 to i32
    %cond3A = arith.constant 0 : i32
    %cond3A_4 = arith.cmpi ne, %convert_element_type3A, %cond3A : i32
    scf.if %cond3A_4 {
      %mul3A_77 = arith.constant 640 : i32
      %mul3A_78 = arith.muli %arg1, %mul3A_77 : i32
      %mul3A_79 = arith.constant 640 : i32
      %mul3A_80 = arith.muli %arg1, %mul3A_79 : i32
      "tpu.region"() ({
        %run_scoped3A = tpu.sem_alloc : memref<!tpu.dma_semaphore, #tpu.memory_space<semaphore_mem>>
        %dma_start3A_81 = arith.constant 0 : i32
        %dma_start3A_82 = tpu.memref_slice %arg8[%mul3A_80, %dma_start3A_81] : memref<10240x128xf32, #tpu.memory_space<vmem_shared>> -> memref<640x128xf32, #tpu.memory_space<vmem_shared>>
        %dma_start3A_83 = arith.constant 0 : i32
        %dma_start3A_84 = tpu.memref_slice %arg2[%mul3A_78, %dma_start3A_83] : memref<10000x128xf32, #tpu.memory_space<hbm>> -> memref<640x128xf32, #tpu.memory_space<hbm>>
        tpu.enqueue_dma source(%dma_start3A_84 : memref<640x128xf32, #tpu.memory_space<hbm>>) target(%dma_start3A_82 : memref<640x128xf32, #tpu.memory_space<vmem_shared>>) target_semaphore(%run_scoped3A : memref<!tpu.dma_semaphore, #tpu.memory_space<semaphore_mem>>)
        %dma_wait3A_85 = arith.constant 0 : i32
        %dma_wait3A_86 = tpu.memref_slice %arg8[%mul3A_80, %dma_wait3A_85] : memref<10240x128xf32, #tpu.memory_space<vmem_shared>> -> memref<640x128xf32, #tpu.memory_space<vmem_shared>>
        %dma_wait3A_87 = arith.constant 0 : i32
        %dma_wait3A_88 = tpu.memref_slice %arg2[%mul3A_78, %dma_wait3A_87] : memref<10000x128xf32, #tpu.memory_space<hbm>> -> memref<640x128xf32, #tpu.memory_space<hbm>>
        tpu.wait_dma2 semaphore(%run_scoped3A : memref<!tpu.dma_semaphore, #tpu.memory_space<semaphore_mem>>) src(%dma_wait3A_88 : memref<640x128xf32, #tpu.memory_space<hbm>>) dst(%dma_wait3A_86 : memref<640x128xf32, #tpu.memory_space<vmem_shared>>)
        tpu.yield
      }) : () -> ()
    } else {
    }
    %eq3A = arith.constant 15 : i32
    %eq3A_5 = arith.cmpi eq, %arg1, %eq3A : i32
    %convert_element_type3A_6 = arith.extui %eq3A_5 : i1 to i32
    %cond3A_7 = arith.constant 0 : i32
    %cond3A_8 = arith.cmpi ne, %convert_element_type3A_6, %cond3A_7 : i32
    scf.if %cond3A_8 {
      "tpu.region"() ({
        %run_scoped3A = tpu.sem_alloc : memref<!tpu.dma_semaphore, #tpu.memory_space<semaphore_mem>>
        %dma_start3A_77 = arith.constant 9600 : i32
        %dma_start3A_78 = arith.constant 0 : i32
        %dma_start3A_79 = tpu.memref_slice %arg8[%dma_start3A_77, %dma_start3A_78] : memref<10240x128xf32, #tpu.memory_space<vmem_shared>> -> memref<400x128xf32, #tpu.memory_space<vmem_shared>>
        %dma_start3A_80 = arith.constant 9600 : i32
        %dma_start3A_81 = arith.constant 0 : i32
        %dma_start3A_82 = tpu.memref_slice %arg2[%dma_start3A_80, %dma_start3A_81] : memref<10000x128xf32, #tpu.memory_space<hbm>> -> memref<400x128xf32, #tpu.memory_space<hbm>>
        tpu.enqueue_dma source(%dma_start3A_82 : memref<400x128xf32, #tpu.memory_space<hbm>>) target(%dma_start3A_79 : memref<400x128xf32, #tpu.memory_space<vmem_shared>>) target_semaphore(%run_scoped3A : memref<!tpu.dma_semaphore, #tpu.memory_space<semaphore_mem>>)
        %dma_wait3A_83 = arith.constant 9600 : i32
        %dma_wait3A_84 = arith.constant 0 : i32
        %dma_wait3A_85 = tpu.memref_slice %arg8[%dma_wait3A_83, %dma_wait3A_84] : memref<10240x128xf32, #tpu.memory_space<vmem_shared>> -> memref<400x128xf32, #tpu.memory_space<vmem_shared>>
        %dma_wait3A_86 = arith.constant 9600 : i32
        %dma_wait3A_87 = arith.constant 0 : i32
        %dma_wait3A_88 = tpu.memref_slice %arg2[%dma_wait3A_86, %dma_wait3A_87] : memref<10000x128xf32, #tpu.memory_space<hbm>> -> memref<400x128xf32, #tpu.memory_space<hbm>>
        tpu.wait_dma2 semaphore(%run_scoped3A : memref<!tpu.dma_semaphore, #tpu.memory_space<semaphore_mem>>) src(%dma_wait3A_88 : memref<400x128xf32, #tpu.memory_space<hbm>>) dst(%dma_wait3A_85 : memref<400x128xf32, #tpu.memory_space<vmem_shared>>)
        tpu.yield
      }) : () -> ()
    } else {
    }
    %mul3A_9 = arith.constant 32 : i32
    %mul3A_10 = arith.muli %mul3A_2, %mul3A_9 : i32
    "tpu.region"() ({
      %run_scoped3A = tpu.sem_alloc : memref<!tpu.dma_semaphore, #tpu.memory_space<semaphore_mem>>
      %dma_start3A_77 = tpu.memref_slice %arg3[%mul3A_10] : memref<327680xi32, #tpu.memory_space<hbm>> -> memref<10240xi32, #tpu.memory_space<hbm>>
      %dma_start3A_78 = tpu.memref_slice %arg3[%mul3A_10] : memref<327680xi32, #tpu.memory_space<hbm>> -> memref<10240xi32, #tpu.memory_space<hbm>>
      tpu.enqueue_dma source(%dma_start3A_78 : memref<10240xi32, #tpu.memory_space<hbm>>) target(%arg5 : memref<10240xi32, #tpu.memory_space<vmem>>) target_semaphore(%run_scoped3A : memref<!tpu.dma_semaphore, #tpu.memory_space<semaphore_mem>>)
      %dma_wait3A_79 = tpu.memref_slice %arg3[%mul3A_10] : memref<327680xi32, #tpu.memory_space<hbm>> -> memref<10240xi32, #tpu.memory_space<hbm>>
      %dma_wait3A_80 = tpu.memref_slice %arg3[%mul3A_10] : memref<327680xi32, #tpu.memory_space<hbm>> -> memref<10240xi32, #tpu.memory_space<hbm>>
      tpu.wait_dma2 semaphore(%run_scoped3A : memref<!tpu.dma_semaphore, #tpu.memory_space<semaphore_mem>>) src(%dma_wait3A_80 : memref<10240xi32, #tpu.memory_space<hbm>>) dst(%arg5 : memref<10240xi32, #tpu.memory_space<vmem>>)
      tpu.yield
    }) : () -> ()
    %barrier3A = arith.constant 0 : index
    tpu.barrier barrier_id(%barrier3A)
    %multiple_of3A = arith.constant 0 : i32
    %multiple_of3A_11 = tpu.assume_multiple %multiple_of3A, 128 : i32
    %dma_start3A = arith.constant 0 : i32
    %dma_start3A_12 = arith.constant 0 : i32
    %dma_start3A_13 = arith.constant 0 : i32
    %dma_start3A_14 = arith.constant 0 : i32
    %dma_start3A_15 = tpu.memref_slice %arg6[%dma_start3A, %dma_start3A_13, %dma_start3A_14] : memref<2x128x128xf32, #tpu.memory_space<vmem>> -> memref<1x128x128xf32, #tpu.memory_space<vmem>>
    %dma_start3A_16 = tpu.memref_squeeze %dma_start3A_15 : memref<1x128x128xf32, #tpu.memory_space<vmem>> -> memref<128x128xf32, #tpu.memory_space<vmem>>
    %dma_start3A_17 = tpu.memref_slice %arg5[%multiple_of3A_11] : memref<10240xi32, #tpu.memory_space<vmem>> -> memref<128xi32, #tpu.memory_space<vmem>>
    %dma_start3A_18 = arith.constant 0 : i32
    %dma_start3A_19 = arith.constant 0 : i32
    %dma_start3A_20 = tpu.memref_slice %arg8[%dma_start3A_18, %dma_start3A_19] : memref<10240x128xf32, #tpu.memory_space<vmem_shared>> -> memref<10240x128xf32, #tpu.memory_space<vmem_shared>>
    %dma_start3A_21 = tpu.memref_slice %arg9[%dma_start3A_12] : memref<2x!tpu.dma_semaphore, #tpu.memory_space<semaphore_mem>> -> memref<1x!tpu.dma_semaphore, #tpu.memory_space<semaphore_mem>>
    %dma_start3A_22 = tpu.memref_squeeze %dma_start3A_21 : memref<1x!tpu.dma_semaphore, #tpu.memory_space<semaphore_mem>> -> memref<!tpu.dma_semaphore, #tpu.memory_space<semaphore_mem>>
    tpu.enqueue_indirect_dma source(%dma_start3A_20 : memref<10240x128xf32, #tpu.memory_space<vmem_shared>>) target(%dma_start3A_16 : memref<128x128xf32, #tpu.memory_space<vmem>>) offsets(%dma_start3A_17 : memref<128xi32, #tpu.memory_space<vmem>>) semaphore(%dma_start3A_22 : memref<!tpu.dma_semaphore, #tpu.memory_space<semaphore_mem>>)
    %multiple_of3A_23 = arith.constant 128 : i32
    %multiple_of3A_24 = tpu.assume_multiple %multiple_of3A_23, 128 : i32
    %dma_start3A_25 = arith.constant 1 : i32
    %dma_start3A_26 = arith.constant 1 : i32
    %dma_start3A_27 = arith.constant 0 : i32
    %dma_start3A_28 = arith.constant 0 : i32
    %dma_start3A_29 = tpu.memref_slice %arg6[%dma_start3A_25, %dma_start3A_27, %dma_start3A_28] : memref<2x128x128xf32, #tpu.memory_space<vmem>> -> memref<1x128x128xf32, #tpu.memory_space<vmem>>
    %dma_start3A_30 = tpu.memref_squeeze %dma_start3A_29 : memref<1x128x128xf32, #tpu.memory_space<vmem>> -> memref<128x128xf32, #tpu.memory_space<vmem>>
    %dma_start3A_31 = tpu.memref_slice %arg5[%multiple_of3A_24] : memref<10240xi32, #tpu.memory_space<vmem>> -> memref<128xi32, #tpu.memory_space<vmem>>
    %dma_start3A_32 = arith.constant 0 : i32
    %dma_start3A_33 = arith.constant 0 : i32
    %dma_start3A_34 = tpu.memref_slice %arg8[%dma_start3A_32, %dma_start3A_33] : memref<10240x128xf32, #tpu.memory_space<vmem_shared>> -> memref<10240x128xf32, #tpu.memory_space<vmem_shared>>
    %dma_start3A_35 = tpu.memref_slice %arg9[%dma_start3A_26] : memref<2x!tpu.dma_semaphore, #tpu.memory_space<semaphore_mem>> -> memref<1x!tpu.dma_semaphore, #tpu.memory_space<semaphore_mem>>
    %dma_start3A_36 = tpu.memref_squeeze %dma_start3A_35 : memref<1x!tpu.dma_semaphore, #tpu.memory_space<semaphore_mem>> -> memref<!tpu.dma_semaphore, #tpu.memory_space<semaphore_mem>>
    tpu.enqueue_indirect_dma source(%dma_start3A_34 : memref<10240x128xf32, #tpu.memory_space<vmem_shared>>) target(%dma_start3A_30 : memref<128x128xf32, #tpu.memory_space<vmem>>) offsets(%dma_start3A_31 : memref<128xi32, #tpu.memory_space<vmem>>) semaphore(%dma_start3A_36 : memref<!tpu.dma_semaphore, #tpu.memory_space<semaphore_mem>>)
    %scan3A = arith.constant 0 : i32
    %scan3A_37 = arith.constant 0 : i32
    %scan3A_38 = arith.constant 40 : i32
    %scan3A_39 = arith.addi %scan3A_37, %scan3A_38 : i32
    %scan3A_40 = arith.constant 1 : i32
    scf.for %scan3A_77 = %scan3A_37 to %scan3A_39 step %scan3A_40  : i32 {
      %mul3A_78 = arith.constant 2 : i32
      %mul3A_79 = arith.muli %scan3A_77, %mul3A_78 : i32
      %add3A_80 = arith.constant 0 : i32
      %add3A_81 = arith.addi %mul3A_79, %add3A_80 : i32
      %dma_wait3A_82 = arith.constant 0 : i32
      %dma_wait3A_83 = arith.constant 0 : i32
      %dma_wait3A_84 = arith.constant 0 : i32
      %dma_wait3A_85 = arith.constant 0 : i32
      %dma_wait3A_86 = tpu.memref_slice %arg6[%dma_wait3A_82, %dma_wait3A_84, %dma_wait3A_85] : memref<2x128x128xf32, #tpu.memory_space<vmem>> -> memref<1x128x128xf32, #tpu.memory_space<vmem>>
      %dma_wait3A_87 = tpu.memref_squeeze %dma_wait3A_86 : memref<1x128x128xf32, #tpu.memory_space<vmem>> -> memref<128x128xf32, #tpu.memory_space<vmem>>
      %dma_wait3A_88 = arith.constant 0 : i32
      %dma_wait3A_89 = arith.constant 0 : i32
      %dma_wait3A_90 = tpu.memref_slice %arg2[%dma_wait3A_88, %dma_wait3A_89] : memref<10000x128xf32, #tpu.memory_space<hbm>> -> memref<128x128xf32, #tpu.memory_space<hbm>>
      %dma_wait3A_91 = tpu.memref_slice %arg9[%dma_wait3A_83] : memref<2x!tpu.dma_semaphore, #tpu.memory_space<semaphore_mem>> -> memref<1x!tpu.dma_semaphore, #tpu.memory_space<semaphore_mem>>
      %dma_wait3A_92 = tpu.memref_squeeze %dma_wait3A_91 : memref<1x!tpu.dma_semaphore, #tpu.memory_space<semaphore_mem>> -> memref<!tpu.dma_semaphore, #tpu.memory_space<semaphore_mem>>
      %dma_wait3A_93 = arith.constant 0 : i32
      %dma_wait3A_94 = arith.constant 0 : i32
      %dma_wait3A_95 = tpu.memref_slice %arg6[%dma_wait3A_82, %dma_wait3A_93, %dma_wait3A_94] : memref<2x128x128xf32, #tpu.memory_space<vmem>> -> memref<1x128x128xf32, #tpu.memory_space<vmem>>
      %dma_wait3A_96 = tpu.memref_squeeze %dma_wait3A_95 : memref<1x128x128xf32, #tpu.memory_space<vmem>> -> memref<128x128xf32, #tpu.memory_space<vmem>>
      %dma_wait3A_97 = arith.constant 0 : i32
      %dma_wait3A_98 = arith.constant 0 : i32
      %dma_wait3A_99 = tpu.memref_slice %arg2[%dma_wait3A_97, %dma_wait3A_98] : memref<10000x128xf32, #tpu.memory_space<hbm>> -> memref<128x128xf32, #tpu.memory_space<hbm>>
      tpu.wait_dma2 semaphore(%dma_wait3A_92 : memref<!tpu.dma_semaphore, #tpu.memory_space<semaphore_mem>>) src(%dma_wait3A_99 : memref<128x128xf32, #tpu.memory_space<hbm>>) dst(%dma_wait3A_96 : memref<128x128xf32, #tpu.memory_space<vmem>>)
      %gt3A = arith.constant 0 : i32
      %gt3A_100 = arith.cmpi sgt, %scan3A_77, %gt3A : i32
      %convert_element_type3A_101 = arith.extui %gt3A_100 : i1 to i32
      %cond3A_102 = arith.constant 0 : i32
      %cond3A_103 = arith.cmpi ne, %convert_element_type3A_101, %cond3A_102 : i32
      scf.if %cond3A_103 {
        %dma_wait3A_193 = arith.constant 0 : i32
        %dma_wait3A_194 = arith.constant 0 : i32
        %dma_wait3A_195 = arith.constant 0 : i32
        %dma_wait3A_196 = arith.constant 0 : i32
        %dma_wait3A_197 = tpu.memref_slice %arg7[%dma_wait3A_193, %dma_wait3A_195, %dma_wait3A_196] : memref<2x4x128xf32, #tpu.memory_space<vmem>> -> memref<1x4x128xf32, #tpu.memory_space<vmem>>
        %dma_wait3A_198 = tpu.memref_squeeze %dma_wait3A_197 : memref<1x4x128xf32, #tpu.memory_space<vmem>> -> memref<4x128xf32, #tpu.memory_space<vmem>>
        %dma_wait3A_199 = arith.constant 0 : i32
        %dma_wait3A_200 = arith.constant 0 : i32
        %dma_wait3A_201 = tpu.memref_slice %arg4[%dma_wait3A_199, %dma_wait3A_200] : memref<10240x128xf32, #tpu.memory_space<hbm>> -> memref<4x128xf32, #tpu.memory_space<hbm>>
        %dma_wait3A_202 = tpu.memref_slice %arg10[%dma_wait3A_194] : memref<2x!tpu.dma_semaphore, #tpu.memory_space<semaphore_mem>> -> memref<1x!tpu.dma_semaphore, #tpu.memory_space<semaphore_mem>>
        %dma_wait3A_203 = tpu.memref_squeeze %dma_wait3A_202 : memref<1x!tpu.dma_semaphore, #tpu.memory_space<semaphore_mem>> -> memref<!tpu.dma_semaphore, #tpu.memory_space<semaphore_mem>>
        %dma_wait3A_204 = arith.constant 0 : i32
        %dma_wait3A_205 = arith.constant 0 : i32
        %dma_wait3A_206 = tpu.memref_slice %arg7[%dma_wait3A_193, %dma_wait3A_204, %dma_wait3A_205] : memref<2x4x128xf32, #tpu.memory_space<vmem>> -> memref<1x4x128xf32, #tpu.memory_space<vmem>>
        %dma_wait3A_207 = tpu.memref_squeeze %dma_wait3A_206 : memref<1x4x128xf32, #tpu.memory_space<vmem>> -> memref<4x128xf32, #tpu.memory_space<vmem>>
        %dma_wait3A_208 = arith.constant 0 : i32
        %dma_wait3A_209 = arith.constant 0 : i32
        %dma_wait3A_210 = tpu.memref_slice %arg4[%dma_wait3A_208, %dma_wait3A_209] : memref<10240x128xf32, #tpu.memory_space<hbm>> -> memref<4x128xf32, #tpu.memory_space<hbm>>
        tpu.wait_dma2 semaphore(%dma_wait3A_203 : memref<!tpu.dma_semaphore, #tpu.memory_space<semaphore_mem>>) src(%dma_wait3A_210 : memref<4x128xf32, #tpu.memory_space<hbm>>) dst(%dma_wait3A_207 : memref<4x128xf32, #tpu.memory_space<vmem>>)
      } else {
      }
      %scan3A_104 = arith.constant 0 : i32
      %scan3A_105 = arith.constant 0 : i32
      %scan3A_106 = arith.constant 4 : i32
      %scan3A_107 = arith.addi %scan3A_105, %scan3A_106 : i32
      %scan3A_108 = arith.constant 1 : i32
      scf.for %scan3A_193 = %scan3A_105 to %scan3A_107 step %scan3A_108  : i32 {
        %mul3A_194 = arith.constant 32 : i32
        %mul3A_195 = arith.muli %scan3A_193, %mul3A_194 : i32
        %get3A = arith.constant 0 : i32
        %get3A_196 = arith.index_cast %get3A : i32 to index
        %get3A_197 = arith.index_cast %mul3A_195 : i32 to index
        %get3A_198 = arith.constant 0 : index
        %get3A_199 = tpu.vector_load %arg6[%get3A_196, %get3A_197, %get3A_198] {strides = array<i32>} : memref<2x128x128xf32, #tpu.memory_space<vmem>>, vector<1x1x16xf32>,
        %get3A_200 = vector.shape_cast %get3A_199 : vector<1x1x16xf32> to vector<16xf32>
        %mul3A_201 = arith.constant 32 : i32
        %mul3A_202 = arith.muli %scan3A_193, %mul3A_201 : i32
        %add3A_203 = arith.constant 1 : i32
        %add3A_204 = arith.addi %mul3A_202, %add3A_203 : i32
        %get3A_205 = arith.constant 0 : i32
        %get3A_206 = arith.index_cast %get3A_205 : i32 to index
        %get3A_207 = arith.index_cast %add3A_204 : i32 to index
        %get3A_208 = arith.constant 0 : index
        %get3A_209 = tpu.vector_load %arg6[%get3A_206, %get3A_207, %get3A_208] {strides = array<i32>} : memref<2x128x128xf32, #tpu.memory_space<vmem>>, vector<1x1x16xf32>,
        %get3A_210 = vector.shape_cast %get3A_209 : vector<1x1x16xf32> to vector<16xf32>
        %add3A_211 = arith.addf %get3A_200, %get3A_210 : vector<16xf32>
        %mul3A_212 = arith.constant 32 : i32
        %mul3A_213 = arith.muli %scan3A_193, %mul3A_212 : i32
        %add3A_214 = arith.constant 2 : i32
        %add3A_215 = arith.addi %mul3A_213, %add3A_214 : i32
        %get3A_216 = arith.constant 0 : i32
        %get3A_217 = arith.index_cast %get3A_216 : i32 to index
        %get3A_218 = arith.index_cast %add3A_215 : i32 to index
        %get3A_219 = arith.constant 0 : index
        %get3A_220 = tpu.vector_load %arg6[%get3A_217, %get3A_218, %get3A_219] {strides = array<i32>} : memref<2x128x128xf32, #tpu.memory_space<vmem>>, vector<1x1x16xf32>,
        %get3A_221 = vector.shape_cast %get3A_220 : vector<1x1x16xf32> to vector<16xf32>
        %add3A_222 = arith.addf %add3A_211, %get3A_221 : vector<16xf32>
        %mul3A_223 = arith.constant 32 : i32
        %mul3A_224 = arith.muli %scan3A_193, %mul3A_223 : i32
        %add3A_225 = arith.constant 3 : i32
        %add3A_226 = arith.addi %mul3A_224, %add3A_225 : i32
        %get3A_227 = arith.constant 0 : i32
        %get3A_228 = arith.index_cast %get3A_227 : i32 to index
        %get3A_229 = arith.index_cast %add3A_226 : i32 to index
        %get3A_230 = arith.constant 0 : index
        %get3A_231 = tpu.vector_load %arg6[%get3A_228, %get3A_229, %get3A_230] {strides = array<i32>} : memref<2x128x128xf32, #tpu.memory_space<vmem>>, vector<1x1x16xf32>,
        %get3A_232 = vector.shape_cast %get3A_231 : vector<1x1x16xf32> to vector<16xf32>
        %add3A_233 = arith.addf %add3A_222, %get3A_232 : vector<16xf32>
        %mul3A_234 = arith.constant 32 : i32
        %mul3A_235 = arith.muli %scan3A_193, %mul3A_234 : i32
        %add3A_236 = arith.constant 4 : i32
        %add3A_237 = arith.addi %mul3A_235, %add3A_236 : i32
        %get3A_238 = arith.constant 0 : i32
        %get3A_239 = arith.index_cast %get3A_238 : i32 to index
        %get3A_240 = arith.index_cast %add3A_237 : i32 to index
        %get3A_241 = arith.constant 0 : index
        %get3A_242 = tpu.vector_load %arg6[%get3A_239, %get3A_240, %get3A_241] {strides = array<i32>} : memref<2x128x128xf32, #tpu.memory_space<vmem>>, vector<1x1x16xf32>,
        %get3A_243 = vector.shape_cast %get3A_242 : vector<1x1x16xf32> to vector<16xf32>
        %add3A_244 = arith.addf %add3A_233, %get3A_243 : vector<16xf32>
        %mul3A_245 = arith.constant 32 : i32
        %mul3A_246 = arith.muli %scan3A_193, %mul3A_245 : i32
        %add3A_247 = arith.constant 5 : i32
        %add3A_248 = arith.addi %mul3A_246, %add3A_247 : i32
        %get3A_249 = arith.constant 0 : i32
        %get3A_250 = arith.index_cast %get3A_249 : i32 to index
        %get3A_251 = arith.index_cast %add3A_248 : i32 to index
        %get3A_252 = arith.constant 0 : index
        %get3A_253 = tpu.vector_load %arg6[%get3A_250, %get3A_251, %get3A_252] {strides = array<i32>} : memref<2x128x128xf32, #tpu.memory_space<vmem>>, vector<1x1x16xf32>,
        %get3A_254 = vector.shape_cast %get3A_253 : vector<1x1x16xf32> to vector<16xf32>
        %add3A_255 = arith.addf %add3A_244, %get3A_254 : vector<16xf32>
        %mul3A_256 = arith.constant 32 : i32
        %mul3A_257 = arith.muli %scan3A_193, %mul3A_256 : i32
        %add3A_258 = arith.constant 6 : i32
        %add3A_259 = arith.addi %mul3A_257, %add3A_258 : i32
        %get3A_260 = arith.constant 0 : i32
        %get3A_261 = arith.index_cast %get3A_260 : i32 to index
        %get3A_262 = arith.index_cast %add3A_259 : i32 to index
        %get3A_263 = arith.constant 0 : index
        %get3A_264 = tpu.vector_load %arg6[%get3A_261, %get3A_262, %get3A_263] {strides = array<i32>} : memref<2x128x128xf32, #tpu.memory_space<vmem>>, vector<1x1x16xf32>,
        %get3A_265 = vector.shape_cast %get3A_264 : vector<1x1x16xf32> to vector<16xf32>
        %add3A_266 = arith.addf %add3A_255, %get3A_265 : vector<16xf32>
        %mul3A_267 = arith.constant 32 : i32
        %mul3A_268 = arith.muli %scan3A_193, %mul3A_267 : i32
        %add3A_269 = arith.constant 7 : i32
        %add3A_270 = arith.addi %mul3A_268, %add3A_269 : i32
        %get3A_271 = arith.constant 0 : i32
        %get3A_272 = arith.index_cast %get3A_271 : i32 to index
        %get3A_273 = arith.index_cast %add3A_270 : i32 to index
        %get3A_274 = arith.constant 0 : index
        %get3A_275 = tpu.vector_load %arg6[%get3A_272, %get3A_273, %get3A_274] {strides = array<i32>} : memref<2x128x128xf32, #tpu.memory_space<vmem>>, vector<1x1x16xf32>,
        %get3A_276 = vector.shape_cast %get3A_275 : vector<1x1x16xf32> to vector<16xf32>
        %add3A_277 = arith.addf %add3A_266, %get3A_276 : vector<16xf32>
        %mul3A_278 = arith.constant 32 : i32
        %mul3A_279 = arith.muli %scan3A_193, %mul3A_278 : i32
        %add3A_280 = arith.constant 8 : i32
        %add3A_281 = arith.addi %mul3A_279, %add3A_280 : i32
        %get3A_282 = arith.constant 0 : i32
        %get3A_283 = arith.index_cast %get3A_282 : i32 to index
        %get3A_284 = arith.index_cast %add3A_281 : i32 to index
        %get3A_285 = arith.constant 0 : index
        %get3A_286 = tpu.vector_load %arg6[%get3A_283, %get3A_284, %get3A_285] {strides = array<i32>} : memref<2x128x128xf32, #tpu.memory_space<vmem>>, vector<1x1x16xf32>,
        %get3A_287 = vector.shape_cast %get3A_286 : vector<1x1x16xf32> to vector<16xf32>
        %add3A_288 = arith.addf %add3A_277, %get3A_287 : vector<16xf32>
        %mul3A_289 = arith.constant 32 : i32
        %mul3A_290 = arith.muli %scan3A_193, %mul3A_289 : i32
        %add3A_291 = arith.constant 9 : i32
        %add3A_292 = arith.addi %mul3A_290, %add3A_291 : i32
        %get3A_293 = arith.constant 0 : i32
        %get3A_294 = arith.index_cast %get3A_293 : i32 to index
        %get3A_295 = arith.index_cast %add3A_292 : i32 to index
        %get3A_296 = arith.constant 0 : index
        %get3A_297 = tpu.vector_load %arg6[%get3A_294, %get3A_295, %get3A_296] {strides = array<i32>} : memref<2x128x128xf32, #tpu.memory_space<vmem>>, vector<1x1x16xf32>,
        %get3A_298 = vector.shape_cast %get3A_297 : vector<1x1x16xf32> to vector<16xf32>
        %add3A_299 = arith.addf %add3A_288, %get3A_298 : vector<16xf32>
        %mul3A_300 = arith.constant 32 : i32
        %mul3A_301 = arith.muli %scan3A_193, %mul3A_300 : i32
        %add3A_302 = arith.constant 10 : i32
        %add3A_303 = arith.addi %mul3A_301, %add3A_302 : i32
        %get3A_304 = arith.constant 0 : i32
        %get3A_305 = arith.index_cast %get3A_304 : i32 to index
        %get3A_306 = arith.index_cast %add3A_303 : i32 to index
        %get3A_307 = arith.constant 0 : index
        %get3A_308 = tpu.vector_load %arg6[%get3A_305, %get3A_306, %get3A_307] {strides = array<i32>} : memref<2x128x128xf32, #tpu.memory_space<vmem>>, vector<1x1x16xf32>,
        %get3A_309 = vector.shape_cast %get3A_308 : vector<1x1x16xf32> to vector<16xf32>
        %add3A_310 = arith.addf %add3A_299, %get3A_309 : vector<16xf32>
        %mul3A_311 = arith.constant 32 : i32
        %mul3A_312 = arith.muli %scan3A_193, %mul3A_311 : i32
        %add3A_313 = arith.constant 11 : i32
        %add3A_314 = arith.addi %mul3A_312, %add3A_313 : i32
        %get3A_315 = arith.constant 0 : i32
        %get3A_316 = arith.index_cast %get3A_315 : i32 to index
        %get3A_317 = arith.index_cast %add3A_314 : i32 to index
        %get3A_318 = arith.constant 0 : index
        %get3A_319 = tpu.vector_load %arg6[%get3A_316, %get3A_317, %get3A_318] {strides = array<i32>} : memref<2x128x128xf32, #tpu.memory_space<vmem>>, vector<1x1x16xf32>,
        %get3A_320 = vector.shape_cast %get3A_319 : vector<1x1x16xf32> to vector<16xf32>
        %add3A_321 = arith.addf %add3A_310, %get3A_320 : vector<16xf32>
        %mul3A_322 = arith.constant 32 : i32
        %mul3A_323 = arith.muli %scan3A_193, %mul3A_322 : i32
        %add3A_324 = arith.constant 12 : i32
        %add3A_325 = arith.addi %mul3A_323, %add3A_324 : i32
        %get3A_326 = arith.constant 0 : i32
        %get3A_327 = arith.index_cast %get3A_326 : i32 to index
        %get3A_328 = arith.index_cast %add3A_325 : i32 to index
        %get3A_329 = arith.constant 0 : index
        %get3A_330 = tpu.vector_load %arg6[%get3A_327, %get3A_328, %get3A_329] {strides = array<i32>} : memref<2x128x128xf32, #tpu.memory_space<vmem>>, vector<1x1x16xf32>,
        %get3A_331 = vector.shape_cast %get3A_330 : vector<1x1x16xf32> to vector<16xf32>
        %add3A_332 = arith.addf %add3A_321, %get3A_331 : vector<16xf32>
        %mul3A_333 = arith.constant 32 : i32
        %mul3A_334 = arith.muli %scan3A_193, %mul3A_333 : i32
        %add3A_335 = arith.constant 13 : i32
        %add3A_336 = arith.addi %mul3A_334, %add3A_335 : i32
        %get3A_337 = arith.constant 0 : i32
        %get3A_338 = arith.index_cast %get3A_337 : i32 to index
        %get3A_339 = arith.index_cast %add3A_336 : i32 to index
        %get3A_340 = arith.constant 0 : index
        %get3A_341 = tpu.vector_load %arg6[%get3A_338, %get3A_339, %get3A_340] {strides = array<i32>} : memref<2x128x128xf32, #tpu.memory_space<vmem>>, vector<1x1x16xf32>,
        %get3A_342 = vector.shape_cast %get3A_341 : vector<1x1x16xf32> to vector<16xf32>
        %add3A_343 = arith.addf %add3A_332, %get3A_342 : vector<16xf32>
        %mul3A_344 = arith.constant 32 : i32
        %mul3A_345 = arith.muli %scan3A_193, %mul3A_344 : i32
        %add3A_346 = arith.constant 14 : i32
        %add3A_347 = arith.addi %mul3A_345, %add3A_346 : i32
        %get3A_348 = arith.constant 0 : i32
        %get3A_349 = arith.index_cast %get3A_348 : i32 to index
        %get3A_350 = arith.index_cast %add3A_347 : i32 to index
        %get3A_351 = arith.constant 0 : index
        %get3A_352 = tpu.vector_load %arg6[%get3A_349, %get3A_350, %get3A_351] {strides = array<i32>} : memref<2x128x128xf32, #tpu.memory_space<vmem>>, vector<1x1x16xf32>,
        %get3A_353 = vector.shape_cast %get3A_352 : vector<1x1x16xf32> to vector<16xf32>
        %add3A_354 = arith.addf %add3A_343, %get3A_353 : vector<16xf32>
        %mul3A_355 = arith.constant 32 : i32
        %mul3A_356 = arith.muli %scan3A_193, %mul3A_355 : i32
        %add3A_357 = arith.constant 15 : i32
        %add3A_358 = arith.addi %mul3A_356, %add3A_357 : i32
        %get3A_359 = arith.constant 0 : i32
        %get3A_360 = arith.index_cast %get3A_359 : i32 to index
        %get3A_361 = arith.index_cast %add3A_358 : i32 to index
        %get3A_362 = arith.constant 0 : index
        %get3A_363 = tpu.vector_load %arg6[%get3A_360, %get3A_361, %get3A_362] {strides = array<i32>} : memref<2x128x128xf32, #tpu.memory_space<vmem>>, vector<1x1x16xf32>,
        %get3A_364 = vector.shape_cast %get3A_363 : vector<1x1x16xf32> to vector<16xf32>
        %add3A_365 = arith.addf %add3A_354, %get3A_364 : vector<16xf32>
        %mul3A_366 = arith.constant 32 : i32
        %mul3A_367 = arith.muli %scan3A_193, %mul3A_366 : i32
        %add3A_368 = arith.constant 16 : i32
        %add3A_369 = arith.addi %mul3A_367, %add3A_368 : i32
        %get3A_370 = arith.constant 0 : i32
        %get3A_371 = arith.index_cast %get3A_370 : i32 to index
        %get3A_372 = arith.index_cast %add3A_369 : i32 to index
        %get3A_373 = arith.constant 0 : index
        %get3A_374 = tpu.vector_load %arg6[%get3A_371, %get3A_372, %get3A_373] {strides = array<i32>} : memref<2x128x128xf32, #tpu.memory_space<vmem>>, vector<1x1x16xf32>,
        %get3A_375 = vector.shape_cast %get3A_374 : vector<1x1x16xf32> to vector<16xf32>
        %add3A_376 = arith.addf %add3A_365, %get3A_375 : vector<16xf32>
        %mul3A_377 = arith.constant 32 : i32
        %mul3A_378 = arith.muli %scan3A_193, %mul3A_377 : i32
        %add3A_379 = arith.constant 17 : i32
        %add3A_380 = arith.addi %mul3A_378, %add3A_379 : i32
        %get3A_381 = arith.constant 0 : i32
        %get3A_382 = arith.index_cast %get3A_381 : i32 to index
        %get3A_383 = arith.index_cast %add3A_380 : i32 to index
        %get3A_384 = arith.constant 0 : index
        %get3A_385 = tpu.vector_load %arg6[%get3A_382, %get3A_383, %get3A_384] {strides = array<i32>} : memref<2x128x128xf32, #tpu.memory_space<vmem>>, vector<1x1x16xf32>,
        %get3A_386 = vector.shape_cast %get3A_385 : vector<1x1x16xf32> to vector<16xf32>
        %add3A_387 = arith.addf %add3A_376, %get3A_386 : vector<16xf32>
        %mul3A_388 = arith.constant 32 : i32
        %mul3A_389 = arith.muli %scan3A_193, %mul3A_388 : i32
        %add3A_390 = arith.constant 18 : i32
        %add3A_391 = arith.addi %mul3A_389, %add3A_390 : i32
        %get3A_392 = arith.constant 0 : i32
        %get3A_393 = arith.index_cast %get3A_392 : i32 to index
        %get3A_394 = arith.index_cast %add3A_391 : i32 to index
        %get3A_395 = arith.constant 0 : index
        %get3A_396 = tpu.vector_load %arg6[%get3A_393, %get3A_394, %get3A_395] {strides = array<i32>} : memref<2x128x128xf32, #tpu.memory_space<vmem>>, vector<1x1x16xf32>,
        %get3A_397 = vector.shape_cast %get3A_396 : vector<1x1x16xf32> to vector<16xf32>
        %add3A_398 = arith.addf %add3A_387, %get3A_397 : vector<16xf32>
        %mul3A_399 = arith.constant 32 : i32
        %mul3A_400 = arith.muli %scan3A_193, %mul3A_399 : i32
        %add3A_401 = arith.constant 19 : i32
        %add3A_402 = arith.addi %mul3A_400, %add3A_401 : i32
        %get3A_403 = arith.constant 0 : i32
        %get3A_404 = arith.index_cast %get3A_403 : i32 to index
        %get3A_405 = arith.index_cast %add3A_402 : i32 to index
        %get3A_406 = arith.constant 0 : index
        %get3A_407 = tpu.vector_load %arg6[%get3A_404, %get3A_405, %get3A_406] {strides = array<i32>} : memref<2x128x128xf32, #tpu.memory_space<vmem>>, vector<1x1x16xf32>,
        %get3A_408 = vector.shape_cast %get3A_407 : vector<1x1x16xf32> to vector<16xf32>
        %add3A_409 = arith.addf %add3A_398, %get3A_408 : vector<16xf32>
        %mul3A_410 = arith.constant 32 : i32
        %mul3A_411 = arith.muli %scan3A_193, %mul3A_410 : i32
        %add3A_412 = arith.constant 20 : i32
        %add3A_413 = arith.addi %mul3A_411, %add3A_412 : i32
        %get3A_414 = arith.constant 0 : i32
        %get3A_415 = arith.index_cast %get3A_414 : i32 to index
        %get3A_416 = arith.index_cast %add3A_413 : i32 to index
        %get3A_417 = arith.constant 0 : index
        %get3A_418 = tpu.vector_load %arg6[%get3A_415, %get3A_416, %get3A_417] {strides = array<i32>} : memref<2x128x128xf32, #tpu.memory_space<vmem>>, vector<1x1x16xf32>,
        %get3A_419 = vector.shape_cast %get3A_418 : vector<1x1x16xf32> to vector<16xf32>
        %add3A_420 = arith.addf %add3A_409, %get3A_419 : vector<16xf32>
        %mul3A_421 = arith.constant 32 : i32
        %mul3A_422 = arith.muli %scan3A_193, %mul3A_421 : i32
        %add3A_423 = arith.constant 21 : i32
        %add3A_424 = arith.addi %mul3A_422, %add3A_423 : i32
        %get3A_425 = arith.constant 0 : i32
        %get3A_426 = arith.index_cast %get3A_425 : i32 to index
        %get3A_427 = arith.index_cast %add3A_424 : i32 to index
        %get3A_428 = arith.constant 0 : index
        %get3A_429 = tpu.vector_load %arg6[%get3A_426, %get3A_427, %get3A_428] {strides = array<i32>} : memref<2x128x128xf32, #tpu.memory_space<vmem>>, vector<1x1x16xf32>,
        %get3A_430 = vector.shape_cast %get3A_429 : vector<1x1x16xf32> to vector<16xf32>
        %add3A_431 = arith.addf %add3A_420, %get3A_430 : vector<16xf32>
        %mul3A_432 = arith.constant 32 : i32
        %mul3A_433 = arith.muli %scan3A_193, %mul3A_432 : i32
        %add3A_434 = arith.constant 22 : i32
        %add3A_435 = arith.addi %mul3A_433, %add3A_434 : i32
        %get3A_436 = arith.constant 0 : i32
        %get3A_437 = arith.index_cast %get3A_436 : i32 to index
        %get3A_438 = arith.index_cast %add3A_435 : i32 to index
        %get3A_439 = arith.constant 0 : index
        %get3A_440 = tpu.vector_load %arg6[%get3A_437, %get3A_438, %get3A_439] {strides = array<i32>} : memref<2x128x128xf32, #tpu.memory_space<vmem>>, vector<1x1x16xf32>,
        %get3A_441 = vector.shape_cast %get3A_440 : vector<1x1x16xf32> to vector<16xf32>
        %add3A_442 = arith.addf %add3A_431, %get3A_441 : vector<16xf32>
        %mul3A_443 = arith.constant 32 : i32
        %mul3A_444 = arith.muli %scan3A_193, %mul3A_443 : i32
        %add3A_445 = arith.constant 23 : i32
        %add3A_446 = arith.addi %mul3A_444, %add3A_445 : i32
        %get3A_447 = arith.constant 0 : i32
        %get3A_448 = arith.index_cast %get3A_447 : i32 to index
        %get3A_449 = arith.index_cast %add3A_446 : i32 to index
        %get3A_450 = arith.constant 0 : index
        %get3A_451 = tpu.vector_load %arg6[%get3A_448, %get3A_449, %get3A_450] {strides = array<i32>} : memref<2x128x128xf32, #tpu.memory_space<vmem>>, vector<1x1x16xf32>,
        %get3A_452 = vector.shape_cast %get3A_451 : vector<1x1x16xf32> to vector<16xf32>
        %add3A_453 = arith.addf %add3A_442, %get3A_452 : vector<16xf32>
        %mul3A_454 = arith.constant 32 : i32
        %mul3A_455 = arith.muli %scan3A_193, %mul3A_454 : i32
        %add3A_456 = arith.constant 24 : i32
        %add3A_457 = arith.addi %mul3A_455, %add3A_456 : i32
        %get3A_458 = arith.constant 0 : i32
        %get3A_459 = arith.index_cast %get3A_458 : i32 to index
        %get3A_460 = arith.index_cast %add3A_457 : i32 to index
        %get3A_461 = arith.constant 0 : index
        %get3A_462 = tpu.vector_load %arg6[%get3A_459, %get3A_460, %get3A_461] {strides = array<i32>} : memref<2x128x128xf32, #tpu.memory_space<vmem>>, vector<1x1x16xf32>,
        %get3A_463 = vector.shape_cast %get3A_462 : vector<1x1x16xf32> to vector<16xf32>
        %add3A_464 = arith.addf %add3A_453, %get3A_463 : vector<16xf32>
        %mul3A_465 = arith.constant 32 : i32
        %mul3A_466 = arith.muli %scan3A_193, %mul3A_465 : i32
        %add3A_467 = arith.constant 25 : i32
        %add3A_468 = arith.addi %mul3A_466, %add3A_467 : i32
        %get3A_469 = arith.constant 0 : i32
        %get3A_470 = arith.index_cast %get3A_469 : i32 to index
        %get3A_471 = arith.index_cast %add3A_468 : i32 to index
        %get3A_472 = arith.constant 0 : index
        %get3A_473 = tpu.vector_load %arg6[%get3A_470, %get3A_471, %get3A_472] {strides = array<i32>} : memref<2x128x128xf32, #tpu.memory_space<vmem>>, vector<1x1x16xf32>,
        %get3A_474 = vector.shape_cast %get3A_473 : vector<1x1x16xf32> to vector<16xf32>
        %add3A_475 = arith.addf %add3A_464, %get3A_474 : vector<16xf32>
        %mul3A_476 = arith.constant 32 : i32
        %mul3A_477 = arith.muli %scan3A_193, %mul3A_476 : i32
        %add3A_478 = arith.constant 26 : i32
        %add3A_479 = arith.addi %mul3A_477, %add3A_478 : i32
        %get3A_480 = arith.constant 0 : i32
        %get3A_481 = arith.index_cast %get3A_480 : i32 to index
        %get3A_482 = arith.index_cast %add3A_479 : i32 to index
        %get3A_483 = arith.constant 0 : index
        %get3A_484 = tpu.vector_load %arg6[%get3A_481, %get3A_482, %get3A_483] {strides = array<i32>} : memref<2x128x128xf32, #tpu.memory_space<vmem>>, vector<1x1x16xf32>,
        %get3A_485 = vector.shape_cast %get3A_484 : vector<1x1x16xf32> to vector<16xf32>
        %add3A_486 = arith.addf %add3A_475, %get3A_485 : vector<16xf32>
        %mul3A_487 = arith.constant 32 : i32
        %mul3A_488 = arith.muli %scan3A_193, %mul3A_487 : i32
        %add3A_489 = arith.constant 27 : i32
        %add3A_490 = arith.addi %mul3A_488, %add3A_489 : i32
        %get3A_491 = arith.constant 0 : i32
        %get3A_492 = arith.index_cast %get3A_491 : i32 to index
        %get3A_493 = arith.index_cast %add3A_490 : i32 to index
        %get3A_494 = arith.constant 0 : index
        %get3A_495 = tpu.vector_load %arg6[%get3A_492, %get3A_493, %get3A_494] {strides = array<i32>} : memref<2x128x128xf32, #tpu.memory_space<vmem>>, vector<1x1x16xf32>,
        %get3A_496 = vector.shape_cast %get3A_495 : vector<1x1x16xf32> to vector<16xf32>
        %add3A_497 = arith.addf %add3A_486, %get3A_496 : vector<16xf32>
        %mul3A_498 = arith.constant 32 : i32
        %mul3A_499 = arith.muli %scan3A_193, %mul3A_498 : i32
        %add3A_500 = arith.constant 28 : i32
        %add3A_501 = arith.addi %mul3A_499, %add3A_500 : i32
        %get3A_502 = arith.constant 0 : i32
        %get3A_503 = arith.index_cast %get3A_502 : i32 to index
        %get3A_504 = arith.index_cast %add3A_501 : i32 to index
        %get3A_505 = arith.constant 0 : index
        %get3A_506 = tpu.vector_load %arg6[%get3A_503, %get3A_504, %get3A_505] {strides = array<i32>} : memref<2x128x128xf32, #tpu.memory_space<vmem>>, vector<1x1x16xf32>,
        %get3A_507 = vector.shape_cast %get3A_506 : vector<1x1x16xf32> to vector<16xf32>
        %add3A_508 = arith.addf %add3A_497, %get3A_507 : vector<16xf32>
        %mul3A_509 = arith.constant 32 : i32
        %mul3A_510 = arith.muli %scan3A_193, %mul3A_509 : i32
        %add3A_511 = arith.constant 29 : i32
        %add3A_512 = arith.addi %mul3A_510, %add3A_511 : i32
        %get3A_513 = arith.constant 0 : i32
        %get3A_514 = arith.index_cast %get3A_513 : i32 to index
        %get3A_515 = arith.index_cast %add3A_512 : i32 to index
        %get3A_516 = arith.constant 0 : index
        %get3A_517 = tpu.vector_load %arg6[%get3A_514, %get3A_515, %get3A_516] {strides = array<i32>} : memref<2x128x128xf32, #tpu.memory_space<vmem>>, vector<1x1x16xf32>,
        %get3A_518 = vector.shape_cast %get3A_517 : vector<1x1x16xf32> to vector<16xf32>
        %add3A_519 = arith.addf %add3A_508, %get3A_518 : vector<16xf32>
        %mul3A_520 = arith.constant 32 : i32
        %mul3A_521 = arith.muli %scan3A_193, %mul3A_520 : i32
        %add3A_522 = arith.constant 30 : i32
        %add3A_523 = arith.addi %mul3A_521, %add3A_522 : i32
        %get3A_524 = arith.constant 0 : i32
        %get3A_525 = arith.index_cast %get3A_524 : i32 to index
        %get3A_526 = arith.index_cast %add3A_523 : i32 to index
        %get3A_527 = arith.constant 0 : index
        %get3A_528 = tpu.vector_load %arg6[%get3A_525, %get3A_526, %get3A_527] {strides = array<i32>} : memref<2x128x128xf32, #tpu.memory_space<vmem>>, vector<1x1x16xf32>,
        %get3A_529 = vector.shape_cast %get3A_528 : vector<1x1x16xf32> to vector<16xf32>
        %add3A_530 = arith.addf %add3A_519, %get3A_529 : vector<16xf32>
        %mul3A_531 = arith.constant 32 : i32
        %mul3A_532 = arith.muli %scan3A_193, %mul3A_531 : i32
        %add3A_533 = arith.constant 31 : i32
        %add3A_534 = arith.addi %mul3A_532, %add3A_533 : i32
        %get3A_535 = arith.constant 0 : i32
        %get3A_536 = arith.index_cast %get3A_535 : i32 to index
        %get3A_537 = arith.index_cast %add3A_534 : i32 to index
        %get3A_538 = arith.constant 0 : index
        %get3A_539 = tpu.vector_load %arg6[%get3A_536, %get3A_537, %get3A_538] {strides = array<i32>} : memref<2x128x128xf32, #tpu.memory_space<vmem>>, vector<1x1x16xf32>,
        %get3A_540 = vector.shape_cast %get3A_539 : vector<1x1x16xf32> to vector<16xf32>
        %add3A_541 = arith.addf %add3A_530, %get3A_540 : vector<16xf32>
        %swap3A = arith.constant 0 : i32
        %swap3A_542 = arith.index_cast %swap3A : i32 to index
        %swap3A_543 = arith.index_cast %scan3A_193 : i32 to index
        %swap3A_544 = arith.constant 0 : index
        %swap3A_545 = tpu.vector_load %arg7[%swap3A_542, %swap3A_543, %swap3A_544] {strides = array<i32>} : memref<2x4x128xf32, #tpu.memory_space<vmem>>, vector<1x1x16xf32>,
        %swap3A_546 = vector.shape_cast %swap3A_545 : vector<1x1x16xf32> to vector<16xf32>
        %swap3A_547 = vector.shape_cast %add3A_541 : vector<16xf32> to vector<1x1x16xf32>
        tpu.vector_store %arg7[%swap3A_542, %swap3A_543, %swap3A_544], %swap3A_547 {strides = array<i32>} : memref<2x4x128xf32, #tpu.memory_space<vmem>>, vector<1x1x16xf32>,
        %mul3A_548 = arith.constant 32 : i32
        %mul3A_549 = arith.muli %scan3A_193, %mul3A_548 : i32
        %get3A_550 = arith.constant 0 : i32
        %get3A_551 = arith.index_cast %get3A_550 : i32 to index
        %get3A_552 = arith.index_cast %mul3A_549 : i32 to index
        %get3A_553 = arith.constant 16 : index
        %get3A_554 = tpu.vector_load %arg6[%get3A_551, %get3A_552, %get3A_553] {strides = array<i32>} : memref<2x128x128xf32, #tpu.memory_space<vmem>>, vector<1x1x16xf32>,
        %get3A_555 = vector.shape_cast %get3A_554 : vector<1x1x16xf32> to vector<16xf32>
        %mul3A_556 = arith.constant 32 : i32
        %mul3A_557 = arith.muli %scan3A_193, %mul3A_556 : i32
        %add3A_558 = arith.constant 1 : i32
        %add3A_559 = arith.addi %mul3A_557, %add3A_558 : i32
        %get3A_560 = arith.constant 0 : i32
        %get3A_561 = arith.index_cast %get3A_560 : i32 to index
        %get3A_562 = arith.index_cast %add3A_559 : i32 to index
        %get3A_563 = arith.constant 16 : index
        %get3A_564 = tpu.vector_load %arg6[%get3A_561, %get3A_562, %get3A_563] {strides = array<i32>} : memref<2x128x128xf32, #tpu.memory_space<vmem>>, vector<1x1x16xf32>,
        %get3A_565 = vector.shape_cast %get3A_564 : vector<1x1x16xf32> to vector<16xf32>
        %add3A_566 = arith.addf %get3A_555, %get3A_565 : vector<16xf32>
        %mul3A_567 = arith.constant 32 : i32
        %mul3A_568 = arith.muli %scan3A_193, %mul3A_567 : i32
        %add3A_569 = arith.constant 2 : i32
        %add3A_570 = arith.addi %mul3A_568, %add3A_569 : i32
        %get3A_571 = arith.constant 0 : i32
        %get3A_572 = arith.index_cast %get3A_571 : i32 to index
        %get3A_573 = arith.index_cast %add3A_570 : i32 to index
        %get3A_574 = arith.constant 16 : index
        %get3A_575 = tpu.vector_load %arg6[%get3A_572, %get3A_573, %get3A_574] {strides = array<i32>} : memref<2x128x128xf32, #tpu.memory_space<vmem>>, vector<1x1x16xf32>,
        %get3A_576 = vector.shape_cast %get3A_575 : vector<1x1x16xf32> to vector<16xf32>
        %add3A_577 = arith.addf %add3A_566, %get3A_576 : vector<16xf32>
        %mul3A_578 = arith.constant 32 : i32
        %mul3A_579 = arith.muli %scan3A_193, %mul3A_578 : i32
        %add3A_580 = arith.constant 3 : i32
        %add3A_581 = arith.addi %mul3A_579, %add3A_580 : i32
        %get3A_582 = arith.constant 0 : i32
        %get3A_583 = arith.index_cast %get3A_582 : i32 to index
        %get3A_584 = arith.index_cast %add3A_581 : i32 to index
        %get3A_585 = arith.constant 16 : index
        %get3A_586 = tpu.vector_load %arg6[%get3A_583, %get3A_584, %get3A_585] {strides = array<i32>} : memref<2x128x128xf32, #tpu.memory_space<vmem>>, vector<1x1x16xf32>,
        %get3A_587 = vector.shape_cast %get3A_586 : vector<1x1x16xf32> to vector<16xf32>
        %add3A_588 = arith.addf %add3A_577, %get3A_587 : vector<16xf32>
        %mul3A_589 = arith.constant 32 : i32
        %mul3A_590 = arith.muli %scan3A_193, %mul3A_589 : i32
        %add3A_591 = arith.constant 4 : i32
        %add3A_592 = arith.addi %mul3A_590, %add3A_591 : i32
        %get3A_593 = arith.constant 0 : i32
        %get3A_594 = arith.index_cast %get3A_593 : i32 to index
        %get3A_595 = arith.index_cast %add3A_592 : i32 to index
        %get3A_596 = arith.constant 16 : index
        %get3A_597 = tpu.vector_load %arg6[%get3A_594, %get3A_595, %get3A_596] {strides = array<i32>} : memref<2x128x128xf32, #tpu.memory_space<vmem>>, vector<1x1x16xf32>,
        %get3A_598 = vector.shape_cast %get3A_597 : vector<1x1x16xf32> to vector<16xf32>
        %add3A_599 = arith.addf %add3A_588, %get3A_598 : vector<16xf32>
        %mul3A_600 = arith.constant 32 : i32
        %mul3A_601 = arith.muli %scan3A_193, %mul3A_600 : i32
        %add3A_602 = arith.constant 5 : i32
        %add3A_603 = arith.addi %mul3A_601, %add3A_602 : i32
        %get3A_604 = arith.constant 0 : i32
        %get3A_605 = arith.index_cast %get3A_604 : i32 to index
        %get3A_606 = arith.index_cast %add3A_603 : i32 to index
        %get3A_607 = arith.constant 16 : index
        %get3A_608 = tpu.vector_load %arg6[%get3A_605, %get3A_606, %get3A_607] {strides = array<i32>} : memref<2x128x128xf32, #tpu.memory_space<vmem>>, vector<1x1x16xf32>,
        %get3A_609 = vector.shape_cast %get3A_608 : vector<1x1x16xf32> to vector<16xf32>
        %add3A_610 = arith.addf %add3A_599, %get3A_609 : vector<16xf32>
        %mul3A_611 = arith.constant 32 : i32
        %mul3A_612 = arith.muli %scan3A_193, %mul3A_611 : i32
        %add3A_613 = arith.constant 6 : i32
        %add3A_614 = arith.addi %mul3A_612, %add3A_613 : i32
        %get3A_615 = arith.constant 0 : i32
        %get3A_616 = arith.index_cast %get3A_615 : i32 to index
        %get3A_617 = arith.index_cast %add3A_614 : i32 to index
        %get3A_618 = arith.constant 16 : index
        %get3A_619 = tpu.vector_load %arg6[%get3A_616, %get3A_617, %get3A_618] {strides = array<i32>} : memref<2x128x128xf32, #tpu.memory_space<vmem>>, vector<1x1x16xf32>,
        %get3A_620 = vector.shape_cast %get3A_619 : vector<1x1x16xf32> to vector<16xf32>
        %add3A_621 = arith.addf %add3A_610, %get3A_620 : vector<16xf32>
        %mul3A_622 = arith.constant 32 : i32
        %mul3A_623 = arith.muli %scan3A_193, %mul3A_622 : i32
        %add3A_624 = arith.constant 7 : i32
        %add3A_625 = arith.addi %mul3A_623, %add3A_624 : i32
        %get3A_626 = arith.constant 0 : i32
        %get3A_627 = arith.index_cast %get3A_626 : i32 to index
        %get3A_628 = arith.index_cast %add3A_625 : i32 to index
        %get3A_629 = arith.constant 16 : index
        %get3A_630 = tpu.vector_load %arg6[%get3A_627, %get3A_628, %get3A_629] {strides = array<i32>} : memref<2x128x128xf32, #tpu.memory_space<vmem>>, vector<1x1x16xf32>,
        %get3A_631 = vector.shape_cast %get3A_630 : vector<1x1x16xf32> to vector<16xf32>
        %add3A_632 = arith.addf %add3A_621, %get3A_631 : vector<16xf32>
        %mul3A_633 = arith.constant 32 : i32
        %mul3A_634 = arith.muli %scan3A_193, %mul3A_633 : i32
        %add3A_635 = arith.constant 8 : i32
        %add3A_636 = arith.addi %mul3A_634, %add3A_635 : i32
        %get3A_637 = arith.constant 0 : i32
        %get3A_638 = arith.index_cast %get3A_637 : i32 to index
        %get3A_639 = arith.index_cast %add3A_636 : i32 to index
        %get3A_640 = arith.constant 16 : index
        %get3A_641 = tpu.vector_load %arg6[%get3A_638, %get3A_639, %get3A_640] {strides = array<i32>} : memref<2x128x128xf32, #tpu.memory_space<vmem>>, vector<1x1x16xf32>,
        %get3A_642 = vector.shape_cast %get3A_641 : vector<1x1x16xf32> to vector<16xf32>
        %add3A_643 = arith.addf %add3A_632, %get3A_642 : vector<16xf32>
        %mul3A_644 = arith.constant 32 : i32
        %mul3A_645 = arith.muli %scan3A_193, %mul3A_644 : i32
        %add3A_646 = arith.constant 9 : i32
        %add3A_647 = arith.addi %mul3A_645, %add3A_646 : i32
        %get3A_648 = arith.constant 0 : i32
        %get3A_649 = arith.index_cast %get3A_648 : i32 to index
        %get3A_650 = arith.index_cast %add3A_647 : i32 to index
        %get3A_651 = arith.constant 16 : index
        %get3A_652 = tpu.vector_load %arg6[%get3A_649, %get3A_650, %get3A_651] {strides = array<i32>} : memref<2x128x128xf32, #tpu.memory_space<vmem>>, vector<1x1x16xf32>,
        %get3A_653 = vector.shape_cast %get3A_652 : vector<1x1x16xf32> to vector<16xf32>
        %add3A_654 = arith.addf %add3A_643, %get3A_653 : vector<16xf32>
        %mul3A_655 = arith.constant 32 : i32
        %mul3A_656 = arith.muli %scan3A_193, %mul3A_655 : i32
        %add3A_657 = arith.constant 10 : i32
        %add3A_658 = arith.addi %mul3A_656, %add3A_657 : i32
        %get3A_659 = arith.constant 0 : i32
        %get3A_660 = arith.index_cast %get3A_659 : i32 to index
        %get3A_661 = arith.index_cast %add3A_658 : i32 to index
        %get3A_662 = arith.constant 16 : index
        %get3A_663 = tpu.vector_load %arg6[%get3A_660, %get3A_661, %get3A_662] {strides = array<i32>} : memref<2x128x128xf32, #tpu.memory_space<vmem>>, vector<1x1x16xf32>,
        %get3A_664 = vector.shape_cast %get3A_663 : vector<1x1x16xf32> to vector<16xf32>
        %add3A_665 = arith.addf %add3A_654, %get3A_664 : vector<16xf32>
        %mul3A_666 = arith.constant 32 : i32
        %mul3A_667 = arith.muli %scan3A_193, %mul3A_666 : i32
        %add3A_668 = arith.constant 11 : i32
        %add3A_669 = arith.addi %mul3A_667, %add3A_668 : i32
        %get3A_670 = arith.constant 0 : i32
        %get3A_671 = arith.index_cast %get3A_670 : i32 to index
        %get3A_672 = arith.index_cast %add3A_669 : i32 to index
        %get3A_673 = arith.constant 16 : index
        %get3A_674 = tpu.vector_load %arg6[%get3A_671, %get3A_672, %get3A_673] {strides = array<i32>} : memref<2x128x128xf32, #tpu.memory_space<vmem>>, vector<1x1x16xf32>,
        %get3A_675 = vector.shape_cast %get3A_674 : vector<1x1x16xf32> to vector<16xf32>
        %add3A_676 = arith.addf %add3A_665, %get3A_675 : vector<16xf32>
        %mul3A_677 = arith.constant 32 : i32
        %mul3A_678 = arith.muli %scan3A_193, %mul3A_677 : i32
        %add3A_679 = arith.constant 12 : i32
        %add3A_680 = arith.addi %mul3A_678, %add3A_679 : i32
        %get3A_681 = arith.constant 0 : i32
        %get3A_682 = arith.index_cast %get3A_681 : i32 to index
        %get3A_683 = arith.index_cast %add3A_680 : i32 to index
        %get3A_684 = arith.constant 16 : index
        %get3A_685 = tpu.vector_load %arg6[%get3A_682, %get3A_683, %get3A_684] {strides = array<i32>} : memref<2x128x128xf32, #tpu.memory_space<vmem>>, vector<1x1x16xf32>,
        %get3A_686 = vector.shape_cast %get3A_685 : vector<1x1x16xf32> to vector<16xf32>
        %add3A_687 = arith.addf %add3A_676, %get3A_686 : vector<16xf32>
        %mul3A_688 = arith.constant 32 : i32
        %mul3A_689 = arith.muli %scan3A_193, %mul3A_688 : i32
        %add3A_690 = arith.constant 13 : i32
        %add3A_691 = arith.addi %mul3A_689, %add3A_690 : i32
        %get3A_692 = arith.constant 0 : i32
        %get3A_693 = arith.index_cast %get3A_692 : i32 to index
        %get3A_694 = arith.index_cast %add3A_691 : i32 to index
        %get3A_695 = arith.constant 16 : index
        %get3A_696 = tpu.vector_load %arg6[%get3A_693, %get3A_694, %get3A_695] {strides = array<i32>} : memref<2x128x128xf32, #tpu.memory_space<vmem>>, vector<1x1x16xf32>,
        %get3A_697 = vector.shape_cast %get3A_696 : vector<1x1x16xf32> to vector<16xf32>
        %add3A_698 = arith.addf %add3A_687, %get3A_697 : vector<16xf32>
        %mul3A_699 = arith.constant 32 : i32
        %mul3A_700 = arith.muli %scan3A_193, %mul3A_699 : i32
        %add3A_701 = arith.constant 14 : i32
        %add3A_702 = arith.addi %mul3A_700, %add3A_701 : i32
        %get3A_703 = arith.constant 0 : i32
        %get3A_704 = arith.index_cast %get3A_703 : i32 to index
        %get3A_705 = arith.index_cast %add3A_702 : i32 to index
        %get3A_706 = arith.constant 16 : index
        %get3A_707 = tpu.vector_load %arg6[%get3A_704, %get3A_705, %get3A_706] {strides = array<i32>} : memref<2x128x128xf32, #tpu.memory_space<vmem>>, vector<1x1x16xf32>,
        %get3A_708 = vector.shape_cast %get3A_707 : vector<1x1x16xf32> to vector<16xf32>
        %add3A_709 = arith.addf %add3A_698, %get3A_708 : vector<16xf32>
        %mul3A_710 = arith.constant 32 : i32
        %mul3A_711 = arith.muli %scan3A_193, %mul3A_710 : i32
        %add3A_712 = arith.constant 15 : i32
        %add3A_713 = arith.addi %mul3A_711, %add3A_712 : i32
        %get3A_714 = arith.constant 0 : i32
        %get3A_715 = arith.index_cast %get3A_714 : i32 to index
        %get3A_716 = arith.index_cast %add3A_713 : i32 to index
        %get3A_717 = arith.constant 16 : index
        %get3A_718 = tpu.vector_load %arg6[%get3A_715, %get3A_716, %get3A_717] {strides = array<i32>} : memref<2x128x128xf32, #tpu.memory_space<vmem>>, vector<1x1x16xf32>,
        %get3A_719 = vector.shape_cast %get3A_718 : vector<1x1x16xf32> to vector<16xf32>
        %add3A_720 = arith.addf %add3A_709, %get3A_719 : vector<16xf32>
        %mul3A_721 = arith.constant 32 : i32
        %mul3A_722 = arith.muli %scan3A_193, %mul3A_721 : i32
        %add3A_723 = arith.constant 16 : i32
        %add3A_724 = arith.addi %mul3A_722, %add3A_723 : i32
        %get3A_725 = arith.constant 0 : i32
        %get3A_726 = arith.index_cast %get3A_725 : i32 to index
        %get3A_727 = arith.index_cast %add3A_724 : i32 to index
        %get3A_728 = arith.constant 16 : index
        %get3A_729 = tpu.vector_load %arg6[%get3A_726, %get3A_727, %get3A_728] {strides = array<i32>} : memref<2x128x128xf32, #tpu.memory_space<vmem>>, vector<1x1x16xf32>,
        %get3A_730 = vector.shape_cast %get3A_729 : vector<1x1x16xf32> to vector<16xf32>
        %add3A_731 = arith.addf %add3A_720, %get3A_730 : vector<16xf32>
        %mul3A_732 = arith.constant 32 : i32
        %mul3A_733 = arith.muli %scan3A_193, %mul3A_732 : i32
        %add3A_734 = arith.constant 17 : i32
        %add3A_735 = arith.addi %mul3A_733, %add3A_734 : i32
        %get3A_736 = arith.constant 0 : i32
        %get3A_737 = arith.index_cast %get3A_736 : i32 to index
        %get3A_738 = arith.index_cast %add3A_735 : i32 to index
        %get3A_739 = arith.constant 16 : index
        %get3A_740 = tpu.vector_load %arg6[%get3A_737, %get3A_738, %get3A_739] {strides = array<i32>} : memref<2x128x128xf32, #tpu.memory_space<vmem>>, vector<1x1x16xf32>,
        %get3A_741 = vector.shape_cast %get3A_740 : vector<1x1x16xf32> to vector<16xf32>
        %add3A_742 = arith.addf %add3A_731, %get3A_741 : vector<16xf32>
        %mul3A_743 = arith.constant 32 : i32
        %mul3A_744 = arith.muli %scan3A_193, %mul3A_743 : i32
        %add3A_745 = arith.constant 18 : i32
        %add3A_746 = arith.addi %mul3A_744, %add3A_745 : i32
        %get3A_747 = arith.constant 0 : i32
        %get3A_748 = arith.index_cast %get3A_747 : i32 to index
        %get3A_749 = arith.index_cast %add3A_746 : i32 to index
        %get3A_750 = arith.constant 16 : index
        %get3A_751 = tpu.vector_load %arg6[%get3A_748, %get3A_749, %get3A_750] {strides = array<i32>} : memref<2x128x128xf32, #tpu.memory_space<vmem>>, vector<1x1x16xf32>,
        %get3A_752 = vector.shape_cast %get3A_751 : vector<1x1x16xf32> to vector<16xf32>
        %add3A_753 = arith.addf %add3A_742, %get3A_752 : vector<16xf32>
        %mul3A_754 = arith.constant 32 : i32
        %mul3A_755 = arith.muli %scan3A_193, %mul3A_754 : i32
        %add3A_756 = arith.constant 19 : i32
        %add3A_757 = arith.addi %mul3A_755, %add3A_756 : i32
        %get3A_758 = arith.constant 0 : i32
        %get3A_759 = arith.index_cast %get3A_758 : i32 to index
        %get3A_760 = arith.index_cast %add3A_757 : i32 to index
        %get3A_761 = arith.constant 16 : index
        %get3A_762 = tpu.vector_load %arg6[%get3A_759, %get3A_760, %get3A_761] {strides = array<i32>} : memref<2x128x128xf32, #tpu.memory_space<vmem>>, vector<1x1x16xf32>,
        %get3A_763 = vector.shape_cast %get3A_762 : vector<1x1x16xf32> to vector<16xf32>
        %add3A_764 = arith.addf %add3A_753, %get3A_763 : vector<16xf32>
        %mul3A_765 = arith.constant 32 : i32
        %mul3A_766 = arith.muli %scan3A_193, %mul3A_765 : i32
        %add3A_767 = arith.constant 20 : i32
        %add3A_768 = arith.addi %mul3A_766, %add3A_767 : i32
        %get3A_769 = arith.constant 0 : i32
        %get3A_770 = arith.index_cast %get3A_769 : i32 to index
        %get3A_771 = arith.index_cast %add3A_768 : i32 to index
        %get3A_772 = arith.constant 16 : index
        %get3A_773 = tpu.vector_load %arg6[%get3A_770, %get3A_771, %get3A_772] {strides = array<i32>} : memref<2x128x128xf32, #tpu.memory_space<vmem>>, vector<1x1x16xf32>,
        %get3A_774 = vector.shape_cast %get3A_773 : vector<1x1x16xf32> to vector<16xf32>
        %add3A_775 = arith.addf %add3A_764, %get3A_774 : vector<16xf32>
        %mul3A_776 = arith.constant 32 : i32
        %mul3A_777 = arith.muli %scan3A_193, %mul3A_776 : i32
        %add3A_778 = arith.constant 21 : i32
        %add3A_779 = arith.addi %mul3A_777, %add3A_778 : i32
        %get3A_780 = arith.constant 0 : i32
        %get3A_781 = arith.index_cast %get3A_780 : i32 to index
        %get3A_782 = arith.index_cast %add3A_779 : i32 to index
        %get3A_783 = arith.constant 16 : index
        %get3A_784 = tpu.vector_load %arg6[%get3A_781, %get3A_782, %get3A_783] {strides = array<i32>} : memref<2x128x128xf32, #tpu.memory_space<vmem>>, vector<1x1x16xf32>,
        %get3A_785 = vector.shape_cast %get3A_784 : vector<1x1x16xf32> to vector<16xf32>
        %add3A_786 = arith.addf %add3A_775, %get3A_785 : vector<16xf32>
        %mul3A_787 = arith.constant 32 : i32
        %mul3A_788 = arith.muli %scan3A_193, %mul3A_787 : i32
        %add3A_789 = arith.constant 22 : i32
        %add3A_790 = arith.addi %mul3A_788, %add3A_789 : i32
        %get3A_791 = arith.constant 0 : i32
        %get3A_792 = arith.index_cast %get3A_791 : i32 to index
        %get3A_793 = arith.index_cast %add3A_790 : i32 to index
        %get3A_794 = arith.constant 16 : index
        %get3A_795 = tpu.vector_load %arg6[%get3A_792, %get3A_793, %get3A_794] {strides = array<i32>} : memref<2x128x128xf32, #tpu.memory_space<vmem>>, vector<1x1x16xf32>,
        %get3A_796 = vector.shape_cast %get3A_795 : vector<1x1x16xf32> to vector<16xf32>
        %add3A_797 = arith.addf %add3A_786, %get3A_796 : vector<16xf32>
        %mul3A_798 = arith.constant 32 : i32
        %mul3A_799 = arith.muli %scan3A_193, %mul3A_798 : i32
        %add3A_800 = arith.constant 23 : i32
        %add3A_801 = arith.addi %mul3A_799, %add3A_800 : i32
        %get3A_802 = arith.constant 0 : i32
        %get3A_803 = arith.index_cast %get3A_802 : i32 to index
        %get3A_804 = arith.index_cast %add3A_801 : i32 to index
        %get3A_805 = arith.constant 16 : index
        %get3A_806 = tpu.vector_load %arg6[%get3A_803, %get3A_804, %get3A_805] {strides = array<i32>} : memref<2x128x128xf32, #tpu.memory_space<vmem>>, vector<1x1x16xf32>,
        %get3A_807 = vector.shape_cast %get3A_806 : vector<1x1x16xf32> to vector<16xf32>
        %add3A_808 = arith.addf %add3A_797, %get3A_807 : vector<16xf32>
        %mul3A_809 = arith.constant 32 : i32
        %mul3A_810 = arith.muli %scan3A_193, %mul3A_809 : i32
        %add3A_811 = arith.constant 24 : i32
        %add3A_812 = arith.addi %mul3A_810, %add3A_811 : i32
        %get3A_813 = arith.constant 0 : i32
        %get3A_814 = arith.index_cast %get3A_813 : i32 to index
        %get3A_815 = arith.index_cast %add3A_812 : i32 to index
        %get3A_816 = arith.constant 16 : index
        %get3A_817 = tpu.vector_load %arg6[%get3A_814, %get3A_815, %get3A_816] {strides = array<i32>} : memref<2x128x128xf32, #tpu.memory_space<vmem>>, vector<1x1x16xf32>,
        %get3A_818 = vector.shape_cast %get3A_817 : vector<1x1x16xf32> to vector<16xf32>
        %add3A_819 = arith.addf %add3A_808, %get3A_818 : vector<16xf32>
        %mul3A_820 = arith.constant 32 : i32
        %mul3A_821 = arith.muli %scan3A_193, %mul3A_820 : i32
        %add3A_822 = arith.constant 25 : i32
        %add3A_823 = arith.addi %mul3A_821, %add3A_822 : i32
        %get3A_824 = arith.constant 0 : i32
        %get3A_825 = arith.index_cast %get3A_824 : i32 to index
        %get3A_826 = arith.index_cast %add3A_823 : i32 to index
        %get3A_827 = arith.constant 16 : index
        %get3A_828 = tpu.vector_load %arg6[%get3A_825, %get3A_826, %get3A_827] {strides = array<i32>} : memref<2x128x128xf32, #tpu.memory_space<vmem>>, vector<1x1x16xf32>,
        %get3A_829 = vector.shape_cast %get3A_828 : vector<1x1x16xf32> to vector<16xf32>
        %add3A_830 = arith.addf %add3A_819, %get3A_829 : vector<16xf32>
        %mul3A_831 = arith.constant 32 : i32
        %mul3A_832 = arith.muli %scan3A_193, %mul3A_831 : i32
        %add3A_833 = arith.constant 26 : i32
        %add3A_834 = arith.addi %mul3A_832, %add3A_833 : i32
        %get3A_835 = arith.constant 0 : i32
        %get3A_836 = arith.index_cast %get3A_835 : i32 to index
        %get3A_837 = arith.index_cast %add3A_834 : i32 to index
        %get3A_838 = arith.constant 16 : index
        %get3A_839 = tpu.vector_load %arg6[%get3A_836, %get3A_837, %get3A_838] {strides = array<i32>} : memref<2x128x128xf32, #tpu.memory_space<vmem>>, vector<1x1x16xf32>,
        %get3A_840 = vector.shape_cast %get3A_839 : vector<1x1x16xf32> to vector<16xf32>
        %add3A_841 = arith.addf %add3A_830, %get3A_840 : vector<16xf32>
        %mul3A_842 = arith.constant 32 : i32
        %mul3A_843 = arith.muli %scan3A_193, %mul3A_842 : i32
        %add3A_844 = arith.constant 27 : i32
        %add3A_845 = arith.addi %mul3A_843, %add3A_844 : i32
        %get3A_846 = arith.constant 0 : i32
        %get3A_847 = arith.index_cast %get3A_846 : i32 to index
        %get3A_848 = arith.index_cast %add3A_845 : i32 to index
        %get3A_849 = arith.constant 16 : index
        %get3A_850 = tpu.vector_load %arg6[%get3A_847, %get3A_848, %get3A_849] {strides = array<i32>} : memref<2x128x128xf32, #tpu.memory_space<vmem>>, vector<1x1x16xf32>,
        %get3A_851 = vector.shape_cast %get3A_850 : vector<1x1x16xf32> to vector<16xf32>
        %add3A_852 = arith.addf %add3A_841, %get3A_851 : vector<16xf32>
        %mul3A_853 = arith.constant 32 : i32
        %mul3A_854 = arith.muli %scan3A_193, %mul3A_853 : i32
        %add3A_855 = arith.constant 28 : i32
        %add3A_856 = arith.addi %mul3A_854, %add3A_855 : i32
        %get3A_857 = arith.constant 0 : i32
        %get3A_858 = arith.index_cast %get3A_857 : i32 to index
        %get3A_859 = arith.index_cast %add3A_856 : i32 to index
        %get3A_860 = arith.constant 16 : index
        %get3A_861 = tpu.vector_load %arg6[%get3A_858, %get3A_859, %get3A_860] {strides = array<i32>} : memref<2x128x128xf32, #tpu.memory_space<vmem>>, vector<1x1x16xf32>,
        %get3A_862 = vector.shape_cast %get3A_861 : vector<1x1x16xf32> to vector<16xf32>
        %add3A_863 = arith.addf %add3A_852, %get3A_862 : vector<16xf32>
        %mul3A_864 = arith.constant 32 : i32
        %mul3A_865 = arith.muli %scan3A_193, %mul3A_864 : i32
        %add3A_866 = arith.constant 29 : i32
        %add3A_867 = arith.addi %mul3A_865, %add3A_866 : i32
        %get3A_868 = arith.constant 0 : i32
        %get3A_869 = arith.index_cast %get3A_868 : i32 to index
        %get3A_870 = arith.index_cast %add3A_867 : i32 to index
        %get3A_871 = arith.constant 16 : index
        %get3A_872 = tpu.vector_load %arg6[%get3A_869, %get3A_870, %get3A_871] {strides = array<i32>} : memref<2x128x128xf32, #tpu.memory_space<vmem>>, vector<1x1x16xf32>,
        %get3A_873 = vector.shape_cast %get3A_872 : vector<1x1x16xf32> to vector<16xf32>
        %add3A_874 = arith.addf %add3A_863, %get3A_873 : vector<16xf32>
        %mul3A_875 = arith.constant 32 : i32
        %mul3A_876 = arith.muli %scan3A_193, %mul3A_875 : i32
        %add3A_877 = arith.constant 30 : i32
        %add3A_878 = arith.addi %mul3A_876, %add3A_877 : i32
        %get3A_879 = arith.constant 0 : i32
        %get3A_880 = arith.index_cast %get3A_879 : i32 to index
        %get3A_881 = arith.index_cast %add3A_878 : i32 to index
        %get3A_882 = arith.constant 16 : index
        %get3A_883 = tpu.vector_load %arg6[%get3A_880, %get3A_881, %get3A_882] {strides = array<i32>} : memref<2x128x128xf32, #tpu.memory_space<vmem>>, vector<1x1x16xf32>,
        %get3A_884 = vector.shape_cast %get3A_883 : vector<1x1x16xf32> to vector<16xf32>
        %add3A_885 = arith.addf %add3A_874, %get3A_884 : vector<16xf32>
        %mul3A_886 = arith.constant 32 : i32
        %mul3A_887 = arith.muli %scan3A_193, %mul3A_886 : i32
        %add3A_888 = arith.constant 31 : i32
        %add3A_889 = arith.addi %mul3A_887, %add3A_888 : i32
        %get3A_890 = arith.constant 0 : i32
        %get3A_891 = arith.index_cast %get3A_890 : i32 to index
        %get3A_892 = arith.index_cast %add3A_889 : i32 to index
        %get3A_893 = arith.constant 16 : index
        %get3A_894 = tpu.vector_load %arg6[%get3A_891, %get3A_892, %get3A_893] {strides = array<i32>} : memref<2x128x128xf32, #tpu.memory_space<vmem>>, vector<1x1x16xf32>,
        %get3A_895 = vector.shape_cast %get3A_894 : vector<1x1x16xf32> to vector<16xf32>
        %add3A_896 = arith.addf %add3A_885, %get3A_895 : vector<16xf32>
        %swap3A_897 = arith.constant 0 : i32
        %swap3A_898 = arith.index_cast %swap3A_897 : i32 to index
        %swap3A_899 = arith.index_cast %scan3A_193 : i32 to index
        %swap3A_900 = arith.constant 16 : index
        %swap3A_901 = tpu.vector_load %arg7[%swap3A_898, %swap3A_899, %swap3A_900] {strides = array<i32>} : memref<2x4x128xf32, #tpu.memory_space<vmem>>, vector<1x1x16xf32>,
        %swap3A_902 = vector.shape_cast %swap3A_901 : vector<1x1x16xf32> to vector<16xf32>
        %swap3A_903 = vector.shape_cast %add3A_896 : vector<16xf32> to vector<1x1x16xf32>
        tpu.vector_store %arg7[%swap3A_898, %swap3A_899, %swap3A_900], %swap3A_903 {strides = array<i32>} : memref<2x4x128xf32, #tpu.memory_space<vmem>>, vector<1x1x16xf32>,
        %mul3A_904 = arith.constant 32 : i32
        %mul3A_905 = arith.muli %scan3A_193, %mul3A_904 : i32
        %get3A_906 = arith.constant 0 : i32
        %get3A_907 = arith.index_cast %get3A_906 : i32 to index
        %get3A_908 = arith.index_cast %mul3A_905 : i32 to index
        %get3A_909 = arith.constant 32 : index
        %get3A_910 = tpu.vector_load %arg6[%get3A_907, %get3A_908, %get3A_909] {strides = array<i32>} : memref<2x128x128xf32, #tpu.memory_space<vmem>>, vector<1x1x16xf32>,
        %get3A_911 = vector.shape_cast %get3A_910 : vector<1x1x16xf32> to vector<16xf32>
        %mul3A_912 = arith.constant 32 : i32
        %mul3A_913 = arith.muli %scan3A_193, %mul3A_912 : i32
        %add3A_914 = arith.constant 1 : i32
        %add3A_915 = arith.addi %mul3A_913, %add3A_914 : i32
        %get3A_916 = arith.constant 0 : i32
        %get3A_917 = arith.index_cast %get3A_916 : i32 to index
        %get3A_918 = arith.index_cast %add3A_915 : i32 to index
        %get3A_919 = arith.constant 32 : index
        %get3A_920 = tpu.vector_load %arg6[%get3A_917, %get3A_918, %get3A_919] {strides = array<i32>} : memref<2x128x128xf32, #tpu.memory_space<vmem>>, vector<1x1x16xf32>,
        %get3A_921 = vector.shape_cast %get3A_920 : vector<1x1x16xf32> to vector<16xf32>
        %add3A_922 = arith.addf %get3A_911, %get3A_921 : vector<16xf32>
        %mul3A_923 = arith.constant 32 : i32
        %mul3A_924 = arith.muli %scan3A_193, %mul3A_923 : i32
        %add3A_925 = arith.constant 2 : i32
        %add3A_926 = arith.addi %mul3A_924, %add3A_925 : i32
        %get3A_927 = arith.constant 0 : i32
        %get3A_928 = arith.index_cast %get3A_927 : i32 to index
        %get3A_929 = arith.index_cast %add3A_926 : i32 to index
        %get3A_930 = arith.constant 32 : index
        %get3A_931 = tpu.vector_load %arg6[%get3A_928, %get3A_929, %get3A_930] {strides = array<i32>} : memref<2x128x128xf32, #tpu.memory_space<vmem>>, vector<1x1x16xf32>,
        %get3A_932 = vector.shape_cast %get3A_931 : vector<1x1x16xf32> to vector<16xf32>
        %add3A_933 = arith.addf %add3A_922, %get3A_932 : vector<16xf32>
        %mul3A_934 = arith.constant 32 : i32
        %mul3A_935 = arith.muli %scan3A_193, %mul3A_934 : i32
        %add3A_936 = arith.constant 3 : i32
        %add3A_937 = arith.addi %mul3A_935, %add3A_936 : i32
        %get3A_938 = arith.constant 0 : i32
        %get3A_939 = arith.index_cast %get3A_938 : i32 to index
        %get3A_940 = arith.index_cast %add3A_937 : i32 to index
        %get3A_941 = arith.constant 32 : index
        %get3A_942 = tpu.vector_load %arg6[%get3A_939, %get3A_940, %get3A_941] {strides = array<i32>} : memref<2x128x128xf32, #tpu.memory_space<vmem>>, vector<1x1x16xf32>,
        %get3A_943 = vector.shape_cast %get3A_942 : vector<1x1x16xf32> to vector<16xf32>
        %add3A_944 = arith.addf %add3A_933, %get3A_943 : vector<16xf32>
        %mul3A_945 = arith.constant 32 : i32
        %mul3A_946 = arith.muli %scan3A_193, %mul3A_945 : i32
        %add3A_947 = arith.constant 4 : i32
        %add3A_948 = arith.addi %mul3A_946, %add3A_947 : i32
        %get3A_949 = arith.constant 0 : i32
        %get3A_950 = arith.index_cast %get3A_949 : i32 to index
        %get3A_951 = arith.index_cast %add3A_948 : i32 to index
        %get3A_952 = arith.constant 32 : index
        %get3A_953 = tpu.vector_load %arg6[%get3A_950, %get3A_951, %get3A_952] {strides = array<i32>} : memref<2x128x128xf32, #tpu.memory_space<vmem>>, vector<1x1x16xf32>,
        %get3A_954 = vector.shape_cast %get3A_953 : vector<1x1x16xf32> to vector<16xf32>
        %add3A_955 = arith.addf %add3A_944, %get3A_954 : vector<16xf32>
        %mul3A_956 = arith.constant 32 : i32
        %mul3A_957 = arith.muli %scan3A_193, %mul3A_956 : i32
        %add3A_958 = arith.constant 5 : i32
        %add3A_959 = arith.addi %mul3A_957, %add3A_958 : i32
        %get3A_960 = arith.constant 0 : i32
        %get3A_961 = arith.index_cast %get3A_960 : i32 to index
        %get3A_962 = arith.index_cast %add3A_959 : i32 to index
        %get3A_963 = arith.constant 32 : index
        %get3A_964 = tpu.vector_load %arg6[%get3A_961, %get3A_962, %get3A_963] {strides = array<i32>} : memref<2x128x128xf32, #tpu.memory_space<vmem>>, vector<1x1x16xf32>,
        %get3A_965 = vector.shape_cast %get3A_964 : vector<1x1x16xf32> to vector<16xf32>
        %add3A_966 = arith.addf %add3A_955, %get3A_965 : vector<16xf32>
        %mul3A_967 = arith.constant 32 : i32
        %mul3A_968 = arith.muli %scan3A_193, %mul3A_967 : i32
        %add3A_969 = arith.constant 6 : i32
        %add3A_970 = arith.addi %mul3A_968, %add3A_969 : i32
        %get3A_971 = arith.constant 0 : i32
        %get3A_972 = arith.index_cast %get3A_971 : i32 to index
        %get3A_973 = arith.index_cast %add3A_970 : i32 to index
        %get3A_974 = arith.constant 32 : index
        %get3A_975 = tpu.vector_load %arg6[%get3A_972, %get3A_973, %get3A_974] {strides = array<i32>} : memref<2x128x128xf32, #tpu.memory_space<vmem>>, vector<1x1x16xf32>,
        %get3A_976 = vector.shape_cast %get3A_975 : vector<1x1x16xf32> to vector<16xf32>
        %add3A_977 = arith.addf %add3A_966, %get3A_976 : vector<16xf32>
        %mul3A_978 = arith.constant 32 : i32
        %mul3A_979 = arith.muli %scan3A_193, %mul3A_978 : i32
        %add3A_980 = arith.constant 7 : i32
        %add3A_981 = arith.addi %mul3A_979, %add3A_980 : i32
        %get3A_982 = arith.constant 0 : i32
        %get3A_983 = arith.index_cast %get3A_982 : i32 to index
        %get3A_984 = arith.index_cast %add3A_981 : i32 to index
        %get3A_985 = arith.constant 32 : index
        %get3A_986 = tpu.vector_load %arg6[%get3A_983, %get3A_984, %get3A_985] {strides = array<i32>} : memref<2x128x128xf32, #tpu.memory_space<vmem>>, vector<1x1x16xf32>,
        %get3A_987 = vector.shape_cast %get3A_986 : vector<1x1x16xf32> to vector<16xf32>
        %add3A_988 = arith.addf %add3A_977, %get3A_987 : vector<16xf32>
        %mul3A_989 = arith.constant 32 : i32
        %mul3A_990 = arith.muli %scan3A_193, %mul3A_989 : i32
        %add3A_991 = arith.constant 8 : i32
        %add3A_992 = arith.addi %mul3A_990, %add3A_991 : i32
        %get3A_993 = arith.constant 0 : i32
        %get3A_994 = arith.index_cast %get3A_993 : i32 to index
        %get3A_995 = arith.index_cast %add3A_992 : i32 to index
        %get3A_996 = arith.constant 32 : index
        %get3A_997 = tpu.vector_load %arg6[%get3A_994, %get3A_995, %get3A_996] {strides = array<i32>} : memref<2x128x128xf32, #tpu.memory_space<vmem>>, vector<1x1x16xf32>,
        %get3A_998 = vector.shape_cast %get3A_997 : vector<1x1x16xf32> to vector<16xf32>
        %add3A_999 = arith.addf %add3A_988, %get3A_998 : vector<16xf32>
        %mul3A_1000 = arith.constant 32 : i32
        %mul3A_1001 = arith.muli %scan3A_193, %mul3A_1000 : i32
        %add3A_1002 = arith.constant 9 : i32
        %add3A_1003 = arith.addi %mul3A_1001, %add3A_1002 : i32
        %get3A_1004 = arith.constant 0 : i32
        %get3A_1005 = arith.index_cast %get3A_1004 : i32 to index
        %get3A_1006 = arith.index_cast %add3A_1003 : i32 to index
        %get3A_1007 = arith.constant 32 : index
        %get3A_1008 = tpu.vector_load %arg6[%get3A_1005, %get3A_1006, %get3A_1007] {strides = array<i32>} : memref<2x128x128xf32, #tpu.memory_space<vmem>>, vector<1x1x16xf32>,
        %get3A_1009 = vector.shape_cast %get3A_1008 : vector<1x1x16xf32> to vector<16xf32>
        %add3A_1010 = arith.addf %add3A_999, %get3A_1009 : vector<16xf32>
        %mul3A_1011 = arith.constant 32 : i32
        %mul3A_1012 = arith.muli %scan3A_193, %mul3A_1011 : i32
        %add3A_1013 = arith.constant 10 : i32
        %add3A_1014 = arith.addi %mul3A_1012, %add3A_1013 : i32
        %get3A_1015 = arith.constant 0 : i32
        %get3A_1016 = arith.index_cast %get3A_1015 : i32 to index
        %get3A_1017 = arith.index_cast %add3A_1014 : i32 to index
        %get3A_1018 = arith.constant 32 : index
        %get3A_1019 = tpu.vector_load %arg6[%get3A_1016, %get3A_1017, %get3A_1018] {strides = array<i32>} : memref<2x128x128xf32, #tpu.memory_space<vmem>>, vector<1x1x16xf32>,
        %get3A_1020 = vector.shape_cast %get3A_1019 : vector<1x1x16xf32> to vector<16xf32>
        %add3A_1021 = arith.addf %add3A_1010, %get3A_1020 : vector<16xf32>
        %mul3A_1022 = arith.constant 32 : i32
        %mul3A_1023 = arith.muli %scan3A_193, %mul3A_1022 : i32
        %add3A_1024 = arith.constant 11 : i32
        %add3A_1025 = arith.addi %mul3A_1023, %add3A_1024 : i32
        %get3A_1026 = arith.constant 0 : i32
        %get3A_1027 = arith.index_cast %get3A_1026 : i32 to index
        %get3A_1028 = arith.index_cast %add3A_1025 : i32 to index
        %get3A_1029 = arith.constant 32 : index
        %get3A_1030 = tpu.vector_load %arg6[%get3A_1027, %get3A_1028, %get3A_1029] {strides = array<i32>} : memref<2x128x128xf32, #tpu.memory_space<vmem>>, vector<1x1x16xf32>,
        %get3A_1031 = vector.shape_cast %get3A_1030 : vector<1x1x16xf32> to vector<16xf32>
        %add3A_1032 = arith.addf %add3A_1021, %get3A_1031 : vector<16xf32>
        %mul3A_1033 = arith.constant 32 : i32
        %mul3A_1034 = arith.muli %scan3A_193, %mul3A_1033 : i32
        %add3A_1035 = arith.constant 12 : i32
        %add3A_1036 = arith.addi %mul3A_1034, %add3A_1035 : i32
        %get3A_1037 = arith.constant 0 : i32
        %get3A_1038 = arith.index_cast %get3A_1037 : i32 to index
        %get3A_1039 = arith.index_cast %add3A_1036 : i32 to index
        %get3A_1040 = arith.constant 32 : index
        %get3A_1041 = tpu.vector_load %arg6[%get3A_1038, %get3A_1039, %get3A_1040] {strides = array<i32>} : memref<2x128x128xf32, #tpu.memory_space<vmem>>, vector<1x1x16xf32>,
        %get3A_1042 = vector.shape_cast %get3A_1041 : vector<1x1x16xf32> to vector<16xf32>
        %add3A_1043 = arith.addf %add3A_1032, %get3A_1042 : vector<16xf32>
        %mul3A_1044 = arith.constant 32 : i32
        %mul3A_1045 = arith.muli %scan3A_193, %mul3A_1044 : i32
        %add3A_1046 = arith.constant 13 : i32
        %add3A_1047 = arith.addi %mul3A_1045, %add3A_1046 : i32
        %get3A_1048 = arith.constant 0 : i32
        %get3A_1049 = arith.index_cast %get3A_1048 : i32 to index
        %get3A_1050 = arith.index_cast %add3A_1047 : i32 to index
        %get3A_1051 = arith.constant 32 : index
        %get3A_1052 = tpu.vector_load %arg6[%get3A_1049, %get3A_1050, %get3A_1051] {strides = array<i32>} : memref<2x128x128xf32, #tpu.memory_space<vmem>>, vector<1x1x16xf32>,
        %get3A_1053 = vector.shape_cast %get3A_1052 : vector<1x1x16xf32> to vector<16xf32>
        %add3A_1054 = arith.addf %add3A_1043, %get3A_1053 : vector<16xf32>
        %mul3A_1055 = arith.constant 32 : i32
        %mul3A_1056 = arith.muli %scan3A_193, %mul3A_1055 : i32
        %add3A_1057 = arith.constant 14 : i32
        %add3A_1058 = arith.addi %mul3A_1056, %add3A_1057 : i32
        %get3A_1059 = arith.constant 0 : i32
        %get3A_1060 = arith.index_cast %get3A_1059 : i32 to index
        %get3A_1061 = arith.index_cast %add3A_1058 : i32 to index
        %get3A_1062 = arith.constant 32 : index
        %get3A_1063 = tpu.vector_load %arg6[%get3A_1060, %get3A_1061, %get3A_1062] {strides = array<i32>} : memref<2x128x128xf32, #tpu.memory_space<vmem>>, vector<1x1x16xf32>,
        %get3A_1064 = vector.shape_cast %get3A_1063 : vector<1x1x16xf32> to vector<16xf32>
        %add3A_1065 = arith.addf %add3A_1054, %get3A_1064 : vector<16xf32>
        %mul3A_1066 = arith.constant 32 : i32
        %mul3A_1067 = arith.muli %scan3A_193, %mul3A_1066 : i32
        %add3A_1068 = arith.constant 15 : i32
        %add3A_1069 = arith.addi %mul3A_1067, %add3A_1068 : i32
        %get3A_1070 = arith.constant 0 : i32
        %get3A_1071 = arith.index_cast %get3A_1070 : i32 to index
        %get3A_1072 = arith.index_cast %add3A_1069 : i32 to index
        %get3A_1073 = arith.constant 32 : index
        %get3A_1074 = tpu.vector_load %arg6[%get3A_1071, %get3A_1072, %get3A_1073] {strides = array<i32>} : memref<2x128x128xf32, #tpu.memory_space<vmem>>, vector<1x1x16xf32>,
        %get3A_1075 = vector.shape_cast %get3A_1074 : vector<1x1x16xf32> to vector<16xf32>
        %add3A_1076 = arith.addf %add3A_1065, %get3A_1075 : vector<16xf32>
        %mul3A_1077 = arith.constant 32 : i32
        %mul3A_1078 = arith.muli %scan3A_193, %mul3A_1077 : i32
        %add3A_1079 = arith.constant 16 : i32
        %add3A_1080 = arith.addi %mul3A_1078, %add3A_1079 : i32
        %get3A_1081 = arith.constant 0 : i32
        %get3A_1082 = arith.index_cast %get3A_1081 : i32 to index
        %get3A_1083 = arith.index_cast %add3A_1080 : i32 to index
        %get3A_1084 = arith.constant 32 : index
        %get3A_1085 = tpu.vector_load %arg6[%get3A_1082, %get3A_1083, %get3A_1084] {strides = array<i32>} : memref<2x128x128xf32, #tpu.memory_space<vmem>>, vector<1x1x16xf32>,
        %get3A_1086 = vector.shape_cast %get3A_1085 : vector<1x1x16xf32> to vector<16xf32>
        %add3A_1087 = arith.addf %add3A_1076, %get3A_1086 : vector<16xf32>
        %mul3A_1088 = arith.constant 32 : i32
        %mul3A_1089 = arith.muli %scan3A_193, %mul3A_1088 : i32
        %add3A_1090 = arith.constant 17 : i32
        %add3A_1091 = arith.addi %mul3A_1089, %add3A_1090 : i32
        %get3A_1092 = arith.constant 0 : i32
        %get3A_1093 = arith.index_cast %get3A_1092 : i32 to index
        %get3A_1094 = arith.index_cast %add3A_1091 : i32 to index
        %get3A_1095 = arith.constant 32 : index
        %get3A_1096 = tpu.vector_load %arg6[%get3A_1093, %get3A_1094, %get3A_1095] {strides = array<i32>} : memref<2x128x128xf32, #tpu.memory_space<vmem>>, vector<1x1x16xf32>,
        %get3A_1097 = vector.shape_cast %get3A_1096 : vector<1x1x16xf32> to vector<16xf32>
        %add3A_1098 = arith.addf %add3A_1087, %get3A_1097 : vector<16xf32>
        %mul3A_1099 = arith.constant 32 : i32
        %mul3A_1100 = arith.muli %scan3A_193, %mul3A_1099 : i32
        %add3A_1101 = arith.constant 18 : i32
        %add3A_1102 = arith.addi %mul3A_1100, %add3A_1101 : i32
        %get3A_1103 = arith.constant 0 : i32
        %get3A_1104 = arith.index_cast %get3A_1103 : i32 to index
        %get3A_1105 = arith.index_cast %add3A_1102 : i32 to index
        %get3A_1106 = arith.constant 32 : index
        %get3A_1107 = tpu.vector_load %arg6[%get3A_1104, %get3A_1105, %get3A_1106] {strides = array<i32>} : memref<2x128x128xf32, #tpu.memory_space<vmem>>, vector<1x1x16xf32>,
        %get3A_1108 = vector.shape_cast %get3A_1107 : vector<1x1x16xf32> to vector<16xf32>
        %add3A_1109 = arith.addf %add3A_1098, %get3A_1108 : vector<16xf32>
        %mul3A_1110 = arith.constant 32 : i32
        %mul3A_1111 = arith.muli %scan3A_193, %mul3A_1110 : i32
        %add3A_1112 = arith.constant 19 : i32
        %add3A_1113 = arith.addi %mul3A_1111, %add3A_1112 : i32
        %get3A_1114 = arith.constant 0 : i32
        %get3A_1115 = arith.index_cast %get3A_1114 : i32 to index
        %get3A_1116 = arith.index_cast %add3A_1113 : i32 to index
        %get3A_1117 = arith.constant 32 : index
        %get3A_1118 = tpu.vector_load %arg6[%get3A_1115, %get3A_1116, %get3A_1117] {strides = array<i32>} : memref<2x128x128xf32, #tpu.memory_space<vmem>>, vector<1x1x16xf32>,
        %get3A_1119 = vector.shape_cast %get3A_1118 : vector<1x1x16xf32> to vector<16xf32>
        %add3A_1120 = arith.addf %add3A_1109, %get3A_1119 : vector<16xf32>
        %mul3A_1121 = arith.constant 32 : i32
        %mul3A_1122 = arith.muli %scan3A_193, %mul3A_1121 : i32
        %add3A_1123 = arith.constant 20 : i32
        %add3A_1124 = arith.addi %mul3A_1122, %add3A_1123 : i32
        %get3A_1125 = arith.constant 0 : i32
        %get3A_1126 = arith.index_cast %get3A_1125 : i32 to index
        %get3A_1127 = arith.index_cast %add3A_1124 : i32 to index
        %get3A_1128 = arith.constant 32 : index
        %get3A_1129 = tpu.vector_load %arg6[%get3A_1126, %get3A_1127, %get3A_1128] {strides = array<i32>} : memref<2x128x128xf32, #tpu.memory_space<vmem>>, vector<1x1x16xf32>,
        %get3A_1130 = vector.shape_cast %get3A_1129 : vector<1x1x16xf32> to vector<16xf32>
        %add3A_1131 = arith.addf %add3A_1120, %get3A_1130 : vector<16xf32>
        %mul3A_1132 = arith.constant 32 : i32
        %mul3A_1133 = arith.muli %scan3A_193, %mul3A_1132 : i32
        %add3A_1134 = arith.constant 21 : i32
        %add3A_1135 = arith.addi %mul3A_1133, %add3A_1134 : i32
        %get3A_1136 = arith.constant 0 : i32
        %get3A_1137 = arith.index_cast %get3A_1136 : i32 to index
        %get3A_1138 = arith.index_cast %add3A_1135 : i32 to index
        %get3A_1139 = arith.constant 32 : index
        %get3A_1140 = tpu.vector_load %arg6[%get3A_1137, %get3A_1138, %get3A_1139] {strides = array<i32>} : memref<2x128x128xf32, #tpu.memory_space<vmem>>, vector<1x1x16xf32>,
        %get3A_1141 = vector.shape_cast %get3A_1140 : vector<1x1x16xf32> to vector<16xf32>
        %add3A_1142 = arith.addf %add3A_1131, %get3A_1141 : vector<16xf32>
        %mul3A_1143 = arith.constant 32 : i32
        %mul3A_1144 = arith.muli %scan3A_193, %mul3A_1143 : i32
        %add3A_1145 = arith.constant 22 : i32
        %add3A_1146 = arith.addi %mul3A_1144, %add3A_1145 : i32
        %get3A_1147 = arith.constant 0 : i32
        %get3A_1148 = arith.index_cast %get3A_1147 : i32 to index
        %get3A_1149 = arith.index_cast %add3A_1146 : i32 to index
        %get3A_1150 = arith.constant 32 : index
        %get3A_1151 = tpu.vector_load %arg6[%get3A_1148, %get3A_1149, %get3A_1150] {strides = array<i32>} : memref<2x128x128xf32, #tpu.memory_space<vmem>>, vector<1x1x16xf32>,
        %get3A_1152 = vector.shape_cast %get3A_1151 : vector<1x1x16xf32> to vector<16xf32>
        %add3A_1153 = arith.addf %add3A_1142, %get3A_1152 : vector<16xf32>
        %mul3A_1154 = arith.constant 32 : i32
        %mul3A_1155 = arith.muli %scan3A_193, %mul3A_1154 : i32
        %add3A_1156 = arith.constant 23 : i32
        %add3A_1157 = arith.addi %mul3A_1155, %add3A_1156 : i32
        %get3A_1158 = arith.constant 0 : i32
        %get3A_1159 = arith.index_cast %get3A_1158 : i32 to index
        %get3A_1160 = arith.index_cast %add3A_1157 : i32 to index
        %get3A_1161 = arith.constant 32 : index
        %get3A_1162 = tpu.vector_load %arg6[%get3A_1159, %get3A_1160, %get3A_1161] {strides = array<i32>} : memref<2x128x128xf32, #tpu.memory_space<vmem>>, vector<1x1x16xf32>,
        %get3A_1163 = vector.shape_cast %get3A_1162 : vector<1x1x16xf32> to vector<16xf32>
        %add3A_1164 = arith.addf %add3A_1153, %get3A_1163 : vector<16xf32>
        %mul3A_1165 = arith.constant 32 : i32
        %mul3A_1166 = arith.muli %scan3A_193, %mul3A_1165 : i32
        %add3A_1167 = arith.constant 24 : i32
        %add3A_1168 = arith.addi %mul3A_1166, %add3A_1167 : i32
        %get3A_1169 = arith.constant 0 : i32
        %get3A_1170 = arith.index_cast %get3A_1169 : i32 to index
        %get3A_1171 = arith.index_cast %add3A_1168 : i32 to index
        %get3A_1172 = arith.constant 32 : index
        %get3A_1173 = tpu.vector_load %arg6[%get3A_1170, %get3A_1171, %get3A_1172] {strides = array<i32>} : memref<2x128x128xf32, #tpu.memory_space<vmem>>, vector<1x1x16xf32>,
        %get3A_1174 = vector.shape_cast %get3A_1173 : vector<1x1x16xf32> to vector<16xf32>
        %add3A_1175 = arith.addf %add3A_1164, %get3A_1174 : vector<16xf32>
        %mul3A_1176 = arith.constant 32 : i32
        %mul3A_1177 = arith.muli %scan3A_193, %mul3A_1176 : i32
        %add3A_1178 = arith.constant 25 : i32
        %add3A_1179 = arith.addi %mul3A_1177, %add3A_1178 : i32
        %get3A_1180 = arith.constant 0 : i32
        %get3A_1181 = arith.index_cast %get3A_1180 : i32 to index
        %get3A_1182 = arith.index_cast %add3A_1179 : i32 to index
        %get3A_1183 = arith.constant 32 : index
        %get3A_1184 = tpu.vector_load %arg6[%get3A_1181, %get3A_1182, %get3A_1183] {strides = array<i32>} : memref<2x128x128xf32, #tpu.memory_space<vmem>>, vector<1x1x16xf32>,
        %get3A_1185 = vector.shape_cast %get3A_1184 : vector<1x1x16xf32> to vector<16xf32>
        %add3A_1186 = arith.addf %add3A_1175, %get3A_1185 : vector<16xf32>
        %mul3A_1187 = arith.constant 32 : i32
        %mul3A_1188 = arith.muli %scan3A_193, %mul3A_1187 : i32
        %add3A_1189 = arith.constant 26 : i32
        %add3A_1190 = arith.addi %mul3A_1188, %add3A_1189 : i32
        %get3A_1191 = arith.constant 0 : i32
        %get3A_1192 = arith.index_cast %get3A_1191 : i32 to index
        %get3A_1193 = arith.index_cast %add3A_1190 : i32 to index
        %get3A_1194 = arith.constant 32 : index
        %get3A_1195 = tpu.vector_load %arg6[%get3A_1192, %get3A_1193, %get3A_1194] {strides = array<i32>} : memref<2x128x128xf32, #tpu.memory_space<vmem>>, vector<1x1x16xf32>,
        %get3A_1196 = vector.shape_cast %get3A_1195 : vector<1x1x16xf32> to vector<16xf32>
        %add3A_1197 = arith.addf %add3A_1186, %get3A_1196 : vector<16xf32>
        %mul3A_1198 = arith.constant 32 : i32
        %mul3A_1199 = arith.muli %scan3A_193, %mul3A_1198 : i32
        %add3A_1200 = arith.constant 27 : i32
        %add3A_1201 = arith.addi %mul3A_1199, %add3A_1200 : i32
        %get3A_1202 = arith.constant 0 : i32
        %get3A_1203 = arith.index_cast %get3A_1202 : i32 to index
        %get3A_1204 = arith.index_cast %add3A_1201 : i32 to index
        %get3A_1205 = arith.constant 32 : index
        %get3A_1206 = tpu.vector_load %arg6[%get3A_1203, %get3A_1204, %get3A_1205] {strides = array<i32>} : memref<2x128x128xf32, #tpu.memory_space<vmem>>, vector<1x1x16xf32>,
        %get3A_1207 = vector.shape_cast %get3A_1206 : vector<1x1x16xf32> to vector<16xf32>
        %add3A_1208 = arith.addf %add3A_1197, %get3A_1207 : vector<16xf32>
        %mul3A_1209 = arith.constant 32 : i32
        %mul3A_1210 = arith.muli %scan3A_193, %mul3A_1209 : i32
        %add3A_1211 = arith.constant 28 : i32
        %add3A_1212 = arith.addi %mul3A_1210, %add3A_1211 : i32
        %get3A_1213 = arith.constant 0 : i32
        %get3A_1214 = arith.index_cast %get3A_1213 : i32 to index
        %get3A_1215 = arith.index_cast %add3A_1212 : i32 to index
        %get3A_1216 = arith.constant 32 : index
        %get3A_1217 = tpu.vector_load %arg6[%get3A_1214, %get3A_1215, %get3A_1216] {strides = array<i32>} : memref<2x128x128xf32, #tpu.memory_space<vmem>>, vector<1x1x16xf32>,
        %get3A_1218 = vector.shape_cast %get3A_1217 : vector<1x1x16xf32> to vector<16xf32>
        %add3A_1219 = arith.addf %add3A_1208, %get3A_1218 : vector<16xf32>
        %mul3A_1220 = arith.constant 32 : i32
        %mul3A_1221 = arith.muli %scan3A_193, %mul3A_1220 : i32
        %add3A_1222 = arith.constant 29 : i32
        %add3A_1223 = arith.addi %mul3A_1221, %add3A_1222 : i32
        %get3A_1224 = arith.constant 0 : i32
        %get3A_1225 = arith.index_cast %get3A_1224 : i32 to index
        %get3A_1226 = arith.index_cast %add3A_1223 : i32 to index
        %get3A_1227 = arith.constant 32 : index
        %get3A_1228 = tpu.vector_load %arg6[%get3A_1225, %get3A_1226, %get3A_1227] {strides = array<i32>} : memref<2x128x128xf32, #tpu.memory_space<vmem>>, vector<1x1x16xf32>,
        %get3A_1229 = vector.shape_cast %get3A_1228 : vector<1x1x16xf32> to vector<16xf32>
        %add3A_1230 = arith.addf %add3A_1219, %get3A_1229 : vector<16xf32>
        %mul3A_1231 = arith.constant 32 : i32
        %mul3A_1232 = arith.muli %scan3A_193, %mul3A_1231 : i32
        %add3A_1233 = arith.constant 30 : i32
        %add3A_1234 = arith.addi %mul3A_1232, %add3A_1233 : i32
        %get3A_1235 = arith.constant 0 : i32
        %get3A_1236 = arith.index_cast %get3A_1235 : i32 to index
        %get3A_1237 = arith.index_cast %add3A_1234 : i32 to index
        %get3A_1238 = arith.constant 32 : index
        %get3A_1239 = tpu.vector_load %arg6[%get3A_1236, %get3A_1237, %get3A_1238] {strides = array<i32>} : memref<2x128x128xf32, #tpu.memory_space<vmem>>, vector<1x1x16xf32>,
        %get3A_1240 = vector.shape_cast %get3A_1239 : vector<1x1x16xf32> to vector<16xf32>
        %add3A_1241 = arith.addf %add3A_1230, %get3A_1240 : vector<16xf32>
        %mul3A_1242 = arith.constant 32 : i32
        %mul3A_1243 = arith.muli %scan3A_193, %mul3A_1242 : i32
        %add3A_1244 = arith.constant 31 : i32
        %add3A_1245 = arith.addi %mul3A_1243, %add3A_1244 : i32
        %get3A_1246 = arith.constant 0 : i32
        %get3A_1247 = arith.index_cast %get3A_1246 : i32 to index
        %get3A_1248 = arith.index_cast %add3A_1245 : i32 to index
        %get3A_1249 = arith.constant 32 : index
        %get3A_1250 = tpu.vector_load %arg6[%get3A_1247, %get3A_1248, %get3A_1249] {strides = array<i32>} : memref<2x128x128xf32, #tpu.memory_space<vmem>>, vector<1x1x16xf32>,
        %get3A_1251 = vector.shape_cast %get3A_1250 : vector<1x1x16xf32> to vector<16xf32>
        %add3A_1252 = arith.addf %add3A_1241, %get3A_1251 : vector<16xf32>
        %swap3A_1253 = arith.constant 0 : i32
        %swap3A_1254 = arith.index_cast %swap3A_1253 : i32 to index
        %swap3A_1255 = arith.index_cast %scan3A_193 : i32 to index
        %swap3A_1256 = arith.constant 32 : index
        %swap3A_1257 = tpu.vector_load %arg7[%swap3A_1254, %swap3A_1255, %swap3A_1256] {strides = array<i32>} : memref<2x4x128xf32, #tpu.memory_space<vmem>>, vector<1x1x16xf32>,
        %swap3A_1258 = vector.shape_cast %swap3A_1257 : vector<1x1x16xf32> to vector<16xf32>
        %swap3A_1259 = vector.shape_cast %add3A_1252 : vector<16xf32> to vector<1x1x16xf32>
        tpu.vector_store %arg7[%swap3A_1254, %swap3A_1255, %swap3A_1256], %swap3A_1259 {strides = array<i32>} : memref<2x4x128xf32, #tpu.memory_space<vmem>>, vector<1x1x16xf32>,
        %mul3A_1260 = arith.constant 32 : i32
        %mul3A_1261 = arith.muli %scan3A_193, %mul3A_1260 : i32
        %get3A_1262 = arith.constant 0 : i32
        %get3A_1263 = arith.index_cast %get3A_1262 : i32 to index
        %get3A_1264 = arith.index_cast %mul3A_1261 : i32 to index
        %get3A_1265 = arith.constant 48 : index
        %get3A_1266 = tpu.vector_load %arg6[%get3A_1263, %get3A_1264, %get3A_1265] {strides = array<i32>} : memref<2x128x128xf32, #tpu.memory_space<vmem>>, vector<1x1x16xf32>,
        %get3A_1267 = vector.shape_cast %get3A_1266 : vector<1x1x16xf32> to vector<16xf32>
        %mul3A_1268 = arith.constant 32 : i32
        %mul3A_1269 = arith.muli %scan3A_193, %mul3A_1268 : i32
        %add3A_1270 = arith.constant 1 : i32
        %add3A_1271 = arith.addi %mul3A_1269, %add3A_1270 : i32
        %get3A_1272 = arith.constant 0 : i32
        %get3A_1273 = arith.index_cast %get3A_1272 : i32 to index
        %get3A_1274 = arith.index_cast %add3A_1271 : i32 to index
        %get3A_1275 = arith.constant 48 : index
        %get3A_1276 = tpu.vector_load %arg6[%get3A_1273, %get3A_1274, %get3A_1275] {strides = array<i32>} : memref<2x128x128xf32, #tpu.memory_space<vmem>>, vector<1x1x16xf32>,
        %get3A_1277 = vector.shape_cast %get3A_1276 : vector<1x1x16xf32> to vector<16xf32>
        %add3A_1278 = arith.addf %get3A_1267, %get3A_1277 : vector<16xf32>
        %mul3A_1279 = arith.constant 32 : i32
        %mul3A_1280 = arith.muli %scan3A_193, %mul3A_1279 : i32
        %add3A_1281 = arith.constant 2 : i32
        %add3A_1282 = arith.addi %mul3A_1280, %add3A_1281 : i32
        %get3A_1283 = arith.constant 0 : i32
        %get3A_1284 = arith.index_cast %get3A_1283 : i32 to index
        %get3A_1285 = arith.index_cast %add3A_1282 : i32 to index
        %get3A_1286 = arith.constant 48 : index
        %get3A_1287 = tpu.vector_load %arg6[%get3A_1284, %get3A_1285, %get3A_1286] {strides = array<i32>} : memref<2x128x128xf32, #tpu.memory_space<vmem>>, vector<1x1x16xf32>,
        %get3A_1288 = vector.shape_cast %get3A_1287 : vector<1x1x16xf32> to vector<16xf32>
        %add3A_1289 = arith.addf %add3A_1278, %get3A_1288 : vector<16xf32>
        %mul3A_1290 = arith.constant 32 : i32
        %mul3A_1291 = arith.muli %scan3A_193, %mul3A_1290 : i32
        %add3A_1292 = arith.constant 3 : i32
        %add3A_1293 = arith.addi %mul3A_1291, %add3A_1292 : i32
        %get3A_1294 = arith.constant 0 : i32
        %get3A_1295 = arith.index_cast %get3A_1294 : i32 to index
        %get3A_1296 = arith.index_cast %add3A_1293 : i32 to index
        %get3A_1297 = arith.constant 48 : index
        %get3A_1298 = tpu.vector_load %arg6[%get3A_1295, %get3A_1296, %get3A_1297] {strides = array<i32>} : memref<2x128x128xf32, #tpu.memory_space<vmem>>, vector<1x1x16xf32>,
        %get3A_1299 = vector.shape_cast %get3A_1298 : vector<1x1x16xf32> to vector<16xf32>
        %add3A_1300 = arith.addf %add3A_1289, %get3A_1299 : vector<16xf32>
        %mul3A_1301 = arith.constant 32 : i32
        %mul3A_1302 = arith.muli %scan3A_193, %mul3A_1301 : i32
        %add3A_1303 = arith.constant 4 : i32
        %add3A_1304 = arith.addi %mul3A_1302, %add3A_1303 : i32
        %get3A_1305 = arith.constant 0 : i32
        %get3A_1306 = arith.index_cast %get3A_1305 : i32 to index
        %get3A_1307 = arith.index_cast %add3A_1304 : i32 to index
        %get3A_1308 = arith.constant 48 : index
        %get3A_1309 = tpu.vector_load %arg6[%get3A_1306, %get3A_1307, %get3A_1308] {strides = array<i32>} : memref<2x128x128xf32, #tpu.memory_space<vmem>>, vector<1x1x16xf32>,
        %get3A_1310 = vector.shape_cast %get3A_1309 : vector<1x1x16xf32> to vector<16xf32>
        %add3A_1311 = arith.addf %add3A_1300, %get3A_1310 : vector<16xf32>
        %mul3A_1312 = arith.constant 32 : i32
        %mul3A_1313 = arith.muli %scan3A_193, %mul3A_1312 : i32
        %add3A_1314 = arith.constant 5 : i32
        %add3A_1315 = arith.addi %mul3A_1313, %add3A_1314 : i32
        %get3A_1316 = arith.constant 0 : i32
        %get3A_1317 = arith.index_cast %get3A_1316 : i32 to index
        %get3A_1318 = arith.index_cast %add3A_1315 : i32 to index
        %get3A_1319 = arith.constant 48 : index
        %get3A_1320 = tpu.vector_load %arg6[%get3A_1317, %get3A_1318, %get3A_1319] {strides = array<i32>} : memref<2x128x128xf32, #tpu.memory_space<vmem>>, vector<1x1x16xf32>,
        %get3A_1321 = vector.shape_cast %get3A_1320 : vector<1x1x16xf32> to vector<16xf32>
        %add3A_1322 = arith.addf %add3A_1311, %get3A_1321 : vector<16xf32>
        %mul3A_1323 = arith.constant 32 : i32
        %mul3A_1324 = arith.muli %scan3A_193, %mul3A_1323 : i32
        %add3A_1325 = arith.constant 6 : i32
        %add3A_1326 = arith.addi %mul3A_1324, %add3A_1325 : i32
        %get3A_1327 = arith.constant 0 : i32
        %get3A_1328 = arith.index_cast %get3A_1327 : i32 to index
        %get3A_1329 = arith.index_cast %add3A_1326 : i32 to index
        %get3A_1330 = arith.constant 48 : index
        %get3A_1331 = tpu.vector_load %arg6[%get3A_1328, %get3A_1329, %get3A_1330] {strides = array<i32>} : memref<2x128x128xf32, #tpu.memory_space<vmem>>, vector<1x1x16xf32>,
        %get3A_1332 = vector.shape_cast %get3A_1331 : vector<1x1x16xf32> to vector<16xf32>
        %add3A_1333 = arith.addf %add3A_1322, %get3A_1332 : vector<16xf32>
        %mul3A_1334 = arith.constant 32 : i32
        %mul3A_1335 = arith.muli %scan3A_193, %mul3A_1334 : i32
        %add3A_1336 = arith.constant 7 : i32
        %add3A_1337 = arith.addi %mul3A_1335, %add3A_1336 : i32
        %get3A_1338 = arith.constant 0 : i32
        %get3A_1339 = arith.index_cast %get3A_1338 : i32 to index
        %get3A_1340 = arith.index_cast %add3A_1337 : i32 to index
        %get3A_1341 = arith.constant 48 : index
        %get3A_1342 = tpu.vector_load %arg6[%get3A_1339, %get3A_1340, %get3A_1341] {strides = array<i32>} : memref<2x128x128xf32, #tpu.memory_space<vmem>>, vector<1x1x16xf32>,
        %get3A_1343 = vector.shape_cast %get3A_1342 : vector<1x1x16xf32> to vector<16xf32>
        %add3A_1344 = arith.addf %add3A_1333, %get3A_1343 : vector<16xf32>
        %mul3A_1345 = arith.constant 32 : i32
        %mul3A_1346 = arith.muli %scan3A_193, %mul3A_1345 : i32
        %add3A_1347 = arith.constant 8 : i32
        %add3A_1348 = arith.addi %mul3A_1346, %add3A_1347 : i32
        %get3A_1349 = arith.constant 0 : i32
        %get3A_1350 = arith.index_cast %get3A_1349 : i32 to index
        %get3A_1351 = arith.index_cast %add3A_1348 : i32 to index
        %get3A_1352 = arith.constant 48 : index
        %get3A_1353 = tpu.vector_load %arg6[%get3A_1350, %get3A_1351, %get3A_1352] {strides = array<i32>} : memref<2x128x128xf32, #tpu.memory_space<vmem>>, vector<1x1x16xf32>,
        %get3A_1354 = vector.shape_cast %get3A_1353 : vector<1x1x16xf32> to vector<16xf32>
        %add3A_1355 = arith.addf %add3A_1344, %get3A_1354 : vector<16xf32>
        %mul3A_1356 = arith.constant 32 : i32
        %mul3A_1357 = arith.muli %scan3A_193, %mul3A_1356 : i32
        %add3A_1358 = arith.constant 9 : i32
        %add3A_1359 = arith.addi %mul3A_1357, %add3A_1358 : i32
        %get3A_1360 = arith.constant 0 : i32
        %get3A_1361 = arith.index_cast %get3A_1360 : i32 to index
        %get3A_1362 = arith.index_cast %add3A_1359 : i32 to index
        %get3A_1363 = arith.constant 48 : index
        %get3A_1364 = tpu.vector_load %arg6[%get3A_1361, %get3A_1362, %get3A_1363] {strides = array<i32>} : memref<2x128x128xf32, #tpu.memory_space<vmem>>, vector<1x1x16xf32>,
        %get3A_1365 = vector.shape_cast %get3A_1364 : vector<1x1x16xf32> to vector<16xf32>
        %add3A_1366 = arith.addf %add3A_1355, %get3A_1365 : vector<16xf32>
        %mul3A_1367 = arith.constant 32 : i32
        %mul3A_1368 = arith.muli %scan3A_193, %mul3A_1367 : i32
        %add3A_1369 = arith.constant 10 : i32
        %add3A_1370 = arith.addi %mul3A_1368, %add3A_1369 : i32
        %get3A_1371 = arith.constant 0 : i32
        %get3A_1372 = arith.index_cast %get3A_1371 : i32 to index
        %get3A_1373 = arith.index_cast %add3A_1370 : i32 to index
        %get3A_1374 = arith.constant 48 : index
        %get3A_1375 = tpu.vector_load %arg6[%get3A_1372, %get3A_1373, %get3A_1374] {strides = array<i32>} : memref<2x128x128xf32, #tpu.memory_space<vmem>>, vector<1x1x16xf32>,
        %get3A_1376 = vector.shape_cast %get3A_1375 : vector<1x1x16xf32> to vector<16xf32>
        %add3A_1377 = arith.addf %add3A_1366, %get3A_1376 : vector<16xf32>
        %mul3A_1378 = arith.constant 32 : i32
        %mul3A_1379 = arith.muli %scan3A_193, %mul3A_1378 : i32
        %add3A_1380 = arith.constant 11 : i32
        %add3A_1381 = arith.addi %mul3A_1379, %add3A_1380 : i32
        %get3A_1382 = arith.constant 0 : i32
        %get3A_1383 = arith.index_cast %get3A_1382 : i32 to index
        %get3A_1384 = arith.index_cast %add3A_1381 : i32 to index
        %get3A_1385 = arith.constant 48 : index
        %get3A_1386 = tpu.vector_load %arg6[%get3A_1383, %get3A_1384, %get3A_1385] {strides = array<i32>} : memref<2x128x128xf32, #tpu.memory_space<vmem>>, vector<1x1x16xf32>,
        %get3A_1387 = vector.shape_cast %get3A_1386 : vector<1x1x16xf32> to vector<16xf32>
        %add3A_1388 = arith.addf %add3A_1377, %get3A_1387 : vector<16xf32>
        %mul3A_1389 = arith.constant 32 : i32
        %mul3A_1390 = arith.muli %scan3A_193, %mul3A_1389 : i32
        %add3A_1391 = arith.constant 12 : i32
        %add3A_1392 = arith.addi %mul3A_1390, %add3A_1391 : i32
        %get3A_1393 = arith.constant 0 : i32
        %get3A_1394 = arith.index_cast %get3A_1393 : i32 to index
        %get3A_1395 = arith.index_cast %add3A_1392 : i32 to index
        %get3A_1396 = arith.constant 48 : index
        %get3A_1397 = tpu.vector_load %arg6[%get3A_1394, %get3A_1395, %get3A_1396] {strides = array<i32>} : memref<2x128x128xf32, #tpu.memory_space<vmem>>, vector<1x1x16xf32>,
        %get3A_1398 = vector.shape_cast %get3A_1397 : vector<1x1x16xf32> to vector<16xf32>
        %add3A_1399 = arith.addf %add3A_1388, %get3A_1398 : vector<16xf32>
        %mul3A_1400 = arith.constant 32 : i32
        %mul3A_1401 = arith.muli %scan3A_193, %mul3A_1400 : i32
        %add3A_1402 = arith.constant 13 : i32
        %add3A_1403 = arith.addi %mul3A_1401, %add3A_1402 : i32
        %get3A_1404 = arith.constant 0 : i32
        %get3A_1405 = arith.index_cast %get3A_1404 : i32 to index
        %get3A_1406 = arith.index_cast %add3A_1403 : i32 to index
        %get3A_1407 = arith.constant 48 : index
        %get3A_1408 = tpu.vector_load %arg6[%get3A_1405, %get3A_1406, %get3A_1407] {strides = array<i32>} : memref<2x128x128xf32, #tpu.memory_space<vmem>>, vector<1x1x16xf32>,
        %get3A_1409 = vector.shape_cast %get3A_1408 : vector<1x1x16xf32> to vector<16xf32>
        %add3A_1410 = arith.addf %add3A_1399, %get3A_1409 : vector<16xf32>
        %mul3A_1411 = arith.constant 32 : i32
        %mul3A_1412 = arith.muli %scan3A_193, %mul3A_1411 : i32
        %add3A_1413 = arith.constant 14 : i32
        %add3A_1414 = arith.addi %mul3A_1412, %add3A_1413 : i32
        %get3A_1415 = arith.constant 0 : i32
        %get3A_1416 = arith.index_cast %get3A_1415 : i32 to index
        %get3A_1417 = arith.index_cast %add3A_1414 : i32 to index
        %get3A_1418 = arith.constant 48 : index
        %get3A_1419 = tpu.vector_load %arg6[%get3A_1416, %get3A_1417, %get3A_1418] {strides = array<i32>} : memref<2x128x128xf32, #tpu.memory_space<vmem>>, vector<1x1x16xf32>,
        %get3A_1420 = vector.shape_cast %get3A_1419 : vector<1x1x16xf32> to vector<16xf32>
        %add3A_1421 = arith.addf %add3A_1410, %get3A_1420 : vector<16xf32>
        %mul3A_1422 = arith.constant 32 : i32
        %mul3A_1423 = arith.muli %scan3A_193, %mul3A_1422 : i32
        %add3A_1424 = arith.constant 15 : i32
        %add3A_1425 = arith.addi %mul3A_1423, %add3A_1424 : i32
        %get3A_1426 = arith.constant 0 : i32
        %get3A_1427 = arith.index_cast %get3A_1426 : i32 to index
        %get3A_1428 = arith.index_cast %add3A_1425 : i32 to index
        %get3A_1429 = arith.constant 48 : index
        %get3A_1430 = tpu.vector_load %arg6[%get3A_1427, %get3A_1428, %get3A_1429] {strides = array<i32>} : memref<2x128x128xf32, #tpu.memory_space<vmem>>, vector<1x1x16xf32>,
        %get3A_1431 = vector.shape_cast %get3A_1430 : vector<1x1x16xf32> to vector<16xf32>
        %add3A_1432 = arith.addf %add3A_1421, %get3A_1431 : vector<16xf32>
        %mul3A_1433 = arith.constant 32 : i32
        %mul3A_1434 = arith.muli %scan3A_193, %mul3A_1433 : i32
        %add3A_1435 = arith.constant 16 : i32
        %add3A_1436 = arith.addi %mul3A_1434, %add3A_1435 : i32
        %get3A_1437 = arith.constant 0 : i32
        %get3A_1438 = arith.index_cast %get3A_1437 : i32 to index
        %get3A_1439 = arith.index_cast %add3A_1436 : i32 to index
        %get3A_1440 = arith.constant 48 : index
        %get3A_1441 = tpu.vector_load %arg6[%get3A_1438, %get3A_1439, %get3A_1440] {strides = array<i32>} : memref<2x128x128xf32, #tpu.memory_space<vmem>>, vector<1x1x16xf32>,
        %get3A_1442 = vector.shape_cast %get3A_1441 : vector<1x1x16xf32> to vector<16xf32>
        %add3A_1443 = arith.addf %add3A_1432, %get3A_1442 : vector<16xf32>
        %mul3A_1444 = arith.constant 32 : i32
        %mul3A_1445 = arith.muli %scan3A_193, %mul3A_1444 : i32
        %add3A_1446 = arith.constant 17 : i32
        %add3A_1447 = arith.addi %mul3A_1445, %add3A_1446 : i32
        %get3A_1448 = arith.constant 0 : i32
        %get3A_1449 = arith.index_cast %get3A_1448 : i32 to index
        %get3A_1450 = arith.index_cast %add3A_1447 : i32 to index
        %get3A_1451 = arith.constant 48 : index
        %get3A_1452 = tpu.vector_load %arg6[%get3A_1449, %get3A_1450, %get3A_1451] {strides = array<i32>} : memref<2x128x128xf32, #tpu.memory_space<vmem>>, vector<1x1x16xf32>,
        %get3A_1453 = vector.shape_cast %get3A_1452 : vector<1x1x16xf32> to vector<16xf32>
        %add3A_1454 = arith.addf %add3A_1443, %get3A_1453 : vector<16xf32>
        %mul3A_1455 = arith.constant 32 : i32
        %mul3A_1456 = arith.muli %scan3A_193, %mul3A_1455 : i32
        %add3A_1457 = arith.constant 18 : i32
        %add3A_1458 = arith.addi %mul3A_1456, %add3A_1457 : i32
        %get3A_1459 = arith.constant 0 : i32
        %get3A_1460 = arith.index_cast %get3A_1459 : i32 to index
        %get3A_1461 = arith.index_cast %add3A_1458 : i32 to index
        %get3A_1462 = arith.constant 48 : index
        %get3A_1463 = tpu.vector_load %arg6[%get3A_1460, %get3A_1461, %get3A_1462] {strides = array<i32>} : memref<2x128x128xf32, #tpu.memory_space<vmem>>, vector<1x1x16xf32>,
        %get3A_1464 = vector.shape_cast %get3A_1463 : vector<1x1x16xf32> to vector<16xf32>
        %add3A_1465 = arith.addf %add3A_1454, %get3A_1464 : vector<16xf32>
        %mul3A_1466 = arith.constant 32 : i32
        %mul3A_1467 = arith.muli %scan3A_193, %mul3A_1466 : i32
        %add3A_1468 = arith.constant 19 : i32
        %add3A_1469 = arith.addi %mul3A_1467, %add3A_1468 : i32
        %get3A_1470 = arith.constant 0 : i32
        %get3A_1471 = arith.index_cast %get3A_1470 : i32 to index
        %get3A_1472 = arith.index_cast %add3A_1469 : i32 to index
        %get3A_1473 = arith.constant 48 : index
        %get3A_1474 = tpu.vector_load %arg6[%get3A_1471, %get3A_1472, %get3A_1473] {strides = array<i32>} : memref<2x128x128xf32, #tpu.memory_space<vmem>>, vector<1x1x16xf32>,
        %get3A_1475 = vector.shape_cast %get3A_1474 : vector<1x1x16xf32> to vector<16xf32>
        %add3A_1476 = arith.addf %add3A_1465, %get3A_1475 : vector<16xf32>
        %mul3A_1477 = arith.constant 32 : i32
        %mul3A_1478 = arith.muli %scan3A_193, %mul3A_1477 : i32
        %add3A_1479 = arith.constant 20 : i32
        %add3A_1480 = arith.addi %mul3A_1478, %add3A_1479 : i32
        %get3A_1481 = arith.constant 0 : i32
        %get3A_1482 = arith.index_cast %get3A_1481 : i32 to index
        %get3A_1483 = arith.index_cast %add3A_1480 : i32 to index
        %get3A_1484 = arith.constant 48 : index
        %get3A_1485 = tpu.vector_load %arg6[%get3A_1482, %get3A_1483, %get3A_1484] {strides = array<i32>} : memref<2x128x128xf32, #tpu.memory_space<vmem>>, vector<1x1x16xf32>,
        %get3A_1486 = vector.shape_cast %get3A_1485 : vector<1x1x16xf32> to vector<16xf32>
        %add3A_1487 = arith.addf %add3A_1476, %get3A_1486 : vector<16xf32>
        %mul3A_1488 = arith.constant 32 : i32
        %mul3A_1489 = arith.muli %scan3A_193, %mul3A_1488 : i32
        %add3A_1490 = arith.constant 21 : i32
        %add3A_1491 = arith.addi %mul3A_1489, %add3A_1490 : i32
        %get3A_1492 = arith.constant 0 : i32
        %get3A_1493 = arith.index_cast %get3A_1492 : i32 to index
        %get3A_1494 = arith.index_cast %add3A_1491 : i32 to index
        %get3A_1495 = arith.constant 48 : index
        %get3A_1496 = tpu.vector_load %arg6[%get3A_1493, %get3A_1494, %get3A_1495] {strides = array<i32>} : memref<2x128x128xf32, #tpu.memory_space<vmem>>, vector<1x1x16xf32>,
        %get3A_1497 = vector.shape_cast %get3A_1496 : vector<1x1x16xf32> to vector<16xf32>
        %add3A_1498 = arith.addf %add3A_1487, %get3A_1497 : vector<16xf32>
        %mul3A_1499 = arith.constant 32 : i32
        %mul3A_1500 = arith.muli %scan3A_193, %mul3A_1499 : i32
        %add3A_1501 = arith.constant 22 : i32
        %add3A_1502 = arith.addi %mul3A_1500, %add3A_1501 : i32
        %get3A_1503 = arith.constant 0 : i32
        %get3A_1504 = arith.index_cast %get3A_1503 : i32 to index
        %get3A_1505 = arith.index_cast %add3A_1502 : i32 to index
        %get3A_1506 = arith.constant 48 : index
        %get3A_1507 = tpu.vector_load %arg6[%get3A_1504, %get3A_1505, %get3A_1506] {strides = array<i32>} : memref<2x128x128xf32, #tpu.memory_space<vmem>>, vector<1x1x16xf32>,
        %get3A_1508 = vector.shape_cast %get3A_1507 : vector<1x1x16xf32> to vector<16xf32>
        %add3A_1509 = arith.addf %add3A_1498, %get3A_1508 : vector<16xf32>
        %mul3A_1510 = arith.constant 32 : i32
        %mul3A_1511 = arith.muli %scan3A_193, %mul3A_1510 : i32
        %add3A_1512 = arith.constant 23 : i32
        %add3A_1513 = arith.addi %mul3A_1511, %add3A_1512 : i32
        %get3A_1514 = arith.constant 0 : i32
        %get3A_1515 = arith.index_cast %get3A_1514 : i32 to index
        %get3A_1516 = arith.index_cast %add3A_1513 : i32 to index
        %get3A_1517 = arith.constant 48 : index
        %get3A_1518 = tpu.vector_load %arg6[%get3A_1515, %get3A_1516, %get3A_1517] {strides = array<i32>} : memref<2x128x128xf32, #tpu.memory_space<vmem>>, vector<1x1x16xf32>,
        %get3A_1519 = vector.shape_cast %get3A_1518 : vector<1x1x16xf32> to vector<16xf32>
        %add3A_1520 = arith.addf %add3A_1509, %get3A_1519 : vector<16xf32>
        %mul3A_1521 = arith.constant 32 : i32
        %mul3A_1522 = arith.muli %scan3A_193, %mul3A_1521 : i32
        %add3A_1523 = arith.constant 24 : i32
        %add3A_1524 = arith.addi %mul3A_1522, %add3A_1523 : i32
        %get3A_1525 = arith.constant 0 : i32
        %get3A_1526 = arith.index_cast %get3A_1525 : i32 to index
        %get3A_1527 = arith.index_cast %add3A_1524 : i32 to index
        %get3A_1528 = arith.constant 48 : index
        %get3A_1529 = tpu.vector_load %arg6[%get3A_1526, %get3A_1527, %get3A_1528] {strides = array<i32>} : memref<2x128x128xf32, #tpu.memory_space<vmem>>, vector<1x1x16xf32>,
        %get3A_1530 = vector.shape_cast %get3A_1529 : vector<1x1x16xf32> to vector<16xf32>
        %add3A_1531 = arith.addf %add3A_1520, %get3A_1530 : vector<16xf32>
        %mul3A_1532 = arith.constant 32 : i32
        %mul3A_1533 = arith.muli %scan3A_193, %mul3A_1532 : i32
        %add3A_1534 = arith.constant 25 : i32
        %add3A_1535 = arith.addi %mul3A_1533, %add3A_1534 : i32
        %get3A_1536 = arith.constant 0 : i32
        %get3A_1537 = arith.index_cast %get3A_1536 : i32 to index
        %get3A_1538 = arith.index_cast %add3A_1535 : i32 to index
        %get3A_1539 = arith.constant 48 : index
        %get3A_1540 = tpu.vector_load %arg6[%get3A_1537, %get3A_1538, %get3A_1539] {strides = array<i32>} : memref<2x128x128xf32, #tpu.memory_space<vmem>>, vector<1x1x16xf32>,
        %get3A_1541 = vector.shape_cast %get3A_1540 : vector<1x1x16xf32> to vector<16xf32>
        %add3A_1542 = arith.addf %add3A_1531, %get3A_1541 : vector<16xf32>
        %mul3A_1543 = arith.constant 32 : i32
        %mul3A_1544 = arith.muli %scan3A_193, %mul3A_1543 : i32
        %add3A_1545 = arith.constant 26 : i32
        %add3A_1546 = arith.addi %mul3A_1544, %add3A_1545 : i32
        %get3A_1547 = arith.constant 0 : i32
        %get3A_1548 = arith.index_cast %get3A_1547 : i32 to index
        %get3A_1549 = arith.index_cast %add3A_1546 : i32 to index
        %get3A_1550 = arith.constant 48 : index
        %get3A_1551 = tpu.vector_load %arg6[%get3A_1548, %get3A_1549, %get3A_1550] {strides = array<i32>} : memref<2x128x128xf32, #tpu.memory_space<vmem>>, vector<1x1x16xf32>,
        %get3A_1552 = vector.shape_cast %get3A_1551 : vector<1x1x16xf32> to vector<16xf32>
        %add3A_1553 = arith.addf %add3A_1542, %get3A_1552 : vector<16xf32>
        %mul3A_1554 = arith.constant 32 : i32
        %mul3A_1555 = arith.muli %scan3A_193, %mul3A_1554 : i32
        %add3A_1556 = arith.constant 27 : i32
        %add3A_1557 = arith.addi %mul3A_1555, %add3A_1556 : i32
        %get3A_1558 = arith.constant 0 : i32
        %get3A_1559 = arith.index_cast %get3A_1558 : i32 to index
        %get3A_1560 = arith.index_cast %add3A_1557 : i32 to index
        %get3A_1561 = arith.constant 48 : index
        %get3A_1562 = tpu.vector_load %arg6[%get3A_1559, %get3A_1560, %get3A_1561] {strides = array<i32>} : memref<2x128x128xf32, #tpu.memory_space<vmem>>, vector<1x1x16xf32>,
        %get3A_1563 = vector.shape_cast %get3A_1562 : vector<1x1x16xf32> to vector<16xf32>
        %add3A_1564 = arith.addf %add3A_1553, %get3A_1563 : vector<16xf32>
        %mul3A_1565 = arith.constant 32 : i32
        %mul3A_1566 = arith.muli %scan3A_193, %mul3A_1565 : i32
        %add3A_1567 = arith.constant 28 : i32
        %add3A_1568 = arith.addi %mul3A_1566, %add3A_1567 : i32
        %get3A_1569 = arith.constant 0 : i32
        %get3A_1570 = arith.index_cast %get3A_1569 : i32 to index
        %get3A_1571 = arith.index_cast %add3A_1568 : i32 to index
        %get3A_1572 = arith.constant 48 : index
        %get3A_1573 = tpu.vector_load %arg6[%get3A_1570, %get3A_1571, %get3A_1572] {strides = array<i32>} : memref<2x128x128xf32, #tpu.memory_space<vmem>>, vector<1x1x16xf32>,
        %get3A_1574 = vector.shape_cast %get3A_1573 : vector<1x1x16xf32> to vector<16xf32>
        %add3A_1575 = arith.addf %add3A_1564, %get3A_1574 : vector<16xf32>
        %mul3A_1576 = arith.constant 32 : i32
        %mul3A_1577 = arith.muli %scan3A_193, %mul3A_1576 : i32
        %add3A_1578 = arith.constant 29 : i32
        %add3A_1579 = arith.addi %mul3A_1577, %add3A_1578 : i32
        %get3A_1580 = arith.constant 0 : i32
        %get3A_1581 = arith.index_cast %get3A_1580 : i32 to index
        %get3A_1582 = arith.index_cast %add3A_1579 : i32 to index
        %get3A_1583 = arith.constant 48 : index
        %get3A_1584 = tpu.vector_load %arg6[%get3A_1581, %get3A_1582, %get3A_1583] {strides = array<i32>} : memref<2x128x128xf32, #tpu.memory_space<vmem>>, vector<1x1x16xf32>,
        %get3A_1585 = vector.shape_cast %get3A_1584 : vector<1x1x16xf32> to vector<16xf32>
        %add3A_1586 = arith.addf %add3A_1575, %get3A_1585 : vector<16xf32>
        %mul3A_1587 = arith.constant 32 : i32
        %mul3A_1588 = arith.muli %scan3A_193, %mul3A_1587 : i32
        %add3A_1589 = arith.constant 30 : i32
        %add3A_1590 = arith.addi %mul3A_1588, %add3A_1589 : i32
        %get3A_1591 = arith.constant 0 : i32
        %get3A_1592 = arith.index_cast %get3A_1591 : i32 to index
        %get3A_1593 = arith.index_cast %add3A_1590 : i32 to index
        %get3A_1594 = arith.constant 48 : index
        %get3A_1595 = tpu.vector_load %arg6[%get3A_1592, %get3A_1593, %get3A_1594] {strides = array<i32>} : memref<2x128x128xf32, #tpu.memory_space<vmem>>, vector<1x1x16xf32>,
        %get3A_1596 = vector.shape_cast %get3A_1595 : vector<1x1x16xf32> to vector<16xf32>
        %add3A_1597 = arith.addf %add3A_1586, %get3A_1596 : vector<16xf32>
        %mul3A_1598 = arith.constant 32 : i32
        %mul3A_1599 = arith.muli %scan3A_193, %mul3A_1598 : i32
        %add3A_1600 = arith.constant 31 : i32
        %add3A_1601 = arith.addi %mul3A_1599, %add3A_1600 : i32
        %get3A_1602 = arith.constant 0 : i32
        %get3A_1603 = arith.index_cast %get3A_1602 : i32 to index
        %get3A_1604 = arith.index_cast %add3A_1601 : i32 to index
        %get3A_1605 = arith.constant 48 : index
        %get3A_1606 = tpu.vector_load %arg6[%get3A_1603, %get3A_1604, %get3A_1605] {strides = array<i32>} : memref<2x128x128xf32, #tpu.memory_space<vmem>>, vector<1x1x16xf32>,
        %get3A_1607 = vector.shape_cast %get3A_1606 : vector<1x1x16xf32> to vector<16xf32>
        %add3A_1608 = arith.addf %add3A_1597, %get3A_1607 : vector<16xf32>
        %swap3A_1609 = arith.constant 0 : i32
        %swap3A_1610 = arith.index_cast %swap3A_1609 : i32 to index
        %swap3A_1611 = arith.index_cast %scan3A_193 : i32 to index
        %swap3A_1612 = arith.constant 48 : index
        %swap3A_1613 = tpu.vector_load %arg7[%swap3A_1610, %swap3A_1611, %swap3A_1612] {strides = array<i32>} : memref<2x4x128xf32, #tpu.memory_space<vmem>>, vector<1x1x16xf32>,
        %swap3A_1614 = vector.shape_cast %swap3A_1613 : vector<1x1x16xf32> to vector<16xf32>
        %swap3A_1615 = vector.shape_cast %add3A_1608 : vector<16xf32> to vector<1x1x16xf32>
        tpu.vector_store %arg7[%swap3A_1610, %swap3A_1611, %swap3A_1612], %swap3A_1615 {strides = array<i32>} : memref<2x4x128xf32, #tpu.memory_space<vmem>>, vector<1x1x16xf32>,
        %mul3A_1616 = arith.constant 32 : i32
        %mul3A_1617 = arith.muli %scan3A_193, %mul3A_1616 : i32
        %get3A_1618 = arith.constant 0 : i32
        %get3A_1619 = arith.index_cast %get3A_1618 : i32 to index
        %get3A_1620 = arith.index_cast %mul3A_1617 : i32 to index
        %get3A_1621 = arith.constant 64 : index
        %get3A_1622 = tpu.vector_load %arg6[%get3A_1619, %get3A_1620, %get3A_1621] {strides = array<i32>} : memref<2x128x128xf32, #tpu.memory_space<vmem>>, vector<1x1x16xf32>,
        %get3A_1623 = vector.shape_cast %get3A_1622 : vector<1x1x16xf32> to vector<16xf32>
        %mul3A_1624 = arith.constant 32 : i32
        %mul3A_1625 = arith.muli %scan3A_193, %mul3A_1624 : i32
        %add3A_1626 = arith.constant 1 : i32
        %add3A_1627 = arith.addi %mul3A_1625, %add3A_1626 : i32
        %get3A_1628 = arith.constant 0 : i32
        %get3A_1629 = arith.index_cast %get3A_1628 : i32 to index
        %get3A_1630 = arith.index_cast %add3A_1627 : i32 to index
        %get3A_1631 = arith.constant 64 : index
        %get3A_1632 = tpu.vector_load %arg6[%get3A_1629, %get3A_1630, %get3A_1631] {strides = array<i32>} : memref<2x128x128xf32, #tpu.memory_space<vmem>>, vector<1x1x16xf32>,
        %get3A_1633 = vector.shape_cast %get3A_1632 : vector<1x1x16xf32> to vector<16xf32>
        %add3A_1634 = arith.addf %get3A_1623, %get3A_1633 : vector<16xf32>
        %mul3A_1635 = arith.constant 32 : i32
        %mul3A_1636 = arith.muli %scan3A_193, %mul3A_1635 : i32
        %add3A_1637 = arith.constant 2 : i32
        %add3A_1638 = arith.addi %mul3A_1636, %add3A_1637 : i32
        %get3A_1639 = arith.constant 0 : i32
        %get3A_1640 = arith.index_cast %get3A_1639 : i32 to index
        %get3A_1641 = arith.index_cast %add3A_1638 : i32 to index
        %get3A_1642 = arith.constant 64 : index
        %get3A_1643 = tpu.vector_load %arg6[%get3A_1640, %get3A_1641, %get3A_1642] {strides = array<i32>} : memref<2x128x128xf32, #tpu.memory_space<vmem>>, vector<1x1x16xf32>,
        %get3A_1644 = vector.shape_cast %get3A_1643 : vector<1x1x16xf32> to vector<16xf32>
        %add3A_1645 = arith.addf %add3A_1634, %get3A_1644 : vector<16xf32>
        %mul3A_1646 = arith.constant 32 : i32
        %mul3A_1647 = arith.muli %scan3A_193, %mul3A_1646 : i32
        %add3A_1648 = arith.constant 3 : i32
        %add3A_1649 = arith.addi %mul3A_1647, %add3A_1648 : i32
        %get3A_1650 = arith.constant 0 : i32
        %get3A_1651 = arith.index_cast %get3A_1650 : i32 to index
        %get3A_1652 = arith.index_cast %add3A_1649 : i32 to index
        %get3A_1653 = arith.constant 64 : index
        %get3A_1654 = tpu.vector_load %arg6[%get3A_1651, %get3A_1652, %get3A_1653] {strides = array<i32>} : memref<2x128x128xf32, #tpu.memory_space<vmem>>, vector<1x1x16xf32>,
        %get3A_1655 = vector.shape_cast %get3A_1654 : vector<1x1x16xf32> to vector<16xf32>
        %add3A_1656 = arith.addf %add3A_1645, %get3A_1655 : vector<16xf32>
        %mul3A_1657 = arith.constant 32 : i32
        %mul3A_1658 = arith.muli %scan3A_193, %mul3A_1657 : i32
        %add3A_1659 = arith.constant 4 : i32
        %add3A_1660 = arith.addi %mul3A_1658, %add3A_1659 : i32
        %get3A_1661 = arith.constant 0 : i32
        %get3A_1662 = arith.index_cast %get3A_1661 : i32 to index
        %get3A_1663 = arith.index_cast %add3A_1660 : i32 to index
        %get3A_1664 = arith.constant 64 : index
        %get3A_1665 = tpu.vector_load %arg6[%get3A_1662, %get3A_1663, %get3A_1664] {strides = array<i32>} : memref<2x128x128xf32, #tpu.memory_space<vmem>>, vector<1x1x16xf32>,
        %get3A_1666 = vector.shape_cast %get3A_1665 : vector<1x1x16xf32> to vector<16xf32>
        %add3A_1667 = arith.addf %add3A_1656, %get3A_1666 : vector<16xf32>
        %mul3A_1668 = arith.constant 32 : i32
        %mul3A_1669 = arith.muli %scan3A_193, %mul3A_1668 : i32
        %add3A_1670 = arith.constant 5 : i32
        %add3A_1671 = arith.addi %mul3A_1669, %add3A_1670 : i32
        %get3A_1672 = arith.constant 0 : i32
        %get3A_1673 = arith.index_cast %get3A_1672 : i32 to index
        %get3A_1674 = arith.index_cast %add3A_1671 : i32 to index
        %get3A_1675 = arith.constant 64 : index
        %get3A_1676 = tpu.vector_load %arg6[%get3A_1673, %get3A_1674, %get3A_1675] {strides = array<i32>} : memref<2x128x128xf32, #tpu.memory_space<vmem>>, vector<1x1x16xf32>,
        %get3A_1677 = vector.shape_cast %get3A_1676 : vector<1x1x16xf32> to vector<16xf32>
        %add3A_1678 = arith.addf %add3A_1667, %get3A_1677 : vector<16xf32>
        %mul3A_1679 = arith.constant 32 : i32
        %mul3A_1680 = arith.muli %scan3A_193, %mul3A_1679 : i32
        %add3A_1681 = arith.constant 6 : i32
        %add3A_1682 = arith.addi %mul3A_1680, %add3A_1681 : i32
        %get3A_1683 = arith.constant 0 : i32
        %get3A_1684 = arith.index_cast %get3A_1683 : i32 to index
        %get3A_1685 = arith.index_cast %add3A_1682 : i32 to index
        %get3A_1686 = arith.constant 64 : index
        %get3A_1687 = tpu.vector_load %arg6[%get3A_1684, %get3A_1685, %get3A_1686] {strides = array<i32>} : memref<2x128x128xf32, #tpu.memory_space<vmem>>, vector<1x1x16xf32>,
        %get3A_1688 = vector.shape_cast %get3A_1687 : vector<1x1x16xf32> to vector<16xf32>
        %add3A_1689 = arith.addf %add3A_1678, %get3A_1688 : vector<16xf32>
        %mul3A_1690 = arith.constant 32 : i32
        %mul3A_1691 = arith.muli %scan3A_193, %mul3A_1690 : i32
        %add3A_1692 = arith.constant 7 : i32
        %add3A_1693 = arith.addi %mul3A_1691, %add3A_1692 : i32
        %get3A_1694 = arith.constant 0 : i32
        %get3A_1695 = arith.index_cast %get3A_1694 : i32 to index
        %get3A_1696 = arith.index_cast %add3A_1693 : i32 to index
        %get3A_1697 = arith.constant 64 : index
        %get3A_1698 = tpu.vector_load %arg6[%get3A_1695, %get3A_1696, %get3A_1697] {strides = array<i32>} : memref<2x128x128xf32, #tpu.memory_space<vmem>>, vector<1x1x16xf32>,
        %get3A_1699 = vector.shape_cast %get3A_1698 : vector<1x1x16xf32> to vector<16xf32>
        %add3A_1700 = arith.addf %add3A_1689, %get3A_1699 : vector<16xf32>
        %mul3A_1701 = arith.constant 32 : i32
        %mul3A_1702 = arith.muli %scan3A_193, %mul3A_1701 : i32
        %add3A_1703 = arith.constant 8 : i32
        %add3A_1704 = arith.addi %mul3A_1702, %add3A_1703 : i32
        %get3A_1705 = arith.constant 0 : i32
        %get3A_1706 = arith.index_cast %get3A_1705 : i32 to index
        %get3A_1707 = arith.index_cast %add3A_1704 : i32 to index
        %get3A_1708 = arith.constant 64 : index
        %get3A_1709 = tpu.vector_load %arg6[%get3A_1706, %get3A_1707, %get3A_1708] {strides = array<i32>} : memref<2x128x128xf32, #tpu.memory_space<vmem>>, vector<1x1x16xf32>,
        %get3A_1710 = vector.shape_cast %get3A_1709 : vector<1x1x16xf32> to vector<16xf32>
        %add3A_1711 = arith.addf %add3A_1700, %get3A_1710 : vector<16xf32>
        %mul3A_1712 = arith.constant 32 : i32
        %mul3A_1713 = arith.muli %scan3A_193, %mul3A_1712 : i32
        %add3A_1714 = arith.constant 9 : i32
        %add3A_1715 = arith.addi %mul3A_1713, %add3A_1714 : i32
        %get3A_1716 = arith.constant 0 : i32
        %get3A_1717 = arith.index_cast %get3A_1716 : i32 to index
        %get3A_1718 = arith.index_cast %add3A_1715 : i32 to index
        %get3A_1719 = arith.constant 64 : index
        %get3A_1720 = tpu.vector_load %arg6[%get3A_1717, %get3A_1718, %get3A_1719] {strides = array<i32>} : memref<2x128x128xf32, #tpu.memory_space<vmem>>, vector<1x1x16xf32>,
        %get3A_1721 = vector.shape_cast %get3A_1720 : vector<1x1x16xf32> to vector<16xf32>
        %add3A_1722 = arith.addf %add3A_1711, %get3A_1721 : vector<16xf32>
        %mul3A_1723 = arith.constant 32 : i32
        %mul3A_1724 = arith.muli %scan3A_193, %mul3A_1723 : i32
        %add3A_1725 = arith.constant 10 : i32
        %add3A_1726 = arith.addi %mul3A_1724, %add3A_1725 : i32
        %get3A_1727 = arith.constant 0 : i32
        %get3A_1728 = arith.index_cast %get3A_1727 : i32 to index
        %get3A_1729 = arith.index_cast %add3A_1726 : i32 to index
        %get3A_1730 = arith.constant 64 : index
        %get3A_1731 = tpu.vector_load %arg6[%get3A_1728, %get3A_1729, %get3A_1730] {strides = array<i32>} : memref<2x128x128xf32, #tpu.memory_space<vmem>>, vector<1x1x16xf32>,
        %get3A_1732 = vector.shape_cast %get3A_1731 : vector<1x1x16xf32> to vector<16xf32>
        %add3A_1733 = arith.addf %add3A_1722, %get3A_1732 : vector<16xf32>
        %mul3A_1734 = arith.constant 32 : i32
        %mul3A_1735 = arith.muli %scan3A_193, %mul3A_1734 : i32
        %add3A_1736 = arith.constant 11 : i32
        %add3A_1737 = arith.addi %mul3A_1735, %add3A_1736 : i32
        %get3A_1738 = arith.constant 0 : i32
        %get3A_1739 = arith.index_cast %get3A_1738 : i32 to index
        %get3A_1740 = arith.index_cast %add3A_1737 : i32 to index
        %get3A_1741 = arith.constant 64 : index
        %get3A_1742 = tpu.vector_load %arg6[%get3A_1739, %get3A_1740, %get3A_1741] {strides = array<i32>} : memref<2x128x128xf32, #tpu.memory_space<vmem>>, vector<1x1x16xf32>,
        %get3A_1743 = vector.shape_cast %get3A_1742 : vector<1x1x16xf32> to vector<16xf32>
        %add3A_1744 = arith.addf %add3A_1733, %get3A_1743 : vector<16xf32>
        %mul3A_1745 = arith.constant 32 : i32
        %mul3A_1746 = arith.muli %scan3A_193, %mul3A_1745 : i32
        %add3A_1747 = arith.constant 12 : i32
        %add3A_1748 = arith.addi %mul3A_1746, %add3A_1747 : i32
        %get3A_1749 = arith.constant 0 : i32
        %get3A_1750 = arith.index_cast %get3A_1749 : i32 to index
        %get3A_1751 = arith.index_cast %add3A_1748 : i32 to index
        %get3A_1752 = arith.constant 64 : index
        %get3A_1753 = tpu.vector_load %arg6[%get3A_1750, %get3A_1751, %get3A_1752] {strides = array<i32>} : memref<2x128x128xf32, #tpu.memory_space<vmem>>, vector<1x1x16xf32>,
        %get3A_1754 = vector.shape_cast %get3A_1753 : vector<1x1x16xf32> to vector<16xf32>
        %add3A_1755 = arith.addf %add3A_1744, %get3A_1754 : vector<16xf32>
        %mul3A_1756 = arith.constant 32 : i32
        %mul3A_1757 = arith.muli %scan3A_193, %mul3A_1756 : i32
        %add3A_1758 = arith.constant 13 : i32
        %add3A_1759 = arith.addi %mul3A_1757, %add3A_1758 : i32
        %get3A_1760 = arith.constant 0 : i32
        %get3A_1761 = arith.index_cast %get3A_1760 : i32 to index
        %get3A_1762 = arith.index_cast %add3A_1759 : i32 to index
        %get3A_1763 = arith.constant 64 : index
        %get3A_1764 = tpu.vector_load %arg6[%get3A_1761, %get3A_1762, %get3A_1763] {strides = array<i32>} : memref<2x128x128xf32, #tpu.memory_space<vmem>>, vector<1x1x16xf32>,
        %get3A_1765 = vector.shape_cast %get3A_1764 : vector<1x1x16xf32> to vector<16xf32>
        %add3A_1766 = arith.addf %add3A_1755, %get3A_1765 : vector<16xf32>
        %mul3A_1767 = arith.constant 32 : i32
        %mul3A_1768 = arith.muli %scan3A_193, %mul3A_1767 : i32
        %add3A_1769 = arith.constant 14 : i32
        %add3A_1770 = arith.addi %mul3A_1768, %add3A_1769 : i32
        %get3A_1771 = arith.constant 0 : i32
        %get3A_1772 = arith.index_cast %get3A_1771 : i32 to index
        %get3A_1773 = arith.index_cast %add3A_1770 : i32 to index
        %get3A_1774 = arith.constant 64 : index
        %get3A_1775 = tpu.vector_load %arg6[%get3A_1772, %get3A_1773, %get3A_1774] {strides = array<i32>} : memref<2x128x128xf32, #tpu.memory_space<vmem>>, vector<1x1x16xf32>,
        %get3A_1776 = vector.shape_cast %get3A_1775 : vector<1x1x16xf32> to vector<16xf32>
        %add3A_1777 = arith.addf %add3A_1766, %get3A_1776 : vector<16xf32>
        %mul3A_1778 = arith.constant 32 : i32
        %mul3A_1779 = arith.muli %scan3A_193, %mul3A_1778 : i32
        %add3A_1780 = arith.constant 15 : i32
        %add3A_1781 = arith.addi %mul3A_1779, %add3A_1780 : i32
        %get3A_1782 = arith.constant 0 : i32
        %get3A_1783 = arith.index_cast %get3A_1782 : i32 to index
        %get3A_1784 = arith.index_cast %add3A_1781 : i32 to index
        %get3A_1785 = arith.constant 64 : index
        %get3A_1786 = tpu.vector_load %arg6[%get3A_1783, %get3A_1784, %get3A_1785] {strides = array<i32>} : memref<2x128x128xf32, #tpu.memory_space<vmem>>, vector<1x1x16xf32>,
        %get3A_1787 = vector.shape_cast %get3A_1786 : vector<1x1x16xf32> to vector<16xf32>
        %add3A_1788 = arith.addf %add3A_1777, %get3A_1787 : vector<16xf32>
        %mul3A_1789 = arith.constant 32 : i32
        %mul3A_1790 = arith.muli %scan3A_193, %mul3A_1789 : i32
        %add3A_1791 = arith.constant 16 : i32
        %add3A_1792 = arith.addi %mul3A_1790, %add3A_1791 : i32
        %get3A_1793 = arith.constant 0 : i32
        %get3A_1794 = arith.index_cast %get3A_1793 : i32 to index
        %get3A_1795 = arith.index_cast %add3A_1792 : i32 to index
        %get3A_1796 = arith.constant 64 : index
        %get3A_1797 = tpu.vector_load %arg6[%get3A_1794, %get3A_1795, %get3A_1796] {strides = array<i32>} : memref<2x128x128xf32, #tpu.memory_space<vmem>>, vector<1x1x16xf32>,
        %get3A_1798 = vector.shape_cast %get3A_1797 : vector<1x1x16xf32> to vector<16xf32>
        %add3A_1799 = arith.addf %add3A_1788, %get3A_1798 : vector<16xf32>
        %mul3A_1800 = arith.constant 32 : i32
        %mul3A_1801 = arith.muli %scan3A_193, %mul3A_1800 : i32
        %add3A_1802 = arith.constant 17 : i32
        %add3A_1803 = arith.addi %mul3A_1801, %add3A_1802 : i32
        %get3A_1804 = arith.constant 0 : i32
        %get3A_1805 = arith.index_cast %get3A_1804 : i32 to index
        %get3A_1806 = arith.index_cast %add3A_1803 : i32 to index
        %get3A_1807 = arith.constant 64 : index
        %get3A_1808 = tpu.vector_load %arg6[%get3A_1805, %get3A_1806, %get3A_1807] {strides = array<i32>} : memref<2x128x128xf32, #tpu.memory_space<vmem>>, vector<1x1x16xf32>,
        %get3A_1809 = vector.shape_cast %get3A_1808 : vector<1x1x16xf32> to vector<16xf32>
        %add3A_1810 = arith.addf %add3A_1799, %get3A_1809 : vector<16xf32>
        %mul3A_1811 = arith.constant 32 : i32
        %mul3A_1812 = arith.muli %scan3A_193, %mul3A_1811 : i32
        %add3A_1813 = arith.constant 18 : i32
        %add3A_1814 = arith.addi %mul3A_1812, %add3A_1813 : i32
        %get3A_1815 = arith.constant 0 : i32
        %get3A_1816 = arith.index_cast %get3A_1815 : i32 to index
        %get3A_1817 = arith.index_cast %add3A_1814 : i32 to index
        %get3A_1818 = arith.constant 64 : index
        %get3A_1819 = tpu.vector_load %arg6[%get3A_1816, %get3A_1817, %get3A_1818] {strides = array<i32>} : memref<2x128x128xf32, #tpu.memory_space<vmem>>, vector<1x1x16xf32>,
        %get3A_1820 = vector.shape_cast %get3A_1819 : vector<1x1x16xf32> to vector<16xf32>
        %add3A_1821 = arith.addf %add3A_1810, %get3A_1820 : vector<16xf32>
        %mul3A_1822 = arith.constant 32 : i32
        %mul3A_1823 = arith.muli %scan3A_193, %mul3A_1822 : i32
        %add3A_1824 = arith.constant 19 : i32
        %add3A_1825 = arith.addi %mul3A_1823, %add3A_1824 : i32
        %get3A_1826 = arith.constant 0 : i32
        %get3A_1827 = arith.index_cast %get3A_1826 : i32 to index
        %get3A_1828 = arith.index_cast %add3A_1825 : i32 to index
        %get3A_1829 = arith.constant 64 : index
        %get3A_1830 = tpu.vector_load %arg6[%get3A_1827, %get3A_1828, %get3A_1829] {strides = array<i32>} : memref<2x128x128xf32, #tpu.memory_space<vmem>>, vector<1x1x16xf32>,
        %get3A_1831 = vector.shape_cast %get3A_1830 : vector<1x1x16xf32> to vector<16xf32>
        %add3A_1832 = arith.addf %add3A_1821, %get3A_1831 : vector<16xf32>
        %mul3A_1833 = arith.constant 32 : i32
        %mul3A_1834 = arith.muli %scan3A_193, %mul3A_1833 : i32
        %add3A_1835 = arith.constant 20 : i32
        %add3A_1836 = arith.addi %mul3A_1834, %add3A_1835 : i32
        %get3A_1837 = arith.constant 0 : i32
        %get3A_1838 = arith.index_cast %get3A_1837 : i32 to index
        %get3A_1839 = arith.index_cast %add3A_1836 : i32 to index
        %get3A_1840 = arith.constant 64 : index
        %get3A_1841 = tpu.vector_load %arg6[%get3A_1838, %get3A_1839, %get3A_1840] {strides = array<i32>} : memref<2x128x128xf32, #tpu.memory_space<vmem>>, vector<1x1x16xf32>,
        %get3A_1842 = vector.shape_cast %get3A_1841 : vector<1x1x16xf32> to vector<16xf32>
        %add3A_1843 = arith.addf %add3A_1832, %get3A_1842 : vector<16xf32>
        %mul3A_1844 = arith.constant 32 : i32
        %mul3A_1845 = arith.muli %scan3A_193, %mul3A_1844 : i32
        %add3A_1846 = arith.constant 21 : i32
        %add3A_1847 = arith.addi %mul3A_1845, %add3A_1846 : i32
        %get3A_1848 = arith.constant 0 : i32
        %get3A_1849 = arith.index_cast %get3A_1848 : i32 to index
        %get3A_1850 = arith.index_cast %add3A_1847 : i32 to index
        %get3A_1851 = arith.constant 64 : index
        %get3A_1852 = tpu.vector_load %arg6[%get3A_1849, %get3A_1850, %get3A_1851] {strides = array<i32>} : memref<2x128x128xf32, #tpu.memory_space<vmem>>, vector<1x1x16xf32>,
        %get3A_1853 = vector.shape_cast %get3A_1852 : vector<1x1x16xf32> to vector<16xf32>
        %add3A_1854 = arith.addf %add3A_1843, %get3A_1853 : vector<16xf32>
        %mul3A_1855 = arith.constant 32 : i32
        %mul3A_1856 = arith.muli %scan3A_193, %mul3A_1855 : i32
        %add3A_1857 = arith.constant 22 : i32
        %add3A_1858 = arith.addi %mul3A_1856, %add3A_1857 : i32
        %get3A_1859 = arith.constant 0 : i32
        %get3A_1860 = arith.index_cast %get3A_1859 : i32 to index
        %get3A_1861 = arith.index_cast %add3A_1858 : i32 to index
        %get3A_1862 = arith.constant 64 : index
        %get3A_1863 = tpu.vector_load %arg6[%get3A_1860, %get3A_1861, %get3A_1862] {strides = array<i32>} : memref<2x128x128xf32, #tpu.memory_space<vmem>>, vector<1x1x16xf32>,
        %get3A_1864 = vector.shape_cast %get3A_1863 : vector<1x1x16xf32> to vector<16xf32>
        %add3A_1865 = arith.addf %add3A_1854, %get3A_1864 : vector<16xf32>
        %mul3A_1866 = arith.constant 32 : i32
        %mul3A_1867 = arith.muli %scan3A_193, %mul3A_1866 : i32
        %add3A_1868 = arith.constant 23 : i32
        %add3A_1869 = arith.addi %mul3A_1867, %add3A_1868 : i32
        %get3A_1870 = arith.constant 0 : i32
        %get3A_1871 = arith.index_cast %get3A_1870 : i32 to index
        %get3A_1872 = arith.index_cast %add3A_1869 : i32 to index
        %get3A_1873 = arith.constant 64 : index
        %get3A_1874 = tpu.vector_load %arg6[%get3A_1871, %get3A_1872, %get3A_1873] {strides = array<i32>} : memref<2x128x128xf32, #tpu.memory_space<vmem>>, vector<1x1x16xf32>,
        %get3A_1875 = vector.shape_cast %get3A_1874 : vector<1x1x16xf32> to vector<16xf32>
        %add3A_1876 = arith.addf %add3A_1865, %get3A_1875 : vector<16xf32>
        %mul3A_1877 = arith.constant 32 : i32
        %mul3A_1878 = arith.muli %scan3A_193, %mul3A_1877 : i32
        %add3A_1879 = arith.constant 24 : i32
        %add3A_1880 = arith.addi %mul3A_1878, %add3A_1879 : i32
        %get3A_1881 = arith.constant 0 : i32
        %get3A_1882 = arith.index_cast %get3A_1881 : i32 to index
        %get3A_1883 = arith.index_cast %add3A_1880 : i32 to index
        %get3A_1884 = arith.constant 64 : index
        %get3A_1885 = tpu.vector_load %arg6[%get3A_1882, %get3A_1883, %get3A_1884] {strides = array<i32>} : memref<2x128x128xf32, #tpu.memory_space<vmem>>, vector<1x1x16xf32>,
        %get3A_1886 = vector.shape_cast %get3A_1885 : vector<1x1x16xf32> to vector<16xf32>
        %add3A_1887 = arith.addf %add3A_1876, %get3A_1886 : vector<16xf32>
        %mul3A_1888 = arith.constant 32 : i32
        %mul3A_1889 = arith.muli %scan3A_193, %mul3A_1888 : i32
        %add3A_1890 = arith.constant 25 : i32
        %add3A_1891 = arith.addi %mul3A_1889, %add3A_1890 : i32
        %get3A_1892 = arith.constant 0 : i32
        %get3A_1893 = arith.index_cast %get3A_1892 : i32 to index
        %get3A_1894 = arith.index_cast %add3A_1891 : i32 to index
        %get3A_1895 = arith.constant 64 : index
        %get3A_1896 = tpu.vector_load %arg6[%get3A_1893, %get3A_1894, %get3A_1895] {strides = array<i32>} : memref<2x128x128xf32, #tpu.memory_space<vmem>>, vector<1x1x16xf32>,
        %get3A_1897 = vector.shape_cast %get3A_1896 : vector<1x1x16xf32> to vector<16xf32>
        %add3A_1898 = arith.addf %add3A_1887, %get3A_1897 : vector<16xf32>
        %mul3A_1899 = arith.constant 32 : i32
        %mul3A_1900 = arith.muli %scan3A_193, %mul3A_1899 : i32
        %add3A_1901 = arith.constant 26 : i32
        %add3A_1902 = arith.addi %mul3A_1900, %add3A_1901 : i32
        %get3A_1903 = arith.constant 0 : i32
        %get3A_1904 = arith.index_cast %get3A_1903 : i32 to index
        %get3A_1905 = arith.index_cast %add3A_1902 : i32 to index
        %get3A_1906 = arith.constant 64 : index
        %get3A_1907 = tpu.vector_load %arg6[%get3A_1904, %get3A_1905, %get3A_1906] {strides = array<i32>} : memref<2x128x128xf32, #tpu.memory_space<vmem>>, vector<1x1x16xf32>,
        %get3A_1908 = vector.shape_cast %get3A_1907 : vector<1x1x16xf32> to vector<16xf32>
        %add3A_1909 = arith.addf %add3A_1898, %get3A_1908 : vector<16xf32>
        %mul3A_1910 = arith.constant 32 : i32
        %mul3A_1911 = arith.muli %scan3A_193, %mul3A_1910 : i32
        %add3A_1912 = arith.constant 27 : i32
        %add3A_1913 = arith.addi %mul3A_1911, %add3A_1912 : i32
        %get3A_1914 = arith.constant 0 : i32
        %get3A_1915 = arith.index_cast %get3A_1914 : i32 to index
        %get3A_1916 = arith.index_cast %add3A_1913 : i32 to index
        %get3A_1917 = arith.constant 64 : index
        %get3A_1918 = tpu.vector_load %arg6[%get3A_1915, %get3A_1916, %get3A_1917] {strides = array<i32>} : memref<2x128x128xf32, #tpu.memory_space<vmem>>, vector<1x1x16xf32>,
        %get3A_1919 = vector.shape_cast %get3A_1918 : vector<1x1x16xf32> to vector<16xf32>
        %add3A_1920 = arith.addf %add3A_1909, %get3A_1919 : vector<16xf32>
        %mul3A_1921 = arith.constant 32 : i32
        %mul3A_1922 = arith.muli %scan3A_193, %mul3A_1921 : i32
        %add3A_1923 = arith.constant 28 : i32
        %add3A_1924 = arith.addi %mul3A_1922, %add3A_1923 : i32
        %get3A_1925 = arith.constant 0 : i32
        %get3A_1926 = arith.index_cast %get3A_1925 : i32 to index
        %get3A_1927 = arith.index_cast %add3A_1924 : i32 to index
        %get3A_1928 = arith.constant 64 : index
        %get3A_1929 = tpu.vector_load %arg6[%get3A_1926, %get3A_1927, %get3A_1928] {strides = array<i32>} : memref<2x128x128xf32, #tpu.memory_space<vmem>>, vector<1x1x16xf32>,
        %get3A_1930 = vector.shape_cast %get3A_1929 : vector<1x1x16xf32> to vector<16xf32>
        %add3A_1931 = arith.addf %add3A_1920, %get3A_1930 : vector<16xf32>
        %mul3A_1932 = arith.constant 32 : i32
        %mul3A_1933 = arith.muli %scan3A_193, %mul3A_1932 : i32
        %add3A_1934 = arith.constant 29 : i32
        %add3A_1935 = arith.addi %mul3A_1933, %add3A_1934 : i32
        %get3A_1936 = arith.constant 0 : i32
        %get3A_1937 = arith.index_cast %get3A_1936 : i32 to index
        %get3A_1938 = arith.index_cast %add3A_1935 : i32 to index
        %get3A_1939 = arith.constant 64 : index
        %get3A_1940 = tpu.vector_load %arg6[%get3A_1937, %get3A_1938, %get3A_1939] {strides = array<i32>} : memref<2x128x128xf32, #tpu.memory_space<vmem>>, vector<1x1x16xf32>,
        %get3A_1941 = vector.shape_cast %get3A_1940 : vector<1x1x16xf32> to vector<16xf32>
        %add3A_1942 = arith.addf %add3A_1931, %get3A_1941 : vector<16xf32>
        %mul3A_1943 = arith.constant 32 : i32
        %mul3A_1944 = arith.muli %scan3A_193, %mul3A_1943 : i32
        %add3A_1945 = arith.constant 30 : i32
        %add3A_1946 = arith.addi %mul3A_1944, %add3A_1945 : i32
        %get3A_1947 = arith.constant 0 : i32
        %get3A_1948 = arith.index_cast %get3A_1947 : i32 to index
        %get3A_1949 = arith.index_cast %add3A_1946 : i32 to index
        %get3A_1950 = arith.constant 64 : index
        %get3A_1951 = tpu.vector_load %arg6[%get3A_1948, %get3A_1949, %get3A_1950] {strides = array<i32>} : memref<2x128x128xf32, #tpu.memory_space<vmem>>, vector<1x1x16xf32>,
        %get3A_1952 = vector.shape_cast %get3A_1951 : vector<1x1x16xf32> to vector<16xf32>
        %add3A_1953 = arith.addf %add3A_1942, %get3A_1952 : vector<16xf32>
        %mul3A_1954 = arith.constant 32 : i32
        %mul3A_1955 = arith.muli %scan3A_193, %mul3A_1954 : i32
        %add3A_1956 = arith.constant 31 : i32
        %add3A_1957 = arith.addi %mul3A_1955, %add3A_1956 : i32
        %get3A_1958 = arith.constant 0 : i32
        %get3A_1959 = arith.index_cast %get3A_1958 : i32 to index
        %get3A_1960 = arith.index_cast %add3A_1957 : i32 to index
        %get3A_1961 = arith.constant 64 : index
        %get3A_1962 = tpu.vector_load %arg6[%get3A_1959, %get3A_1960, %get3A_1961] {strides = array<i32>} : memref<2x128x128xf32, #tpu.memory_space<vmem>>, vector<1x1x16xf32>,
        %get3A_1963 = vector.shape_cast %get3A_1962 : vector<1x1x16xf32> to vector<16xf32>
        %add3A_1964 = arith.addf %add3A_1953, %get3A_1963 : vector<16xf32>
        %swap3A_1965 = arith.constant 0 : i32
        %swap3A_1966 = arith.index_cast %swap3A_1965 : i32 to index
        %swap3A_1967 = arith.index_cast %scan3A_193 : i32 to index
        %swap3A_1968 = arith.constant 64 : index
        %swap3A_1969 = tpu.vector_load %arg7[%swap3A_1966, %swap3A_1967, %swap3A_1968] {strides = array<i32>} : memref<2x4x128xf32, #tpu.memory_space<vmem>>, vector<1x1x16xf32>,
        %swap3A_1970 = vector.shape_cast %swap3A_1969 : vector<1x1x16xf32> to vector<16xf32>
        %swap3A_1971 = vector.shape_cast %add3A_1964 : vector<16xf32> to vector<1x1x16xf32>
        tpu.vector_store %arg7[%swap3A_1966, %swap3A_1967, %swap3A_1968], %swap3A_1971 {strides = array<i32>} : memref<2x4x128xf32, #tpu.memory_space<vmem>>, vector<1x1x16xf32>,
        %mul3A_1972 = arith.constant 32 : i32
        %mul3A_1973 = arith.muli %scan3A_193, %mul3A_1972 : i32
        %get3A_1974 = arith.constant 0 : i32
        %get3A_1975 = arith.index_cast %get3A_1974 : i32 to index
        %get3A_1976 = arith.index_cast %mul3A_1973 : i32 to index
        %get3A_1977 = arith.constant 80 : index
        %get3A_1978 = tpu.vector_load %arg6[%get3A_1975, %get3A_1976, %get3A_1977] {strides = array<i32>} : memref<2x128x128xf32, #tpu.memory_space<vmem>>, vector<1x1x16xf32>,
        %get3A_1979 = vector.shape_cast %get3A_1978 : vector<1x1x16xf32> to vector<16xf32>
        %mul3A_1980 = arith.constant 32 : i32
        %mul3A_1981 = arith.muli %scan3A_193, %mul3A_1980 : i32
        %add3A_1982 = arith.constant 1 : i32
        %add3A_1983 = arith.addi %mul3A_1981, %add3A_1982 : i32
        %get3A_1984 = arith.constant 0 : i32
        %get3A_1985 = arith.index_cast %get3A_1984 : i32 to index
        %get3A_1986 = arith.index_cast %add3A_1983 : i32 to index
        %get3A_1987 = arith.constant 80 : index
        %get3A_1988 = tpu.vector_load %arg6[%get3A_1985, %get3A_1986, %get3A_1987] {strides = array<i32>} : memref<2x128x128xf32, #tpu.memory_space<vmem>>, vector<1x1x16xf32>,
        %get3A_1989 = vector.shape_cast %get3A_1988 : vector<1x1x16xf32> to vector<16xf32>
        %add3A_1990 = arith.addf %get3A_1979, %get3A_1989 : vector<16xf32>
        %mul3A_1991 = arith.constant 32 : i32
        %mul3A_1992 = arith.muli %scan3A_193, %mul3A_1991 : i32
        %add3A_1993 = arith.constant 2 : i32
        %add3A_1994 = arith.addi %mul3A_1992, %add3A_1993 : i32
        %get3A_1995 = arith.constant 0 : i32
        %get3A_1996 = arith.index_cast %get3A_1995 : i32 to index
        %get3A_1997 = arith.index_cast %add3A_1994 : i32 to index
        %get3A_1998 = arith.constant 80 : index
        %get3A_1999 = tpu.vector_load %arg6[%get3A_1996, %get3A_1997, %get3A_1998] {strides = array<i32>} : memref<2x128x128xf32, #tpu.memory_space<vmem>>, vector<1x1x16xf32>,
        %get3A_2000 = vector.shape_cast %get3A_1999 : vector<1x1x16xf32> to vector<16xf32>
        %add3A_2001 = arith.addf %add3A_1990, %get3A_2000 : vector<16xf32>
        %mul3A_2002 = arith.constant 32 : i32
        %mul3A_2003 = arith.muli %scan3A_193, %mul3A_2002 : i32
        %add3A_2004 = arith.constant 3 : i32
        %add3A_2005 = arith.addi %mul3A_2003, %add3A_2004 : i32
        %get3A_2006 = arith.constant 0 : i32
        %get3A_2007 = arith.index_cast %get3A_2006 : i32 to index
        %get3A_2008 = arith.index_cast %add3A_2005 : i32 to index
        %get3A_2009 = arith.constant 80 : index
        %get3A_2010 = tpu.vector_load %arg6[%get3A_2007, %get3A_2008, %get3A_2009] {strides = array<i32>} : memref<2x128x128xf32, #tpu.memory_space<vmem>>, vector<1x1x16xf32>,
        %get3A_2011 = vector.shape_cast %get3A_2010 : vector<1x1x16xf32> to vector<16xf32>
        %add3A_2012 = arith.addf %add3A_2001, %get3A_2011 : vector<16xf32>
        %mul3A_2013 = arith.constant 32 : i32
        %mul3A_2014 = arith.muli %scan3A_193, %mul3A_2013 : i32
        %add3A_2015 = arith.constant 4 : i32
        %add3A_2016 = arith.addi %mul3A_2014, %add3A_2015 : i32
        %get3A_2017 = arith.constant 0 : i32
        %get3A_2018 = arith.index_cast %get3A_2017 : i32 to index
        %get3A_2019 = arith.index_cast %add3A_2016 : i32 to index
        %get3A_2020 = arith.constant 80 : index
        %get3A_2021 = tpu.vector_load %arg6[%get3A_2018, %get3A_2019, %get3A_2020] {strides = array<i32>} : memref<2x128x128xf32, #tpu.memory_space<vmem>>, vector<1x1x16xf32>,
        %get3A_2022 = vector.shape_cast %get3A_2021 : vector<1x1x16xf32> to vector<16xf32>
        %add3A_2023 = arith.addf %add3A_2012, %get3A_2022 : vector<16xf32>
        %mul3A_2024 = arith.constant 32 : i32
        %mul3A_2025 = arith.muli %scan3A_193, %mul3A_2024 : i32
        %add3A_2026 = arith.constant 5 : i32
        %add3A_2027 = arith.addi %mul3A_2025, %add3A_2026 : i32
        %get3A_2028 = arith.constant 0 : i32
        %get3A_2029 = arith.index_cast %get3A_2028 : i32 to index
        %get3A_2030 = arith.index_cast %add3A_2027 : i32 to index
        %get3A_2031 = arith.constant 80 : index
        %get3A_2032 = tpu.vector_load %arg6[%get3A_2029, %get3A_2030, %get3A_2031] {strides = array<i32>} : memref<2x128x128xf32, #tpu.memory_space<vmem>>, vector<1x1x16xf32>,
        %get3A_2033 = vector.shape_cast %get3A_2032 : vector<1x1x16xf32> to vector<16xf32>
        %add3A_2034 = arith.addf %add3A_2023, %get3A_2033 : vector<16xf32>
        %mul3A_2035 = arith.constant 32 : i32
        %mul3A_2036 = arith.muli %scan3A_193, %mul3A_2035 : i32
        %add3A_2037 = arith.constant 6 : i32
        %add3A_2038 = arith.addi %mul3A_2036, %add3A_2037 : i32
        %get3A_2039 = arith.constant 0 : i32
        %get3A_2040 = arith.index_cast %get3A_2039 : i32 to index
        %get3A_2041 = arith.index_cast %add3A_2038 : i32 to index
        %get3A_2042 = arith.constant 80 : index
        %get3A_2043 = tpu.vector_load %arg6[%get3A_2040, %get3A_2041, %get3A_2042] {strides = array<i32>} : memref<2x128x128xf32, #tpu.memory_space<vmem>>, vector<1x1x16xf32>,
        %get3A_2044 = vector.shape_cast %get3A_2043 : vector<1x1x16xf32> to vector<16xf32>
        %add3A_2045 = arith.addf %add3A_2034, %get3A_2044 : vector<16xf32>
        %mul3A_2046 = arith.constant 32 : i32
        %mul3A_2047 = arith.muli %scan3A_193, %mul3A_2046 : i32
        %add3A_2048 = arith.constant 7 : i32
        %add3A_2049 = arith.addi %mul3A_2047, %add3A_2048 : i32
        %get3A_2050 = arith.constant 0 : i32
        %get3A_2051 = arith.index_cast %get3A_2050 : i32 to index
        %get3A_2052 = arith.index_cast %add3A_2049 : i32 to index
        %get3A_2053 = arith.constant 80 : index
        %get3A_2054 = tpu.vector_load %arg6[%get3A_2051, %get3A_2052, %get3A_2053] {strides = array<i32>} : memref<2x128x128xf32, #tpu.memory_space<vmem>>, vector<1x1x16xf32>,
        %get3A_2055 = vector.shape_cast %get3A_2054 : vector<1x1x16xf32> to vector<16xf32>
        %add3A_2056 = arith.addf %add3A_2045, %get3A_2055 : vector<16xf32>
        %mul3A_2057 = arith.constant 32 : i32
        %mul3A_2058 = arith.muli %scan3A_193, %mul3A_2057 : i32
        %add3A_2059 = arith.constant 8 : i32
        %add3A_2060 = arith.addi %mul3A_2058, %add3A_2059 : i32
        %get3A_2061 = arith.constant 0 : i32
        %get3A_2062 = arith.index_cast %get3A_2061 : i32 to index
        %get3A_2063 = arith.index_cast %add3A_2060 : i32 to index
        %get3A_2064 = arith.constant 80 : index
        %get3A_2065 = tpu.vector_load %arg6[%get3A_2062, %get3A_2063, %get3A_2064] {strides = array<i32>} : memref<2x128x128xf32, #tpu.memory_space<vmem>>, vector<1x1x16xf32>,
        %get3A_2066 = vector.shape_cast %get3A_2065 : vector<1x1x16xf32> to vector<16xf32>
        %add3A_2067 = arith.addf %add3A_2056, %get3A_2066 : vector<16xf32>
        %mul3A_2068 = arith.constant 32 : i32
        %mul3A_2069 = arith.muli %scan3A_193, %mul3A_2068 : i32
        %add3A_2070 = arith.constant 9 : i32
        %add3A_2071 = arith.addi %mul3A_2069, %add3A_2070 : i32
        %get3A_2072 = arith.constant 0 : i32
        %get3A_2073 = arith.index_cast %get3A_2072 : i32 to index
        %get3A_2074 = arith.index_cast %add3A_2071 : i32 to index
        %get3A_2075 = arith.constant 80 : index
        %get3A_2076 = tpu.vector_load %arg6[%get3A_2073, %get3A_2074, %get3A_2075] {strides = array<i32>} : memref<2x128x128xf32, #tpu.memory_space<vmem>>, vector<1x1x16xf32>,
        %get3A_2077 = vector.shape_cast %get3A_2076 : vector<1x1x16xf32> to vector<16xf32>
        %add3A_2078 = arith.addf %add3A_2067, %get3A_2077 : vector<16xf32>
        %mul3A_2079 = arith.constant 32 : i32
        %mul3A_2080 = arith.muli %scan3A_193, %mul3A_2079 : i32
        %add3A_2081 = arith.constant 10 : i32
        %add3A_2082 = arith.addi %mul3A_2080, %add3A_2081 : i32
        %get3A_2083 = arith.constant 0 : i32
        %get3A_2084 = arith.index_cast %get3A_2083 : i32 to index
        %get3A_2085 = arith.index_cast %add3A_2082 : i32 to index
        %get3A_2086 = arith.constant 80 : index
        %get3A_2087 = tpu.vector_load %arg6[%get3A_2084, %get3A_2085, %get3A_2086] {strides = array<i32>} : memref<2x128x128xf32, #tpu.memory_space<vmem>>, vector<1x1x16xf32>,
        %get3A_2088 = vector.shape_cast %get3A_2087 : vector<1x1x16xf32> to vector<16xf32>
        %add3A_2089 = arith.addf %add3A_2078, %get3A_2088 : vector<16xf32>
        %mul3A_2090 = arith.constant 32 : i32
        %mul3A_2091 = arith.muli %scan3A_193, %mul3A_2090 : i32
        %add3A_2092 = arith.constant 11 : i32
        %add3A_2093 = arith.addi %mul3A_2091, %add3A_2092 : i32
        %get3A_2094 = arith.constant 0 : i32
        %get3A_2095 = arith.index_cast %get3A_2094 : i32 to index
        %get3A_2096 = arith.index_cast %add3A_2093 : i32 to index
        %get3A_2097 = arith.constant 80 : index
        %get3A_2098 = tpu.vector_load %arg6[%get3A_2095, %get3A_2096, %get3A_2097] {strides = array<i32>} : memref<2x128x128xf32, #tpu.memory_space<vmem>>, vector<1x1x16xf32>,
        %get3A_2099 = vector.shape_cast %get3A_2098 : vector<1x1x16xf32> to vector<16xf32>
        %add3A_2100 = arith.addf %add3A_2089, %get3A_2099 : vector<16xf32>
        %mul3A_2101 = arith.constant 32 : i32
        %mul3A_2102 = arith.muli %scan3A_193, %mul3A_2101 : i32
        %add3A_2103 = arith.constant 12 : i32
        %add3A_2104 = arith.addi %mul3A_2102, %add3A_2103 : i32
        %get3A_2105 = arith.constant 0 : i32
        %get3A_2106 = arith.index_cast %get3A_2105 : i32 to index
        %get3A_2107 = arith.index_cast %add3A_2104 : i32 to index
        %get3A_2108 = arith.constant 80 : index
        %get3A_2109 = tpu.vector_load %arg6[%get3A_2106, %get3A_2107, %get3A_2108] {strides = array<i32>} : memref<2x128x128xf32, #tpu.memory_space<vmem>>, vector<1x1x16xf32>,
        %get3A_2110 = vector.shape_cast %get3A_2109 : vector<1x1x16xf32> to vector<16xf32>
        %add3A_2111 = arith.addf %add3A_2100, %get3A_2110 : vector<16xf32>
        %mul3A_2112 = arith.constant 32 : i32
        %mul3A_2113 = arith.muli %scan3A_193, %mul3A_2112 : i32
        %add3A_2114 = arith.constant 13 : i32
        %add3A_2115 = arith.addi %mul3A_2113, %add3A_2114 : i32
        %get3A_2116 = arith.constant 0 : i32
        %get3A_2117 = arith.index_cast %get3A_2116 : i32 to index
        %get3A_2118 = arith.index_cast %add3A_2115 : i32 to index
        %get3A_2119 = arith.constant 80 : index
        %get3A_2120 = tpu.vector_load %arg6[%get3A_2117, %get3A_2118, %get3A_2119] {strides = array<i32>} : memref<2x128x128xf32, #tpu.memory_space<vmem>>, vector<1x1x16xf32>,
        %get3A_2121 = vector.shape_cast %get3A_2120 : vector<1x1x16xf32> to vector<16xf32>
        %add3A_2122 = arith.addf %add3A_2111, %get3A_2121 : vector<16xf32>
        %mul3A_2123 = arith.constant 32 : i32
        %mul3A_2124 = arith.muli %scan3A_193, %mul3A_2123 : i32
        %add3A_2125 = arith.constant 14 : i32
        %add3A_2126 = arith.addi %mul3A_2124, %add3A_2125 : i32
        %get3A_2127 = arith.constant 0 : i32
        %get3A_2128 = arith.index_cast %get3A_2127 : i32 to index
        %get3A_2129 = arith.index_cast %add3A_2126 : i32 to index
        %get3A_2130 = arith.constant 80 : index
        %get3A_2131 = tpu.vector_load %arg6[%get3A_2128, %get3A_2129, %get3A_2130] {strides = array<i32>} : memref<2x128x128xf32, #tpu.memory_space<vmem>>, vector<1x1x16xf32>,
        %get3A_2132 = vector.shape_cast %get3A_2131 : vector<1x1x16xf32> to vector<16xf32>
        %add3A_2133 = arith.addf %add3A_2122, %get3A_2132 : vector<16xf32>
        %mul3A_2134 = arith.constant 32 : i32
        %mul3A_2135 = arith.muli %scan3A_193, %mul3A_2134 : i32
        %add3A_2136 = arith.constant 15 : i32
        %add3A_2137 = arith.addi %mul3A_2135, %add3A_2136 : i32
        %get3A_2138 = arith.constant 0 : i32
        %get3A_2139 = arith.index_cast %get3A_2138 : i32 to index
        %get3A_2140 = arith.index_cast %add3A_2137 : i32 to index
        %get3A_2141 = arith.constant 80 : index
        %get3A_2142 = tpu.vector_load %arg6[%get3A_2139, %get3A_2140, %get3A_2141] {strides = array<i32>} : memref<2x128x128xf32, #tpu.memory_space<vmem>>, vector<1x1x16xf32>,
        %get3A_2143 = vector.shape_cast %get3A_2142 : vector<1x1x16xf32> to vector<16xf32>
        %add3A_2144 = arith.addf %add3A_2133, %get3A_2143 : vector<16xf32>
        %mul3A_2145 = arith.constant 32 : i32
        %mul3A_2146 = arith.muli %scan3A_193, %mul3A_2145 : i32
        %add3A_2147 = arith.constant 16 : i32
        %add3A_2148 = arith.addi %mul3A_2146, %add3A_2147 : i32
        %get3A_2149 = arith.constant 0 : i32
        %get3A_2150 = arith.index_cast %get3A_2149 : i32 to index
        %get3A_2151 = arith.index_cast %add3A_2148 : i32 to index
        %get3A_2152 = arith.constant 80 : index
        %get3A_2153 = tpu.vector_load %arg6[%get3A_2150, %get3A_2151, %get3A_2152] {strides = array<i32>} : memref<2x128x128xf32, #tpu.memory_space<vmem>>, vector<1x1x16xf32>,
        %get3A_2154 = vector.shape_cast %get3A_2153 : vector<1x1x16xf32> to vector<16xf32>
        %add3A_2155 = arith.addf %add3A_2144, %get3A_2154 : vector<16xf32>
        %mul3A_2156 = arith.constant 32 : i32
        %mul3A_2157 = arith.muli %scan3A_193, %mul3A_2156 : i32
        %add3A_2158 = arith.constant 17 : i32
        %add3A_2159 = arith.addi %mul3A_2157, %add3A_2158 : i32
        %get3A_2160 = arith.constant 0 : i32
        %get3A_2161 = arith.index_cast %get3A_2160 : i32 to index
        %get3A_2162 = arith.index_cast %add3A_2159 : i32 to index
        %get3A_2163 = arith.constant 80 : index
        %get3A_2164 = tpu.vector_load %arg6[%get3A_2161, %get3A_2162, %get3A_2163] {strides = array<i32>} : memref<2x128x128xf32, #tpu.memory_space<vmem>>, vector<1x1x16xf32>,
        %get3A_2165 = vector.shape_cast %get3A_2164 : vector<1x1x16xf32> to vector<16xf32>
        %add3A_2166 = arith.addf %add3A_2155, %get3A_2165 : vector<16xf32>
        %mul3A_2167 = arith.constant 32 : i32
        %mul3A_2168 = arith.muli %scan3A_193, %mul3A_2167 : i32
        %add3A_2169 = arith.constant 18 : i32
        %add3A_2170 = arith.addi %mul3A_2168, %add3A_2169 : i32
        %get3A_2171 = arith.constant 0 : i32
        %get3A_2172 = arith.index_cast %get3A_2171 : i32 to index
        %get3A_2173 = arith.index_cast %add3A_2170 : i32 to index
        %get3A_2174 = arith.constant 80 : index
        %get3A_2175 = tpu.vector_load %arg6[%get3A_2172, %get3A_2173, %get3A_2174] {strides = array<i32>} : memref<2x128x128xf32, #tpu.memory_space<vmem>>, vector<1x1x16xf32>,
        %get3A_2176 = vector.shape_cast %get3A_2175 : vector<1x1x16xf32> to vector<16xf32>
        %add3A_2177 = arith.addf %add3A_2166, %get3A_2176 : vector<16xf32>
        %mul3A_2178 = arith.constant 32 : i32
        %mul3A_2179 = arith.muli %scan3A_193, %mul3A_2178 : i32
        %add3A_2180 = arith.constant 19 : i32
        %add3A_2181 = arith.addi %mul3A_2179, %add3A_2180 : i32
        %get3A_2182 = arith.constant 0 : i32
        %get3A_2183 = arith.index_cast %get3A_2182 : i32 to index
        %get3A_2184 = arith.index_cast %add3A_2181 : i32 to index
        %get3A_2185 = arith.constant 80 : index
        %get3A_2186 = tpu.vector_load %arg6[%get3A_2183, %get3A_2184, %get3A_2185] {strides = array<i32>} : memref<2x128x128xf32, #tpu.memory_space<vmem>>, vector<1x1x16xf32>,
        %get3A_2187 = vector.shape_cast %get3A_2186 : vector<1x1x16xf32> to vector<16xf32>
        %add3A_2188 = arith.addf %add3A_2177, %get3A_2187 : vector<16xf32>
        %mul3A_2189 = arith.constant 32 : i32
        %mul3A_2190 = arith.muli %scan3A_193, %mul3A_2189 : i32
        %add3A_2191 = arith.constant 20 : i32
        %add3A_2192 = arith.addi %mul3A_2190, %add3A_2191 : i32
        %get3A_2193 = arith.constant 0 : i32
        %get3A_2194 = arith.index_cast %get3A_2193 : i32 to index
        %get3A_2195 = arith.index_cast %add3A_2192 : i32 to index
        %get3A_2196 = arith.constant 80 : index
        %get3A_2197 = tpu.vector_load %arg6[%get3A_2194, %get3A_2195, %get3A_2196] {strides = array<i32>} : memref<2x128x128xf32, #tpu.memory_space<vmem>>, vector<1x1x16xf32>,
        %get3A_2198 = vector.shape_cast %get3A_2197 : vector<1x1x16xf32> to vector<16xf32>
        %add3A_2199 = arith.addf %add3A_2188, %get3A_2198 : vector<16xf32>
        %mul3A_2200 = arith.constant 32 : i32
        %mul3A_2201 = arith.muli %scan3A_193, %mul3A_2200 : i32
        %add3A_2202 = arith.constant 21 : i32
        %add3A_2203 = arith.addi %mul3A_2201, %add3A_2202 : i32
        %get3A_2204 = arith.constant 0 : i32
        %get3A_2205 = arith.index_cast %get3A_2204 : i32 to index
        %get3A_2206 = arith.index_cast %add3A_2203 : i32 to index
        %get3A_2207 = arith.constant 80 : index
        %get3A_2208 = tpu.vector_load %arg6[%get3A_2205, %get3A_2206, %get3A_2207] {strides = array<i32>} : memref<2x128x128xf32, #tpu.memory_space<vmem>>, vector<1x1x16xf32>,
        %get3A_2209 = vector.shape_cast %get3A_2208 : vector<1x1x16xf32> to vector<16xf32>
        %add3A_2210 = arith.addf %add3A_2199, %get3A_2209 : vector<16xf32>
        %mul3A_2211 = arith.constant 32 : i32
        %mul3A_2212 = arith.muli %scan3A_193, %mul3A_2211 : i32
        %add3A_2213 = arith.constant 22 : i32
        %add3A_2214 = arith.addi %mul3A_2212, %add3A_2213 : i32
        %get3A_2215 = arith.constant 0 : i32
        %get3A_2216 = arith.index_cast %get3A_2215 : i32 to index
        %get3A_2217 = arith.index_cast %add3A_2214 : i32 to index
        %get3A_2218 = arith.constant 80 : index
        %get3A_2219 = tpu.vector_load %arg6[%get3A_2216, %get3A_2217, %get3A_2218] {strides = array<i32>} : memref<2x128x128xf32, #tpu.memory_space<vmem>>, vector<1x1x16xf32>,
        %get3A_2220 = vector.shape_cast %get3A_2219 : vector<1x1x16xf32> to vector<16xf32>
        %add3A_2221 = arith.addf %add3A_2210, %get3A_2220 : vector<16xf32>
        %mul3A_2222 = arith.constant 32 : i32
        %mul3A_2223 = arith.muli %scan3A_193, %mul3A_2222 : i32
        %add3A_2224 = arith.constant 23 : i32
        %add3A_2225 = arith.addi %mul3A_2223, %add3A_2224 : i32
        %get3A_2226 = arith.constant 0 : i32
        %get3A_2227 = arith.index_cast %get3A_2226 : i32 to index
        %get3A_2228 = arith.index_cast %add3A_2225 : i32 to index
        %get3A_2229 = arith.constant 80 : index
        %get3A_2230 = tpu.vector_load %arg6[%get3A_2227, %get3A_2228, %get3A_2229] {strides = array<i32>} : memref<2x128x128xf32, #tpu.memory_space<vmem>>, vector<1x1x16xf32>,
        %get3A_2231 = vector.shape_cast %get3A_2230 : vector<1x1x16xf32> to vector<16xf32>
        %add3A_2232 = arith.addf %add3A_2221, %get3A_2231 : vector<16xf32>
        %mul3A_2233 = arith.constant 32 : i32
        %mul3A_2234 = arith.muli %scan3A_193, %mul3A_2233 : i32
        %add3A_2235 = arith.constant 24 : i32
        %add3A_2236 = arith.addi %mul3A_2234, %add3A_2235 : i32
        %get3A_2237 = arith.constant 0 : i32
        %get3A_2238 = arith.index_cast %get3A_2237 : i32 to index
        %get3A_2239 = arith.index_cast %add3A_2236 : i32 to index
        %get3A_2240 = arith.constant 80 : index
        %get3A_2241 = tpu.vector_load %arg6[%get3A_2238, %get3A_2239, %get3A_2240] {strides = array<i32>} : memref<2x128x128xf32, #tpu.memory_space<vmem>>, vector<1x1x16xf32>,
        %get3A_2242 = vector.shape_cast %get3A_2241 : vector<1x1x16xf32> to vector<16xf32>
        %add3A_2243 = arith.addf %add3A_2232, %get3A_2242 : vector<16xf32>
        %mul3A_2244 = arith.constant 32 : i32
        %mul3A_2245 = arith.muli %scan3A_193, %mul3A_2244 : i32
        %add3A_2246 = arith.constant 25 : i32
        %add3A_2247 = arith.addi %mul3A_2245, %add3A_2246 : i32
        %get3A_2248 = arith.constant 0 : i32
        %get3A_2249 = arith.index_cast %get3A_2248 : i32 to index
        %get3A_2250 = arith.index_cast %add3A_2247 : i32 to index
        %get3A_2251 = arith.constant 80 : index
        %get3A_2252 = tpu.vector_load %arg6[%get3A_2249, %get3A_2250, %get3A_2251] {strides = array<i32>} : memref<2x128x128xf32, #tpu.memory_space<vmem>>, vector<1x1x16xf32>,
        %get3A_2253 = vector.shape_cast %get3A_2252 : vector<1x1x16xf32> to vector<16xf32>
        %add3A_2254 = arith.addf %add3A_2243, %get3A_2253 : vector<16xf32>
        %mul3A_2255 = arith.constant 32 : i32
        %mul3A_2256 = arith.muli %scan3A_193, %mul3A_2255 : i32
        %add3A_2257 = arith.constant 26 : i32
        %add3A_2258 = arith.addi %mul3A_2256, %add3A_2257 : i32
        %get3A_2259 = arith.constant 0 : i32
        %get3A_2260 = arith.index_cast %get3A_2259 : i32 to index
        %get3A_2261 = arith.index_cast %add3A_2258 : i32 to index
        %get3A_2262 = arith.constant 80 : index
        %get3A_2263 = tpu.vector_load %arg6[%get3A_2260, %get3A_2261, %get3A_2262] {strides = array<i32>} : memref<2x128x128xf32, #tpu.memory_space<vmem>>, vector<1x1x16xf32>,
        %get3A_2264 = vector.shape_cast %get3A_2263 : vector<1x1x16xf32> to vector<16xf32>
        %add3A_2265 = arith.addf %add3A_2254, %get3A_2264 : vector<16xf32>
        %mul3A_2266 = arith.constant 32 : i32
        %mul3A_2267 = arith.muli %scan3A_193, %mul3A_2266 : i32
        %add3A_2268 = arith.constant 27 : i32
        %add3A_2269 = arith.addi %mul3A_2267, %add3A_2268 : i32
        %get3A_2270 = arith.constant 0 : i32
        %get3A_2271 = arith.index_cast %get3A_2270 : i32 to index
        %get3A_2272 = arith.index_cast %add3A_2269 : i32 to index
        %get3A_2273 = arith.constant 80 : index
        %get3A_2274 = tpu.vector_load %arg6[%get3A_2271, %get3A_2272, %get3A_2273] {strides = array<i32>} : memref<2x128x128xf32, #tpu.memory_space<vmem>>, vector<1x1x16xf32>,
        %get3A_2275 = vector.shape_cast %get3A_2274 : vector<1x1x16xf32> to vector<16xf32>
        %add3A_2276 = arith.addf %add3A_2265, %get3A_2275 : vector<16xf32>
        %mul3A_2277 = arith.constant 32 : i32
        %mul3A_2278 = arith.muli %scan3A_193, %mul3A_2277 : i32
        %add3A_2279 = arith.constant 28 : i32
        %add3A_2280 = arith.addi %mul3A_2278, %add3A_2279 : i32
        %get3A_2281 = arith.constant 0 : i32
        %get3A_2282 = arith.index_cast %get3A_2281 : i32 to index
        %get3A_2283 = arith.index_cast %add3A_2280 : i32 to index
        %get3A_2284 = arith.constant 80 : index
        %get3A_2285 = tpu.vector_load %arg6[%get3A_2282, %get3A_2283, %get3A_2284] {strides = array<i32>} : memref<2x128x128xf32, #tpu.memory_space<vmem>>, vector<1x1x16xf32>,
        %get3A_2286 = vector.shape_cast %get3A_2285 : vector<1x1x16xf32> to vector<16xf32>
        %add3A_2287 = arith.addf %add3A_2276, %get3A_2286 : vector<16xf32>
        %mul3A_2288 = arith.constant 32 : i32
        %mul3A_2289 = arith.muli %scan3A_193, %mul3A_2288 : i32
        %add3A_2290 = arith.constant 29 : i32
        %add3A_2291 = arith.addi %mul3A_2289, %add3A_2290 : i32
        %get3A_2292 = arith.constant 0 : i32
        %get3A_2293 = arith.index_cast %get3A_2292 : i32 to index
        %get3A_2294 = arith.index_cast %add3A_2291 : i32 to index
        %get3A_2295 = arith.constant 80 : index
        %get3A_2296 = tpu.vector_load %arg6[%get3A_2293, %get3A_2294, %get3A_2295] {strides = array<i32>} : memref<2x128x128xf32, #tpu.memory_space<vmem>>, vector<1x1x16xf32>,
        %get3A_2297 = vector.shape_cast %get3A_2296 : vector<1x1x16xf32> to vector<16xf32>
        %add3A_2298 = arith.addf %add3A_2287, %get3A_2297 : vector<16xf32>
        %mul3A_2299 = arith.constant 32 : i32
        %mul3A_2300 = arith.muli %scan3A_193, %mul3A_2299 : i32
        %add3A_2301 = arith.constant 30 : i32
        %add3A_2302 = arith.addi %mul3A_2300, %add3A_2301 : i32
        %get3A_2303 = arith.constant 0 : i32
        %get3A_2304 = arith.index_cast %get3A_2303 : i32 to index
        %get3A_2305 = arith.index_cast %add3A_2302 : i32 to index
        %get3A_2306 = arith.constant 80 : index
        %get3A_2307 = tpu.vector_load %arg6[%get3A_2304, %get3A_2305, %get3A_2306] {strides = array<i32>} : memref<2x128x128xf32, #tpu.memory_space<vmem>>, vector<1x1x16xf32>,
        %get3A_2308 = vector.shape_cast %get3A_2307 : vector<1x1x16xf32> to vector<16xf32>
        %add3A_2309 = arith.addf %add3A_2298, %get3A_2308 : vector<16xf32>
        %mul3A_2310 = arith.constant 32 : i32
        %mul3A_2311 = arith.muli %scan3A_193, %mul3A_2310 : i32
        %add3A_2312 = arith.constant 31 : i32
        %add3A_2313 = arith.addi %mul3A_2311, %add3A_2312 : i32
        %get3A_2314 = arith.constant 0 : i32
        %get3A_2315 = arith.index_cast %get3A_2314 : i32 to index
        %get3A_2316 = arith.index_cast %add3A_2313 : i32 to index
        %get3A_2317 = arith.constant 80 : index
        %get3A_2318 = tpu.vector_load %arg6[%get3A_2315, %get3A_2316, %get3A_2317] {strides = array<i32>} : memref<2x128x128xf32, #tpu.memory_space<vmem>>, vector<1x1x16xf32>,
        %get3A_2319 = vector.shape_cast %get3A_2318 : vector<1x1x16xf32> to vector<16xf32>
        %add3A_2320 = arith.addf %add3A_2309, %get3A_2319 : vector<16xf32>
        %swap3A_2321 = arith.constant 0 : i32
        %swap3A_2322 = arith.index_cast %swap3A_2321 : i32 to index
        %swap3A_2323 = arith.index_cast %scan3A_193 : i32 to index
        %swap3A_2324 = arith.constant 80 : index
        %swap3A_2325 = tpu.vector_load %arg7[%swap3A_2322, %swap3A_2323, %swap3A_2324] {strides = array<i32>} : memref<2x4x128xf32, #tpu.memory_space<vmem>>, vector<1x1x16xf32>,
        %swap3A_2326 = vector.shape_cast %swap3A_2325 : vector<1x1x16xf32> to vector<16xf32>
        %swap3A_2327 = vector.shape_cast %add3A_2320 : vector<16xf32> to vector<1x1x16xf32>
        tpu.vector_store %arg7[%swap3A_2322, %swap3A_2323, %swap3A_2324], %swap3A_2327 {strides = array<i32>} : memref<2x4x128xf32, #tpu.memory_space<vmem>>, vector<1x1x16xf32>,
        %mul3A_2328 = arith.constant 32 : i32
        %mul3A_2329 = arith.muli %scan3A_193, %mul3A_2328 : i32
        %get3A_2330 = arith.constant 0 : i32
        %get3A_2331 = arith.index_cast %get3A_2330 : i32 to index
        %get3A_2332 = arith.index_cast %mul3A_2329 : i32 to index
        %get3A_2333 = arith.constant 96 : index
        %get3A_2334 = tpu.vector_load %arg6[%get3A_2331, %get3A_2332, %get3A_2333] {strides = array<i32>} : memref<2x128x128xf32, #tpu.memory_space<vmem>>, vector<1x1x16xf32>,
        %get3A_2335 = vector.shape_cast %get3A_2334 : vector<1x1x16xf32> to vector<16xf32>
        %mul3A_2336 = arith.constant 32 : i32
        %mul3A_2337 = arith.muli %scan3A_193, %mul3A_2336 : i32
        %add3A_2338 = arith.constant 1 : i32
        %add3A_2339 = arith.addi %mul3A_2337, %add3A_2338 : i32
        %get3A_2340 = arith.constant 0 : i32
        %get3A_2341 = arith.index_cast %get3A_2340 : i32 to index
        %get3A_2342 = arith.index_cast %add3A_2339 : i32 to index
        %get3A_2343 = arith.constant 96 : index
        %get3A_2344 = tpu.vector_load %arg6[%get3A_2341, %get3A_2342, %get3A_2343] {strides = array<i32>} : memref<2x128x128xf32, #tpu.memory_space<vmem>>, vector<1x1x16xf32>,
        %get3A_2345 = vector.shape_cast %get3A_2344 : vector<1x1x16xf32> to vector<16xf32>
        %add3A_2346 = arith.addf %get3A_2335, %get3A_2345 : vector<16xf32>
        %mul3A_2347 = arith.constant 32 : i32
        %mul3A_2348 = arith.muli %scan3A_193, %mul3A_2347 : i32
        %add3A_2349 = arith.constant 2 : i32
        %add3A_2350 = arith.addi %mul3A_2348, %add3A_2349 : i32
        %get3A_2351 = arith.constant 0 : i32
        %get3A_2352 = arith.index_cast %get3A_2351 : i32 to index
        %get3A_2353 = arith.index_cast %add3A_2350 : i32 to index
        %get3A_2354 = arith.constant 96 : index
        %get3A_2355 = tpu.vector_load %arg6[%get3A_2352, %get3A_2353, %get3A_2354] {strides = array<i32>} : memref<2x128x128xf32, #tpu.memory_space<vmem>>, vector<1x1x16xf32>,
        %get3A_2356 = vector.shape_cast %get3A_2355 : vector<1x1x16xf32> to vector<16xf32>
        %add3A_2357 = arith.addf %add3A_2346, %get3A_2356 : vector<16xf32>
        %mul3A_2358 = arith.constant 32 : i32
        %mul3A_2359 = arith.muli %scan3A_193, %mul3A_2358 : i32
        %add3A_2360 = arith.constant 3 : i32
        %add3A_2361 = arith.addi %mul3A_2359, %add3A_2360 : i32
        %get3A_2362 = arith.constant 0 : i32
        %get3A_2363 = arith.index_cast %get3A_2362 : i32 to index
        %get3A_2364 = arith.index_cast %add3A_2361 : i32 to index
        %get3A_2365 = arith.constant 96 : index
        %get3A_2366 = tpu.vector_load %arg6[%get3A_2363, %get3A_2364, %get3A_2365] {strides = array<i32>} : memref<2x128x128xf32, #tpu.memory_space<vmem>>, vector<1x1x16xf32>,
        %get3A_2367 = vector.shape_cast %get3A_2366 : vector<1x1x16xf32> to vector<16xf32>
        %add3A_2368 = arith.addf %add3A_2357, %get3A_2367 : vector<16xf32>
        %mul3A_2369 = arith.constant 32 : i32
        %mul3A_2370 = arith.muli %scan3A_193, %mul3A_2369 : i32
        %add3A_2371 = arith.constant 4 : i32
        %add3A_2372 = arith.addi %mul3A_2370, %add3A_2371 : i32
        %get3A_2373 = arith.constant 0 : i32
        %get3A_2374 = arith.index_cast %get3A_2373 : i32 to index
        %get3A_2375 = arith.index_cast %add3A_2372 : i32 to index
        %get3A_2376 = arith.constant 96 : index
        %get3A_2377 = tpu.vector_load %arg6[%get3A_2374, %get3A_2375, %get3A_2376] {strides = array<i32>} : memref<2x128x128xf32, #tpu.memory_space<vmem>>, vector<1x1x16xf32>,
        %get3A_2378 = vector.shape_cast %get3A_2377 : vector<1x1x16xf32> to vector<16xf32>
        %add3A_2379 = arith.addf %add3A_2368, %get3A_2378 : vector<16xf32>
        %mul3A_2380 = arith.constant 32 : i32
        %mul3A_2381 = arith.muli %scan3A_193, %mul3A_2380 : i32
        %add3A_2382 = arith.constant 5 : i32
        %add3A_2383 = arith.addi %mul3A_2381, %add3A_2382 : i32
        %get3A_2384 = arith.constant 0 : i32
        %get3A_2385 = arith.index_cast %get3A_2384 : i32 to index
        %get3A_2386 = arith.index_cast %add3A_2383 : i32 to index
        %get3A_2387 = arith.constant 96 : index
        %get3A_2388 = tpu.vector_load %arg6[%get3A_2385, %get3A_2386, %get3A_2387] {strides = array<i32>} : memref<2x128x128xf32, #tpu.memory_space<vmem>>, vector<1x1x16xf32>,
        %get3A_2389 = vector.shape_cast %get3A_2388 : vector<1x1x16xf32> to vector<16xf32>
        %add3A_2390 = arith.addf %add3A_2379, %get3A_2389 : vector<16xf32>
        %mul3A_2391 = arith.constant 32 : i32
        %mul3A_2392 = arith.muli %scan3A_193, %mul3A_2391 : i32
        %add3A_2393 = arith.constant 6 : i32
        %add3A_2394 = arith.addi %mul3A_2392, %add3A_2393 : i32
        %get3A_2395 = arith.constant 0 : i32
        %get3A_2396 = arith.index_cast %get3A_2395 : i32 to index
        %get3A_2397 = arith.index_cast %add3A_2394 : i32 to index
        %get3A_2398 = arith.constant 96 : index
        %get3A_2399 = tpu.vector_load %arg6[%get3A_2396, %get3A_2397, %get3A_2398] {strides = array<i32>} : memref<2x128x128xf32, #tpu.memory_space<vmem>>, vector<1x1x16xf32>,
        %get3A_2400 = vector.shape_cast %get3A_2399 : vector<1x1x16xf32> to vector<16xf32>
        %add3A_2401 = arith.addf %add3A_2390, %get3A_2400 : vector<16xf32>
        %mul3A_2402 = arith.constant 32 : i32
        %mul3A_2403 = arith.muli %scan3A_193, %mul3A_2402 : i32
        %add3A_2404 = arith.constant 7 : i32
        %add3A_2405 = arith.addi %mul3A_2403, %add3A_2404 : i32
        %get3A_2406 = arith.constant 0 : i32
        %get3A_2407 = arith.index_cast %get3A_2406 : i32 to index
        %get3A_2408 = arith.index_cast %add3A_2405 : i32 to index
        %get3A_2409 = arith.constant 96 : index
        %get3A_2410 = tpu.vector_load %arg6[%get3A_2407, %get3A_2408, %get3A_2409] {strides = array<i32>} : memref<2x128x128xf32, #tpu.memory_space<vmem>>, vector<1x1x16xf32>,
        %get3A_2411 = vector.shape_cast %get3A_2410 : vector<1x1x16xf32> to vector<16xf32>
        %add3A_2412 = arith.addf %add3A_2401, %get3A_2411 : vector<16xf32>
        %mul3A_2413 = arith.constant 32 : i32
        %mul3A_2414 = arith.muli %scan3A_193, %mul3A_2413 : i32
        %add3A_2415 = arith.constant 8 : i32
        %add3A_2416 = arith.addi %mul3A_2414, %add3A_2415 : i32
        %get3A_2417 = arith.constant 0 : i32
        %get3A_2418 = arith.index_cast %get3A_2417 : i32 to index
        %get3A_2419 = arith.index_cast %add3A_2416 : i32 to index
        %get3A_2420 = arith.constant 96 : index
        %get3A_2421 = tpu.vector_load %arg6[%get3A_2418, %get3A_2419, %get3A_2420] {strides = array<i32>} : memref<2x128x128xf32, #tpu.memory_space<vmem>>, vector<1x1x16xf32>,
        %get3A_2422 = vector.shape_cast %get3A_2421 : vector<1x1x16xf32> to vector<16xf32>
        %add3A_2423 = arith.addf %add3A_2412, %get3A_2422 : vector<16xf32>
        %mul3A_2424 = arith.constant 32 : i32
        %mul3A_2425 = arith.muli %scan3A_193, %mul3A_2424 : i32
        %add3A_2426 = arith.constant 9 : i32
        %add3A_2427 = arith.addi %mul3A_2425, %add3A_2426 : i32
        %get3A_2428 = arith.constant 0 : i32
        %get3A_2429 = arith.index_cast %get3A_2428 : i32 to index
        %get3A_2430 = arith.index_cast %add3A_2427 : i32 to index
        %get3A_2431 = arith.constant 96 : index
        %get3A_2432 = tpu.vector_load %arg6[%get3A_2429, %get3A_2430, %get3A_2431] {strides = array<i32>} : memref<2x128x128xf32, #tpu.memory_space<vmem>>, vector<1x1x16xf32>,
        %get3A_2433 = vector.shape_cast %get3A_2432 : vector<1x1x16xf32> to vector<16xf32>
        %add3A_2434 = arith.addf %add3A_2423, %get3A_2433 : vector<16xf32>
        %mul3A_2435 = arith.constant 32 : i32
        %mul3A_2436 = arith.muli %scan3A_193, %mul3A_2435 : i32
        %add3A_2437 = arith.constant 10 : i32
        %add3A_2438 = arith.addi %mul3A_2436, %add3A_2437 : i32
        %get3A_2439 = arith.constant 0 : i32
        %get3A_2440 = arith.index_cast %get3A_2439 : i32 to index
        %get3A_2441 = arith.index_cast %add3A_2438 : i32 to index
        %get3A_2442 = arith.constant 96 : index
        %get3A_2443 = tpu.vector_load %arg6[%get3A_2440, %get3A_2441, %get3A_2442] {strides = array<i32>} : memref<2x128x128xf32, #tpu.memory_space<vmem>>, vector<1x1x16xf32>,
        %get3A_2444 = vector.shape_cast %get3A_2443 : vector<1x1x16xf32> to vector<16xf32>
        %add3A_2445 = arith.addf %add3A_2434, %get3A_2444 : vector<16xf32>
        %mul3A_2446 = arith.constant 32 : i32
        %mul3A_2447 = arith.muli %scan3A_193, %mul3A_2446 : i32
        %add3A_2448 = arith.constant 11 : i32
        %add3A_2449 = arith.addi %mul3A_2447, %add3A_2448 : i32
        %get3A_2450 = arith.constant 0 : i32
        %get3A_2451 = arith.index_cast %get3A_2450 : i32 to index
        %get3A_2452 = arith.index_cast %add3A_2449 : i32 to index
        %get3A_2453 = arith.constant 96 : index
        %get3A_2454 = tpu.vector_load %arg6[%get3A_2451, %get3A_2452, %get3A_2453] {strides = array<i32>} : memref<2x128x128xf32, #tpu.memory_space<vmem>>, vector<1x1x16xf32>,
        %get3A_2455 = vector.shape_cast %get3A_2454 : vector<1x1x16xf32> to vector<16xf32>
        %add3A_2456 = arith.addf %add3A_2445, %get3A_2455 : vector<16xf32>
        %mul3A_2457 = arith.constant 32 : i32
        %mul3A_2458 = arith.muli %scan3A_193, %mul3A_2457 : i32
        %add3A_2459 = arith.constant 12 : i32
        %add3A_2460 = arith.addi %mul3A_2458, %add3A_2459 : i32
        %get3A_2461 = arith.constant 0 : i32
        %get3A_2462 = arith.index_cast %get3A_2461 : i32 to index
        %get3A_2463 = arith.index_cast %add3A_2460 : i32 to index
        %get3A_2464 = arith.constant 96 : index
        %get3A_2465 = tpu.vector_load %arg6[%get3A_2462, %get3A_2463, %get3A_2464] {strides = array<i32>} : memref<2x128x128xf32, #tpu.memory_space<vmem>>, vector<1x1x16xf32>,
        %get3A_2466 = vector.shape_cast %get3A_2465 : vector<1x1x16xf32> to vector<16xf32>
        %add3A_2467 = arith.addf %add3A_2456, %get3A_2466 : vector<16xf32>
        %mul3A_2468 = arith.constant 32 : i32
        %mul3A_2469 = arith.muli %scan3A_193, %mul3A_2468 : i32
        %add3A_2470 = arith.constant 13 : i32
        %add3A_2471 = arith.addi %mul3A_2469, %add3A_2470 : i32
        %get3A_2472 = arith.constant 0 : i32
        %get3A_2473 = arith.index_cast %get3A_2472 : i32 to index
        %get3A_2474 = arith.index_cast %add3A_2471 : i32 to index
        %get3A_2475 = arith.constant 96 : index
        %get3A_2476 = tpu.vector_load %arg6[%get3A_2473, %get3A_2474, %get3A_2475] {strides = array<i32>} : memref<2x128x128xf32, #tpu.memory_space<vmem>>, vector<1x1x16xf32>,
        %get3A_2477 = vector.shape_cast %get3A_2476 : vector<1x1x16xf32> to vector<16xf32>
        %add3A_2478 = arith.addf %add3A_2467, %get3A_2477 : vector<16xf32>
        %mul3A_2479 = arith.constant 32 : i32
        %mul3A_2480 = arith.muli %scan3A_193, %mul3A_2479 : i32
        %add3A_2481 = arith.constant 14 : i32
        %add3A_2482 = arith.addi %mul3A_2480, %add3A_2481 : i32
        %get3A_2483 = arith.constant 0 : i32
        %get3A_2484 = arith.index_cast %get3A_2483 : i32 to index
        %get3A_2485 = arith.index_cast %add3A_2482 : i32 to index
        %get3A_2486 = arith.constant 96 : index
        %get3A_2487 = tpu.vector_load %arg6[%get3A_2484, %get3A_2485, %get3A_2486] {strides = array<i32>} : memref<2x128x128xf32, #tpu.memory_space<vmem>>, vector<1x1x16xf32>,
        %get3A_2488 = vector.shape_cast %get3A_2487 : vector<1x1x16xf32> to vector<16xf32>
        %add3A_2489 = arith.addf %add3A_2478, %get3A_2488 : vector<16xf32>
        %mul3A_2490 = arith.constant 32 : i32
        %mul3A_2491 = arith.muli %scan3A_193, %mul3A_2490 : i32
        %add3A_2492 = arith.constant 15 : i32
        %add3A_2493 = arith.addi %mul3A_2491, %add3A_2492 : i32
        %get3A_2494 = arith.constant 0 : i32
        %get3A_2495 = arith.index_cast %get3A_2494 : i32 to index
        %get3A_2496 = arith.index_cast %add3A_2493 : i32 to index
        %get3A_2497 = arith.constant 96 : index
        %get3A_2498 = tpu.vector_load %arg6[%get3A_2495, %get3A_2496, %get3A_2497] {strides = array<i32>} : memref<2x128x128xf32, #tpu.memory_space<vmem>>, vector<1x1x16xf32>,
        %get3A_2499 = vector.shape_cast %get3A_2498 : vector<1x1x16xf32> to vector<16xf32>
        %add3A_2500 = arith.addf %add3A_2489, %get3A_2499 : vector<16xf32>
        %mul3A_2501 = arith.constant 32 : i32
        %mul3A_2502 = arith.muli %scan3A_193, %mul3A_2501 : i32
        %add3A_2503 = arith.constant 16 : i32
        %add3A_2504 = arith.addi %mul3A_2502, %add3A_2503 : i32
        %get3A_2505 = arith.constant 0 : i32
        %get3A_2506 = arith.index_cast %get3A_2505 : i32 to index
        %get3A_2507 = arith.index_cast %add3A_2504 : i32 to index
        %get3A_2508 = arith.constant 96 : index
        %get3A_2509 = tpu.vector_load %arg6[%get3A_2506, %get3A_2507, %get3A_2508] {strides = array<i32>} : memref<2x128x128xf32, #tpu.memory_space<vmem>>, vector<1x1x16xf32>,
        %get3A_2510 = vector.shape_cast %get3A_2509 : vector<1x1x16xf32> to vector<16xf32>
        %add3A_2511 = arith.addf %add3A_2500, %get3A_2510 : vector<16xf32>
        %mul3A_2512 = arith.constant 32 : i32
        %mul3A_2513 = arith.muli %scan3A_193, %mul3A_2512 : i32
        %add3A_2514 = arith.constant 17 : i32
        %add3A_2515 = arith.addi %mul3A_2513, %add3A_2514 : i32
        %get3A_2516 = arith.constant 0 : i32
        %get3A_2517 = arith.index_cast %get3A_2516 : i32 to index
        %get3A_2518 = arith.index_cast %add3A_2515 : i32 to index
        %get3A_2519 = arith.constant 96 : index
        %get3A_2520 = tpu.vector_load %arg6[%get3A_2517, %get3A_2518, %get3A_2519] {strides = array<i32>} : memref<2x128x128xf32, #tpu.memory_space<vmem>>, vector<1x1x16xf32>,
        %get3A_2521 = vector.shape_cast %get3A_2520 : vector<1x1x16xf32> to vector<16xf32>
        %add3A_2522 = arith.addf %add3A_2511, %get3A_2521 : vector<16xf32>
        %mul3A_2523 = arith.constant 32 : i32
        %mul3A_2524 = arith.muli %scan3A_193, %mul3A_2523 : i32
        %add3A_2525 = arith.constant 18 : i32
        %add3A_2526 = arith.addi %mul3A_2524, %add3A_2525 : i32
        %get3A_2527 = arith.constant 0 : i32
        %get3A_2528 = arith.index_cast %get3A_2527 : i32 to index
        %get3A_2529 = arith.index_cast %add3A_2526 : i32 to index
        %get3A_2530 = arith.constant 96 : index
        %get3A_2531 = tpu.vector_load %arg6[%get3A_2528, %get3A_2529, %get3A_2530] {strides = array<i32>} : memref<2x128x128xf32, #tpu.memory_space<vmem>>, vector<1x1x16xf32>,
        %get3A_2532 = vector.shape_cast %get3A_2531 : vector<1x1x16xf32> to vector<16xf32>
        %add3A_2533 = arith.addf %add3A_2522, %get3A_2532 : vector<16xf32>
        %mul3A_2534 = arith.constant 32 : i32
        %mul3A_2535 = arith.muli %scan3A_193, %mul3A_2534 : i32
        %add3A_2536 = arith.constant 19 : i32
        %add3A_2537 = arith.addi %mul3A_2535, %add3A_2536 : i32
        %get3A_2538 = arith.constant 0 : i32
        %get3A_2539 = arith.index_cast %get3A_2538 : i32 to index
        %get3A_2540 = arith.index_cast %add3A_2537 : i32 to index
        %get3A_2541 = arith.constant 96 : index
        %get3A_2542 = tpu.vector_load %arg6[%get3A_2539, %get3A_2540, %get3A_2541] {strides = array<i32>} : memref<2x128x128xf32, #tpu.memory_space<vmem>>, vector<1x1x16xf32>,
        %get3A_2543 = vector.shape_cast %get3A_2542 : vector<1x1x16xf32> to vector<16xf32>
        %add3A_2544 = arith.addf %add3A_2533, %get3A_2543 : vector<16xf32>
        %mul3A_2545 = arith.constant 32 : i32
        %mul3A_2546 = arith.muli %scan3A_193, %mul3A_2545 : i32
        %add3A_2547 = arith.constant 20 : i32
        %add3A_2548 = arith.addi %mul3A_2546, %add3A_2547 : i32
        %get3A_2549 = arith.constant 0 : i32
        %get3A_2550 = arith.index_cast %get3A_2549 : i32 to index
        %get3A_2551 = arith.index_cast %add3A_2548 : i32 to index
        %get3A_2552 = arith.constant 96 : index
        %get3A_2553 = tpu.vector_load %arg6[%get3A_2550, %get3A_2551, %get3A_2552] {strides = array<i32>} : memref<2x128x128xf32, #tpu.memory_space<vmem>>, vector<1x1x16xf32>,
        %get3A_2554 = vector.shape_cast %get3A_2553 : vector<1x1x16xf32> to vector<16xf32>
        %add3A_2555 = arith.addf %add3A_2544, %get3A_2554 : vector<16xf32>
        %mul3A_2556 = arith.constant 32 : i32
        %mul3A_2557 = arith.muli %scan3A_193, %mul3A_2556 : i32
        %add3A_2558 = arith.constant 21 : i32
        %add3A_2559 = arith.addi %mul3A_2557, %add3A_2558 : i32
        %get3A_2560 = arith.constant 0 : i32
        %get3A_2561 = arith.index_cast %get3A_2560 : i32 to index
        %get3A_2562 = arith.index_cast %add3A_2559 : i32 to index
        %get3A_2563 = arith.constant 96 : index
        %get3A_2564 = tpu.vector_load %arg6[%get3A_2561, %get3A_2562, %get3A_2563] {strides = array<i32>} : memref<2x128x128xf32, #tpu.memory_space<vmem>>, vector<1x1x16xf32>,
        %get3A_2565 = vector.shape_cast %get3A_2564 : vector<1x1x16xf32> to vector<16xf32>
        %add3A_2566 = arith.addf %add3A_2555, %get3A_2565 : vector<16xf32>
        %mul3A_2567 = arith.constant 32 : i32
        %mul3A_2568 = arith.muli %scan3A_193, %mul3A_2567 : i32
        %add3A_2569 = arith.constant 22 : i32
        %add3A_2570 = arith.addi %mul3A_2568, %add3A_2569 : i32
        %get3A_2571 = arith.constant 0 : i32
        %get3A_2572 = arith.index_cast %get3A_2571 : i32 to index
        %get3A_2573 = arith.index_cast %add3A_2570 : i32 to index
        %get3A_2574 = arith.constant 96 : index
        %get3A_2575 = tpu.vector_load %arg6[%get3A_2572, %get3A_2573, %get3A_2574] {strides = array<i32>} : memref<2x128x128xf32, #tpu.memory_space<vmem>>, vector<1x1x16xf32>,
        %get3A_2576 = vector.shape_cast %get3A_2575 : vector<1x1x16xf32> to vector<16xf32>
        %add3A_2577 = arith.addf %add3A_2566, %get3A_2576 : vector<16xf32>
        %mul3A_2578 = arith.constant 32 : i32
        %mul3A_2579 = arith.muli %scan3A_193, %mul3A_2578 : i32
        %add3A_2580 = arith.constant 23 : i32
        %add3A_2581 = arith.addi %mul3A_2579, %add3A_2580 : i32
        %get3A_2582 = arith.constant 0 : i32
        %get3A_2583 = arith.index_cast %get3A_2582 : i32 to index
        %get3A_2584 = arith.index_cast %add3A_2581 : i32 to index
        %get3A_2585 = arith.constant 96 : index
        %get3A_2586 = tpu.vector_load %arg6[%get3A_2583, %get3A_2584, %get3A_2585] {strides = array<i32>} : memref<2x128x128xf32, #tpu.memory_space<vmem>>, vector<1x1x16xf32>,
        %get3A_2587 = vector.shape_cast %get3A_2586 : vector<1x1x16xf32> to vector<16xf32>
        %add3A_2588 = arith.addf %add3A_2577, %get3A_2587 : vector<16xf32>
        %mul3A_2589 = arith.constant 32 : i32
        %mul3A_2590 = arith.muli %scan3A_193, %mul3A_2589 : i32
        %add3A_2591 = arith.constant 24 : i32
        %add3A_2592 = arith.addi %mul3A_2590, %add3A_2591 : i32
        %get3A_2593 = arith.constant 0 : i32
        %get3A_2594 = arith.index_cast %get3A_2593 : i32 to index
        %get3A_2595 = arith.index_cast %add3A_2592 : i32 to index
        %get3A_2596 = arith.constant 96 : index
        %get3A_2597 = tpu.vector_load %arg6[%get3A_2594, %get3A_2595, %get3A_2596] {strides = array<i32>} : memref<2x128x128xf32, #tpu.memory_space<vmem>>, vector<1x1x16xf32>,
        %get3A_2598 = vector.shape_cast %get3A_2597 : vector<1x1x16xf32> to vector<16xf32>
        %add3A_2599 = arith.addf %add3A_2588, %get3A_2598 : vector<16xf32>
        %mul3A_2600 = arith.constant 32 : i32
        %mul3A_2601 = arith.muli %scan3A_193, %mul3A_2600 : i32
        %add3A_2602 = arith.constant 25 : i32
        %add3A_2603 = arith.addi %mul3A_2601, %add3A_2602 : i32
        %get3A_2604 = arith.constant 0 : i32
        %get3A_2605 = arith.index_cast %get3A_2604 : i32 to index
        %get3A_2606 = arith.index_cast %add3A_2603 : i32 to index
        %get3A_2607 = arith.constant 96 : index
        %get3A_2608 = tpu.vector_load %arg6[%get3A_2605, %get3A_2606, %get3A_2607] {strides = array<i32>} : memref<2x128x128xf32, #tpu.memory_space<vmem>>, vector<1x1x16xf32>,
        %get3A_2609 = vector.shape_cast %get3A_2608 : vector<1x1x16xf32> to vector<16xf32>
        %add3A_2610 = arith.addf %add3A_2599, %get3A_2609 : vector<16xf32>
        %mul3A_2611 = arith.constant 32 : i32
        %mul3A_2612 = arith.muli %scan3A_193, %mul3A_2611 : i32
        %add3A_2613 = arith.constant 26 : i32
        %add3A_2614 = arith.addi %mul3A_2612, %add3A_2613 : i32
        %get3A_2615 = arith.constant 0 : i32
        %get3A_2616 = arith.index_cast %get3A_2615 : i32 to index
        %get3A_2617 = arith.index_cast %add3A_2614 : i32 to index
        %get3A_2618 = arith.constant 96 : index
        %get3A_2619 = tpu.vector_load %arg6[%get3A_2616, %get3A_2617, %get3A_2618] {strides = array<i32>} : memref<2x128x128xf32, #tpu.memory_space<vmem>>, vector<1x1x16xf32>,
        %get3A_2620 = vector.shape_cast %get3A_2619 : vector<1x1x16xf32> to vector<16xf32>
        %add3A_2621 = arith.addf %add3A_2610, %get3A_2620 : vector<16xf32>
        %mul3A_2622 = arith.constant 32 : i32
        %mul3A_2623 = arith.muli %scan3A_193, %mul3A_2622 : i32
        %add3A_2624 = arith.constant 27 : i32
        %add3A_2625 = arith.addi %mul3A_2623, %add3A_2624 : i32
        %get3A_2626 = arith.constant 0 : i32
        %get3A_2627 = arith.index_cast %get3A_2626 : i32 to index
        %get3A_2628 = arith.index_cast %add3A_2625 : i32 to index
        %get3A_2629 = arith.constant 96 : index
        %get3A_2630 = tpu.vector_load %arg6[%get3A_2627, %get3A_2628, %get3A_2629] {strides = array<i32>} : memref<2x128x128xf32, #tpu.memory_space<vmem>>, vector<1x1x16xf32>,
        %get3A_2631 = vector.shape_cast %get3A_2630 : vector<1x1x16xf32> to vector<16xf32>
        %add3A_2632 = arith.addf %add3A_2621, %get3A_2631 : vector<16xf32>
        %mul3A_2633 = arith.constant 32 : i32
        %mul3A_2634 = arith.muli %scan3A_193, %mul3A_2633 : i32
        %add3A_2635 = arith.constant 28 : i32
        %add3A_2636 = arith.addi %mul3A_2634, %add3A_2635 : i32
        %get3A_2637 = arith.constant 0 : i32
        %get3A_2638 = arith.index_cast %get3A_2637 : i32 to index
        %get3A_2639 = arith.index_cast %add3A_2636 : i32 to index
        %get3A_2640 = arith.constant 96 : index
        %get3A_2641 = tpu.vector_load %arg6[%get3A_2638, %get3A_2639, %get3A_2640] {strides = array<i32>} : memref<2x128x128xf32, #tpu.memory_space<vmem>>, vector<1x1x16xf32>,
        %get3A_2642 = vector.shape_cast %get3A_2641 : vector<1x1x16xf32> to vector<16xf32>
        %add3A_2643 = arith.addf %add3A_2632, %get3A_2642 : vector<16xf32>
        %mul3A_2644 = arith.constant 32 : i32
        %mul3A_2645 = arith.muli %scan3A_193, %mul3A_2644 : i32
        %add3A_2646 = arith.constant 29 : i32
        %add3A_2647 = arith.addi %mul3A_2645, %add3A_2646 : i32
        %get3A_2648 = arith.constant 0 : i32
        %get3A_2649 = arith.index_cast %get3A_2648 : i32 to index
        %get3A_2650 = arith.index_cast %add3A_2647 : i32 to index
        %get3A_2651 = arith.constant 96 : index
        %get3A_2652 = tpu.vector_load %arg6[%get3A_2649, %get3A_2650, %get3A_2651] {strides = array<i32>} : memref<2x128x128xf32, #tpu.memory_space<vmem>>, vector<1x1x16xf32>,
        %get3A_2653 = vector.shape_cast %get3A_2652 : vector<1x1x16xf32> to vector<16xf32>
        %add3A_2654 = arith.addf %add3A_2643, %get3A_2653 : vector<16xf32>
        %mul3A_2655 = arith.constant 32 : i32
        %mul3A_2656 = arith.muli %scan3A_193, %mul3A_2655 : i32
        %add3A_2657 = arith.constant 30 : i32
        %add3A_2658 = arith.addi %mul3A_2656, %add3A_2657 : i32
        %get3A_2659 = arith.constant 0 : i32
        %get3A_2660 = arith.index_cast %get3A_2659 : i32 to index
        %get3A_2661 = arith.index_cast %add3A_2658 : i32 to index
        %get3A_2662 = arith.constant 96 : index
        %get3A_2663 = tpu.vector_load %arg6[%get3A_2660, %get3A_2661, %get3A_2662] {strides = array<i32>} : memref<2x128x128xf32, #tpu.memory_space<vmem>>, vector<1x1x16xf32>,
        %get3A_2664 = vector.shape_cast %get3A_2663 : vector<1x1x16xf32> to vector<16xf32>
        %add3A_2665 = arith.addf %add3A_2654, %get3A_2664 : vector<16xf32>
        %mul3A_2666 = arith.constant 32 : i32
        %mul3A_2667 = arith.muli %scan3A_193, %mul3A_2666 : i32
        %add3A_2668 = arith.constant 31 : i32
        %add3A_2669 = arith.addi %mul3A_2667, %add3A_2668 : i32
        %get3A_2670 = arith.constant 0 : i32
        %get3A_2671 = arith.index_cast %get3A_2670 : i32 to index
        %get3A_2672 = arith.index_cast %add3A_2669 : i32 to index
        %get3A_2673 = arith.constant 96 : index
        %get3A_2674 = tpu.vector_load %arg6[%get3A_2671, %get3A_2672, %get3A_2673] {strides = array<i32>} : memref<2x128x128xf32, #tpu.memory_space<vmem>>, vector<1x1x16xf32>,
        %get3A_2675 = vector.shape_cast %get3A_2674 : vector<1x1x16xf32> to vector<16xf32>
        %add3A_2676 = arith.addf %add3A_2665, %get3A_2675 : vector<16xf32>
        %swap3A_2677 = arith.constant 0 : i32
        %swap3A_2678 = arith.index_cast %swap3A_2677 : i32 to index
        %swap3A_2679 = arith.index_cast %scan3A_193 : i32 to index
        %swap3A_2680 = arith.constant 96 : index
        %swap3A_2681 = tpu.vector_load %arg7[%swap3A_2678, %swap3A_2679, %swap3A_2680] {strides = array<i32>} : memref<2x4x128xf32, #tpu.memory_space<vmem>>, vector<1x1x16xf32>,
        %swap3A_2682 = vector.shape_cast %swap3A_2681 : vector<1x1x16xf32> to vector<16xf32>
        %swap3A_2683 = vector.shape_cast %add3A_2676 : vector<16xf32> to vector<1x1x16xf32>
        tpu.vector_store %arg7[%swap3A_2678, %swap3A_2679, %swap3A_2680], %swap3A_2683 {strides = array<i32>} : memref<2x4x128xf32, #tpu.memory_space<vmem>>, vector<1x1x16xf32>,
        %mul3A_2684 = arith.constant 32 : i32
        %mul3A_2685 = arith.muli %scan3A_193, %mul3A_2684 : i32
        %get3A_2686 = arith.constant 0 : i32
        %get3A_2687 = arith.index_cast %get3A_2686 : i32 to index
        %get3A_2688 = arith.index_cast %mul3A_2685 : i32 to index
        %get3A_2689 = arith.constant 112 : index
        %get3A_2690 = tpu.vector_load %arg6[%get3A_2687, %get3A_2688, %get3A_2689] {strides = array<i32>} : memref<2x128x128xf32, #tpu.memory_space<vmem>>, vector<1x1x16xf32>,
        %get3A_2691 = vector.shape_cast %get3A_2690 : vector<1x1x16xf32> to vector<16xf32>
        %mul3A_2692 = arith.constant 32 : i32
        %mul3A_2693 = arith.muli %scan3A_193, %mul3A_2692 : i32
        %add3A_2694 = arith.constant 1 : i32
        %add3A_2695 = arith.addi %mul3A_2693, %add3A_2694 : i32
        %get3A_2696 = arith.constant 0 : i32
        %get3A_2697 = arith.index_cast %get3A_2696 : i32 to index
        %get3A_2698 = arith.index_cast %add3A_2695 : i32 to index
        %get3A_2699 = arith.constant 112 : index
        %get3A_2700 = tpu.vector_load %arg6[%get3A_2697, %get3A_2698, %get3A_2699] {strides = array<i32>} : memref<2x128x128xf32, #tpu.memory_space<vmem>>, vector<1x1x16xf32>,
        %get3A_2701 = vector.shape_cast %get3A_2700 : vector<1x1x16xf32> to vector<16xf32>
        %add3A_2702 = arith.addf %get3A_2691, %get3A_2701 : vector<16xf32>
        %mul3A_2703 = arith.constant 32 : i32
        %mul3A_2704 = arith.muli %scan3A_193, %mul3A_2703 : i32
        %add3A_2705 = arith.constant 2 : i32
        %add3A_2706 = arith.addi %mul3A_2704, %add3A_2705 : i32
        %get3A_2707 = arith.constant 0 : i32
        %get3A_2708 = arith.index_cast %get3A_2707 : i32 to index
        %get3A_2709 = arith.index_cast %add3A_2706 : i32 to index
        %get3A_2710 = arith.constant 112 : index
        %get3A_2711 = tpu.vector_load %arg6[%get3A_2708, %get3A_2709, %get3A_2710] {strides = array<i32>} : memref<2x128x128xf32, #tpu.memory_space<vmem>>, vector<1x1x16xf32>,
        %get3A_2712 = vector.shape_cast %get3A_2711 : vector<1x1x16xf32> to vector<16xf32>
        %add3A_2713 = arith.addf %add3A_2702, %get3A_2712 : vector<16xf32>
        %mul3A_2714 = arith.constant 32 : i32
        %mul3A_2715 = arith.muli %scan3A_193, %mul3A_2714 : i32
        %add3A_2716 = arith.constant 3 : i32
        %add3A_2717 = arith.addi %mul3A_2715, %add3A_2716 : i32
        %get3A_2718 = arith.constant 0 : i32
        %get3A_2719 = arith.index_cast %get3A_2718 : i32 to index
        %get3A_2720 = arith.index_cast %add3A_2717 : i32 to index
        %get3A_2721 = arith.constant 112 : index
        %get3A_2722 = tpu.vector_load %arg6[%get3A_2719, %get3A_2720, %get3A_2721] {strides = array<i32>} : memref<2x128x128xf32, #tpu.memory_space<vmem>>, vector<1x1x16xf32>,
        %get3A_2723 = vector.shape_cast %get3A_2722 : vector<1x1x16xf32> to vector<16xf32>
        %add3A_2724 = arith.addf %add3A_2713, %get3A_2723 : vector<16xf32>
        %mul3A_2725 = arith.constant 32 : i32
        %mul3A_2726 = arith.muli %scan3A_193, %mul3A_2725 : i32
        %add3A_2727 = arith.constant 4 : i32
        %add3A_2728 = arith.addi %mul3A_2726, %add3A_2727 : i32
        %get3A_2729 = arith.constant 0 : i32
        %get3A_2730 = arith.index_cast %get3A_2729 : i32 to index
        %get3A_2731 = arith.index_cast %add3A_2728 : i32 to index
        %get3A_2732 = arith.constant 112 : index
        %get3A_2733 = tpu.vector_load %arg6[%get3A_2730, %get3A_2731, %get3A_2732] {strides = array<i32>} : memref<2x128x128xf32, #tpu.memory_space<vmem>>, vector<1x1x16xf32>,
        %get3A_2734 = vector.shape_cast %get3A_2733 : vector<1x1x16xf32> to vector<16xf32>
        %add3A_2735 = arith.addf %add3A_2724, %get3A_2734 : vector<16xf32>
        %mul3A_2736 = arith.constant 32 : i32
        %mul3A_2737 = arith.muli %scan3A_193, %mul3A_2736 : i32
        %add3A_2738 = arith.constant 5 : i32
        %add3A_2739 = arith.addi %mul3A_2737, %add3A_2738 : i32
        %get3A_2740 = arith.constant 0 : i32
        %get3A_2741 = arith.index_cast %get3A_2740 : i32 to index
        %get3A_2742 = arith.index_cast %add3A_2739 : i32 to index
        %get3A_2743 = arith.constant 112 : index
        %get3A_2744 = tpu.vector_load %arg6[%get3A_2741, %get3A_2742, %get3A_2743] {strides = array<i32>} : memref<2x128x128xf32, #tpu.memory_space<vmem>>, vector<1x1x16xf32>,
        %get3A_2745 = vector.shape_cast %get3A_2744 : vector<1x1x16xf32> to vector<16xf32>
        %add3A_2746 = arith.addf %add3A_2735, %get3A_2745 : vector<16xf32>
        %mul3A_2747 = arith.constant 32 : i32
        %mul3A_2748 = arith.muli %scan3A_193, %mul3A_2747 : i32
        %add3A_2749 = arith.constant 6 : i32
        %add3A_2750 = arith.addi %mul3A_2748, %add3A_2749 : i32
        %get3A_2751 = arith.constant 0 : i32
        %get3A_2752 = arith.index_cast %get3A_2751 : i32 to index
        %get3A_2753 = arith.index_cast %add3A_2750 : i32 to index
        %get3A_2754 = arith.constant 112 : index
        %get3A_2755 = tpu.vector_load %arg6[%get3A_2752, %get3A_2753, %get3A_2754] {strides = array<i32>} : memref<2x128x128xf32, #tpu.memory_space<vmem>>, vector<1x1x16xf32>,
        %get3A_2756 = vector.shape_cast %get3A_2755 : vector<1x1x16xf32> to vector<16xf32>
        %add3A_2757 = arith.addf %add3A_2746, %get3A_2756 : vector<16xf32>
        %mul3A_2758 = arith.constant 32 : i32
        %mul3A_2759 = arith.muli %scan3A_193, %mul3A_2758 : i32
        %add3A_2760 = arith.constant 7 : i32
        %add3A_2761 = arith.addi %mul3A_2759, %add3A_2760 : i32
        %get3A_2762 = arith.constant 0 : i32
        %get3A_2763 = arith.index_cast %get3A_2762 : i32 to index
        %get3A_2764 = arith.index_cast %add3A_2761 : i32 to index
        %get3A_2765 = arith.constant 112 : index
        %get3A_2766 = tpu.vector_load %arg6[%get3A_2763, %get3A_2764, %get3A_2765] {strides = array<i32>} : memref<2x128x128xf32, #tpu.memory_space<vmem>>, vector<1x1x16xf32>,
        %get3A_2767 = vector.shape_cast %get3A_2766 : vector<1x1x16xf32> to vector<16xf32>
        %add3A_2768 = arith.addf %add3A_2757, %get3A_2767 : vector<16xf32>
        %mul3A_2769 = arith.constant 32 : i32
        %mul3A_2770 = arith.muli %scan3A_193, %mul3A_2769 : i32
        %add3A_2771 = arith.constant 8 : i32
        %add3A_2772 = arith.addi %mul3A_2770, %add3A_2771 : i32
        %get3A_2773 = arith.constant 0 : i32
        %get3A_2774 = arith.index_cast %get3A_2773 : i32 to index
        %get3A_2775 = arith.index_cast %add3A_2772 : i32 to index
        %get3A_2776 = arith.constant 112 : index
        %get3A_2777 = tpu.vector_load %arg6[%get3A_2774, %get3A_2775, %get3A_2776] {strides = array<i32>} : memref<2x128x128xf32, #tpu.memory_space<vmem>>, vector<1x1x16xf32>,
        %get3A_2778 = vector.shape_cast %get3A_2777 : vector<1x1x16xf32> to vector<16xf32>
        %add3A_2779 = arith.addf %add3A_2768, %get3A_2778 : vector<16xf32>
        %mul3A_2780 = arith.constant 32 : i32
        %mul3A_2781 = arith.muli %scan3A_193, %mul3A_2780 : i32
        %add3A_2782 = arith.constant 9 : i32
        %add3A_2783 = arith.addi %mul3A_2781, %add3A_2782 : i32
        %get3A_2784 = arith.constant 0 : i32
        %get3A_2785 = arith.index_cast %get3A_2784 : i32 to index
        %get3A_2786 = arith.index_cast %add3A_2783 : i32 to index
        %get3A_2787 = arith.constant 112 : index
        %get3A_2788 = tpu.vector_load %arg6[%get3A_2785, %get3A_2786, %get3A_2787] {strides = array<i32>} : memref<2x128x128xf32, #tpu.memory_space<vmem>>, vector<1x1x16xf32>,
        %get3A_2789 = vector.shape_cast %get3A_2788 : vector<1x1x16xf32> to vector<16xf32>
        %add3A_2790 = arith.addf %add3A_2779, %get3A_2789 : vector<16xf32>
        %mul3A_2791 = arith.constant 32 : i32
        %mul3A_2792 = arith.muli %scan3A_193, %mul3A_2791 : i32
        %add3A_2793 = arith.constant 10 : i32
        %add3A_2794 = arith.addi %mul3A_2792, %add3A_2793 : i32
        %get3A_2795 = arith.constant 0 : i32
        %get3A_2796 = arith.index_cast %get3A_2795 : i32 to index
        %get3A_2797 = arith.index_cast %add3A_2794 : i32 to index
        %get3A_2798 = arith.constant 112 : index
        %get3A_2799 = tpu.vector_load %arg6[%get3A_2796, %get3A_2797, %get3A_2798] {strides = array<i32>} : memref<2x128x128xf32, #tpu.memory_space<vmem>>, vector<1x1x16xf32>,
        %get3A_2800 = vector.shape_cast %get3A_2799 : vector<1x1x16xf32> to vector<16xf32>
        %add3A_2801 = arith.addf %add3A_2790, %get3A_2800 : vector<16xf32>
        %mul3A_2802 = arith.constant 32 : i32
        %mul3A_2803 = arith.muli %scan3A_193, %mul3A_2802 : i32
        %add3A_2804 = arith.constant 11 : i32
        %add3A_2805 = arith.addi %mul3A_2803, %add3A_2804 : i32
        %get3A_2806 = arith.constant 0 : i32
        %get3A_2807 = arith.index_cast %get3A_2806 : i32 to index
        %get3A_2808 = arith.index_cast %add3A_2805 : i32 to index
        %get3A_2809 = arith.constant 112 : index
        %get3A_2810 = tpu.vector_load %arg6[%get3A_2807, %get3A_2808, %get3A_2809] {strides = array<i32>} : memref<2x128x128xf32, #tpu.memory_space<vmem>>, vector<1x1x16xf32>,
        %get3A_2811 = vector.shape_cast %get3A_2810 : vector<1x1x16xf32> to vector<16xf32>
        %add3A_2812 = arith.addf %add3A_2801, %get3A_2811 : vector<16xf32>
        %mul3A_2813 = arith.constant 32 : i32
        %mul3A_2814 = arith.muli %scan3A_193, %mul3A_2813 : i32
        %add3A_2815 = arith.constant 12 : i32
        %add3A_2816 = arith.addi %mul3A_2814, %add3A_2815 : i32
        %get3A_2817 = arith.constant 0 : i32
        %get3A_2818 = arith.index_cast %get3A_2817 : i32 to index
        %get3A_2819 = arith.index_cast %add3A_2816 : i32 to index
        %get3A_2820 = arith.constant 112 : index
        %get3A_2821 = tpu.vector_load %arg6[%get3A_2818, %get3A_2819, %get3A_2820] {strides = array<i32>} : memref<2x128x128xf32, #tpu.memory_space<vmem>>, vector<1x1x16xf32>,
        %get3A_2822 = vector.shape_cast %get3A_2821 : vector<1x1x16xf32> to vector<16xf32>
        %add3A_2823 = arith.addf %add3A_2812, %get3A_2822 : vector<16xf32>
        %mul3A_2824 = arith.constant 32 : i32
        %mul3A_2825 = arith.muli %scan3A_193, %mul3A_2824 : i32
        %add3A_2826 = arith.constant 13 : i32
        %add3A_2827 = arith.addi %mul3A_2825, %add3A_2826 : i32
        %get3A_2828 = arith.constant 0 : i32
        %get3A_2829 = arith.index_cast %get3A_2828 : i32 to index
        %get3A_2830 = arith.index_cast %add3A_2827 : i32 to index
        %get3A_2831 = arith.constant 112 : index
        %get3A_2832 = tpu.vector_load %arg6[%get3A_2829, %get3A_2830, %get3A_2831] {strides = array<i32>} : memref<2x128x128xf32, #tpu.memory_space<vmem>>, vector<1x1x16xf32>,
        %get3A_2833 = vector.shape_cast %get3A_2832 : vector<1x1x16xf32> to vector<16xf32>
        %add3A_2834 = arith.addf %add3A_2823, %get3A_2833 : vector<16xf32>
        %mul3A_2835 = arith.constant 32 : i32
        %mul3A_2836 = arith.muli %scan3A_193, %mul3A_2835 : i32
        %add3A_2837 = arith.constant 14 : i32
        %add3A_2838 = arith.addi %mul3A_2836, %add3A_2837 : i32
        %get3A_2839 = arith.constant 0 : i32
        %get3A_2840 = arith.index_cast %get3A_2839 : i32 to index
        %get3A_2841 = arith.index_cast %add3A_2838 : i32 to index
        %get3A_2842 = arith.constant 112 : index
        %get3A_2843 = tpu.vector_load %arg6[%get3A_2840, %get3A_2841, %get3A_2842] {strides = array<i32>} : memref<2x128x128xf32, #tpu.memory_space<vmem>>, vector<1x1x16xf32>,
        %get3A_2844 = vector.shape_cast %get3A_2843 : vector<1x1x16xf32> to vector<16xf32>
        %add3A_2845 = arith.addf %add3A_2834, %get3A_2844 : vector<16xf32>
        %mul3A_2846 = arith.constant 32 : i32
        %mul3A_2847 = arith.muli %scan3A_193, %mul3A_2846 : i32
        %add3A_2848 = arith.constant 15 : i32
        %add3A_2849 = arith.addi %mul3A_2847, %add3A_2848 : i32
        %get3A_2850 = arith.constant 0 : i32
        %get3A_2851 = arith.index_cast %get3A_2850 : i32 to index
        %get3A_2852 = arith.index_cast %add3A_2849 : i32 to index
        %get3A_2853 = arith.constant 112 : index
        %get3A_2854 = tpu.vector_load %arg6[%get3A_2851, %get3A_2852, %get3A_2853] {strides = array<i32>} : memref<2x128x128xf32, #tpu.memory_space<vmem>>, vector<1x1x16xf32>,
        %get3A_2855 = vector.shape_cast %get3A_2854 : vector<1x1x16xf32> to vector<16xf32>
        %add3A_2856 = arith.addf %add3A_2845, %get3A_2855 : vector<16xf32>
        %mul3A_2857 = arith.constant 32 : i32
        %mul3A_2858 = arith.muli %scan3A_193, %mul3A_2857 : i32
        %add3A_2859 = arith.constant 16 : i32
        %add3A_2860 = arith.addi %mul3A_2858, %add3A_2859 : i32
        %get3A_2861 = arith.constant 0 : i32
        %get3A_2862 = arith.index_cast %get3A_2861 : i32 to index
        %get3A_2863 = arith.index_cast %add3A_2860 : i32 to index
        %get3A_2864 = arith.constant 112 : index
        %get3A_2865 = tpu.vector_load %arg6[%get3A_2862, %get3A_2863, %get3A_2864] {strides = array<i32>} : memref<2x128x128xf32, #tpu.memory_space<vmem>>, vector<1x1x16xf32>,
        %get3A_2866 = vector.shape_cast %get3A_2865 : vector<1x1x16xf32> to vector<16xf32>
        %add3A_2867 = arith.addf %add3A_2856, %get3A_2866 : vector<16xf32>
        %mul3A_2868 = arith.constant 32 : i32
        %mul3A_2869 = arith.muli %scan3A_193, %mul3A_2868 : i32
        %add3A_2870 = arith.constant 17 : i32
        %add3A_2871 = arith.addi %mul3A_2869, %add3A_2870 : i32
        %get3A_2872 = arith.constant 0 : i32
        %get3A_2873 = arith.index_cast %get3A_2872 : i32 to index
        %get3A_2874 = arith.index_cast %add3A_2871 : i32 to index
        %get3A_2875 = arith.constant 112 : index
        %get3A_2876 = tpu.vector_load %arg6[%get3A_2873, %get3A_2874, %get3A_2875] {strides = array<i32>} : memref<2x128x128xf32, #tpu.memory_space<vmem>>, vector<1x1x16xf32>,
        %get3A_2877 = vector.shape_cast %get3A_2876 : vector<1x1x16xf32> to vector<16xf32>
        %add3A_2878 = arith.addf %add3A_2867, %get3A_2877 : vector<16xf32>
        %mul3A_2879 = arith.constant 32 : i32
        %mul3A_2880 = arith.muli %scan3A_193, %mul3A_2879 : i32
        %add3A_2881 = arith.constant 18 : i32
        %add3A_2882 = arith.addi %mul3A_2880, %add3A_2881 : i32
        %get3A_2883 = arith.constant 0 : i32
        %get3A_2884 = arith.index_cast %get3A_2883 : i32 to index
        %get3A_2885 = arith.index_cast %add3A_2882 : i32 to index
        %get3A_2886 = arith.constant 112 : index
        %get3A_2887 = tpu.vector_load %arg6[%get3A_2884, %get3A_2885, %get3A_2886] {strides = array<i32>} : memref<2x128x128xf32, #tpu.memory_space<vmem>>, vector<1x1x16xf32>,
        %get3A_2888 = vector.shape_cast %get3A_2887 : vector<1x1x16xf32> to vector<16xf32>
        %add3A_2889 = arith.addf %add3A_2878, %get3A_2888 : vector<16xf32>
        %mul3A_2890 = arith.constant 32 : i32
        %mul3A_2891 = arith.muli %scan3A_193, %mul3A_2890 : i32
        %add3A_2892 = arith.constant 19 : i32
        %add3A_2893 = arith.addi %mul3A_2891, %add3A_2892 : i32
        %get3A_2894 = arith.constant 0 : i32
        %get3A_2895 = arith.index_cast %get3A_2894 : i32 to index
        %get3A_2896 = arith.index_cast %add3A_2893 : i32 to index
        %get3A_2897 = arith.constant 112 : index
        %get3A_2898 = tpu.vector_load %arg6[%get3A_2895, %get3A_2896, %get3A_2897] {strides = array<i32>} : memref<2x128x128xf32, #tpu.memory_space<vmem>>, vector<1x1x16xf32>,
        %get3A_2899 = vector.shape_cast %get3A_2898 : vector<1x1x16xf32> to vector<16xf32>
        %add3A_2900 = arith.addf %add3A_2889, %get3A_2899 : vector<16xf32>
        %mul3A_2901 = arith.constant 32 : i32
        %mul3A_2902 = arith.muli %scan3A_193, %mul3A_2901 : i32
        %add3A_2903 = arith.constant 20 : i32
        %add3A_2904 = arith.addi %mul3A_2902, %add3A_2903 : i32
        %get3A_2905 = arith.constant 0 : i32
        %get3A_2906 = arith.index_cast %get3A_2905 : i32 to index
        %get3A_2907 = arith.index_cast %add3A_2904 : i32 to index
        %get3A_2908 = arith.constant 112 : index
        %get3A_2909 = tpu.vector_load %arg6[%get3A_2906, %get3A_2907, %get3A_2908] {strides = array<i32>} : memref<2x128x128xf32, #tpu.memory_space<vmem>>, vector<1x1x16xf32>,
        %get3A_2910 = vector.shape_cast %get3A_2909 : vector<1x1x16xf32> to vector<16xf32>
        %add3A_2911 = arith.addf %add3A_2900, %get3A_2910 : vector<16xf32>
        %mul3A_2912 = arith.constant 32 : i32
        %mul3A_2913 = arith.muli %scan3A_193, %mul3A_2912 : i32
        %add3A_2914 = arith.constant 21 : i32
        %add3A_2915 = arith.addi %mul3A_2913, %add3A_2914 : i32
        %get3A_2916 = arith.constant 0 : i32
        %get3A_2917 = arith.index_cast %get3A_2916 : i32 to index
        %get3A_2918 = arith.index_cast %add3A_2915 : i32 to index
        %get3A_2919 = arith.constant 112 : index
        %get3A_2920 = tpu.vector_load %arg6[%get3A_2917, %get3A_2918, %get3A_2919] {strides = array<i32>} : memref<2x128x128xf32, #tpu.memory_space<vmem>>, vector<1x1x16xf32>,
        %get3A_2921 = vector.shape_cast %get3A_2920 : vector<1x1x16xf32> to vector<16xf32>
        %add3A_2922 = arith.addf %add3A_2911, %get3A_2921 : vector<16xf32>
        %mul3A_2923 = arith.constant 32 : i32
        %mul3A_2924 = arith.muli %scan3A_193, %mul3A_2923 : i32
        %add3A_2925 = arith.constant 22 : i32
        %add3A_2926 = arith.addi %mul3A_2924, %add3A_2925 : i32
        %get3A_2927 = arith.constant 0 : i32
        %get3A_2928 = arith.index_cast %get3A_2927 : i32 to index
        %get3A_2929 = arith.index_cast %add3A_2926 : i32 to index
        %get3A_2930 = arith.constant 112 : index
        %get3A_2931 = tpu.vector_load %arg6[%get3A_2928, %get3A_2929, %get3A_2930] {strides = array<i32>} : memref<2x128x128xf32, #tpu.memory_space<vmem>>, vector<1x1x16xf32>,
        %get3A_2932 = vector.shape_cast %get3A_2931 : vector<1x1x16xf32> to vector<16xf32>
        %add3A_2933 = arith.addf %add3A_2922, %get3A_2932 : vector<16xf32>
        %mul3A_2934 = arith.constant 32 : i32
        %mul3A_2935 = arith.muli %scan3A_193, %mul3A_2934 : i32
        %add3A_2936 = arith.constant 23 : i32
        %add3A_2937 = arith.addi %mul3A_2935, %add3A_2936 : i32
        %get3A_2938 = arith.constant 0 : i32
        %get3A_2939 = arith.index_cast %get3A_2938 : i32 to index
        %get3A_2940 = arith.index_cast %add3A_2937 : i32 to index
        %get3A_2941 = arith.constant 112 : index
        %get3A_2942 = tpu.vector_load %arg6[%get3A_2939, %get3A_2940, %get3A_2941] {strides = array<i32>} : memref<2x128x128xf32, #tpu.memory_space<vmem>>, vector<1x1x16xf32>,
        %get3A_2943 = vector.shape_cast %get3A_2942 : vector<1x1x16xf32> to vector<16xf32>
        %add3A_2944 = arith.addf %add3A_2933, %get3A_2943 : vector<16xf32>
        %mul3A_2945 = arith.constant 32 : i32
        %mul3A_2946 = arith.muli %scan3A_193, %mul3A_2945 : i32
        %add3A_2947 = arith.constant 24 : i32
        %add3A_2948 = arith.addi %mul3A_2946, %add3A_2947 : i32
        %get3A_2949 = arith.constant 0 : i32
        %get3A_2950 = arith.index_cast %get3A_2949 : i32 to index
        %get3A_2951 = arith.index_cast %add3A_2948 : i32 to index
        %get3A_2952 = arith.constant 112 : index
        %get3A_2953 = tpu.vector_load %arg6[%get3A_2950, %get3A_2951, %get3A_2952] {strides = array<i32>} : memref<2x128x128xf32, #tpu.memory_space<vmem>>, vector<1x1x16xf32>,
        %get3A_2954 = vector.shape_cast %get3A_2953 : vector<1x1x16xf32> to vector<16xf32>
        %add3A_2955 = arith.addf %add3A_2944, %get3A_2954 : vector<16xf32>
        %mul3A_2956 = arith.constant 32 : i32
        %mul3A_2957 = arith.muli %scan3A_193, %mul3A_2956 : i32
        %add3A_2958 = arith.constant 25 : i32
        %add3A_2959 = arith.addi %mul3A_2957, %add3A_2958 : i32
        %get3A_2960 = arith.constant 0 : i32
        %get3A_2961 = arith.index_cast %get3A_2960 : i32 to index
        %get3A_2962 = arith.index_cast %add3A_2959 : i32 to index
        %get3A_2963 = arith.constant 112 : index
        %get3A_2964 = tpu.vector_load %arg6[%get3A_2961, %get3A_2962, %get3A_2963] {strides = array<i32>} : memref<2x128x128xf32, #tpu.memory_space<vmem>>, vector<1x1x16xf32>,
        %get3A_2965 = vector.shape_cast %get3A_2964 : vector<1x1x16xf32> to vector<16xf32>
        %add3A_2966 = arith.addf %add3A_2955, %get3A_2965 : vector<16xf32>
        %mul3A_2967 = arith.constant 32 : i32
        %mul3A_2968 = arith.muli %scan3A_193, %mul3A_2967 : i32
        %add3A_2969 = arith.constant 26 : i32
        %add3A_2970 = arith.addi %mul3A_2968, %add3A_2969 : i32
        %get3A_2971 = arith.constant 0 : i32
        %get3A_2972 = arith.index_cast %get3A_2971 : i32 to index
        %get3A_2973 = arith.index_cast %add3A_2970 : i32 to index
        %get3A_2974 = arith.constant 112 : index
        %get3A_2975 = tpu.vector_load %arg6[%get3A_2972, %get3A_2973, %get3A_2974] {strides = array<i32>} : memref<2x128x128xf32, #tpu.memory_space<vmem>>, vector<1x1x16xf32>,
        %get3A_2976 = vector.shape_cast %get3A_2975 : vector<1x1x16xf32> to vector<16xf32>
        %add3A_2977 = arith.addf %add3A_2966, %get3A_2976 : vector<16xf32>
        %mul3A_2978 = arith.constant 32 : i32
        %mul3A_2979 = arith.muli %scan3A_193, %mul3A_2978 : i32
        %add3A_2980 = arith.constant 27 : i32
        %add3A_2981 = arith.addi %mul3A_2979, %add3A_2980 : i32
        %get3A_2982 = arith.constant 0 : i32
        %get3A_2983 = arith.index_cast %get3A_2982 : i32 to index
        %get3A_2984 = arith.index_cast %add3A_2981 : i32 to index
        %get3A_2985 = arith.constant 112 : index
        %get3A_2986 = tpu.vector_load %arg6[%get3A_2983, %get3A_2984, %get3A_2985] {strides = array<i32>} : memref<2x128x128xf32, #tpu.memory_space<vmem>>, vector<1x1x16xf32>,
        %get3A_2987 = vector.shape_cast %get3A_2986 : vector<1x1x16xf32> to vector<16xf32>
        %add3A_2988 = arith.addf %add3A_2977, %get3A_2987 : vector<16xf32>
        %mul3A_2989 = arith.constant 32 : i32
        %mul3A_2990 = arith.muli %scan3A_193, %mul3A_2989 : i32
        %add3A_2991 = arith.constant 28 : i32
        %add3A_2992 = arith.addi %mul3A_2990, %add3A_2991 : i32
        %get3A_2993 = arith.constant 0 : i32
        %get3A_2994 = arith.index_cast %get3A_2993 : i32 to index
        %get3A_2995 = arith.index_cast %add3A_2992 : i32 to index
        %get3A_2996 = arith.constant 112 : index
        %get3A_2997 = tpu.vector_load %arg6[%get3A_2994, %get3A_2995, %get3A_2996] {strides = array<i32>} : memref<2x128x128xf32, #tpu.memory_space<vmem>>, vector<1x1x16xf32>,
        %get3A_2998 = vector.shape_cast %get3A_2997 : vector<1x1x16xf32> to vector<16xf32>
        %add3A_2999 = arith.addf %add3A_2988, %get3A_2998 : vector<16xf32>
        %mul3A_3000 = arith.constant 32 : i32
        %mul3A_3001 = arith.muli %scan3A_193, %mul3A_3000 : i32
        %add3A_3002 = arith.constant 29 : i32
        %add3A_3003 = arith.addi %mul3A_3001, %add3A_3002 : i32
        %get3A_3004 = arith.constant 0 : i32
        %get3A_3005 = arith.index_cast %get3A_3004 : i32 to index
        %get3A_3006 = arith.index_cast %add3A_3003 : i32 to index
        %get3A_3007 = arith.constant 112 : index
        %get3A_3008 = tpu.vector_load %arg6[%get3A_3005, %get3A_3006, %get3A_3007] {strides = array<i32>} : memref<2x128x128xf32, #tpu.memory_space<vmem>>, vector<1x1x16xf32>,
        %get3A_3009 = vector.shape_cast %get3A_3008 : vector<1x1x16xf32> to vector<16xf32>
        %add3A_3010 = arith.addf %add3A_2999, %get3A_3009 : vector<16xf32>
        %mul3A_3011 = arith.constant 32 : i32
        %mul3A_3012 = arith.muli %scan3A_193, %mul3A_3011 : i32
        %add3A_3013 = arith.constant 30 : i32
        %add3A_3014 = arith.addi %mul3A_3012, %add3A_3013 : i32
        %get3A_3015 = arith.constant 0 : i32
        %get3A_3016 = arith.index_cast %get3A_3015 : i32 to index
        %get3A_3017 = arith.index_cast %add3A_3014 : i32 to index
        %get3A_3018 = arith.constant 112 : index
        %get3A_3019 = tpu.vector_load %arg6[%get3A_3016, %get3A_3017, %get3A_3018] {strides = array<i32>} : memref<2x128x128xf32, #tpu.memory_space<vmem>>, vector<1x1x16xf32>,
        %get3A_3020 = vector.shape_cast %get3A_3019 : vector<1x1x16xf32> to vector<16xf32>
        %add3A_3021 = arith.addf %add3A_3010, %get3A_3020 : vector<16xf32>
        %mul3A_3022 = arith.constant 32 : i32
        %mul3A_3023 = arith.muli %scan3A_193, %mul3A_3022 : i32
        %add3A_3024 = arith.constant 31 : i32
        %add3A_3025 = arith.addi %mul3A_3023, %add3A_3024 : i32
        %get3A_3026 = arith.constant 0 : i32
        %get3A_3027 = arith.index_cast %get3A_3026 : i32 to index
        %get3A_3028 = arith.index_cast %add3A_3025 : i32 to index
        %get3A_3029 = arith.constant 112 : index
        %get3A_3030 = tpu.vector_load %arg6[%get3A_3027, %get3A_3028, %get3A_3029] {strides = array<i32>} : memref<2x128x128xf32, #tpu.memory_space<vmem>>, vector<1x1x16xf32>,
        %get3A_3031 = vector.shape_cast %get3A_3030 : vector<1x1x16xf32> to vector<16xf32>
        %add3A_3032 = arith.addf %add3A_3021, %get3A_3031 : vector<16xf32>
        %swap3A_3033 = arith.constant 0 : i32
        %swap3A_3034 = arith.index_cast %swap3A_3033 : i32 to index
        %swap3A_3035 = arith.index_cast %scan3A_193 : i32 to index
        %swap3A_3036 = arith.constant 112 : index
        %swap3A_3037 = tpu.vector_load %arg7[%swap3A_3034, %swap3A_3035, %swap3A_3036] {strides = array<i32>} : memref<2x4x128xf32, #tpu.memory_space<vmem>>, vector<1x1x16xf32>,
        %swap3A_3038 = vector.shape_cast %swap3A_3037 : vector<1x1x16xf32> to vector<16xf32>
        %swap3A_3039 = vector.shape_cast %add3A_3032 : vector<16xf32> to vector<1x1x16xf32>
        tpu.vector_store %arg7[%swap3A_3034, %swap3A_3035, %swap3A_3036], %swap3A_3039 {strides = array<i32>} : memref<2x4x128xf32, #tpu.memory_space<vmem>>, vector<1x1x16xf32>,
      }
      %scan3A_109 = arith.constant 4 : i32
      %mul3A_110 = arith.constant 4 : i32
      %mul3A_111 = arith.muli %add3A_81, %mul3A_110 : i32
      %add3A_112 = arith.addi %mul3A_2, %mul3A_111 : i32
      %multiple_of3A_113 = tpu.assume_multiple %add3A_112, 4 : i32
      %dma_start3A_114 = arith.constant 0 : i32
      %dma_start3A_115 = arith.constant 0 : i32
      %dma_start3A_116 = arith.constant 0 : i32
      %dma_start3A_117 = arith.constant 0 : i32
      %dma_start3A_118 = tpu.memref_slice %arg7[%dma_start3A_114, %dma_start3A_116, %dma_start3A_117] : memref<2x4x128xf32, #tpu.memory_space<vmem>> -> memref<1x4x128xf32, #tpu.memory_space<vmem>>
      %dma_start3A_119 = tpu.memref_squeeze %dma_start3A_118 : memref<1x4x128xf32, #tpu.memory_space<vmem>> -> memref<4x128xf32, #tpu.memory_space<vmem>>
      %dma_start3A_120 = arith.constant 0 : i32
      %dma_start3A_121 = tpu.memref_slice %arg4[%multiple_of3A_113, %dma_start3A_120] : memref<10240x128xf32, #tpu.memory_space<hbm>> -> memref<4x128xf32, #tpu.memory_space<hbm>>
      %dma_start3A_122 = tpu.memref_slice %arg10[%dma_start3A_115] : memref<2x!tpu.dma_semaphore, #tpu.memory_space<semaphore_mem>> -> memref<1x!tpu.dma_semaphore, #tpu.memory_space<semaphore_mem>>
      %dma_start3A_123 = tpu.memref_squeeze %dma_start3A_122 : memref<1x!tpu.dma_semaphore, #tpu.memory_space<semaphore_mem>> -> memref<!tpu.dma_semaphore, #tpu.memory_space<semaphore_mem>>
      %dma_start3A_124 = arith.constant 0 : i32
      %dma_start3A_125 = tpu.memref_slice %arg4[%multiple_of3A_113, %dma_start3A_124] : memref<10240x128xf32, #tpu.memory_space<hbm>> -> memref<4x128xf32, #tpu.memory_space<hbm>>
      %dma_start3A_126 = arith.constant 0 : i32
      %dma_start3A_127 = arith.constant 0 : i32
      %dma_start3A_128 = tpu.memref_slice %arg7[%dma_start3A_114, %dma_start3A_126, %dma_start3A_127] : memref<2x4x128xf32, #tpu.memory_space<vmem>> -> memref<1x4x128xf32, #tpu.memory_space<vmem>>
      %dma_start3A_129 = tpu.memref_squeeze %dma_start3A_128 : memref<1x4x128xf32, #tpu.memory_space<vmem>> -> memref<4x128xf32, #tpu.memory_space<vmem>>
      tpu.enqueue_dma source(%dma_start3A_129 : memref<4x128xf32, #tpu.memory_space<vmem>>) target(%dma_start3A_125 : memref<4x128xf32, #tpu.memory_space<hbm>>) target_semaphore(%dma_start3A_123 : memref<!tpu.dma_semaphore, #tpu.memory_space<semaphore_mem>>)
      %lt3A_130 = arith.constant 39 : i32
      %lt3A_131 = arith.cmpi slt, %scan3A_77, %lt3A_130 : i32
      %convert_element_type3A_132 = arith.extui %lt3A_131 : i1 to i32
      %cond3A_133 = arith.constant 0 : i32
      %cond3A_134 = arith.cmpi ne, %convert_element_type3A_132, %cond3A_133 : i32
      scf.if %cond3A_134 {
        %add3A_193 = arith.constant 2 : i32
        %add3A_194 = arith.addi %add3A_81, %add3A_193 : i32
        %mul3A_195 = arith.constant 128 : i32
        %mul3A_196 = arith.muli %add3A_194, %mul3A_195 : i32
        %multiple_of3A_197 = tpu.assume_multiple %mul3A_196, 128 : i32
        %dma_start3A_198 = arith.constant 0 : i32
        %dma_start3A_199 = arith.constant 0 : i32
        %dma_start3A_200 = arith.constant 0 : i32
        %dma_start3A_201 = arith.constant 0 : i32
        %dma_start3A_202 = tpu.memref_slice %arg6[%dma_start3A_198, %dma_start3A_200, %dma_start3A_201] : memref<2x128x128xf32, #tpu.memory_space<vmem>> -> memref<1x128x128xf32, #tpu.memory_space<vmem>>
        %dma_start3A_203 = tpu.memref_squeeze %dma_start3A_202 : memref<1x128x128xf32, #tpu.memory_space<vmem>> -> memref<128x128xf32, #tpu.memory_space<vmem>>
        %dma_start3A_204 = tpu.memref_slice %arg5[%multiple_of3A_197] : memref<10240xi32, #tpu.memory_space<vmem>> -> memref<128xi32, #tpu.memory_space<vmem>>
        %dma_start3A_205 = arith.constant 0 : i32
        %dma_start3A_206 = arith.constant 0 : i32
        %dma_start3A_207 = tpu.memref_slice %arg8[%dma_start3A_205, %dma_start3A_206] : memref<10240x128xf32, #tpu.memory_space<vmem_shared>> -> memref<10240x128xf32, #tpu.memory_space<vmem_shared>>
        %dma_start3A_208 = tpu.memref_slice %arg9[%dma_start3A_199] : memref<2x!tpu.dma_semaphore, #tpu.memory_space<semaphore_mem>> -> memref<1x!tpu.dma_semaphore, #tpu.memory_space<semaphore_mem>>
        %dma_start3A_209 = tpu.memref_squeeze %dma_start3A_208 : memref<1x!tpu.dma_semaphore, #tpu.memory_space<semaphore_mem>> -> memref<!tpu.dma_semaphore, #tpu.memory_space<semaphore_mem>>
        tpu.enqueue_indirect_dma source(%dma_start3A_207 : memref<10240x128xf32, #tpu.memory_space<vmem_shared>>) target(%dma_start3A_203 : memref<128x128xf32, #tpu.memory_space<vmem>>) offsets(%dma_start3A_204 : memref<128xi32, #tpu.memory_space<vmem>>) semaphore(%dma_start3A_209 : memref<!tpu.dma_semaphore, #tpu.memory_space<semaphore_mem>>)
      } else {
      }
      %mul3A_135 = arith.constant 2 : i32
      %mul3A_136 = arith.muli %scan3A_77, %mul3A_135 : i32
      %add3A_137 = arith.constant 1 : i32
      %add3A_138 = arith.addi %mul3A_136, %add3A_137 : i32
      %dma_wait3A_139 = arith.constant 1 : i32
      %dma_wait3A_140 = arith.constant 1 : i32
      %dma_wait3A_141 = arith.constant 0 : i32
      %dma_wait3A_142 = arith.constant 0 : i32
      %dma_wait3A_143 = tpu.memref_slice %arg6[%dma_wait3A_139, %dma_wait3A_141, %dma_wait3A_142] : memref<2x128x128xf32, #tpu.memory_space<vmem>> -> memref<1x128x128xf32, #tpu.memory_space<vmem>>
      %dma_wait3A_144 = tpu.memref_squeeze %dma_wait3A_143 : memref<1x128x128xf32, #tpu.memory_space<vmem>> -> memref<128x128xf32, #tpu.memory_space<vmem>>
      %dma_wait3A_145 = arith.constant 0 : i32
      %dma_wait3A_146 = arith.constant 0 : i32
      %dma_wait3A_147 = tpu.memref_slice %arg2[%dma_wait3A_145, %dma_wait3A_146] : memref<10000x128xf32, #tpu.memory_space<hbm>> -> memref<128x128xf32, #tpu.memory_space<hbm>>
      %dma_wait3A_148 = tpu.memref_slice %arg9[%dma_wait3A_140] : memref<2x!tpu.dma_semaphore, #tpu.memory_space<semaphore_mem>> -> memref<1x!tpu.dma_semaphore, #tpu.memory_space<semaphore_mem>>
      %dma_wait3A_149 = tpu.memref_squeeze %dma_wait3A_148 : memref<1x!tpu.dma_semaphore, #tpu.memory_space<semaphore_mem>> -> memref<!tpu.dma_semaphore, #tpu.memory_space<semaphore_mem>>
      %dma_wait3A_150 = arith.constant 0 : i32
      %dma_wait3A_151 = arith.constant 0 : i32
      %dma_wait3A_152 = tpu.memref_slice %arg6[%dma_wait3A_139, %dma_wait3A_150, %dma_wait3A_151] : memref<2x128x128xf32, #tpu.memory_space<vmem>> -> memref<1x128x128xf32, #tpu.memory_space<vmem>>
      %dma_wait3A_153 = tpu.memref_squeeze %dma_wait3A_152 : memref<1x128x128xf32, #tpu.memory_space<vmem>> -> memref<128x128xf32, #tpu.memory_space<vmem>>
      %dma_wait3A_154 = arith.constant 0 : i32
      %dma_wait3A_155 = arith.constant 0 : i32
      %dma_wait3A_156 = tpu.memref_slice %arg2[%dma_wait3A_154, %dma_wait3A_155] : memref<10000x128xf32, #tpu.memory_space<hbm>> -> memref<128x128xf32, #tpu.memory_space<hbm>>
      tpu.wait_dma2 semaphore(%dma_wait3A_149 : memref<!tpu.dma_semaphore, #tpu.memory_space<semaphore_mem>>) src(%dma_wait3A_156 : memref<128x128xf32, #tpu.memory_space<hbm>>) dst(%dma_wait3A_153 : memref<128x128xf32, #tpu.memory_space<vmem>>)
      %gt3A_157 = arith.constant 0 : i32
      %gt3A_158 = arith.cmpi sgt, %scan3A_77, %gt3A_157 : i32
      %convert_element_type3A_159 = arith.extui %gt3A_158 : i1 to i32
      %cond3A_160 = arith.constant 0 : i32
      %cond3A_161 = arith.cmpi ne, %convert_element_type3A_159, %cond3A_160 : i32
      scf.if %cond3A_161 {
        %dma_wait3A_193 = arith.constant 1 : i32
        %dma_wait3A_194 = arith.constant 1 : i32
        %dma_wait3A_195 = arith.constant 0 : i32
        %dma_wait3A_196 = arith.constant 0 : i32
        %dma_wait3A_197 = tpu.memref_slice %arg7[%dma_wait3A_193, %dma_wait3A_195, %dma_wait3A_196] : memref<2x4x128xf32, #tpu.memory_space<vmem>> -> memref<1x4x128xf32, #tpu.memory_space<vmem>>
        %dma_wait3A_198 = tpu.memref_squeeze %dma_wait3A_197 : memref<1x4x128xf32, #tpu.memory_space<vmem>> -> memref<4x128xf32, #tpu.memory_space<vmem>>
        %dma_wait3A_199 = arith.constant 0 : i32
        %dma_wait3A_200 = arith.constant 0 : i32
        %dma_wait3A_201 = tpu.memref_slice %arg4[%dma_wait3A_199, %dma_wait3A_200] : memref<10240x128xf32, #tpu.memory_space<hbm>> -> memref<4x128xf32, #tpu.memory_space<hbm>>
        %dma_wait3A_202 = tpu.memref_slice %arg10[%dma_wait3A_194] : memref<2x!tpu.dma_semaphore, #tpu.memory_space<semaphore_mem>> -> memref<1x!tpu.dma_semaphore, #tpu.memory_space<semaphore_mem>>
        %dma_wait3A_203 = tpu.memref_squeeze %dma_wait3A_202 : memref<1x!tpu.dma_semaphore, #tpu.memory_space<semaphore_mem>> -> memref<!tpu.dma_semaphore, #tpu.memory_space<semaphore_mem>>
        %dma_wait3A_204 = arith.constant 0 : i32
        %dma_wait3A_205 = arith.constant 0 : i32
        %dma_wait3A_206 = tpu.memref_slice %arg7[%dma_wait3A_193, %dma_wait3A_204, %dma_wait3A_205] : memref<2x4x128xf32, #tpu.memory_space<vmem>> -> memref<1x4x128xf32, #tpu.memory_space<vmem>>
        %dma_wait3A_207 = tpu.memref_squeeze %dma_wait3A_206 : memref<1x4x128xf32, #tpu.memory_space<vmem>> -> memref<4x128xf32, #tpu.memory_space<vmem>>
        %dma_wait3A_208 = arith.constant 0 : i32
        %dma_wait3A_209 = arith.constant 0 : i32
        %dma_wait3A_210 = tpu.memref_slice %arg4[%dma_wait3A_208, %dma_wait3A_209] : memref<10240x128xf32, #tpu.memory_space<hbm>> -> memref<4x128xf32, #tpu.memory_space<hbm>>
        tpu.wait_dma2 semaphore(%dma_wait3A_203 : memref<!tpu.dma_semaphore, #tpu.memory_space<semaphore_mem>>) src(%dma_wait3A_210 : memref<4x128xf32, #tpu.memory_space<hbm>>) dst(%dma_wait3A_207 : memref<4x128xf32, #tpu.memory_space<vmem>>)
      } else {
      }
      %scan3A_162 = arith.constant 0 : i32
      %scan3A_163 = arith.constant 0 : i32
      %scan3A_164 = arith.constant 4 : i32
      %scan3A_165 = arith.addi %scan3A_163, %scan3A_164 : i32
      %scan3A_166 = arith.constant 1 : i32
      scf.for %scan3A_193 = %scan3A_163 to %scan3A_165 step %scan3A_166  : i32 {
        %mul3A_194 = arith.constant 32 : i32
        %mul3A_195 = arith.muli %scan3A_193, %mul3A_194 : i32
        %get3A = arith.constant 1 : i32
        %get3A_196 = arith.index_cast %get3A : i32 to index
        %get3A_197 = arith.index_cast %mul3A_195 : i32 to index
        %get3A_198 = arith.constant 0 : index
        %get3A_199 = tpu.vector_load %arg6[%get3A_196, %get3A_197, %get3A_198] {strides = array<i32>} : memref<2x128x128xf32, #tpu.memory_space<vmem>>, vector<1x1x16xf32>,
        %get3A_200 = vector.shape_cast %get3A_199 : vector<1x1x16xf32> to vector<16xf32>
        %mul3A_201 = arith.constant 32 : i32
        %mul3A_202 = arith.muli %scan3A_193, %mul3A_201 : i32
        %add3A_203 = arith.constant 1 : i32
        %add3A_204 = arith.addi %mul3A_202, %add3A_203 : i32
        %get3A_205 = arith.constant 1 : i32
        %get3A_206 = arith.index_cast %get3A_205 : i32 to index
        %get3A_207 = arith.index_cast %add3A_204 : i32 to index
        %get3A_208 = arith.constant 0 : index
        %get3A_209 = tpu.vector_load %arg6[%get3A_206, %get3A_207, %get3A_208] {strides = array<i32>} : memref<2x128x128xf32, #tpu.memory_space<vmem>>, vector<1x1x16xf32>,
        %get3A_210 = vector.shape_cast %get3A_209 : vector<1x1x16xf32> to vector<16xf32>
        %add3A_211 = arith.addf %get3A_200, %get3A_210 : vector<16xf32>
        %mul3A_212 = arith.constant 32 : i32
        %mul3A_213 = arith.muli %scan3A_193, %mul3A_212 : i32
        %add3A_214 = arith.constant 2 : i32
        %add3A_215 = arith.addi %mul3A_213, %add3A_214 : i32
        %get3A_216 = arith.constant 1 : i32
        %get3A_217 = arith.index_cast %get3A_216 : i32 to index
        %get3A_218 = arith.index_cast %add3A_215 : i32 to index
        %get3A_219 = arith.constant 0 : index
        %get3A_220 = tpu.vector_load %arg6[%get3A_217, %get3A_218, %get3A_219] {strides = array<i32>} : memref<2x128x128xf32, #tpu.memory_space<vmem>>, vector<1x1x16xf32>,
        %get3A_221 = vector.shape_cast %get3A_220 : vector<1x1x16xf32> to vector<16xf32>
        %add3A_222 = arith.addf %add3A_211, %get3A_221 : vector<16xf32>
        %mul3A_223 = arith.constant 32 : i32
        %mul3A_224 = arith.muli %scan3A_193, %mul3A_223 : i32
        %add3A_225 = arith.constant 3 : i32
        %add3A_226 = arith.addi %mul3A_224, %add3A_225 : i32
        %get3A_227 = arith.constant 1 : i32
        %get3A_228 = arith.index_cast %get3A_227 : i32 to index
        %get3A_229 = arith.index_cast %add3A_226 : i32 to index
        %get3A_230 = arith.constant 0 : index
        %get3A_231 = tpu.vector_load %arg6[%get3A_228, %get3A_229, %get3A_230] {strides = array<i32>} : memref<2x128x128xf32, #tpu.memory_space<vmem>>, vector<1x1x16xf32>,
        %get3A_232 = vector.shape_cast %get3A_231 : vector<1x1x16xf32> to vector<16xf32>
        %add3A_233 = arith.addf %add3A_222, %get3A_232 : vector<16xf32>
        %mul3A_234 = arith.constant 32 : i32
        %mul3A_235 = arith.muli %scan3A_193, %mul3A_234 : i32
        %add3A_236 = arith.constant 4 : i32
        %add3A_237 = arith.addi %mul3A_235, %add3A_236 : i32
        %get3A_238 = arith.constant 1 : i32
        %get3A_239 = arith.index_cast %get3A_238 : i32 to index
        %get3A_240 = arith.index_cast %add3A_237 : i32 to index
        %get3A_241 = arith.constant 0 : index
        %get3A_242 = tpu.vector_load %arg6[%get3A_239, %get3A_240, %get3A_241] {strides = array<i32>} : memref<2x128x128xf32, #tpu.memory_space<vmem>>, vector<1x1x16xf32>,
        %get3A_243 = vector.shape_cast %get3A_242 : vector<1x1x16xf32> to vector<16xf32>
        %add3A_244 = arith.addf %add3A_233, %get3A_243 : vector<16xf32>
        %mul3A_245 = arith.constant 32 : i32
        %mul3A_246 = arith.muli %scan3A_193, %mul3A_245 : i32
        %add3A_247 = arith.constant 5 : i32
        %add3A_248 = arith.addi %mul3A_246, %add3A_247 : i32
        %get3A_249 = arith.constant 1 : i32
        %get3A_250 = arith.index_cast %get3A_249 : i32 to index
        %get3A_251 = arith.index_cast %add3A_248 : i32 to index
        %get3A_252 = arith.constant 0 : index
        %get3A_253 = tpu.vector_load %arg6[%get3A_250, %get3A_251, %get3A_252] {strides = array<i32>} : memref<2x128x128xf32, #tpu.memory_space<vmem>>, vector<1x1x16xf32>,
        %get3A_254 = vector.shape_cast %get3A_253 : vector<1x1x16xf32> to vector<16xf32>
        %add3A_255 = arith.addf %add3A_244, %get3A_254 : vector<16xf32>
        %mul3A_256 = arith.constant 32 : i32
        %mul3A_257 = arith.muli %scan3A_193, %mul3A_256 : i32
        %add3A_258 = arith.constant 6 : i32
        %add3A_259 = arith.addi %mul3A_257, %add3A_258 : i32
        %get3A_260 = arith.constant 1 : i32
        %get3A_261 = arith.index_cast %get3A_260 : i32 to index
        %get3A_262 = arith.index_cast %add3A_259 : i32 to index
        %get3A_263 = arith.constant 0 : index
        %get3A_264 = tpu.vector_load %arg6[%get3A_261, %get3A_262, %get3A_263] {strides = array<i32>} : memref<2x128x128xf32, #tpu.memory_space<vmem>>, vector<1x1x16xf32>,
        %get3A_265 = vector.shape_cast %get3A_264 : vector<1x1x16xf32> to vector<16xf32>
        %add3A_266 = arith.addf %add3A_255, %get3A_265 : vector<16xf32>
        %mul3A_267 = arith.constant 32 : i32
        %mul3A_268 = arith.muli %scan3A_193, %mul3A_267 : i32
        %add3A_269 = arith.constant 7 : i32
        %add3A_270 = arith.addi %mul3A_268, %add3A_269 : i32
        %get3A_271 = arith.constant 1 : i32
        %get3A_272 = arith.index_cast %get3A_271 : i32 to index
        %get3A_273 = arith.index_cast %add3A_270 : i32 to index
        %get3A_274 = arith.constant 0 : index
        %get3A_275 = tpu.vector_load %arg6[%get3A_272, %get3A_273, %get3A_274] {strides = array<i32>} : memref<2x128x128xf32, #tpu.memory_space<vmem>>, vector<1x1x16xf32>,
        %get3A_276 = vector.shape_cast %get3A_275 : vector<1x1x16xf32> to vector<16xf32>
        %add3A_277 = arith.addf %add3A_266, %get3A_276 : vector<16xf32>
        %mul3A_278 = arith.constant 32 : i32
        %mul3A_279 = arith.muli %scan3A_193, %mul3A_278 : i32
        %add3A_280 = arith.constant 8 : i32
        %add3A_281 = arith.addi %mul3A_279, %add3A_280 : i32
        %get3A_282 = arith.constant 1 : i32
        %get3A_283 = arith.index_cast %get3A_282 : i32 to index
        %get3A_284 = arith.index_cast %add3A_281 : i32 to index
        %get3A_285 = arith.constant 0 : index
        %get3A_286 = tpu.vector_load %arg6[%get3A_283, %get3A_284, %get3A_285] {strides = array<i32>} : memref<2x128x128xf32, #tpu.memory_space<vmem>>, vector<1x1x16xf32>,
        %get3A_287 = vector.shape_cast %get3A_286 : vector<1x1x16xf32> to vector<16xf32>
        %add3A_288 = arith.addf %add3A_277, %get3A_287 : vector<16xf32>
        %mul3A_289 = arith.constant 32 : i32
        %mul3A_290 = arith.muli %scan3A_193, %mul3A_289 : i32
        %add3A_291 = arith.constant 9 : i32
        %add3A_292 = arith.addi %mul3A_290, %add3A_291 : i32
        %get3A_293 = arith.constant 1 : i32
        %get3A_294 = arith.index_cast %get3A_293 : i32 to index
        %get3A_295 = arith.index_cast %add3A_292 : i32 to index
        %get3A_296 = arith.constant 0 : index
        %get3A_297 = tpu.vector_load %arg6[%get3A_294, %get3A_295, %get3A_296] {strides = array<i32>} : memref<2x128x128xf32, #tpu.memory_space<vmem>>, vector<1x1x16xf32>,
        %get3A_298 = vector.shape_cast %get3A_297 : vector<1x1x16xf32> to vector<16xf32>
        %add3A_299 = arith.addf %add3A_288, %get3A_298 : vector<16xf32>
        %mul3A_300 = arith.constant 32 : i32
        %mul3A_301 = arith.muli %scan3A_193, %mul3A_300 : i32
        %add3A_302 = arith.constant 10 : i32
        %add3A_303 = arith.addi %mul3A_301, %add3A_302 : i32
        %get3A_304 = arith.constant 1 : i32
        %get3A_305 = arith.index_cast %get3A_304 : i32 to index
        %get3A_306 = arith.index_cast %add3A_303 : i32 to index
        %get3A_307 = arith.constant 0 : index
        %get3A_308 = tpu.vector_load %arg6[%get3A_305, %get3A_306, %get3A_307] {strides = array<i32>} : memref<2x128x128xf32, #tpu.memory_space<vmem>>, vector<1x1x16xf32>,
        %get3A_309 = vector.shape_cast %get3A_308 : vector<1x1x16xf32> to vector<16xf32>
        %add3A_310 = arith.addf %add3A_299, %get3A_309 : vector<16xf32>
        %mul3A_311 = arith.constant 32 : i32
        %mul3A_312 = arith.muli %scan3A_193, %mul3A_311 : i32
        %add3A_313 = arith.constant 11 : i32
        %add3A_314 = arith.addi %mul3A_312, %add3A_313 : i32
        %get3A_315 = arith.constant 1 : i32
        %get3A_316 = arith.index_cast %get3A_315 : i32 to index
        %get3A_317 = arith.index_cast %add3A_314 : i32 to index
        %get3A_318 = arith.constant 0 : index
        %get3A_319 = tpu.vector_load %arg6[%get3A_316, %get3A_317, %get3A_318] {strides = array<i32>} : memref<2x128x128xf32, #tpu.memory_space<vmem>>, vector<1x1x16xf32>,
        %get3A_320 = vector.shape_cast %get3A_319 : vector<1x1x16xf32> to vector<16xf32>
        %add3A_321 = arith.addf %add3A_310, %get3A_320 : vector<16xf32>
        %mul3A_322 = arith.constant 32 : i32
        %mul3A_323 = arith.muli %scan3A_193, %mul3A_322 : i32
        %add3A_324 = arith.constant 12 : i32
        %add3A_325 = arith.addi %mul3A_323, %add3A_324 : i32
        %get3A_326 = arith.constant 1 : i32
        %get3A_327 = arith.index_cast %get3A_326 : i32 to index
        %get3A_328 = arith.index_cast %add3A_325 : i32 to index
        %get3A_329 = arith.constant 0 : index
        %get3A_330 = tpu.vector_load %arg6[%get3A_327, %get3A_328, %get3A_329] {strides = array<i32>} : memref<2x128x128xf32, #tpu.memory_space<vmem>>, vector<1x1x16xf32>,
        %get3A_331 = vector.shape_cast %get3A_330 : vector<1x1x16xf32> to vector<16xf32>
        %add3A_332 = arith.addf %add3A_321, %get3A_331 : vector<16xf32>
        %mul3A_333 = arith.constant 32 : i32
        %mul3A_334 = arith.muli %scan3A_193, %mul3A_333 : i32
        %add3A_335 = arith.constant 13 : i32
        %add3A_336 = arith.addi %mul3A_334, %add3A_335 : i32
        %get3A_337 = arith.constant 1 : i32
        %get3A_338 = arith.index_cast %get3A_337 : i32 to index
        %get3A_339 = arith.index_cast %add3A_336 : i32 to index
        %get3A_340 = arith.constant 0 : index
        %get3A_341 = tpu.vector_load %arg6[%get3A_338, %get3A_339, %get3A_340] {strides = array<i32>} : memref<2x128x128xf32, #tpu.memory_space<vmem>>, vector<1x1x16xf32>,
        %get3A_342 = vector.shape_cast %get3A_341 : vector<1x1x16xf32> to vector<16xf32>
        %add3A_343 = arith.addf %add3A_332, %get3A_342 : vector<16xf32>
        %mul3A_344 = arith.constant 32 : i32
        %mul3A_345 = arith.muli %scan3A_193, %mul3A_344 : i32
        %add3A_346 = arith.constant 14 : i32
        %add3A_347 = arith.addi %mul3A_345, %add3A_346 : i32
        %get3A_348 = arith.constant 1 : i32
        %get3A_349 = arith.index_cast %get3A_348 : i32 to index
        %get3A_350 = arith.index_cast %add3A_347 : i32 to index
        %get3A_351 = arith.constant 0 : index
        %get3A_352 = tpu.vector_load %arg6[%get3A_349, %get3A_350, %get3A_351] {strides = array<i32>} : memref<2x128x128xf32, #tpu.memory_space<vmem>>, vector<1x1x16xf32>,
        %get3A_353 = vector.shape_cast %get3A_352 : vector<1x1x16xf32> to vector<16xf32>
        %add3A_354 = arith.addf %add3A_343, %get3A_353 : vector<16xf32>
        %mul3A_355 = arith.constant 32 : i32
        %mul3A_356 = arith.muli %scan3A_193, %mul3A_355 : i32
        %add3A_357 = arith.constant 15 : i32
        %add3A_358 = arith.addi %mul3A_356, %add3A_357 : i32
        %get3A_359 = arith.constant 1 : i32
        %get3A_360 = arith.index_cast %get3A_359 : i32 to index
        %get3A_361 = arith.index_cast %add3A_358 : i32 to index
        %get3A_362 = arith.constant 0 : index
        %get3A_363 = tpu.vector_load %arg6[%get3A_360, %get3A_361, %get3A_362] {strides = array<i32>} : memref<2x128x128xf32, #tpu.memory_space<vmem>>, vector<1x1x16xf32>,
        %get3A_364 = vector.shape_cast %get3A_363 : vector<1x1x16xf32> to vector<16xf32>
        %add3A_365 = arith.addf %add3A_354, %get3A_364 : vector<16xf32>
        %mul3A_366 = arith.constant 32 : i32
        %mul3A_367 = arith.muli %scan3A_193, %mul3A_366 : i32
        %add3A_368 = arith.constant 16 : i32
        %add3A_369 = arith.addi %mul3A_367, %add3A_368 : i32
        %get3A_370 = arith.constant 1 : i32
        %get3A_371 = arith.index_cast %get3A_370 : i32 to index
        %get3A_372 = arith.index_cast %add3A_369 : i32 to index
        %get3A_373 = arith.constant 0 : index
        %get3A_374 = tpu.vector_load %arg6[%get3A_371, %get3A_372, %get3A_373] {strides = array<i32>} : memref<2x128x128xf32, #tpu.memory_space<vmem>>, vector<1x1x16xf32>,
        %get3A_375 = vector.shape_cast %get3A_374 : vector<1x1x16xf32> to vector<16xf32>
        %add3A_376 = arith.addf %add3A_365, %get3A_375 : vector<16xf32>
        %mul3A_377 = arith.constant 32 : i32
        %mul3A_378 = arith.muli %scan3A_193, %mul3A_377 : i32
        %add3A_379 = arith.constant 17 : i32
        %add3A_380 = arith.addi %mul3A_378, %add3A_379 : i32
        %get3A_381 = arith.constant 1 : i32
        %get3A_382 = arith.index_cast %get3A_381 : i32 to index
        %get3A_383 = arith.index_cast %add3A_380 : i32 to index
        %get3A_384 = arith.constant 0 : index
        %get3A_385 = tpu.vector_load %arg6[%get3A_382, %get3A_383, %get3A_384] {strides = array<i32>} : memref<2x128x128xf32, #tpu.memory_space<vmem>>, vector<1x1x16xf32>,
        %get3A_386 = vector.shape_cast %get3A_385 : vector<1x1x16xf32> to vector<16xf32>
        %add3A_387 = arith.addf %add3A_376, %get3A_386 : vector<16xf32>
        %mul3A_388 = arith.constant 32 : i32
        %mul3A_389 = arith.muli %scan3A_193, %mul3A_388 : i32
        %add3A_390 = arith.constant 18 : i32
        %add3A_391 = arith.addi %mul3A_389, %add3A_390 : i32
        %get3A_392 = arith.constant 1 : i32
        %get3A_393 = arith.index_cast %get3A_392 : i32 to index
        %get3A_394 = arith.index_cast %add3A_391 : i32 to index
        %get3A_395 = arith.constant 0 : index
        %get3A_396 = tpu.vector_load %arg6[%get3A_393, %get3A_394, %get3A_395] {strides = array<i32>} : memref<2x128x128xf32, #tpu.memory_space<vmem>>, vector<1x1x16xf32>,
        %get3A_397 = vector.shape_cast %get3A_396 : vector<1x1x16xf32> to vector<16xf32>
        %add3A_398 = arith.addf %add3A_387, %get3A_397 : vector<16xf32>
        %mul3A_399 = arith.constant 32 : i32
        %mul3A_400 = arith.muli %scan3A_193, %mul3A_399 : i32
        %add3A_401 = arith.constant 19 : i32
        %add3A_402 = arith.addi %mul3A_400, %add3A_401 : i32
        %get3A_403 = arith.constant 1 : i32
        %get3A_404 = arith.index_cast %get3A_403 : i32 to index
        %get3A_405 = arith.index_cast %add3A_402 : i32 to index
        %get3A_406 = arith.constant 0 : index
        %get3A_407 = tpu.vector_load %arg6[%get3A_404, %get3A_405, %get3A_406] {strides = array<i32>} : memref<2x128x128xf32, #tpu.memory_space<vmem>>, vector<1x1x16xf32>,
        %get3A_408 = vector.shape_cast %get3A_407 : vector<1x1x16xf32> to vector<16xf32>
        %add3A_409 = arith.addf %add3A_398, %get3A_408 : vector<16xf32>
        %mul3A_410 = arith.constant 32 : i32
        %mul3A_411 = arith.muli %scan3A_193, %mul3A_410 : i32
        %add3A_412 = arith.constant 20 : i32
        %add3A_413 = arith.addi %mul3A_411, %add3A_412 : i32
        %get3A_414 = arith.constant 1 : i32
        %get3A_415 = arith.index_cast %get3A_414 : i32 to index
        %get3A_416 = arith.index_cast %add3A_413 : i32 to index
        %get3A_417 = arith.constant 0 : index
        %get3A_418 = tpu.vector_load %arg6[%get3A_415, %get3A_416, %get3A_417] {strides = array<i32>} : memref<2x128x128xf32, #tpu.memory_space<vmem>>, vector<1x1x16xf32>,
        %get3A_419 = vector.shape_cast %get3A_418 : vector<1x1x16xf32> to vector<16xf32>
        %add3A_420 = arith.addf %add3A_409, %get3A_419 : vector<16xf32>
        %mul3A_421 = arith.constant 32 : i32
        %mul3A_422 = arith.muli %scan3A_193, %mul3A_421 : i32
        %add3A_423 = arith.constant 21 : i32
        %add3A_424 = arith.addi %mul3A_422, %add3A_423 : i32
        %get3A_425 = arith.constant 1 : i32
        %get3A_426 = arith.index_cast %get3A_425 : i32 to index
        %get3A_427 = arith.index_cast %add3A_424 : i32 to index
        %get3A_428 = arith.constant 0 : index
        %get3A_429 = tpu.vector_load %arg6[%get3A_426, %get3A_427, %get3A_428] {strides = array<i32>} : memref<2x128x128xf32, #tpu.memory_space<vmem>>, vector<1x1x16xf32>,
        %get3A_430 = vector.shape_cast %get3A_429 : vector<1x1x16xf32> to vector<16xf32>
        %add3A_431 = arith.addf %add3A_420, %get3A_430 : vector<16xf32>
        %mul3A_432 = arith.constant 32 : i32
        %mul3A_433 = arith.muli %scan3A_193, %mul3A_432 : i32
        %add3A_434 = arith.constant 22 : i32
        %add3A_435 = arith.addi %mul3A_433, %add3A_434 : i32
        %get3A_436 = arith.constant 1 : i32
        %get3A_437 = arith.index_cast %get3A_436 : i32 to index
        %get3A_438 = arith.index_cast %add3A_435 : i32 to index
        %get3A_439 = arith.constant 0 : index
        %get3A_440 = tpu.vector_load %arg6[%get3A_437, %get3A_438, %get3A_439] {strides = array<i32>} : memref<2x128x128xf32, #tpu.memory_space<vmem>>, vector<1x1x16xf32>,
        %get3A_441 = vector.shape_cast %get3A_440 : vector<1x1x16xf32> to vector<16xf32>
        %add3A_442 = arith.addf %add3A_431, %get3A_441 : vector<16xf32>
        %mul3A_443 = arith.constant 32 : i32
        %mul3A_444 = arith.muli %scan3A_193, %mul3A_443 : i32
        %add3A_445 = arith.constant 23 : i32
        %add3A_446 = arith.addi %mul3A_444, %add3A_445 : i32
        %get3A_447 = arith.constant 1 : i32
        %get3A_448 = arith.index_cast %get3A_447 : i32 to index
        %get3A_449 = arith.index_cast %add3A_446 : i32 to index
        %get3A_450 = arith.constant 0 : index
        %get3A_451 = tpu.vector_load %arg6[%get3A_448, %get3A_449, %get3A_450] {strides = array<i32>} : memref<2x128x128xf32, #tpu.memory_space<vmem>>, vector<1x1x16xf32>,
        %get3A_452 = vector.shape_cast %get3A_451 : vector<1x1x16xf32> to vector<16xf32>
        %add3A_453 = arith.addf %add3A_442, %get3A_452 : vector<16xf32>
        %mul3A_454 = arith.constant 32 : i32
        %mul3A_455 = arith.muli %scan3A_193, %mul3A_454 : i32
        %add3A_456 = arith.constant 24 : i32
        %add3A_457 = arith.addi %mul3A_455, %add3A_456 : i32
        %get3A_458 = arith.constant 1 : i32
        %get3A_459 = arith.index_cast %get3A_458 : i32 to index
        %get3A_460 = arith.index_cast %add3A_457 : i32 to index
        %get3A_461 = arith.constant 0 : index
        %get3A_462 = tpu.vector_load %arg6[%get3A_459, %get3A_460, %get3A_461] {strides = array<i32>} : memref<2x128x128xf32, #tpu.memory_space<vmem>>, vector<1x1x16xf32>,
        %get3A_463 = vector.shape_cast %get3A_462 : vector<1x1x16xf32> to vector<16xf32>
        %add3A_464 = arith.addf %add3A_453, %get3A_463 : vector<16xf32>
        %mul3A_465 = arith.constant 32 : i32
        %mul3A_466 = arith.muli %scan3A_193, %mul3A_465 : i32
        %add3A_467 = arith.constant 25 : i32
        %add3A_468 = arith.addi %mul3A_466, %add3A_467 : i32
        %get3A_469 = arith.constant 1 : i32
        %get3A_470 = arith.index_cast %get3A_469 : i32 to index
        %get3A_471 = arith.index_cast %add3A_468 : i32 to index
        %get3A_472 = arith.constant 0 : index
        %get3A_473 = tpu.vector_load %arg6[%get3A_470, %get3A_471, %get3A_472] {strides = array<i32>} : memref<2x128x128xf32, #tpu.memory_space<vmem>>, vector<1x1x16xf32>,
        %get3A_474 = vector.shape_cast %get3A_473 : vector<1x1x16xf32> to vector<16xf32>
        %add3A_475 = arith.addf %add3A_464, %get3A_474 : vector<16xf32>
        %mul3A_476 = arith.constant 32 : i32
        %mul3A_477 = arith.muli %scan3A_193, %mul3A_476 : i32
        %add3A_478 = arith.constant 26 : i32
        %add3A_479 = arith.addi %mul3A_477, %add3A_478 : i32
        %get3A_480 = arith.constant 1 : i32
        %get3A_481 = arith.index_cast %get3A_480 : i32 to index
        %get3A_482 = arith.index_cast %add3A_479 : i32 to index
        %get3A_483 = arith.constant 0 : index
        %get3A_484 = tpu.vector_load %arg6[%get3A_481, %get3A_482, %get3A_483] {strides = array<i32>} : memref<2x128x128xf32, #tpu.memory_space<vmem>>, vector<1x1x16xf32>,
        %get3A_485 = vector.shape_cast %get3A_484 : vector<1x1x16xf32> to vector<16xf32>
        %add3A_486 = arith.addf %add3A_475, %get3A_485 : vector<16xf32>
        %mul3A_487 = arith.constant 32 : i32
        %mul3A_488 = arith.muli %scan3A_193, %mul3A_487 : i32
        %add3A_489 = arith.constant 27 : i32
        %add3A_490 = arith.addi %mul3A_488, %add3A_489 : i32
        %get3A_491 = arith.constant 1 : i32
        %get3A_492 = arith.index_cast %get3A_491 : i32 to index
        %get3A_493 = arith.index_cast %add3A_490 : i32 to index
        %get3A_494 = arith.constant 0 : index
        %get3A_495 = tpu.vector_load %arg6[%get3A_492, %get3A_493, %get3A_494] {strides = array<i32>} : memref<2x128x128xf32, #tpu.memory_space<vmem>>, vector<1x1x16xf32>,
        %get3A_496 = vector.shape_cast %get3A_495 : vector<1x1x16xf32> to vector<16xf32>
        %add3A_497 = arith.addf %add3A_486, %get3A_496 : vector<16xf32>
        %mul3A_498 = arith.constant 32 : i32
        %mul3A_499 = arith.muli %scan3A_193, %mul3A_498 : i32
        %add3A_500 = arith.constant 28 : i32
        %add3A_501 = arith.addi %mul3A_499, %add3A_500 : i32
        %get3A_502 = arith.constant 1 : i32
        %get3A_503 = arith.index_cast %get3A_502 : i32 to index
        %get3A_504 = arith.index_cast %add3A_501 : i32 to index
        %get3A_505 = arith.constant 0 : index
        %get3A_506 = tpu.vector_load %arg6[%get3A_503, %get3A_504, %get3A_505] {strides = array<i32>} : memref<2x128x128xf32, #tpu.memory_space<vmem>>, vector<1x1x16xf32>,
        %get3A_507 = vector.shape_cast %get3A_506 : vector<1x1x16xf32> to vector<16xf32>
        %add3A_508 = arith.addf %add3A_497, %get3A_507 : vector<16xf32>
        %mul3A_509 = arith.constant 32 : i32
        %mul3A_510 = arith.muli %scan3A_193, %mul3A_509 : i32
        %add3A_511 = arith.constant 29 : i32
        %add3A_512 = arith.addi %mul3A_510, %add3A_511 : i32
        %get3A_513 = arith.constant 1 : i32
        %get3A_514 = arith.index_cast %get3A_513 : i32 to index
        %get3A_515 = arith.index_cast %add3A_512 : i32 to index
        %get3A_516 = arith.constant 0 : index
        %get3A_517 = tpu.vector_load %arg6[%get3A_514, %get3A_515, %get3A_516] {strides = array<i32>} : memref<2x128x128xf32, #tpu.memory_space<vmem>>, vector<1x1x16xf32>,
        %get3A_518 = vector.shape_cast %get3A_517 : vector<1x1x16xf32> to vector<16xf32>
        %add3A_519 = arith.addf %add3A_508, %get3A_518 : vector<16xf32>
        %mul3A_520 = arith.constant 32 : i32
        %mul3A_521 = arith.muli %scan3A_193, %mul3A_520 : i32
        %add3A_522 = arith.constant 30 : i32
        %add3A_523 = arith.addi %mul3A_521, %add3A_522 : i32
        %get3A_524 = arith.constant 1 : i32
        %get3A_525 = arith.index_cast %get3A_524 : i32 to index
        %get3A_526 = arith.index_cast %add3A_523 : i32 to index
        %get3A_527 = arith.constant 0 : index
        %get3A_528 = tpu.vector_load %arg6[%get3A_525, %get3A_526, %get3A_527] {strides = array<i32>} : memref<2x128x128xf32, #tpu.memory_space<vmem>>, vector<1x1x16xf32>,
        %get3A_529 = vector.shape_cast %get3A_528 : vector<1x1x16xf32> to vector<16xf32>
        %add3A_530 = arith.addf %add3A_519, %get3A_529 : vector<16xf32>
        %mul3A_531 = arith.constant 32 : i32
        %mul3A_532 = arith.muli %scan3A_193, %mul3A_531 : i32
        %add3A_533 = arith.constant 31 : i32
        %add3A_534 = arith.addi %mul3A_532, %add3A_533 : i32
        %get3A_535 = arith.constant 1 : i32
        %get3A_536 = arith.index_cast %get3A_535 : i32 to index
        %get3A_537 = arith.index_cast %add3A_534 : i32 to index
        %get3A_538 = arith.constant 0 : index
        %get3A_539 = tpu.vector_load %arg6[%get3A_536, %get3A_537, %get3A_538] {strides = array<i32>} : memref<2x128x128xf32, #tpu.memory_space<vmem>>, vector<1x1x16xf32>,
        %get3A_540 = vector.shape_cast %get3A_539 : vector<1x1x16xf32> to vector<16xf32>
        %add3A_541 = arith.addf %add3A_530, %get3A_540 : vector<16xf32>
        %swap3A = arith.constant 1 : i32
        %swap3A_542 = arith.index_cast %swap3A : i32 to index
        %swap3A_543 = arith.index_cast %scan3A_193 : i32 to index
        %swap3A_544 = arith.constant 0 : index
        %swap3A_545 = tpu.vector_load %arg7[%swap3A_542, %swap3A_543, %swap3A_544] {strides = array<i32>} : memref<2x4x128xf32, #tpu.memory_space<vmem>>, vector<1x1x16xf32>,
        %swap3A_546 = vector.shape_cast %swap3A_545 : vector<1x1x16xf32> to vector<16xf32>
        %swap3A_547 = vector.shape_cast %add3A_541 : vector<16xf32> to vector<1x1x16xf32>
        tpu.vector_store %arg7[%swap3A_542, %swap3A_543, %swap3A_544], %swap3A_547 {strides = array<i32>} : memref<2x4x128xf32, #tpu.memory_space<vmem>>, vector<1x1x16xf32>,
        %mul3A_548 = arith.constant 32 : i32
        %mul3A_549 = arith.muli %scan3A_193, %mul3A_548 : i32
        %get3A_550 = arith.constant 1 : i32
        %get3A_551 = arith.index_cast %get3A_550 : i32 to index
        %get3A_552 = arith.index_cast %mul3A_549 : i32 to index
        %get3A_553 = arith.constant 16 : index
        %get3A_554 = tpu.vector_load %arg6[%get3A_551, %get3A_552, %get3A_553] {strides = array<i32>} : memref<2x128x128xf32, #tpu.memory_space<vmem>>, vector<1x1x16xf32>,
        %get3A_555 = vector.shape_cast %get3A_554 : vector<1x1x16xf32> to vector<16xf32>
        %mul3A_556 = arith.constant 32 : i32
        %mul3A_557 = arith.muli %scan3A_193, %mul3A_556 : i32
        %add3A_558 = arith.constant 1 : i32
        %add3A_559 = arith.addi %mul3A_557, %add3A_558 : i32
        %get3A_560 = arith.constant 1 : i32
        %get3A_561 = arith.index_cast %get3A_560 : i32 to index
        %get3A_562 = arith.index_cast %add3A_559 : i32 to index
        %get3A_563 = arith.constant 16 : index
        %get3A_564 = tpu.vector_load %arg6[%get3A_561, %get3A_562, %get3A_563] {strides = array<i32>} : memref<2x128x128xf32, #tpu.memory_space<vmem>>, vector<1x1x16xf32>,
        %get3A_565 = vector.shape_cast %get3A_564 : vector<1x1x16xf32> to vector<16xf32>
        %add3A_566 = arith.addf %get3A_555, %get3A_565 : vector<16xf32>
        %mul3A_567 = arith.constant 32 : i32
        %mul3A_568 = arith.muli %scan3A_193, %mul3A_567 : i32
        %add3A_569 = arith.constant 2 : i32
        %add3A_570 = arith.addi %mul3A_568, %add3A_569 : i32
        %get3A_571 = arith.constant 1 : i32
        %get3A_572 = arith.index_cast %get3A_571 : i32 to index
        %get3A_573 = arith.index_cast %add3A_570 : i32 to index
        %get3A_574 = arith.constant 16 : index
        %get3A_575 = tpu.vector_load %arg6[%get3A_572, %get3A_573, %get3A_574] {strides = array<i32>} : memref<2x128x128xf32, #tpu.memory_space<vmem>>, vector<1x1x16xf32>,
        %get3A_576 = vector.shape_cast %get3A_575 : vector<1x1x16xf32> to vector<16xf32>
        %add3A_577 = arith.addf %add3A_566, %get3A_576 : vector<16xf32>
        %mul3A_578 = arith.constant 32 : i32
        %mul3A_579 = arith.muli %scan3A_193, %mul3A_578 : i32
        %add3A_580 = arith.constant 3 : i32
        %add3A_581 = arith.addi %mul3A_579, %add3A_580 : i32
        %get3A_582 = arith.constant 1 : i32
        %get3A_583 = arith.index_cast %get3A_582 : i32 to index
        %get3A_584 = arith.index_cast %add3A_581 : i32 to index
        %get3A_585 = arith.constant 16 : index
        %get3A_586 = tpu.vector_load %arg6[%get3A_583, %get3A_584, %get3A_585] {strides = array<i32>} : memref<2x128x128xf32, #tpu.memory_space<vmem>>, vector<1x1x16xf32>,
        %get3A_587 = vector.shape_cast %get3A_586 : vector<1x1x16xf32> to vector<16xf32>
        %add3A_588 = arith.addf %add3A_577, %get3A_587 : vector<16xf32>
        %mul3A_589 = arith.constant 32 : i32
        %mul3A_590 = arith.muli %scan3A_193, %mul3A_589 : i32
        %add3A_591 = arith.constant 4 : i32
        %add3A_592 = arith.addi %mul3A_590, %add3A_591 : i32
        %get3A_593 = arith.constant 1 : i32
        %get3A_594 = arith.index_cast %get3A_593 : i32 to index
        %get3A_595 = arith.index_cast %add3A_592 : i32 to index
        %get3A_596 = arith.constant 16 : index
        %get3A_597 = tpu.vector_load %arg6[%get3A_594, %get3A_595, %get3A_596] {strides = array<i32>} : memref<2x128x128xf32, #tpu.memory_space<vmem>>, vector<1x1x16xf32>,
        %get3A_598 = vector.shape_cast %get3A_597 : vector<1x1x16xf32> to vector<16xf32>
        %add3A_599 = arith.addf %add3A_588, %get3A_598 : vector<16xf32>
        %mul3A_600 = arith.constant 32 : i32
        %mul3A_601 = arith.muli %scan3A_193, %mul3A_600 : i32
        %add3A_602 = arith.constant 5 : i32
        %add3A_603 = arith.addi %mul3A_601, %add3A_602 : i32
        %get3A_604 = arith.constant 1 : i32
        %get3A_605 = arith.index_cast %get3A_604 : i32 to index
        %get3A_606 = arith.index_cast %add3A_603 : i32 to index
        %get3A_607 = arith.constant 16 : index
        %get3A_608 = tpu.vector_load %arg6[%get3A_605, %get3A_606, %get3A_607] {strides = array<i32>} : memref<2x128x128xf32, #tpu.memory_space<vmem>>, vector<1x1x16xf32>,
        %get3A_609 = vector.shape_cast %get3A_608 : vector<1x1x16xf32> to vector<16xf32>
        %add3A_610 = arith.addf %add3A_599, %get3A_609 : vector<16xf32>
        %mul3A_611 = arith.constant 32 : i32
        %mul3A_612 = arith.muli %scan3A_193, %mul3A_611 : i32
        %add3A_613 = arith.constant 6 : i32
        %add3A_614 = arith.addi %mul3A_612, %add3A_613 : i32
        %get3A_615 = arith.constant 1 : i32
        %get3A_616 = arith.index_cast %get3A_615 : i32 to index
        %get3A_617 = arith.index_cast %add3A_614 : i32 to index
        %get3A_618 = arith.constant 16 : index
        %get3A_619 = tpu.vector_load %arg6[%get3A_616, %get3A_617, %get3A_618] {strides = array<i32>} : memref<2x128x128xf32, #tpu.memory_space<vmem>>, vector<1x1x16xf32>,
        %get3A_620 = vector.shape_cast %get3A_619 : vector<1x1x16xf32> to vector<16xf32>
        %add3A_621 = arith.addf %add3A_610, %get3A_620 : vector<16xf32>
        %mul3A_622 = arith.constant 32 : i32
        %mul3A_623 = arith.muli %scan3A_193, %mul3A_622 : i32
        %add3A_624 = arith.constant 7 : i32
        %add3A_625 = arith.addi %mul3A_623, %add3A_624 : i32
        %get3A_626 = arith.constant 1 : i32
        %get3A_627 = arith.index_cast %get3A_626 : i32 to index
        %get3A_628 = arith.index_cast %add3A_625 : i32 to index
        %get3A_629 = arith.constant 16 : index
        %get3A_630 = tpu.vector_load %arg6[%get3A_627, %get3A_628, %get3A_629] {strides = array<i32>} : memref<2x128x128xf32, #tpu.memory_space<vmem>>, vector<1x1x16xf32>,
        %get3A_631 = vector.shape_cast %get3A_630 : vector<1x1x16xf32> to vector<16xf32>
        %add3A_632 = arith.addf %add3A_621, %get3A_631 : vector<16xf32>
        %mul3A_633 = arith.constant 32 : i32
        %mul3A_634 = arith.muli %scan3A_193, %mul3A_633 : i32
        %add3A_635 = arith.constant 8 : i32
        %add3A_636 = arith.addi %mul3A_634, %add3A_635 : i32
        %get3A_637 = arith.constant 1 : i32
        %get3A_638 = arith.index_cast %get3A_637 : i32 to index
        %get3A_639 = arith.index_cast %add3A_636 : i32 to index
        %get3A_640 = arith.constant 16 : index
        %get3A_641 = tpu.vector_load %arg6[%get3A_638, %get3A_639, %get3A_640] {strides = array<i32>} : memref<2x128x128xf32, #tpu.memory_space<vmem>>, vector<1x1x16xf32>,
        %get3A_642 = vector.shape_cast %get3A_641 : vector<1x1x16xf32> to vector<16xf32>
        %add3A_643 = arith.addf %add3A_632, %get3A_642 : vector<16xf32>
        %mul3A_644 = arith.constant 32 : i32
        %mul3A_645 = arith.muli %scan3A_193, %mul3A_644 : i32
        %add3A_646 = arith.constant 9 : i32
        %add3A_647 = arith.addi %mul3A_645, %add3A_646 : i32
        %get3A_648 = arith.constant 1 : i32
        %get3A_649 = arith.index_cast %get3A_648 : i32 to index
        %get3A_650 = arith.index_cast %add3A_647 : i32 to index
        %get3A_651 = arith.constant 16 : index
        %get3A_652 = tpu.vector_load %arg6[%get3A_649, %get3A_650, %get3A_651] {strides = array<i32>} : memref<2x128x128xf32, #tpu.memory_space<vmem>>, vector<1x1x16xf32>,
        %get3A_653 = vector.shape_cast %get3A_652 : vector<1x1x16xf32> to vector<16xf32>
        %add3A_654 = arith.addf %add3A_643, %get3A_653 : vector<16xf32>
        %mul3A_655 = arith.constant 32 : i32
        %mul3A_656 = arith.muli %scan3A_193, %mul3A_655 : i32
        %add3A_657 = arith.constant 10 : i32
        %add3A_658 = arith.addi %mul3A_656, %add3A_657 : i32
        %get3A_659 = arith.constant 1 : i32
        %get3A_660 = arith.index_cast %get3A_659 : i32 to index
        %get3A_661 = arith.index_cast %add3A_658 : i32 to index
        %get3A_662 = arith.constant 16 : index
        %get3A_663 = tpu.vector_load %arg6[%get3A_660, %get3A_661, %get3A_662] {strides = array<i32>} : memref<2x128x128xf32, #tpu.memory_space<vmem>>, vector<1x1x16xf32>,
        %get3A_664 = vector.shape_cast %get3A_663 : vector<1x1x16xf32> to vector<16xf32>
        %add3A_665 = arith.addf %add3A_654, %get3A_664 : vector<16xf32>
        %mul3A_666 = arith.constant 32 : i32
        %mul3A_667 = arith.muli %scan3A_193, %mul3A_666 : i32
        %add3A_668 = arith.constant 11 : i32
        %add3A_669 = arith.addi %mul3A_667, %add3A_668 : i32
        %get3A_670 = arith.constant 1 : i32
        %get3A_671 = arith.index_cast %get3A_670 : i32 to index
        %get3A_672 = arith.index_cast %add3A_669 : i32 to index
        %get3A_673 = arith.constant 16 : index
        %get3A_674 = tpu.vector_load %arg6[%get3A_671, %get3A_672, %get3A_673] {strides = array<i32>} : memref<2x128x128xf32, #tpu.memory_space<vmem>>, vector<1x1x16xf32>,
        %get3A_675 = vector.shape_cast %get3A_674 : vector<1x1x16xf32> to vector<16xf32>
        %add3A_676 = arith.addf %add3A_665, %get3A_675 : vector<16xf32>
        %mul3A_677 = arith.constant 32 : i32
        %mul3A_678 = arith.muli %scan3A_193, %mul3A_677 : i32
        %add3A_679 = arith.constant 12 : i32
        %add3A_680 = arith.addi %mul3A_678, %add3A_679 : i32
        %get3A_681 = arith.constant 1 : i32
        %get3A_682 = arith.index_cast %get3A_681 : i32 to index
        %get3A_683 = arith.index_cast %add3A_680 : i32 to index
        %get3A_684 = arith.constant 16 : index
        %get3A_685 = tpu.vector_load %arg6[%get3A_682, %get3A_683, %get3A_684] {strides = array<i32>} : memref<2x128x128xf32, #tpu.memory_space<vmem>>, vector<1x1x16xf32>,
        %get3A_686 = vector.shape_cast %get3A_685 : vector<1x1x16xf32> to vector<16xf32>
        %add3A_687 = arith.addf %add3A_676, %get3A_686 : vector<16xf32>
        %mul3A_688 = arith.constant 32 : i32
        %mul3A_689 = arith.muli %scan3A_193, %mul3A_688 : i32
        %add3A_690 = arith.constant 13 : i32
        %add3A_691 = arith.addi %mul3A_689, %add3A_690 : i32
        %get3A_692 = arith.constant 1 : i32
        %get3A_693 = arith.index_cast %get3A_692 : i32 to index
        %get3A_694 = arith.index_cast %add3A_691 : i32 to index
        %get3A_695 = arith.constant 16 : index
        %get3A_696 = tpu.vector_load %arg6[%get3A_693, %get3A_694, %get3A_695] {strides = array<i32>} : memref<2x128x128xf32, #tpu.memory_space<vmem>>, vector<1x1x16xf32>,
        %get3A_697 = vector.shape_cast %get3A_696 : vector<1x1x16xf32> to vector<16xf32>
        %add3A_698 = arith.addf %add3A_687, %get3A_697 : vector<16xf32>
        %mul3A_699 = arith.constant 32 : i32
        %mul3A_700 = arith.muli %scan3A_193, %mul3A_699 : i32
        %add3A_701 = arith.constant 14 : i32
        %add3A_702 = arith.addi %mul3A_700, %add3A_701 : i32
        %get3A_703 = arith.constant 1 : i32
        %get3A_704 = arith.index_cast %get3A_703 : i32 to index
        %get3A_705 = arith.index_cast %add3A_702 : i32 to index
        %get3A_706 = arith.constant 16 : index
        %get3A_707 = tpu.vector_load %arg6[%get3A_704, %get3A_705, %get3A_706] {strides = array<i32>} : memref<2x128x128xf32, #tpu.memory_space<vmem>>, vector<1x1x16xf32>,
        %get3A_708 = vector.shape_cast %get3A_707 : vector<1x1x16xf32> to vector<16xf32>
        %add3A_709 = arith.addf %add3A_698, %get3A_708 : vector<16xf32>
        %mul3A_710 = arith.constant 32 : i32
        %mul3A_711 = arith.muli %scan3A_193, %mul3A_710 : i32
        %add3A_712 = arith.constant 15 : i32
        %add3A_713 = arith.addi %mul3A_711, %add3A_712 : i32
        %get3A_714 = arith.constant 1 : i32
        %get3A_715 = arith.index_cast %get3A_714 : i32 to index
        %get3A_716 = arith.index_cast %add3A_713 : i32 to index
        %get3A_717 = arith.constant 16 : index
        %get3A_718 = tpu.vector_load %arg6[%get3A_715, %get3A_716, %get3A_717] {strides = array<i32>} : memref<2x128x128xf32, #tpu.memory_space<vmem>>, vector<1x1x16xf32>,
        %get3A_719 = vector.shape_cast %get3A_718 : vector<1x1x16xf32> to vector<16xf32>
        %add3A_720 = arith.addf %add3A_709, %get3A_719 : vector<16xf32>
        %mul3A_721 = arith.constant 32 : i32
        %mul3A_722 = arith.muli %scan3A_193, %mul3A_721 : i32
        %add3A_723 = arith.constant 16 : i32
        %add3A_724 = arith.addi %mul3A_722, %add3A_723 : i32
        %get3A_725 = arith.constant 1 : i32
        %get3A_726 = arith.index_cast %get3A_725 : i32 to index
        %get3A_727 = arith.index_cast %add3A_724 : i32 to index
        %get3A_728 = arith.constant 16 : index
        %get3A_729 = tpu.vector_load %arg6[%get3A_726, %get3A_727, %get3A_728] {strides = array<i32>} : memref<2x128x128xf32, #tpu.memory_space<vmem>>, vector<1x1x16xf32>,
        %get3A_730 = vector.shape_cast %get3A_729 : vector<1x1x16xf32> to vector<16xf32>
        %add3A_731 = arith.addf %add3A_720, %get3A_730 : vector<16xf32>
        %mul3A_732 = arith.constant 32 : i32
        %mul3A_733 = arith.muli %scan3A_193, %mul3A_732 : i32
        %add3A_734 = arith.constant 17 : i32
        %add3A_735 = arith.addi %mul3A_733, %add3A_734 : i32
        %get3A_736 = arith.constant 1 : i32
        %get3A_737 = arith.index_cast %get3A_736 : i32 to index
        %get3A_738 = arith.index_cast %add3A_735 : i32 to index
        %get3A_739 = arith.constant 16 : index
        %get3A_740 = tpu.vector_load %arg6[%get3A_737, %get3A_738, %get3A_739] {strides = array<i32>} : memref<2x128x128xf32, #tpu.memory_space<vmem>>, vector<1x1x16xf32>,
        %get3A_741 = vector.shape_cast %get3A_740 : vector<1x1x16xf32> to vector<16xf32>
        %add3A_742 = arith.addf %add3A_731, %get3A_741 : vector<16xf32>
        %mul3A_743 = arith.constant 32 : i32
        %mul3A_744 = arith.muli %scan3A_193, %mul3A_743 : i32
        %add3A_745 = arith.constant 18 : i32
        %add3A_746 = arith.addi %mul3A_744, %add3A_745 : i32
        %get3A_747 = arith.constant 1 : i32
        %get3A_748 = arith.index_cast %get3A_747 : i32 to index
        %get3A_749 = arith.index_cast %add3A_746 : i32 to index
        %get3A_750 = arith.constant 16 : index
        %get3A_751 = tpu.vector_load %arg6[%get3A_748, %get3A_749, %get3A_750] {strides = array<i32>} : memref<2x128x128xf32, #tpu.memory_space<vmem>>, vector<1x1x16xf32>,
        %get3A_752 = vector.shape_cast %get3A_751 : vector<1x1x16xf32> to vector<16xf32>
        %add3A_753 = arith.addf %add3A_742, %get3A_752 : vector<16xf32>
        %mul3A_754 = arith.constant 32 : i32
        %mul3A_755 = arith.muli %scan3A_193, %mul3A_754 : i32
        %add3A_756 = arith.constant 19 : i32
        %add3A_757 = arith.addi %mul3A_755, %add3A_756 : i32
        %get3A_758 = arith.constant 1 : i32
        %get3A_759 = arith.index_cast %get3A_758 : i32 to index
        %get3A_760 = arith.index_cast %add3A_757 : i32 to index
        %get3A_761 = arith.constant 16 : index
        %get3A_762 = tpu.vector_load %arg6[%get3A_759, %get3A_760, %get3A_761] {strides = array<i32>} : memref<2x128x128xf32, #tpu.memory_space<vmem>>, vector<1x1x16xf32>,
        %get3A_763 = vector.shape_cast %get3A_762 : vector<1x1x16xf32> to vector<16xf32>
        %add3A_764 = arith.addf %add3A_753, %get3A_763 : vector<16xf32>
        %mul3A_765 = arith.constant 32 : i32
        %mul3A_766 = arith.muli %scan3A_193, %mul3A_765 : i32
        %add3A_767 = arith.constant 20 : i32
        %add3A_768 = arith.addi %mul3A_766, %add3A_767 : i32
        %get3A_769 = arith.constant 1 : i32
        %get3A_770 = arith.index_cast %get3A_769 : i32 to index
        %get3A_771 = arith.index_cast %add3A_768 : i32 to index
        %get3A_772 = arith.constant 16 : index
        %get3A_773 = tpu.vector_load %arg6[%get3A_770, %get3A_771, %get3A_772] {strides = array<i32>} : memref<2x128x128xf32, #tpu.memory_space<vmem>>, vector<1x1x16xf32>,
        %get3A_774 = vector.shape_cast %get3A_773 : vector<1x1x16xf32> to vector<16xf32>
        %add3A_775 = arith.addf %add3A_764, %get3A_774 : vector<16xf32>
        %mul3A_776 = arith.constant 32 : i32
        %mul3A_777 = arith.muli %scan3A_193, %mul3A_776 : i32
        %add3A_778 = arith.constant 21 : i32
        %add3A_779 = arith.addi %mul3A_777, %add3A_778 : i32
        %get3A_780 = arith.constant 1 : i32
        %get3A_781 = arith.index_cast %get3A_780 : i32 to index
        %get3A_782 = arith.index_cast %add3A_779 : i32 to index
        %get3A_783 = arith.constant 16 : index
        %get3A_784 = tpu.vector_load %arg6[%get3A_781, %get3A_782, %get3A_783] {strides = array<i32>} : memref<2x128x128xf32, #tpu.memory_space<vmem>>, vector<1x1x16xf32>,
        %get3A_785 = vector.shape_cast %get3A_784 : vector<1x1x16xf32> to vector<16xf32>
        %add3A_786 = arith.addf %add3A_775, %get3A_785 : vector<16xf32>
        %mul3A_787 = arith.constant 32 : i32
        %mul3A_788 = arith.muli %scan3A_193, %mul3A_787 : i32
        %add3A_789 = arith.constant 22 : i32
        %add3A_790 = arith.addi %mul3A_788, %add3A_789 : i32
        %get3A_791 = arith.constant 1 : i32
        %get3A_792 = arith.index_cast %get3A_791 : i32 to index
        %get3A_793 = arith.index_cast %add3A_790 : i32 to index
        %get3A_794 = arith.constant 16 : index
        %get3A_795 = tpu.vector_load %arg6[%get3A_792, %get3A_793, %get3A_794] {strides = array<i32>} : memref<2x128x128xf32, #tpu.memory_space<vmem>>, vector<1x1x16xf32>,
        %get3A_796 = vector.shape_cast %get3A_795 : vector<1x1x16xf32> to vector<16xf32>
        %add3A_797 = arith.addf %add3A_786, %get3A_796 : vector<16xf32>
        %mul3A_798 = arith.constant 32 : i32
        %mul3A_799 = arith.muli %scan3A_193, %mul3A_798 : i32
        %add3A_800 = arith.constant 23 : i32
        %add3A_801 = arith.addi %mul3A_799, %add3A_800 : i32
        %get3A_802 = arith.constant 1 : i32
        %get3A_803 = arith.index_cast %get3A_802 : i32 to index
        %get3A_804 = arith.index_cast %add3A_801 : i32 to index
        %get3A_805 = arith.constant 16 : index
        %get3A_806 = tpu.vector_load %arg6[%get3A_803, %get3A_804, %get3A_805] {strides = array<i32>} : memref<2x128x128xf32, #tpu.memory_space<vmem>>, vector<1x1x16xf32>,
        %get3A_807 = vector.shape_cast %get3A_806 : vector<1x1x16xf32> to vector<16xf32>
        %add3A_808 = arith.addf %add3A_797, %get3A_807 : vector<16xf32>
        %mul3A_809 = arith.constant 32 : i32
        %mul3A_810 = arith.muli %scan3A_193, %mul3A_809 : i32
        %add3A_811 = arith.constant 24 : i32
        %add3A_812 = arith.addi %mul3A_810, %add3A_811 : i32
        %get3A_813 = arith.constant 1 : i32
        %get3A_814 = arith.index_cast %get3A_813 : i32 to index
        %get3A_815 = arith.index_cast %add3A_812 : i32 to index
        %get3A_816 = arith.constant 16 : index
        %get3A_817 = tpu.vector_load %arg6[%get3A_814, %get3A_815, %get3A_816] {strides = array<i32>} : memref<2x128x128xf32, #tpu.memory_space<vmem>>, vector<1x1x16xf32>,
        %get3A_818 = vector.shape_cast %get3A_817 : vector<1x1x16xf32> to vector<16xf32>
        %add3A_819 = arith.addf %add3A_808, %get3A_818 : vector<16xf32>
        %mul3A_820 = arith.constant 32 : i32
        %mul3A_821 = arith.muli %scan3A_193, %mul3A_820 : i32
        %add3A_822 = arith.constant 25 : i32
        %add3A_823 = arith.addi %mul3A_821, %add3A_822 : i32
        %get3A_824 = arith.constant 1 : i32
        %get3A_825 = arith.index_cast %get3A_824 : i32 to index
        %get3A_826 = arith.index_cast %add3A_823 : i32 to index
        %get3A_827 = arith.constant 16 : index
        %get3A_828 = tpu.vector_load %arg6[%get3A_825, %get3A_826, %get3A_827] {strides = array<i32>} : memref<2x128x128xf32, #tpu.memory_space<vmem>>, vector<1x1x16xf32>,
        %get3A_829 = vector.shape_cast %get3A_828 : vector<1x1x16xf32> to vector<16xf32>
        %add3A_830 = arith.addf %add3A_819, %get3A_829 : vector<16xf32>
        %mul3A_831 = arith.constant 32 : i32
        %mul3A_832 = arith.muli %scan3A_193, %mul3A_831 : i32
        %add3A_833 = arith.constant 26 : i32
        %add3A_834 = arith.addi %mul3A_832, %add3A_833 : i32
        %get3A_835 = arith.constant 1 : i32
        %get3A_836 = arith.index_cast %get3A_835 : i32 to index
        %get3A_837 = arith.index_cast %add3A_834 : i32 to index
        %get3A_838 = arith.constant 16 : index
        %get3A_839 = tpu.vector_load %arg6[%get3A_836, %get3A_837, %get3A_838] {strides = array<i32>} : memref<2x128x128xf32, #tpu.memory_space<vmem>>, vector<1x1x16xf32>,
        %get3A_840 = vector.shape_cast %get3A_839 : vector<1x1x16xf32> to vector<16xf32>
        %add3A_841 = arith.addf %add3A_830, %get3A_840 : vector<16xf32>
        %mul3A_842 = arith.constant 32 : i32
        %mul3A_843 = arith.muli %scan3A_193, %mul3A_842 : i32
        %add3A_844 = arith.constant 27 : i32
        %add3A_845 = arith.addi %mul3A_843, %add3A_844 : i32
        %get3A_846 = arith.constant 1 : i32
        %get3A_847 = arith.index_cast %get3A_846 : i32 to index
        %get3A_848 = arith.index_cast %add3A_845 : i32 to index
        %get3A_849 = arith.constant 16 : index
        %get3A_850 = tpu.vector_load %arg6[%get3A_847, %get3A_848, %get3A_849] {strides = array<i32>} : memref<2x128x128xf32, #tpu.memory_space<vmem>>, vector<1x1x16xf32>,
        %get3A_851 = vector.shape_cast %get3A_850 : vector<1x1x16xf32> to vector<16xf32>
        %add3A_852 = arith.addf %add3A_841, %get3A_851 : vector<16xf32>
        %mul3A_853 = arith.constant 32 : i32
        %mul3A_854 = arith.muli %scan3A_193, %mul3A_853 : i32
        %add3A_855 = arith.constant 28 : i32
        %add3A_856 = arith.addi %mul3A_854, %add3A_855 : i32
        %get3A_857 = arith.constant 1 : i32
        %get3A_858 = arith.index_cast %get3A_857 : i32 to index
        %get3A_859 = arith.index_cast %add3A_856 : i32 to index
        %get3A_860 = arith.constant 16 : index
        %get3A_861 = tpu.vector_load %arg6[%get3A_858, %get3A_859, %get3A_860] {strides = array<i32>} : memref<2x128x128xf32, #tpu.memory_space<vmem>>, vector<1x1x16xf32>,
        %get3A_862 = vector.shape_cast %get3A_861 : vector<1x1x16xf32> to vector<16xf32>
        %add3A_863 = arith.addf %add3A_852, %get3A_862 : vector<16xf32>
        %mul3A_864 = arith.constant 32 : i32
        %mul3A_865 = arith.muli %scan3A_193, %mul3A_864 : i32
        %add3A_866 = arith.constant 29 : i32
        %add3A_867 = arith.addi %mul3A_865, %add3A_866 : i32
        %get3A_868 = arith.constant 1 : i32
        %get3A_869 = arith.index_cast %get3A_868 : i32 to index
        %get3A_870 = arith.index_cast %add3A_867 : i32 to index
        %get3A_871 = arith.constant 16 : index
        %get3A_872 = tpu.vector_load %arg6[%get3A_869, %get3A_870, %get3A_871] {strides = array<i32>} : memref<2x128x128xf32, #tpu.memory_space<vmem>>, vector<1x1x16xf32>,
        %get3A_873 = vector.shape_cast %get3A_872 : vector<1x1x16xf32> to vector<16xf32>
        %add3A_874 = arith.addf %add3A_863, %get3A_873 : vector<16xf32>
        %mul3A_875 = arith.constant 32 : i32
        %mul3A_876 = arith.muli %scan3A_193, %mul3A_875 : i32
        %add3A_877 = arith.constant 30 : i32
        %add3A_878 = arith.addi %mul3A_876, %add3A_877 : i32
        %get3A_879 = arith.constant 1 : i32
        %get3A_880 = arith.index_cast %get3A_879 : i32 to index
        %get3A_881 = arith.index_cast %add3A_878 : i32 to index
        %get3A_882 = arith.constant 16 : index
        %get3A_883 = tpu.vector_load %arg6[%get3A_880, %get3A_881, %get3A_882] {strides = array<i32>} : memref<2x128x128xf32, #tpu.memory_space<vmem>>, vector<1x1x16xf32>,
        %get3A_884 = vector.shape_cast %get3A_883 : vector<1x1x16xf32> to vector<16xf32>
        %add3A_885 = arith.addf %add3A_874, %get3A_884 : vector<16xf32>
        %mul3A_886 = arith.constant 32 : i32
        %mul3A_887 = arith.muli %scan3A_193, %mul3A_886 : i32
        %add3A_888 = arith.constant 31 : i32
        %add3A_889 = arith.addi %mul3A_887, %add3A_888 : i32
        %get3A_890 = arith.constant 1 : i32
        %get3A_891 = arith.index_cast %get3A_890 : i32 to index
        %get3A_892 = arith.index_cast %add3A_889 : i32 to index
        %get3A_893 = arith.constant 16 : index
        %get3A_894 = tpu.vector_load %arg6[%get3A_891, %get3A_892, %get3A_893] {strides = array<i32>} : memref<2x128x128xf32, #tpu.memory_space<vmem>>, vector<1x1x16xf32>,
        %get3A_895 = vector.shape_cast %get3A_894 : vector<1x1x16xf32> to vector<16xf32>
        %add3A_896 = arith.addf %add3A_885, %get3A_895 : vector<16xf32>
        %swap3A_897 = arith.constant 1 : i32
        %swap3A_898 = arith.index_cast %swap3A_897 : i32 to index
        %swap3A_899 = arith.index_cast %scan3A_193 : i32 to index
        %swap3A_900 = arith.constant 16 : index
        %swap3A_901 = tpu.vector_load %arg7[%swap3A_898, %swap3A_899, %swap3A_900] {strides = array<i32>} : memref<2x4x128xf32, #tpu.memory_space<vmem>>, vector<1x1x16xf32>,
        %swap3A_902 = vector.shape_cast %swap3A_901 : vector<1x1x16xf32> to vector<16xf32>
        %swap3A_903 = vector.shape_cast %add3A_896 : vector<16xf32> to vector<1x1x16xf32>
        tpu.vector_store %arg7[%swap3A_898, %swap3A_899, %swap3A_900], %swap3A_903 {strides = array<i32>} : memref<2x4x128xf32, #tpu.memory_space<vmem>>, vector<1x1x16xf32>,
        %mul3A_904 = arith.constant 32 : i32
        %mul3A_905 = arith.muli %scan3A_193, %mul3A_904 : i32
        %get3A_906 = arith.constant 1 : i32
        %get3A_907 = arith.index_cast %get3A_906 : i32 to index
        %get3A_908 = arith.index_cast %mul3A_905 : i32 to index
        %get3A_909 = arith.constant 32 : index
        %get3A_910 = tpu.vector_load %arg6[%get3A_907, %get3A_908, %get3A_909] {strides = array<i32>} : memref<2x128x128xf32, #tpu.memory_space<vmem>>, vector<1x1x16xf32>,
        %get3A_911 = vector.shape_cast %get3A_910 : vector<1x1x16xf32> to vector<16xf32>
        %mul3A_912 = arith.constant 32 : i32
        %mul3A_913 = arith.muli %scan3A_193, %mul3A_912 : i32
        %add3A_914 = arith.constant 1 : i32
        %add3A_915 = arith.addi %mul3A_913, %add3A_914 : i32
        %get3A_916 = arith.constant 1 : i32
        %get3A_917 = arith.index_cast %get3A_916 : i32 to index
        %get3A_918 = arith.index_cast %add3A_915 : i32 to index
        %get3A_919 = arith.constant 32 : index
        %get3A_920 = tpu.vector_load %arg6[%get3A_917, %get3A_918, %get3A_919] {strides = array<i32>} : memref<2x128x128xf32, #tpu.memory_space<vmem>>, vector<1x1x16xf32>,
        %get3A_921 = vector.shape_cast %get3A_920 : vector<1x1x16xf32> to vector<16xf32>
        %add3A_922 = arith.addf %get3A_911, %get3A_921 : vector<16xf32>
        %mul3A_923 = arith.constant 32 : i32
        %mul3A_924 = arith.muli %scan3A_193, %mul3A_923 : i32
        %add3A_925 = arith.constant 2 : i32
        %add3A_926 = arith.addi %mul3A_924, %add3A_925 : i32
        %get3A_927 = arith.constant 1 : i32
        %get3A_928 = arith.index_cast %get3A_927 : i32 to index
        %get3A_929 = arith.index_cast %add3A_926 : i32 to index
        %get3A_930 = arith.constant 32 : index
        %get3A_931 = tpu.vector_load %arg6[%get3A_928, %get3A_929, %get3A_930] {strides = array<i32>} : memref<2x128x128xf32, #tpu.memory_space<vmem>>, vector<1x1x16xf32>,
        %get3A_932 = vector.shape_cast %get3A_931 : vector<1x1x16xf32> to vector<16xf32>
        %add3A_933 = arith.addf %add3A_922, %get3A_932 : vector<16xf32>
        %mul3A_934 = arith.constant 32 : i32
        %mul3A_935 = arith.muli %scan3A_193, %mul3A_934 : i32
        %add3A_936 = arith.constant 3 : i32
        %add3A_937 = arith.addi %mul3A_935, %add3A_936 : i32
        %get3A_938 = arith.constant 1 : i32
        %get3A_939 = arith.index_cast %get3A_938 : i32 to index
        %get3A_940 = arith.index_cast %add3A_937 : i32 to index
        %get3A_941 = arith.constant 32 : index
        %get3A_942 = tpu.vector_load %arg6[%get3A_939, %get3A_940, %get3A_941] {strides = array<i32>} : memref<2x128x128xf32, #tpu.memory_space<vmem>>, vector<1x1x16xf32>,
        %get3A_943 = vector.shape_cast %get3A_942 : vector<1x1x16xf32> to vector<16xf32>
        %add3A_944 = arith.addf %add3A_933, %get3A_943 : vector<16xf32>
        %mul3A_945 = arith.constant 32 : i32
        %mul3A_946 = arith.muli %scan3A_193, %mul3A_945 : i32
        %add3A_947 = arith.constant 4 : i32
        %add3A_948 = arith.addi %mul3A_946, %add3A_947 : i32
        %get3A_949 = arith.constant 1 : i32
        %get3A_950 = arith.index_cast %get3A_949 : i32 to index
        %get3A_951 = arith.index_cast %add3A_948 : i32 to index
        %get3A_952 = arith.constant 32 : index
        %get3A_953 = tpu.vector_load %arg6[%get3A_950, %get3A_951, %get3A_952] {strides = array<i32>} : memref<2x128x128xf32, #tpu.memory_space<vmem>>, vector<1x1x16xf32>,
        %get3A_954 = vector.shape_cast %get3A_953 : vector<1x1x16xf32> to vector<16xf32>
        %add3A_955 = arith.addf %add3A_944, %get3A_954 : vector<16xf32>
        %mul3A_956 = arith.constant 32 : i32
        %mul3A_957 = arith.muli %scan3A_193, %mul3A_956 : i32
        %add3A_958 = arith.constant 5 : i32
        %add3A_959 = arith.addi %mul3A_957, %add3A_958 : i32
        %get3A_960 = arith.constant 1 : i32
        %get3A_961 = arith.index_cast %get3A_960 : i32 to index
        %get3A_962 = arith.index_cast %add3A_959 : i32 to index
        %get3A_963 = arith.constant 32 : index
        %get3A_964 = tpu.vector_load %arg6[%get3A_961, %get3A_962, %get3A_963] {strides = array<i32>} : memref<2x128x128xf32, #tpu.memory_space<vmem>>, vector<1x1x16xf32>,
        %get3A_965 = vector.shape_cast %get3A_964 : vector<1x1x16xf32> to vector<16xf32>
        %add3A_966 = arith.addf %add3A_955, %get3A_965 : vector<16xf32>
        %mul3A_967 = arith.constant 32 : i32
        %mul3A_968 = arith.muli %scan3A_193, %mul3A_967 : i32
        %add3A_969 = arith.constant 6 : i32
        %add3A_970 = arith.addi %mul3A_968, %add3A_969 : i32
        %get3A_971 = arith.constant 1 : i32
        %get3A_972 = arith.index_cast %get3A_971 : i32 to index
        %get3A_973 = arith.index_cast %add3A_970 : i32 to index
        %get3A_974 = arith.constant 32 : index
        %get3A_975 = tpu.vector_load %arg6[%get3A_972, %get3A_973, %get3A_974] {strides = array<i32>} : memref<2x128x128xf32, #tpu.memory_space<vmem>>, vector<1x1x16xf32>,
        %get3A_976 = vector.shape_cast %get3A_975 : vector<1x1x16xf32> to vector<16xf32>
        %add3A_977 = arith.addf %add3A_966, %get3A_976 : vector<16xf32>
        %mul3A_978 = arith.constant 32 : i32
        %mul3A_979 = arith.muli %scan3A_193, %mul3A_978 : i32
        %add3A_980 = arith.constant 7 : i32
        %add3A_981 = arith.addi %mul3A_979, %add3A_980 : i32
        %get3A_982 = arith.constant 1 : i32
        %get3A_983 = arith.index_cast %get3A_982 : i32 to index
        %get3A_984 = arith.index_cast %add3A_981 : i32 to index
        %get3A_985 = arith.constant 32 : index
        %get3A_986 = tpu.vector_load %arg6[%get3A_983, %get3A_984, %get3A_985] {strides = array<i32>} : memref<2x128x128xf32, #tpu.memory_space<vmem>>, vector<1x1x16xf32>,
        %get3A_987 = vector.shape_cast %get3A_986 : vector<1x1x16xf32> to vector<16xf32>
        %add3A_988 = arith.addf %add3A_977, %get3A_987 : vector<16xf32>
        %mul3A_989 = arith.constant 32 : i32
        %mul3A_990 = arith.muli %scan3A_193, %mul3A_989 : i32
        %add3A_991 = arith.constant 8 : i32
        %add3A_992 = arith.addi %mul3A_990, %add3A_991 : i32
        %get3A_993 = arith.constant 1 : i32
        %get3A_994 = arith.index_cast %get3A_993 : i32 to index
        %get3A_995 = arith.index_cast %add3A_992 : i32 to index
        %get3A_996 = arith.constant 32 : index
        %get3A_997 = tpu.vector_load %arg6[%get3A_994, %get3A_995, %get3A_996] {strides = array<i32>} : memref<2x128x128xf32, #tpu.memory_space<vmem>>, vector<1x1x16xf32>,
        %get3A_998 = vector.shape_cast %get3A_997 : vector<1x1x16xf32> to vector<16xf32>
        %add3A_999 = arith.addf %add3A_988, %get3A_998 : vector<16xf32>
        %mul3A_1000 = arith.constant 32 : i32
        %mul3A_1001 = arith.muli %scan3A_193, %mul3A_1000 : i32
        %add3A_1002 = arith.constant 9 : i32
        %add3A_1003 = arith.addi %mul3A_1001, %add3A_1002 : i32
        %get3A_1004 = arith.constant 1 : i32
        %get3A_1005 = arith.index_cast %get3A_1004 : i32 to index
        %get3A_1006 = arith.index_cast %add3A_1003 : i32 to index
        %get3A_1007 = arith.constant 32 : index
        %get3A_1008 = tpu.vector_load %arg6[%get3A_1005, %get3A_1006, %get3A_1007] {strides = array<i32>} : memref<2x128x128xf32, #tpu.memory_space<vmem>>, vector<1x1x16xf32>,
        %get3A_1009 = vector.shape_cast %get3A_1008 : vector<1x1x16xf32> to vector<16xf32>
        %add3A_1010 = arith.addf %add3A_999, %get3A_1009 : vector<16xf32>
        %mul3A_1011 = arith.constant 32 : i32
        %mul3A_1012 = arith.muli %scan3A_193, %mul3A_1011 : i32
        %add3A_1013 = arith.constant 10 : i32
        %add3A_1014 = arith.addi %mul3A_1012, %add3A_1013 : i32
        %get3A_1015 = arith.constant 1 : i32
        %get3A_1016 = arith.index_cast %get3A_1015 : i32 to index
        %get3A_1017 = arith.index_cast %add3A_1014 : i32 to index
        %get3A_1018 = arith.constant 32 : index
        %get3A_1019 = tpu.vector_load %arg6[%get3A_1016, %get3A_1017, %get3A_1018] {strides = array<i32>} : memref<2x128x128xf32, #tpu.memory_space<vmem>>, vector<1x1x16xf32>,
        %get3A_1020 = vector.shape_cast %get3A_1019 : vector<1x1x16xf32> to vector<16xf32>
        %add3A_1021 = arith.addf %add3A_1010, %get3A_1020 : vector<16xf32>
        %mul3A_1022 = arith.constant 32 : i32
        %mul3A_1023 = arith.muli %scan3A_193, %mul3A_1022 : i32
        %add3A_1024 = arith.constant 11 : i32
        %add3A_1025 = arith.addi %mul3A_1023, %add3A_1024 : i32
        %get3A_1026 = arith.constant 1 : i32
        %get3A_1027 = arith.index_cast %get3A_1026 : i32 to index
        %get3A_1028 = arith.index_cast %add3A_1025 : i32 to index
        %get3A_1029 = arith.constant 32 : index
        %get3A_1030 = tpu.vector_load %arg6[%get3A_1027, %get3A_1028, %get3A_1029] {strides = array<i32>} : memref<2x128x128xf32, #tpu.memory_space<vmem>>, vector<1x1x16xf32>,
        %get3A_1031 = vector.shape_cast %get3A_1030 : vector<1x1x16xf32> to vector<16xf32>
        %add3A_1032 = arith.addf %add3A_1021, %get3A_1031 : vector<16xf32>
        %mul3A_1033 = arith.constant 32 : i32
        %mul3A_1034 = arith.muli %scan3A_193, %mul3A_1033 : i32
        %add3A_1035 = arith.constant 12 : i32
        %add3A_1036 = arith.addi %mul3A_1034, %add3A_1035 : i32
        %get3A_1037 = arith.constant 1 : i32
        %get3A_1038 = arith.index_cast %get3A_1037 : i32 to index
        %get3A_1039 = arith.index_cast %add3A_1036 : i32 to index
        %get3A_1040 = arith.constant 32 : index
        %get3A_1041 = tpu.vector_load %arg6[%get3A_1038, %get3A_1039, %get3A_1040] {strides = array<i32>} : memref<2x128x128xf32, #tpu.memory_space<vmem>>, vector<1x1x16xf32>,
        %get3A_1042 = vector.shape_cast %get3A_1041 : vector<1x1x16xf32> to vector<16xf32>
        %add3A_1043 = arith.addf %add3A_1032, %get3A_1042 : vector<16xf32>
        %mul3A_1044 = arith.constant 32 : i32
        %mul3A_1045 = arith.muli %scan3A_193, %mul3A_1044 : i32
        %add3A_1046 = arith.constant 13 : i32
        %add3A_1047 = arith.addi %mul3A_1045, %add3A_1046 : i32
        %get3A_1048 = arith.constant 1 : i32
        %get3A_1049 = arith.index_cast %get3A_1048 : i32 to index
        %get3A_1050 = arith.index_cast %add3A_1047 : i32 to index
        %get3A_1051 = arith.constant 32 : index
        %get3A_1052 = tpu.vector_load %arg6[%get3A_1049, %get3A_1050, %get3A_1051] {strides = array<i32>} : memref<2x128x128xf32, #tpu.memory_space<vmem>>, vector<1x1x16xf32>,
        %get3A_1053 = vector.shape_cast %get3A_1052 : vector<1x1x16xf32> to vector<16xf32>
        %add3A_1054 = arith.addf %add3A_1043, %get3A_1053 : vector<16xf32>
        %mul3A_1055 = arith.constant 32 : i32
        %mul3A_1056 = arith.muli %scan3A_193, %mul3A_1055 : i32
        %add3A_1057 = arith.constant 14 : i32
        %add3A_1058 = arith.addi %mul3A_1056, %add3A_1057 : i32
        %get3A_1059 = arith.constant 1 : i32
        %get3A_1060 = arith.index_cast %get3A_1059 : i32 to index
        %get3A_1061 = arith.index_cast %add3A_1058 : i32 to index
        %get3A_1062 = arith.constant 32 : index
        %get3A_1063 = tpu.vector_load %arg6[%get3A_1060, %get3A_1061, %get3A_1062] {strides = array<i32>} : memref<2x128x128xf32, #tpu.memory_space<vmem>>, vector<1x1x16xf32>,
        %get3A_1064 = vector.shape_cast %get3A_1063 : vector<1x1x16xf32> to vector<16xf32>
        %add3A_1065 = arith.addf %add3A_1054, %get3A_1064 : vector<16xf32>
        %mul3A_1066 = arith.constant 32 : i32
        %mul3A_1067 = arith.muli %scan3A_193, %mul3A_1066 : i32
        %add3A_1068 = arith.constant 15 : i32
        %add3A_1069 = arith.addi %mul3A_1067, %add3A_1068 : i32
        %get3A_1070 = arith.constant 1 : i32
        %get3A_1071 = arith.index_cast %get3A_1070 : i32 to index
        %get3A_1072 = arith.index_cast %add3A_1069 : i32 to index
        %get3A_1073 = arith.constant 32 : index
        %get3A_1074 = tpu.vector_load %arg6[%get3A_1071, %get3A_1072, %get3A_1073] {strides = array<i32>} : memref<2x128x128xf32, #tpu.memory_space<vmem>>, vector<1x1x16xf32>,
        %get3A_1075 = vector.shape_cast %get3A_1074 : vector<1x1x16xf32> to vector<16xf32>
        %add3A_1076 = arith.addf %add3A_1065, %get3A_1075 : vector<16xf32>
        %mul3A_1077 = arith.constant 32 : i32
        %mul3A_1078 = arith.muli %scan3A_193, %mul3A_1077 : i32
        %add3A_1079 = arith.constant 16 : i32
        %add3A_1080 = arith.addi %mul3A_1078, %add3A_1079 : i32
        %get3A_1081 = arith.constant 1 : i32
        %get3A_1082 = arith.index_cast %get3A_1081 : i32 to index
        %get3A_1083 = arith.index_cast %add3A_1080 : i32 to index
        %get3A_1084 = arith.constant 32 : index
        %get3A_1085 = tpu.vector_load %arg6[%get3A_1082, %get3A_1083, %get3A_1084] {strides = array<i32>} : memref<2x128x128xf32, #tpu.memory_space<vmem>>, vector<1x1x16xf32>,
        %get3A_1086 = vector.shape_cast %get3A_1085 : vector<1x1x16xf32> to vector<16xf32>
        %add3A_1087 = arith.addf %add3A_1076, %get3A_1086 : vector<16xf32>
        %mul3A_1088 = arith.constant 32 : i32
        %mul3A_1089 = arith.muli %scan3A_193, %mul3A_1088 : i32
        %add3A_1090 = arith.constant 17 : i32
        %add3A_1091 = arith.addi %mul3A_1089, %add3A_1090 : i32
        %get3A_1092 = arith.constant 1 : i32
        %get3A_1093 = arith.index_cast %get3A_1092 : i32 to index
        %get3A_1094 = arith.index_cast %add3A_1091 : i32 to index
        %get3A_1095 = arith.constant 32 : index
        %get3A_1096 = tpu.vector_load %arg6[%get3A_1093, %get3A_1094, %get3A_1095] {strides = array<i32>} : memref<2x128x128xf32, #tpu.memory_space<vmem>>, vector<1x1x16xf32>,
        %get3A_1097 = vector.shape_cast %get3A_1096 : vector<1x1x16xf32> to vector<16xf32>
        %add3A_1098 = arith.addf %add3A_1087, %get3A_1097 : vector<16xf32>
        %mul3A_1099 = arith.constant 32 : i32
        %mul3A_1100 = arith.muli %scan3A_193, %mul3A_1099 : i32
        %add3A_1101 = arith.constant 18 : i32
        %add3A_1102 = arith.addi %mul3A_1100, %add3A_1101 : i32
        %get3A_1103 = arith.constant 1 : i32
        %get3A_1104 = arith.index_cast %get3A_1103 : i32 to index
        %get3A_1105 = arith.index_cast %add3A_1102 : i32 to index
        %get3A_1106 = arith.constant 32 : index
        %get3A_1107 = tpu.vector_load %arg6[%get3A_1104, %get3A_1105, %get3A_1106] {strides = array<i32>} : memref<2x128x128xf32, #tpu.memory_space<vmem>>, vector<1x1x16xf32>,
        %get3A_1108 = vector.shape_cast %get3A_1107 : vector<1x1x16xf32> to vector<16xf32>
        %add3A_1109 = arith.addf %add3A_1098, %get3A_1108 : vector<16xf32>
        %mul3A_1110 = arith.constant 32 : i32
        %mul3A_1111 = arith.muli %scan3A_193, %mul3A_1110 : i32
        %add3A_1112 = arith.constant 19 : i32
        %add3A_1113 = arith.addi %mul3A_1111, %add3A_1112 : i32
        %get3A_1114 = arith.constant 1 : i32
        %get3A_1115 = arith.index_cast %get3A_1114 : i32 to index
        %get3A_1116 = arith.index_cast %add3A_1113 : i32 to index
        %get3A_1117 = arith.constant 32 : index
        %get3A_1118 = tpu.vector_load %arg6[%get3A_1115, %get3A_1116, %get3A_1117] {strides = array<i32>} : memref<2x128x128xf32, #tpu.memory_space<vmem>>, vector<1x1x16xf32>,
        %get3A_1119 = vector.shape_cast %get3A_1118 : vector<1x1x16xf32> to vector<16xf32>
        %add3A_1120 = arith.addf %add3A_1109, %get3A_1119 : vector<16xf32>
        %mul3A_1121 = arith.constant 32 : i32
        %mul3A_1122 = arith.muli %scan3A_193, %mul3A_1121 : i32
        %add3A_1123 = arith.constant 20 : i32
        %add3A_1124 = arith.addi %mul3A_1122, %add3A_1123 : i32
        %get3A_1125 = arith.constant 1 : i32
        %get3A_1126 = arith.index_cast %get3A_1125 : i32 to index
        %get3A_1127 = arith.index_cast %add3A_1124 : i32 to index
        %get3A_1128 = arith.constant 32 : index
        %get3A_1129 = tpu.vector_load %arg6[%get3A_1126, %get3A_1127, %get3A_1128] {strides = array<i32>} : memref<2x128x128xf32, #tpu.memory_space<vmem>>, vector<1x1x16xf32>,
        %get3A_1130 = vector.shape_cast %get3A_1129 : vector<1x1x16xf32> to vector<16xf32>
        %add3A_1131 = arith.addf %add3A_1120, %get3A_1130 : vector<16xf32>
        %mul3A_1132 = arith.constant 32 : i32
        %mul3A_1133 = arith.muli %scan3A_193, %mul3A_1132 : i32
        %add3A_1134 = arith.constant 21 : i32
        %add3A_1135 = arith.addi %mul3A_1133, %add3A_1134 : i32
        %get3A_1136 = arith.constant 1 : i32
        %get3A_1137 = arith.index_cast %get3A_1136 : i32 to index
        %get3A_1138 = arith.index_cast %add3A_1135 : i32 to index
        %get3A_1139 = arith.constant 32 : index
        %get3A_1140 = tpu.vector_load %arg6[%get3A_1137, %get3A_1138, %get3A_1139] {strides = array<i32>} : memref<2x128x128xf32, #tpu.memory_space<vmem>>, vector<1x1x16xf32>,
        %get3A_1141 = vector.shape_cast %get3A_1140 : vector<1x1x16xf32> to vector<16xf32>
        %add3A_1142 = arith.addf %add3A_1131, %get3A_1141 : vector<16xf32>
        %mul3A_1143 = arith.constant 32 : i32
        %mul3A_1144 = arith.muli %scan3A_193, %mul3A_1143 : i32
        %add3A_1145 = arith.constant 22 : i32
        %add3A_1146 = arith.addi %mul3A_1144, %add3A_1145 : i32
        %get3A_1147 = arith.constant 1 : i32
        %get3A_1148 = arith.index_cast %get3A_1147 : i32 to index
        %get3A_1149 = arith.index_cast %add3A_1146 : i32 to index
        %get3A_1150 = arith.constant 32 : index
        %get3A_1151 = tpu.vector_load %arg6[%get3A_1148, %get3A_1149, %get3A_1150] {strides = array<i32>} : memref<2x128x128xf32, #tpu.memory_space<vmem>>, vector<1x1x16xf32>,
        %get3A_1152 = vector.shape_cast %get3A_1151 : vector<1x1x16xf32> to vector<16xf32>
        %add3A_1153 = arith.addf %add3A_1142, %get3A_1152 : vector<16xf32>
        %mul3A_1154 = arith.constant 32 : i32
        %mul3A_1155 = arith.muli %scan3A_193, %mul3A_1154 : i32
        %add3A_1156 = arith.constant 23 : i32
        %add3A_1157 = arith.addi %mul3A_1155, %add3A_1156 : i32
        %get3A_1158 = arith.constant 1 : i32
        %get3A_1159 = arith.index_cast %get3A_1158 : i32 to index
        %get3A_1160 = arith.index_cast %add3A_1157 : i32 to index
        %get3A_1161 = arith.constant 32 : index
        %get3A_1162 = tpu.vector_load %arg6[%get3A_1159, %get3A_1160, %get3A_1161] {strides = array<i32>} : memref<2x128x128xf32, #tpu.memory_space<vmem>>, vector<1x1x16xf32>,
        %get3A_1163 = vector.shape_cast %get3A_1162 : vector<1x1x16xf32> to vector<16xf32>
        %add3A_1164 = arith.addf %add3A_1153, %get3A_1163 : vector<16xf32>
        %mul3A_1165 = arith.constant 32 : i32
        %mul3A_1166 = arith.muli %scan3A_193, %mul3A_1165 : i32
        %add3A_1167 = arith.constant 24 : i32
        %add3A_1168 = arith.addi %mul3A_1166, %add3A_1167 : i32
        %get3A_1169 = arith.constant 1 : i32
        %get3A_1170 = arith.index_cast %get3A_1169 : i32 to index
        %get3A_1171 = arith.index_cast %add3A_1168 : i32 to index
        %get3A_1172 = arith.constant 32 : index
        %get3A_1173 = tpu.vector_load %arg6[%get3A_1170, %get3A_1171, %get3A_1172] {strides = array<i32>} : memref<2x128x128xf32, #tpu.memory_space<vmem>>, vector<1x1x16xf32>,
        %get3A_1174 = vector.shape_cast %get3A_1173 : vector<1x1x16xf32> to vector<16xf32>
        %add3A_1175 = arith.addf %add3A_1164, %get3A_1174 : vector<16xf32>
        %mul3A_1176 = arith.constant 32 : i32
        %mul3A_1177 = arith.muli %scan3A_193, %mul3A_1176 : i32
        %add3A_1178 = arith.constant 25 : i32
        %add3A_1179 = arith.addi %mul3A_1177, %add3A_1178 : i32
        %get3A_1180 = arith.constant 1 : i32
        %get3A_1181 = arith.index_cast %get3A_1180 : i32 to index
        %get3A_1182 = arith.index_cast %add3A_1179 : i32 to index
        %get3A_1183 = arith.constant 32 : index
        %get3A_1184 = tpu.vector_load %arg6[%get3A_1181, %get3A_1182, %get3A_1183] {strides = array<i32>} : memref<2x128x128xf32, #tpu.memory_space<vmem>>, vector<1x1x16xf32>,
        %get3A_1185 = vector.shape_cast %get3A_1184 : vector<1x1x16xf32> to vector<16xf32>
        %add3A_1186 = arith.addf %add3A_1175, %get3A_1185 : vector<16xf32>
        %mul3A_1187 = arith.constant 32 : i32
        %mul3A_1188 = arith.muli %scan3A_193, %mul3A_1187 : i32
        %add3A_1189 = arith.constant 26 : i32
        %add3A_1190 = arith.addi %mul3A_1188, %add3A_1189 : i32
        %get3A_1191 = arith.constant 1 : i32
        %get3A_1192 = arith.index_cast %get3A_1191 : i32 to index
        %get3A_1193 = arith.index_cast %add3A_1190 : i32 to index
        %get3A_1194 = arith.constant 32 : index
        %get3A_1195 = tpu.vector_load %arg6[%get3A_1192, %get3A_1193, %get3A_1194] {strides = array<i32>} : memref<2x128x128xf32, #tpu.memory_space<vmem>>, vector<1x1x16xf32>,
        %get3A_1196 = vector.shape_cast %get3A_1195 : vector<1x1x16xf32> to vector<16xf32>
        %add3A_1197 = arith.addf %add3A_1186, %get3A_1196 : vector<16xf32>
        %mul3A_1198 = arith.constant 32 : i32
        %mul3A_1199 = arith.muli %scan3A_193, %mul3A_1198 : i32
        %add3A_1200 = arith.constant 27 : i32
        %add3A_1201 = arith.addi %mul3A_1199, %add3A_1200 : i32
        %get3A_1202 = arith.constant 1 : i32
        %get3A_1203 = arith.index_cast %get3A_1202 : i32 to index
        %get3A_1204 = arith.index_cast %add3A_1201 : i32 to index
        %get3A_1205 = arith.constant 32 : index
        %get3A_1206 = tpu.vector_load %arg6[%get3A_1203, %get3A_1204, %get3A_1205] {strides = array<i32>} : memref<2x128x128xf32, #tpu.memory_space<vmem>>, vector<1x1x16xf32>,
        %get3A_1207 = vector.shape_cast %get3A_1206 : vector<1x1x16xf32> to vector<16xf32>
        %add3A_1208 = arith.addf %add3A_1197, %get3A_1207 : vector<16xf32>
        %mul3A_1209 = arith.constant 32 : i32
        %mul3A_1210 = arith.muli %scan3A_193, %mul3A_1209 : i32
        %add3A_1211 = arith.constant 28 : i32
        %add3A_1212 = arith.addi %mul3A_1210, %add3A_1211 : i32
        %get3A_1213 = arith.constant 1 : i32
        %get3A_1214 = arith.index_cast %get3A_1213 : i32 to index
        %get3A_1215 = arith.index_cast %add3A_1212 : i32 to index
        %get3A_1216 = arith.constant 32 : index
        %get3A_1217 = tpu.vector_load %arg6[%get3A_1214, %get3A_1215, %get3A_1216] {strides = array<i32>} : memref<2x128x128xf32, #tpu.memory_space<vmem>>, vector<1x1x16xf32>,
        %get3A_1218 = vector.shape_cast %get3A_1217 : vector<1x1x16xf32> to vector<16xf32>
        %add3A_1219 = arith.addf %add3A_1208, %get3A_1218 : vector<16xf32>
        %mul3A_1220 = arith.constant 32 : i32
        %mul3A_1221 = arith.muli %scan3A_193, %mul3A_1220 : i32
        %add3A_1222 = arith.constant 29 : i32
        %add3A_1223 = arith.addi %mul3A_1221, %add3A_1222 : i32
        %get3A_1224 = arith.constant 1 : i32
        %get3A_1225 = arith.index_cast %get3A_1224 : i32 to index
        %get3A_1226 = arith.index_cast %add3A_1223 : i32 to index
        %get3A_1227 = arith.constant 32 : index
        %get3A_1228 = tpu.vector_load %arg6[%get3A_1225, %get3A_1226, %get3A_1227] {strides = array<i32>} : memref<2x128x128xf32, #tpu.memory_space<vmem>>, vector<1x1x16xf32>,
        %get3A_1229 = vector.shape_cast %get3A_1228 : vector<1x1x16xf32> to vector<16xf32>
        %add3A_1230 = arith.addf %add3A_1219, %get3A_1229 : vector<16xf32>
        %mul3A_1231 = arith.constant 32 : i32
        %mul3A_1232 = arith.muli %scan3A_193, %mul3A_1231 : i32
        %add3A_1233 = arith.constant 30 : i32
        %add3A_1234 = arith.addi %mul3A_1232, %add3A_1233 : i32
        %get3A_1235 = arith.constant 1 : i32
        %get3A_1236 = arith.index_cast %get3A_1235 : i32 to index
        %get3A_1237 = arith.index_cast %add3A_1234 : i32 to index
        %get3A_1238 = arith.constant 32 : index
        %get3A_1239 = tpu.vector_load %arg6[%get3A_1236, %get3A_1237, %get3A_1238] {strides = array<i32>} : memref<2x128x128xf32, #tpu.memory_space<vmem>>, vector<1x1x16xf32>,
        %get3A_1240 = vector.shape_cast %get3A_1239 : vector<1x1x16xf32> to vector<16xf32>
        %add3A_1241 = arith.addf %add3A_1230, %get3A_1240 : vector<16xf32>
        %mul3A_1242 = arith.constant 32 : i32
        %mul3A_1243 = arith.muli %scan3A_193, %mul3A_1242 : i32
        %add3A_1244 = arith.constant 31 : i32
        %add3A_1245 = arith.addi %mul3A_1243, %add3A_1244 : i32
        %get3A_1246 = arith.constant 1 : i32
        %get3A_1247 = arith.index_cast %get3A_1246 : i32 to index
        %get3A_1248 = arith.index_cast %add3A_1245 : i32 to index
        %get3A_1249 = arith.constant 32 : index
        %get3A_1250 = tpu.vector_load %arg6[%get3A_1247, %get3A_1248, %get3A_1249] {strides = array<i32>} : memref<2x128x128xf32, #tpu.memory_space<vmem>>, vector<1x1x16xf32>,
        %get3A_1251 = vector.shape_cast %get3A_1250 : vector<1x1x16xf32> to vector<16xf32>
        %add3A_1252 = arith.addf %add3A_1241, %get3A_1251 : vector<16xf32>
        %swap3A_1253 = arith.constant 1 : i32
        %swap3A_1254 = arith.index_cast %swap3A_1253 : i32 to index
        %swap3A_1255 = arith.index_cast %scan3A_193 : i32 to index
        %swap3A_1256 = arith.constant 32 : index
        %swap3A_1257 = tpu.vector_load %arg7[%swap3A_1254, %swap3A_1255, %swap3A_1256] {strides = array<i32>} : memref<2x4x128xf32, #tpu.memory_space<vmem>>, vector<1x1x16xf32>,
        %swap3A_1258 = vector.shape_cast %swap3A_1257 : vector<1x1x16xf32> to vector<16xf32>
        %swap3A_1259 = vector.shape_cast %add3A_1252 : vector<16xf32> to vector<1x1x16xf32>
        tpu.vector_store %arg7[%swap3A_1254, %swap3A_1255, %swap3A_1256], %swap3A_1259 {strides = array<i32>} : memref<2x4x128xf32, #tpu.memory_space<vmem>>, vector<1x1x16xf32>,
        %mul3A_1260 = arith.constant 32 : i32
        %mul3A_1261 = arith.muli %scan3A_193, %mul3A_1260 : i32
        %get3A_1262 = arith.constant 1 : i32
        %get3A_1263 = arith.index_cast %get3A_1262 : i32 to index
        %get3A_1264 = arith.index_cast %mul3A_1261 : i32 to index
        %get3A_1265 = arith.constant 48 : index
        %get3A_1266 = tpu.vector_load %arg6[%get3A_1263, %get3A_1264, %get3A_1265] {strides = array<i32>} : memref<2x128x128xf32, #tpu.memory_space<vmem>>, vector<1x1x16xf32>,
        %get3A_1267 = vector.shape_cast %get3A_1266 : vector<1x1x16xf32> to vector<16xf32>
        %mul3A_1268 = arith.constant 32 : i32
        %mul3A_1269 = arith.muli %scan3A_193, %mul3A_1268 : i32
        %add3A_1270 = arith.constant 1 : i32
        %add3A_1271 = arith.addi %mul3A_1269, %add3A_1270 : i32
        %get3A_1272 = arith.constant 1 : i32
        %get3A_1273 = arith.index_cast %get3A_1272 : i32 to index
        %get3A_1274 = arith.index_cast %add3A_1271 : i32 to index
        %get3A_1275 = arith.constant 48 : index
        %get3A_1276 = tpu.vector_load %arg6[%get3A_1273, %get3A_1274, %get3A_1275] {strides = array<i32>} : memref<2x128x128xf32, #tpu.memory_space<vmem>>, vector<1x1x16xf32>,
        %get3A_1277 = vector.shape_cast %get3A_1276 : vector<1x1x16xf32> to vector<16xf32>
        %add3A_1278 = arith.addf %get3A_1267, %get3A_1277 : vector<16xf32>
        %mul3A_1279 = arith.constant 32 : i32
        %mul3A_1280 = arith.muli %scan3A_193, %mul3A_1279 : i32
        %add3A_1281 = arith.constant 2 : i32
        %add3A_1282 = arith.addi %mul3A_1280, %add3A_1281 : i32
        %get3A_1283 = arith.constant 1 : i32
        %get3A_1284 = arith.index_cast %get3A_1283 : i32 to index
        %get3A_1285 = arith.index_cast %add3A_1282 : i32 to index
        %get3A_1286 = arith.constant 48 : index
        %get3A_1287 = tpu.vector_load %arg6[%get3A_1284, %get3A_1285, %get3A_1286] {strides = array<i32>} : memref<2x128x128xf32, #tpu.memory_space<vmem>>, vector<1x1x16xf32>,
        %get3A_1288 = vector.shape_cast %get3A_1287 : vector<1x1x16xf32> to vector<16xf32>
        %add3A_1289 = arith.addf %add3A_1278, %get3A_1288 : vector<16xf32>
        %mul3A_1290 = arith.constant 32 : i32
        %mul3A_1291 = arith.muli %scan3A_193, %mul3A_1290 : i32
        %add3A_1292 = arith.constant 3 : i32
        %add3A_1293 = arith.addi %mul3A_1291, %add3A_1292 : i32
        %get3A_1294 = arith.constant 1 : i32
        %get3A_1295 = arith.index_cast %get3A_1294 : i32 to index
        %get3A_1296 = arith.index_cast %add3A_1293 : i32 to index
        %get3A_1297 = arith.constant 48 : index
        %get3A_1298 = tpu.vector_load %arg6[%get3A_1295, %get3A_1296, %get3A_1297] {strides = array<i32>} : memref<2x128x128xf32, #tpu.memory_space<vmem>>, vector<1x1x16xf32>,
        %get3A_1299 = vector.shape_cast %get3A_1298 : vector<1x1x16xf32> to vector<16xf32>
        %add3A_1300 = arith.addf %add3A_1289, %get3A_1299 : vector<16xf32>
        %mul3A_1301 = arith.constant 32 : i32
        %mul3A_1302 = arith.muli %scan3A_193, %mul3A_1301 : i32
        %add3A_1303 = arith.constant 4 : i32
        %add3A_1304 = arith.addi %mul3A_1302, %add3A_1303 : i32
        %get3A_1305 = arith.constant 1 : i32
        %get3A_1306 = arith.index_cast %get3A_1305 : i32 to index
        %get3A_1307 = arith.index_cast %add3A_1304 : i32 to index
        %get3A_1308 = arith.constant 48 : index
        %get3A_1309 = tpu.vector_load %arg6[%get3A_1306, %get3A_1307, %get3A_1308] {strides = array<i32>} : memref<2x128x128xf32, #tpu.memory_space<vmem>>, vector<1x1x16xf32>,
        %get3A_1310 = vector.shape_cast %get3A_1309 : vector<1x1x16xf32> to vector<16xf32>
        %add3A_1311 = arith.addf %add3A_1300, %get3A_1310 : vector<16xf32>
        %mul3A_1312 = arith.constant 32 : i32
        %mul3A_1313 = arith.muli %scan3A_193, %mul3A_1312 : i32
        %add3A_1314 = arith.constant 5 : i32
        %add3A_1315 = arith.addi %mul3A_1313, %add3A_1314 : i32
        %get3A_1316 = arith.constant 1 : i32
        %get3A_1317 = arith.index_cast %get3A_1316 : i32 to index
        %get3A_1318 = arith.index_cast %add3A_1315 : i32 to index
        %get3A_1319 = arith.constant 48 : index
        %get3A_1320 = tpu.vector_load %arg6[%get3A_1317, %get3A_1318, %get3A_1319] {strides = array<i32>} : memref<2x128x128xf32, #tpu.memory_space<vmem>>, vector<1x1x16xf32>,
        %get3A_1321 = vector.shape_cast %get3A_1320 : vector<1x1x16xf32> to vector<16xf32>
        %add3A_1322 = arith.addf %add3A_1311, %get3A_1321 : vector<16xf32>
        %mul3A_1323 = arith.constant 32 : i32
        %mul3A_1324 = arith.muli %scan3A_193, %mul3A_1323 : i32
        %add3A_1325 = arith.constant 6 : i32
        %add3A_1326 = arith.addi %mul3A_1324, %add3A_1325 : i32
        %get3A_1327 = arith.constant 1 : i32
        %get3A_1328 = arith.index_cast %get3A_1327 : i32 to index
        %get3A_1329 = arith.index_cast %add3A_1326 : i32 to index
        %get3A_1330 = arith.constant 48 : index
        %get3A_1331 = tpu.vector_load %arg6[%get3A_1328, %get3A_1329, %get3A_1330] {strides = array<i32>} : memref<2x128x128xf32, #tpu.memory_space<vmem>>, vector<1x1x16xf32>,
        %get3A_1332 = vector.shape_cast %get3A_1331 : vector<1x1x16xf32> to vector<16xf32>
        %add3A_1333 = arith.addf %add3A_1322, %get3A_1332 : vector<16xf32>
        %mul3A_1334 = arith.constant 32 : i32
        %mul3A_1335 = arith.muli %scan3A_193, %mul3A_1334 : i32
        %add3A_1336 = arith.constant 7 : i32
        %add3A_1337 = arith.addi %mul3A_1335, %add3A_1336 : i32
        %get3A_1338 = arith.constant 1 : i32
        %get3A_1339 = arith.index_cast %get3A_1338 : i32 to index
        %get3A_1340 = arith.index_cast %add3A_1337 : i32 to index
        %get3A_1341 = arith.constant 48 : index
        %get3A_1342 = tpu.vector_load %arg6[%get3A_1339, %get3A_1340, %get3A_1341] {strides = array<i32>} : memref<2x128x128xf32, #tpu.memory_space<vmem>>, vector<1x1x16xf32>,
        %get3A_1343 = vector.shape_cast %get3A_1342 : vector<1x1x16xf32> to vector<16xf32>
        %add3A_1344 = arith.addf %add3A_1333, %get3A_1343 : vector<16xf32>
        %mul3A_1345 = arith.constant 32 : i32
        %mul3A_1346 = arith.muli %scan3A_193, %mul3A_1345 : i32
        %add3A_1347 = arith.constant 8 : i32
        %add3A_1348 = arith.addi %mul3A_1346, %add3A_1347 : i32
        %get3A_1349 = arith.constant 1 : i32
        %get3A_1350 = arith.index_cast %get3A_1349 : i32 to index
        %get3A_1351 = arith.index_cast %add3A_1348 : i32 to index
        %get3A_1352 = arith.constant 48 : index
        %get3A_1353 = tpu.vector_load %arg6[%get3A_1350, %get3A_1351, %get3A_1352] {strides = array<i32>} : memref<2x128x128xf32, #tpu.memory_space<vmem>>, vector<1x1x16xf32>,
        %get3A_1354 = vector.shape_cast %get3A_1353 : vector<1x1x16xf32> to vector<16xf32>
        %add3A_1355 = arith.addf %add3A_1344, %get3A_1354 : vector<16xf32>
        %mul3A_1356 = arith.constant 32 : i32
        %mul3A_1357 = arith.muli %scan3A_193, %mul3A_1356 : i32
        %add3A_1358 = arith.constant 9 : i32
        %add3A_1359 = arith.addi %mul3A_1357, %add3A_1358 : i32
        %get3A_1360 = arith.constant 1 : i32
        %get3A_1361 = arith.index_cast %get3A_1360 : i32 to index
        %get3A_1362 = arith.index_cast %add3A_1359 : i32 to index
        %get3A_1363 = arith.constant 48 : index
        %get3A_1364 = tpu.vector_load %arg6[%get3A_1361, %get3A_1362, %get3A_1363] {strides = array<i32>} : memref<2x128x128xf32, #tpu.memory_space<vmem>>, vector<1x1x16xf32>,
        %get3A_1365 = vector.shape_cast %get3A_1364 : vector<1x1x16xf32> to vector<16xf32>
        %add3A_1366 = arith.addf %add3A_1355, %get3A_1365 : vector<16xf32>
        %mul3A_1367 = arith.constant 32 : i32
        %mul3A_1368 = arith.muli %scan3A_193, %mul3A_1367 : i32
        %add3A_1369 = arith.constant 10 : i32
        %add3A_1370 = arith.addi %mul3A_1368, %add3A_1369 : i32
        %get3A_1371 = arith.constant 1 : i32
        %get3A_1372 = arith.index_cast %get3A_1371 : i32 to index
        %get3A_1373 = arith.index_cast %add3A_1370 : i32 to index
        %get3A_1374 = arith.constant 48 : index
        %get3A_1375 = tpu.vector_load %arg6[%get3A_1372, %get3A_1373, %get3A_1374] {strides = array<i32>} : memref<2x128x128xf32, #tpu.memory_space<vmem>>, vector<1x1x16xf32>,
        %get3A_1376 = vector.shape_cast %get3A_1375 : vector<1x1x16xf32> to vector<16xf32>
        %add3A_1377 = arith.addf %add3A_1366, %get3A_1376 : vector<16xf32>
        %mul3A_1378 = arith.constant 32 : i32
        %mul3A_1379 = arith.muli %scan3A_193, %mul3A_1378 : i32
        %add3A_1380 = arith.constant 11 : i32
        %add3A_1381 = arith.addi %mul3A_1379, %add3A_1380 : i32
        %get3A_1382 = arith.constant 1 : i32
        %get3A_1383 = arith.index_cast %get3A_1382 : i32 to index
        %get3A_1384 = arith.index_cast %add3A_1381 : i32 to index
        %get3A_1385 = arith.constant 48 : index
        %get3A_1386 = tpu.vector_load %arg6[%get3A_1383, %get3A_1384, %get3A_1385] {strides = array<i32>} : memref<2x128x128xf32, #tpu.memory_space<vmem>>, vector<1x1x16xf32>,
        %get3A_1387 = vector.shape_cast %get3A_1386 : vector<1x1x16xf32> to vector<16xf32>
        %add3A_1388 = arith.addf %add3A_1377, %get3A_1387 : vector<16xf32>
        %mul3A_1389 = arith.constant 32 : i32
        %mul3A_1390 = arith.muli %scan3A_193, %mul3A_1389 : i32
        %add3A_1391 = arith.constant 12 : i32
        %add3A_1392 = arith.addi %mul3A_1390, %add3A_1391 : i32
        %get3A_1393 = arith.constant 1 : i32
        %get3A_1394 = arith.index_cast %get3A_1393 : i32 to index
        %get3A_1395 = arith.index_cast %add3A_1392 : i32 to index
        %get3A_1396 = arith.constant 48 : index
        %get3A_1397 = tpu.vector_load %arg6[%get3A_1394, %get3A_1395, %get3A_1396] {strides = array<i32>} : memref<2x128x128xf32, #tpu.memory_space<vmem>>, vector<1x1x16xf32>,
        %get3A_1398 = vector.shape_cast %get3A_1397 : vector<1x1x16xf32> to vector<16xf32>
        %add3A_1399 = arith.addf %add3A_1388, %get3A_1398 : vector<16xf32>
        %mul3A_1400 = arith.constant 32 : i32
        %mul3A_1401 = arith.muli %scan3A_193, %mul3A_1400 : i32
        %add3A_1402 = arith.constant 13 : i32
        %add3A_1403 = arith.addi %mul3A_1401, %add3A_1402 : i32
        %get3A_1404 = arith.constant 1 : i32
        %get3A_1405 = arith.index_cast %get3A_1404 : i32 to index
        %get3A_1406 = arith.index_cast %add3A_1403 : i32 to index
        %get3A_1407 = arith.constant 48 : index
        %get3A_1408 = tpu.vector_load %arg6[%get3A_1405, %get3A_1406, %get3A_1407] {strides = array<i32>} : memref<2x128x128xf32, #tpu.memory_space<vmem>>, vector<1x1x16xf32>,
        %get3A_1409 = vector.shape_cast %get3A_1408 : vector<1x1x16xf32> to vector<16xf32>
        %add3A_1410 = arith.addf %add3A_1399, %get3A_1409 : vector<16xf32>
        %mul3A_1411 = arith.constant 32 : i32
        %mul3A_1412 = arith.muli %scan3A_193, %mul3A_1411 : i32
        %add3A_1413 = arith.constant 14 : i32
        %add3A_1414 = arith.addi %mul3A_1412, %add3A_1413 : i32
        %get3A_1415 = arith.constant 1 : i32
        %get3A_1416 = arith.index_cast %get3A_1415 : i32 to index
        %get3A_1417 = arith.index_cast %add3A_1414 : i32 to index
        %get3A_1418 = arith.constant 48 : index
        %get3A_1419 = tpu.vector_load %arg6[%get3A_1416, %get3A_1417, %get3A_1418] {strides = array<i32>} : memref<2x128x128xf32, #tpu.memory_space<vmem>>, vector<1x1x16xf32>,
        %get3A_1420 = vector.shape_cast %get3A_1419 : vector<1x1x16xf32> to vector<16xf32>
        %add3A_1421 = arith.addf %add3A_1410, %get3A_1420 : vector<16xf32>
        %mul3A_1422 = arith.constant 32 : i32
        %mul3A_1423 = arith.muli %scan3A_193, %mul3A_1422 : i32
        %add3A_1424 = arith.constant 15 : i32
        %add3A_1425 = arith.addi %mul3A_1423, %add3A_1424 : i32
        %get3A_1426 = arith.constant 1 : i32
        %get3A_1427 = arith.index_cast %get3A_1426 : i32 to index
        %get3A_1428 = arith.index_cast %add3A_1425 : i32 to index
        %get3A_1429 = arith.constant 48 : index
        %get3A_1430 = tpu.vector_load %arg6[%get3A_1427, %get3A_1428, %get3A_1429] {strides = array<i32>} : memref<2x128x128xf32, #tpu.memory_space<vmem>>, vector<1x1x16xf32>,
        %get3A_1431 = vector.shape_cast %get3A_1430 : vector<1x1x16xf32> to vector<16xf32>
        %add3A_1432 = arith.addf %add3A_1421, %get3A_1431 : vector<16xf32>
        %mul3A_1433 = arith.constant 32 : i32
        %mul3A_1434 = arith.muli %scan3A_193, %mul3A_1433 : i32
        %add3A_1435 = arith.constant 16 : i32
        %add3A_1436 = arith.addi %mul3A_1434, %add3A_1435 : i32
        %get3A_1437 = arith.constant 1 : i32
        %get3A_1438 = arith.index_cast %get3A_1437 : i32 to index
        %get3A_1439 = arith.index_cast %add3A_1436 : i32 to index
        %get3A_1440 = arith.constant 48 : index
        %get3A_1441 = tpu.vector_load %arg6[%get3A_1438, %get3A_1439, %get3A_1440] {strides = array<i32>} : memref<2x128x128xf32, #tpu.memory_space<vmem>>, vector<1x1x16xf32>,
        %get3A_1442 = vector.shape_cast %get3A_1441 : vector<1x1x16xf32> to vector<16xf32>
        %add3A_1443 = arith.addf %add3A_1432, %get3A_1442 : vector<16xf32>
        %mul3A_1444 = arith.constant 32 : i32
        %mul3A_1445 = arith.muli %scan3A_193, %mul3A_1444 : i32
        %add3A_1446 = arith.constant 17 : i32
        %add3A_1447 = arith.addi %mul3A_1445, %add3A_1446 : i32
        %get3A_1448 = arith.constant 1 : i32
        %get3A_1449 = arith.index_cast %get3A_1448 : i32 to index
        %get3A_1450 = arith.index_cast %add3A_1447 : i32 to index
        %get3A_1451 = arith.constant 48 : index
        %get3A_1452 = tpu.vector_load %arg6[%get3A_1449, %get3A_1450, %get3A_1451] {strides = array<i32>} : memref<2x128x128xf32, #tpu.memory_space<vmem>>, vector<1x1x16xf32>,
        %get3A_1453 = vector.shape_cast %get3A_1452 : vector<1x1x16xf32> to vector<16xf32>
        %add3A_1454 = arith.addf %add3A_1443, %get3A_1453 : vector<16xf32>
        %mul3A_1455 = arith.constant 32 : i32
        %mul3A_1456 = arith.muli %scan3A_193, %mul3A_1455 : i32
        %add3A_1457 = arith.constant 18 : i32
        %add3A_1458 = arith.addi %mul3A_1456, %add3A_1457 : i32
        %get3A_1459 = arith.constant 1 : i32
        %get3A_1460 = arith.index_cast %get3A_1459 : i32 to index
        %get3A_1461 = arith.index_cast %add3A_1458 : i32 to index
        %get3A_1462 = arith.constant 48 : index
        %get3A_1463 = tpu.vector_load %arg6[%get3A_1460, %get3A_1461, %get3A_1462] {strides = array<i32>} : memref<2x128x128xf32, #tpu.memory_space<vmem>>, vector<1x1x16xf32>,
        %get3A_1464 = vector.shape_cast %get3A_1463 : vector<1x1x16xf32> to vector<16xf32>
        %add3A_1465 = arith.addf %add3A_1454, %get3A_1464 : vector<16xf32>
        %mul3A_1466 = arith.constant 32 : i32
        %mul3A_1467 = arith.muli %scan3A_193, %mul3A_1466 : i32
        %add3A_1468 = arith.constant 19 : i32
        %add3A_1469 = arith.addi %mul3A_1467, %add3A_1468 : i32
        %get3A_1470 = arith.constant 1 : i32
        %get3A_1471 = arith.index_cast %get3A_1470 : i32 to index
        %get3A_1472 = arith.index_cast %add3A_1469 : i32 to index
        %get3A_1473 = arith.constant 48 : index
        %get3A_1474 = tpu.vector_load %arg6[%get3A_1471, %get3A_1472, %get3A_1473] {strides = array<i32>} : memref<2x128x128xf32, #tpu.memory_space<vmem>>, vector<1x1x16xf32>,
        %get3A_1475 = vector.shape_cast %get3A_1474 : vector<1x1x16xf32> to vector<16xf32>
        %add3A_1476 = arith.addf %add3A_1465, %get3A_1475 : vector<16xf32>
        %mul3A_1477 = arith.constant 32 : i32
        %mul3A_1478 = arith.muli %scan3A_193, %mul3A_1477 : i32
        %add3A_1479 = arith.constant 20 : i32
        %add3A_1480 = arith.addi %mul3A_1478, %add3A_1479 : i32
        %get3A_1481 = arith.constant 1 : i32
        %get3A_1482 = arith.index_cast %get3A_1481 : i32 to index
        %get3A_1483 = arith.index_cast %add3A_1480 : i32 to index
        %get3A_1484 = arith.constant 48 : index
        %get3A_1485 = tpu.vector_load %arg6[%get3A_1482, %get3A_1483, %get3A_1484] {strides = array<i32>} : memref<2x128x128xf32, #tpu.memory_space<vmem>>, vector<1x1x16xf32>,
        %get3A_1486 = vector.shape_cast %get3A_1485 : vector<1x1x16xf32> to vector<16xf32>
        %add3A_1487 = arith.addf %add3A_1476, %get3A_1486 : vector<16xf32>
        %mul3A_1488 = arith.constant 32 : i32
        %mul3A_1489 = arith.muli %scan3A_193, %mul3A_1488 : i32
        %add3A_1490 = arith.constant 21 : i32
        %add3A_1491 = arith.addi %mul3A_1489, %add3A_1490 : i32
        %get3A_1492 = arith.constant 1 : i32
        %get3A_1493 = arith.index_cast %get3A_1492 : i32 to index
        %get3A_1494 = arith.index_cast %add3A_1491 : i32 to index
        %get3A_1495 = arith.constant 48 : index
        %get3A_1496 = tpu.vector_load %arg6[%get3A_1493, %get3A_1494, %get3A_1495] {strides = array<i32>} : memref<2x128x128xf32, #tpu.memory_space<vmem>>, vector<1x1x16xf32>,
        %get3A_1497 = vector.shape_cast %get3A_1496 : vector<1x1x16xf32> to vector<16xf32>
        %add3A_1498 = arith.addf %add3A_1487, %get3A_1497 : vector<16xf32>
        %mul3A_1499 = arith.constant 32 : i32
        %mul3A_1500 = arith.muli %scan3A_193, %mul3A_1499 : i32
        %add3A_1501 = arith.constant 22 : i32
        %add3A_1502 = arith.addi %mul3A_1500, %add3A_1501 : i32
        %get3A_1503 = arith.constant 1 : i32
        %get3A_1504 = arith.index_cast %get3A_1503 : i32 to index
        %get3A_1505 = arith.index_cast %add3A_1502 : i32 to index
        %get3A_1506 = arith.constant 48 : index
        %get3A_1507 = tpu.vector_load %arg6[%get3A_1504, %get3A_1505, %get3A_1506] {strides = array<i32>} : memref<2x128x128xf32, #tpu.memory_space<vmem>>, vector<1x1x16xf32>,
        %get3A_1508 = vector.shape_cast %get3A_1507 : vector<1x1x16xf32> to vector<16xf32>
        %add3A_1509 = arith.addf %add3A_1498, %get3A_1508 : vector<16xf32>
        %mul3A_1510 = arith.constant 32 : i32
        %mul3A_1511 = arith.muli %scan3A_193, %mul3A_1510 : i32
        %add3A_1512 = arith.constant 23 : i32
        %add3A_1513 = arith.addi %mul3A_1511, %add3A_1512 : i32
        %get3A_1514 = arith.constant 1 : i32
        %get3A_1515 = arith.index_cast %get3A_1514 : i32 to index
        %get3A_1516 = arith.index_cast %add3A_1513 : i32 to index
        %get3A_1517 = arith.constant 48 : index
        %get3A_1518 = tpu.vector_load %arg6[%get3A_1515, %get3A_1516, %get3A_1517] {strides = array<i32>} : memref<2x128x128xf32, #tpu.memory_space<vmem>>, vector<1x1x16xf32>,
        %get3A_1519 = vector.shape_cast %get3A_1518 : vector<1x1x16xf32> to vector<16xf32>
        %add3A_1520 = arith.addf %add3A_1509, %get3A_1519 : vector<16xf32>
        %mul3A_1521 = arith.constant 32 : i32
        %mul3A_1522 = arith.muli %scan3A_193, %mul3A_1521 : i32
        %add3A_1523 = arith.constant 24 : i32
        %add3A_1524 = arith.addi %mul3A_1522, %add3A_1523 : i32
        %get3A_1525 = arith.constant 1 : i32
        %get3A_1526 = arith.index_cast %get3A_1525 : i32 to index
        %get3A_1527 = arith.index_cast %add3A_1524 : i32 to index
        %get3A_1528 = arith.constant 48 : index
        %get3A_1529 = tpu.vector_load %arg6[%get3A_1526, %get3A_1527, %get3A_1528] {strides = array<i32>} : memref<2x128x128xf32, #tpu.memory_space<vmem>>, vector<1x1x16xf32>,
        %get3A_1530 = vector.shape_cast %get3A_1529 : vector<1x1x16xf32> to vector<16xf32>
        %add3A_1531 = arith.addf %add3A_1520, %get3A_1530 : vector<16xf32>
        %mul3A_1532 = arith.constant 32 : i32
        %mul3A_1533 = arith.muli %scan3A_193, %mul3A_1532 : i32
        %add3A_1534 = arith.constant 25 : i32
        %add3A_1535 = arith.addi %mul3A_1533, %add3A_1534 : i32
        %get3A_1536 = arith.constant 1 : i32
        %get3A_1537 = arith.index_cast %get3A_1536 : i32 to index
        %get3A_1538 = arith.index_cast %add3A_1535 : i32 to index
        %get3A_1539 = arith.constant 48 : index
        %get3A_1540 = tpu.vector_load %arg6[%get3A_1537, %get3A_1538, %get3A_1539] {strides = array<i32>} : memref<2x128x128xf32, #tpu.memory_space<vmem>>, vector<1x1x16xf32>,
        %get3A_1541 = vector.shape_cast %get3A_1540 : vector<1x1x16xf32> to vector<16xf32>
        %add3A_1542 = arith.addf %add3A_1531, %get3A_1541 : vector<16xf32>
        %mul3A_1543 = arith.constant 32 : i32
        %mul3A_1544 = arith.muli %scan3A_193, %mul3A_1543 : i32
        %add3A_1545 = arith.constant 26 : i32
        %add3A_1546 = arith.addi %mul3A_1544, %add3A_1545 : i32
        %get3A_1547 = arith.constant 1 : i32
        %get3A_1548 = arith.index_cast %get3A_1547 : i32 to index
        %get3A_1549 = arith.index_cast %add3A_1546 : i32 to index
        %get3A_1550 = arith.constant 48 : index
        %get3A_1551 = tpu.vector_load %arg6[%get3A_1548, %get3A_1549, %get3A_1550] {strides = array<i32>} : memref<2x128x128xf32, #tpu.memory_space<vmem>>, vector<1x1x16xf32>,
        %get3A_1552 = vector.shape_cast %get3A_1551 : vector<1x1x16xf32> to vector<16xf32>
        %add3A_1553 = arith.addf %add3A_1542, %get3A_1552 : vector<16xf32>
        %mul3A_1554 = arith.constant 32 : i32
        %mul3A_1555 = arith.muli %scan3A_193, %mul3A_1554 : i32
        %add3A_1556 = arith.constant 27 : i32
        %add3A_1557 = arith.addi %mul3A_1555, %add3A_1556 : i32
        %get3A_1558 = arith.constant 1 : i32
        %get3A_1559 = arith.index_cast %get3A_1558 : i32 to index
        %get3A_1560 = arith.index_cast %add3A_1557 : i32 to index
        %get3A_1561 = arith.constant 48 : index
        %get3A_1562 = tpu.vector_load %arg6[%get3A_1559, %get3A_1560, %get3A_1561] {strides = array<i32>} : memref<2x128x128xf32, #tpu.memory_space<vmem>>, vector<1x1x16xf32>,
        %get3A_1563 = vector.shape_cast %get3A_1562 : vector<1x1x16xf32> to vector<16xf32>
        %add3A_1564 = arith.addf %add3A_1553, %get3A_1563 : vector<16xf32>
        %mul3A_1565 = arith.constant 32 : i32
        %mul3A_1566 = arith.muli %scan3A_193, %mul3A_1565 : i32
        %add3A_1567 = arith.constant 28 : i32
        %add3A_1568 = arith.addi %mul3A_1566, %add3A_1567 : i32
        %get3A_1569 = arith.constant 1 : i32
        %get3A_1570 = arith.index_cast %get3A_1569 : i32 to index
        %get3A_1571 = arith.index_cast %add3A_1568 : i32 to index
        %get3A_1572 = arith.constant 48 : index
        %get3A_1573 = tpu.vector_load %arg6[%get3A_1570, %get3A_1571, %get3A_1572] {strides = array<i32>} : memref<2x128x128xf32, #tpu.memory_space<vmem>>, vector<1x1x16xf32>,
        %get3A_1574 = vector.shape_cast %get3A_1573 : vector<1x1x16xf32> to vector<16xf32>
        %add3A_1575 = arith.addf %add3A_1564, %get3A_1574 : vector<16xf32>
        %mul3A_1576 = arith.constant 32 : i32
        %mul3A_1577 = arith.muli %scan3A_193, %mul3A_1576 : i32
        %add3A_1578 = arith.constant 29 : i32
        %add3A_1579 = arith.addi %mul3A_1577, %add3A_1578 : i32
        %get3A_1580 = arith.constant 1 : i32
        %get3A_1581 = arith.index_cast %get3A_1580 : i32 to index
        %get3A_1582 = arith.index_cast %add3A_1579 : i32 to index
        %get3A_1583 = arith.constant 48 : index
        %get3A_1584 = tpu.vector_load %arg6[%get3A_1581, %get3A_1582, %get3A_1583] {strides = array<i32>} : memref<2x128x128xf32, #tpu.memory_space<vmem>>, vector<1x1x16xf32>,
        %get3A_1585 = vector.shape_cast %get3A_1584 : vector<1x1x16xf32> to vector<16xf32>
        %add3A_1586 = arith.addf %add3A_1575, %get3A_1585 : vector<16xf32>
        %mul3A_1587 = arith.constant 32 : i32
        %mul3A_1588 = arith.muli %scan3A_193, %mul3A_1587 : i32
        %add3A_1589 = arith.constant 30 : i32
        %add3A_1590 = arith.addi %mul3A_1588, %add3A_1589 : i32
        %get3A_1591 = arith.constant 1 : i32
        %get3A_1592 = arith.index_cast %get3A_1591 : i32 to index
        %get3A_1593 = arith.index_cast %add3A_1590 : i32 to index
        %get3A_1594 = arith.constant 48 : index
        %get3A_1595 = tpu.vector_load %arg6[%get3A_1592, %get3A_1593, %get3A_1594] {strides = array<i32>} : memref<2x128x128xf32, #tpu.memory_space<vmem>>, vector<1x1x16xf32>,
        %get3A_1596 = vector.shape_cast %get3A_1595 : vector<1x1x16xf32> to vector<16xf32>
        %add3A_1597 = arith.addf %add3A_1586, %get3A_1596 : vector<16xf32>
        %mul3A_1598 = arith.constant 32 : i32
        %mul3A_1599 = arith.muli %scan3A_193, %mul3A_1598 : i32
        %add3A_1600 = arith.constant 31 : i32
        %add3A_1601 = arith.addi %mul3A_1599, %add3A_1600 : i32
        %get3A_1602 = arith.constant 1 : i32
        %get3A_1603 = arith.index_cast %get3A_1602 : i32 to index
        %get3A_1604 = arith.index_cast %add3A_1601 : i32 to index
        %get3A_1605 = arith.constant 48 : index
        %get3A_1606 = tpu.vector_load %arg6[%get3A_1603, %get3A_1604, %get3A_1605] {strides = array<i32>} : memref<2x128x128xf32, #tpu.memory_space<vmem>>, vector<1x1x16xf32>,
        %get3A_1607 = vector.shape_cast %get3A_1606 : vector<1x1x16xf32> to vector<16xf32>
        %add3A_1608 = arith.addf %add3A_1597, %get3A_1607 : vector<16xf32>
        %swap3A_1609 = arith.constant 1 : i32
        %swap3A_1610 = arith.index_cast %swap3A_1609 : i32 to index
        %swap3A_1611 = arith.index_cast %scan3A_193 : i32 to index
        %swap3A_1612 = arith.constant 48 : index
        %swap3A_1613 = tpu.vector_load %arg7[%swap3A_1610, %swap3A_1611, %swap3A_1612] {strides = array<i32>} : memref<2x4x128xf32, #tpu.memory_space<vmem>>, vector<1x1x16xf32>,
        %swap3A_1614 = vector.shape_cast %swap3A_1613 : vector<1x1x16xf32> to vector<16xf32>
        %swap3A_1615 = vector.shape_cast %add3A_1608 : vector<16xf32> to vector<1x1x16xf32>
        tpu.vector_store %arg7[%swap3A_1610, %swap3A_1611, %swap3A_1612], %swap3A_1615 {strides = array<i32>} : memref<2x4x128xf32, #tpu.memory_space<vmem>>, vector<1x1x16xf32>,
        %mul3A_1616 = arith.constant 32 : i32
        %mul3A_1617 = arith.muli %scan3A_193, %mul3A_1616 : i32
        %get3A_1618 = arith.constant 1 : i32
        %get3A_1619 = arith.index_cast %get3A_1618 : i32 to index
        %get3A_1620 = arith.index_cast %mul3A_1617 : i32 to index
        %get3A_1621 = arith.constant 64 : index
        %get3A_1622 = tpu.vector_load %arg6[%get3A_1619, %get3A_1620, %get3A_1621] {strides = array<i32>} : memref<2x128x128xf32, #tpu.memory_space<vmem>>, vector<1x1x16xf32>,
        %get3A_1623 = vector.shape_cast %get3A_1622 : vector<1x1x16xf32> to vector<16xf32>
        %mul3A_1624 = arith.constant 32 : i32
        %mul3A_1625 = arith.muli %scan3A_193, %mul3A_1624 : i32
        %add3A_1626 = arith.constant 1 : i32
        %add3A_1627 = arith.addi %mul3A_1625, %add3A_1626 : i32
        %get3A_1628 = arith.constant 1 : i32
        %get3A_1629 = arith.index_cast %get3A_1628 : i32 to index
        %get3A_1630 = arith.index_cast %add3A_1627 : i32 to index
        %get3A_1631 = arith.constant 64 : index
        %get3A_1632 = tpu.vector_load %arg6[%get3A_1629, %get3A_1630, %get3A_1631] {strides = array<i32>} : memref<2x128x128xf32, #tpu.memory_space<vmem>>, vector<1x1x16xf32>,
        %get3A_1633 = vector.shape_cast %get3A_1632 : vector<1x1x16xf32> to vector<16xf32>
        %add3A_1634 = arith.addf %get3A_1623, %get3A_1633 : vector<16xf32>
        %mul3A_1635 = arith.constant 32 : i32
        %mul3A_1636 = arith.muli %scan3A_193, %mul3A_1635 : i32
        %add3A_1637 = arith.constant 2 : i32
        %add3A_1638 = arith.addi %mul3A_1636, %add3A_1637 : i32
        %get3A_1639 = arith.constant 1 : i32
        %get3A_1640 = arith.index_cast %get3A_1639 : i32 to index
        %get3A_1641 = arith.index_cast %add3A_1638 : i32 to index
        %get3A_1642 = arith.constant 64 : index
        %get3A_1643 = tpu.vector_load %arg6[%get3A_1640, %get3A_1641, %get3A_1642] {strides = array<i32>} : memref<2x128x128xf32, #tpu.memory_space<vmem>>, vector<1x1x16xf32>,
        %get3A_1644 = vector.shape_cast %get3A_1643 : vector<1x1x16xf32> to vector<16xf32>
        %add3A_1645 = arith.addf %add3A_1634, %get3A_1644 : vector<16xf32>
        %mul3A_1646 = arith.constant 32 : i32
        %mul3A_1647 = arith.muli %scan3A_193, %mul3A_1646 : i32
        %add3A_1648 = arith.constant 3 : i32
        %add3A_1649 = arith.addi %mul3A_1647, %add3A_1648 : i32
        %get3A_1650 = arith.constant 1 : i32
        %get3A_1651 = arith.index_cast %get3A_1650 : i32 to index
        %get3A_1652 = arith.index_cast %add3A_1649 : i32 to index
        %get3A_1653 = arith.constant 64 : index
        %get3A_1654 = tpu.vector_load %arg6[%get3A_1651, %get3A_1652, %get3A_1653] {strides = array<i32>} : memref<2x128x128xf32, #tpu.memory_space<vmem>>, vector<1x1x16xf32>,
        %get3A_1655 = vector.shape_cast %get3A_1654 : vector<1x1x16xf32> to vector<16xf32>
        %add3A_1656 = arith.addf %add3A_1645, %get3A_1655 : vector<16xf32>
        %mul3A_1657 = arith.constant 32 : i32
        %mul3A_1658 = arith.muli %scan3A_193, %mul3A_1657 : i32
        %add3A_1659 = arith.constant 4 : i32
        %add3A_1660 = arith.addi %mul3A_1658, %add3A_1659 : i32
        %get3A_1661 = arith.constant 1 : i32
        %get3A_1662 = arith.index_cast %get3A_1661 : i32 to index
        %get3A_1663 = arith.index_cast %add3A_1660 : i32 to index
        %get3A_1664 = arith.constant 64 : index
        %get3A_1665 = tpu.vector_load %arg6[%get3A_1662, %get3A_1663, %get3A_1664] {strides = array<i32>} : memref<2x128x128xf32, #tpu.memory_space<vmem>>, vector<1x1x16xf32>,
        %get3A_1666 = vector.shape_cast %get3A_1665 : vector<1x1x16xf32> to vector<16xf32>
        %add3A_1667 = arith.addf %add3A_1656, %get3A_1666 : vector<16xf32>
        %mul3A_1668 = arith.constant 32 : i32
        %mul3A_1669 = arith.muli %scan3A_193, %mul3A_1668 : i32
        %add3A_1670 = arith.constant 5 : i32
        %add3A_1671 = arith.addi %mul3A_1669, %add3A_1670 : i32
        %get3A_1672 = arith.constant 1 : i32
        %get3A_1673 = arith.index_cast %get3A_1672 : i32 to index
        %get3A_1674 = arith.index_cast %add3A_1671 : i32 to index
        %get3A_1675 = arith.constant 64 : index
        %get3A_1676 = tpu.vector_load %arg6[%get3A_1673, %get3A_1674, %get3A_1675] {strides = array<i32>} : memref<2x128x128xf32, #tpu.memory_space<vmem>>, vector<1x1x16xf32>,
        %get3A_1677 = vector.shape_cast %get3A_1676 : vector<1x1x16xf32> to vector<16xf32>
        %add3A_1678 = arith.addf %add3A_1667, %get3A_1677 : vector<16xf32>
        %mul3A_1679 = arith.constant 32 : i32
        %mul3A_1680 = arith.muli %scan3A_193, %mul3A_1679 : i32
        %add3A_1681 = arith.constant 6 : i32
        %add3A_1682 = arith.addi %mul3A_1680, %add3A_1681 : i32
        %get3A_1683 = arith.constant 1 : i32
        %get3A_1684 = arith.index_cast %get3A_1683 : i32 to index
        %get3A_1685 = arith.index_cast %add3A_1682 : i32 to index
        %get3A_1686 = arith.constant 64 : index
        %get3A_1687 = tpu.vector_load %arg6[%get3A_1684, %get3A_1685, %get3A_1686] {strides = array<i32>} : memref<2x128x128xf32, #tpu.memory_space<vmem>>, vector<1x1x16xf32>,
        %get3A_1688 = vector.shape_cast %get3A_1687 : vector<1x1x16xf32> to vector<16xf32>
        %add3A_1689 = arith.addf %add3A_1678, %get3A_1688 : vector<16xf32>
        %mul3A_1690 = arith.constant 32 : i32
        %mul3A_1691 = arith.muli %scan3A_193, %mul3A_1690 : i32
        %add3A_1692 = arith.constant 7 : i32
        %add3A_1693 = arith.addi %mul3A_1691, %add3A_1692 : i32
        %get3A_1694 = arith.constant 1 : i32
        %get3A_1695 = arith.index_cast %get3A_1694 : i32 to index
        %get3A_1696 = arith.index_cast %add3A_1693 : i32 to index
        %get3A_1697 = arith.constant 64 : index
        %get3A_1698 = tpu.vector_load %arg6[%get3A_1695, %get3A_1696, %get3A_1697] {strides = array<i32>} : memref<2x128x128xf32, #tpu.memory_space<vmem>>, vector<1x1x16xf32>,
        %get3A_1699 = vector.shape_cast %get3A_1698 : vector<1x1x16xf32> to vector<16xf32>
        %add3A_1700 = arith.addf %add3A_1689, %get3A_1699 : vector<16xf32>
        %mul3A_1701 = arith.constant 32 : i32
        %mul3A_1702 = arith.muli %scan3A_193, %mul3A_1701 : i32
        %add3A_1703 = arith.constant 8 : i32
        %add3A_1704 = arith.addi %mul3A_1702, %add3A_1703 : i32
        %get3A_1705 = arith.constant 1 : i32
        %get3A_1706 = arith.index_cast %get3A_1705 : i32 to index
        %get3A_1707 = arith.index_cast %add3A_1704 : i32 to index
        %get3A_1708 = arith.constant 64 : index
        %get3A_1709 = tpu.vector_load %arg6[%get3A_1706, %get3A_1707, %get3A_1708] {strides = array<i32>} : memref<2x128x128xf32, #tpu.memory_space<vmem>>, vector<1x1x16xf32>,
        %get3A_1710 = vector.shape_cast %get3A_1709 : vector<1x1x16xf32> to vector<16xf32>
        %add3A_1711 = arith.addf %add3A_1700, %get3A_1710 : vector<16xf32>
        %mul3A_1712 = arith.constant 32 : i32
        %mul3A_1713 = arith.muli %scan3A_193, %mul3A_1712 : i32
        %add3A_1714 = arith.constant 9 : i32
        %add3A_1715 = arith.addi %mul3A_1713, %add3A_1714 : i32
        %get3A_1716 = arith.constant 1 : i32
        %get3A_1717 = arith.index_cast %get3A_1716 : i32 to index
        %get3A_1718 = arith.index_cast %add3A_1715 : i32 to index
        %get3A_1719 = arith.constant 64 : index
        %get3A_1720 = tpu.vector_load %arg6[%get3A_1717, %get3A_1718, %get3A_1719] {strides = array<i32>} : memref<2x128x128xf32, #tpu.memory_space<vmem>>, vector<1x1x16xf32>,
        %get3A_1721 = vector.shape_cast %get3A_1720 : vector<1x1x16xf32> to vector<16xf32>
        %add3A_1722 = arith.addf %add3A_1711, %get3A_1721 : vector<16xf32>
        %mul3A_1723 = arith.constant 32 : i32
        %mul3A_1724 = arith.muli %scan3A_193, %mul3A_1723 : i32
        %add3A_1725 = arith.constant 10 : i32
        %add3A_1726 = arith.addi %mul3A_1724, %add3A_1725 : i32
        %get3A_1727 = arith.constant 1 : i32
        %get3A_1728 = arith.index_cast %get3A_1727 : i32 to index
        %get3A_1729 = arith.index_cast %add3A_1726 : i32 to index
        %get3A_1730 = arith.constant 64 : index
        %get3A_1731 = tpu.vector_load %arg6[%get3A_1728, %get3A_1729, %get3A_1730] {strides = array<i32>} : memref<2x128x128xf32, #tpu.memory_space<vmem>>, vector<1x1x16xf32>,
        %get3A_1732 = vector.shape_cast %get3A_1731 : vector<1x1x16xf32> to vector<16xf32>
        %add3A_1733 = arith.addf %add3A_1722, %get3A_1732 : vector<16xf32>
        %mul3A_1734 = arith.constant 32 : i32
        %mul3A_1735 = arith.muli %scan3A_193, %mul3A_1734 : i32
        %add3A_1736 = arith.constant 11 : i32
        %add3A_1737 = arith.addi %mul3A_1735, %add3A_1736 : i32
        %get3A_1738 = arith.constant 1 : i32
        %get3A_1739 = arith.index_cast %get3A_1738 : i32 to index
        %get3A_1740 = arith.index_cast %add3A_1737 : i32 to index
        %get3A_1741 = arith.constant 64 : index
        %get3A_1742 = tpu.vector_load %arg6[%get3A_1739, %get3A_1740, %get3A_1741] {strides = array<i32>} : memref<2x128x128xf32, #tpu.memory_space<vmem>>, vector<1x1x16xf32>,
        %get3A_1743 = vector.shape_cast %get3A_1742 : vector<1x1x16xf32> to vector<16xf32>
        %add3A_1744 = arith.addf %add3A_1733, %get3A_1743 : vector<16xf32>
        %mul3A_1745 = arith.constant 32 : i32
        %mul3A_1746 = arith.muli %scan3A_193, %mul3A_1745 : i32
        %add3A_1747 = arith.constant 12 : i32
        %add3A_1748 = arith.addi %mul3A_1746, %add3A_1747 : i32
        %get3A_1749 = arith.constant 1 : i32
        %get3A_1750 = arith.index_cast %get3A_1749 : i32 to index
        %get3A_1751 = arith.index_cast %add3A_1748 : i32 to index
        %get3A_1752 = arith.constant 64 : index
        %get3A_1753 = tpu.vector_load %arg6[%get3A_1750, %get3A_1751, %get3A_1752] {strides = array<i32>} : memref<2x128x128xf32, #tpu.memory_space<vmem>>, vector<1x1x16xf32>,
        %get3A_1754 = vector.shape_cast %get3A_1753 : vector<1x1x16xf32> to vector<16xf32>
        %add3A_1755 = arith.addf %add3A_1744, %get3A_1754 : vector<16xf32>
        %mul3A_1756 = arith.constant 32 : i32
        %mul3A_1757 = arith.muli %scan3A_193, %mul3A_1756 : i32
        %add3A_1758 = arith.constant 13 : i32
        %add3A_1759 = arith.addi %mul3A_1757, %add3A_1758 : i32
        %get3A_1760 = arith.constant 1 : i32
        %get3A_1761 = arith.index_cast %get3A_1760 : i32 to index
        %get3A_1762 = arith.index_cast %add3A_1759 : i32 to index
        %get3A_1763 = arith.constant 64 : index
        %get3A_1764 = tpu.vector_load %arg6[%get3A_1761, %get3A_1762, %get3A_1763] {strides = array<i32>} : memref<2x128x128xf32, #tpu.memory_space<vmem>>, vector<1x1x16xf32>,
        %get3A_1765 = vector.shape_cast %get3A_1764 : vector<1x1x16xf32> to vector<16xf32>
        %add3A_1766 = arith.addf %add3A_1755, %get3A_1765 : vector<16xf32>
        %mul3A_1767 = arith.constant 32 : i32
        %mul3A_1768 = arith.muli %scan3A_193, %mul3A_1767 : i32
        %add3A_1769 = arith.constant 14 : i32
        %add3A_1770 = arith.addi %mul3A_1768, %add3A_1769 : i32
        %get3A_1771 = arith.constant 1 : i32
        %get3A_1772 = arith.index_cast %get3A_1771 : i32 to index
        %get3A_1773 = arith.index_cast %add3A_1770 : i32 to index
        %get3A_1774 = arith.constant 64 : index
        %get3A_1775 = tpu.vector_load %arg6[%get3A_1772, %get3A_1773, %get3A_1774] {strides = array<i32>} : memref<2x128x128xf32, #tpu.memory_space<vmem>>, vector<1x1x16xf32>,
        %get3A_1776 = vector.shape_cast %get3A_1775 : vector<1x1x16xf32> to vector<16xf32>
        %add3A_1777 = arith.addf %add3A_1766, %get3A_1776 : vector<16xf32>
        %mul3A_1778 = arith.constant 32 : i32
        %mul3A_1779 = arith.muli %scan3A_193, %mul3A_1778 : i32
        %add3A_1780 = arith.constant 15 : i32
        %add3A_1781 = arith.addi %mul3A_1779, %add3A_1780 : i32
        %get3A_1782 = arith.constant 1 : i32
        %get3A_1783 = arith.index_cast %get3A_1782 : i32 to index
        %get3A_1784 = arith.index_cast %add3A_1781 : i32 to index
        %get3A_1785 = arith.constant 64 : index
        %get3A_1786 = tpu.vector_load %arg6[%get3A_1783, %get3A_1784, %get3A_1785] {strides = array<i32>} : memref<2x128x128xf32, #tpu.memory_space<vmem>>, vector<1x1x16xf32>,
        %get3A_1787 = vector.shape_cast %get3A_1786 : vector<1x1x16xf32> to vector<16xf32>
        %add3A_1788 = arith.addf %add3A_1777, %get3A_1787 : vector<16xf32>
        %mul3A_1789 = arith.constant 32 : i32
        %mul3A_1790 = arith.muli %scan3A_193, %mul3A_1789 : i32
        %add3A_1791 = arith.constant 16 : i32
        %add3A_1792 = arith.addi %mul3A_1790, %add3A_1791 : i32
        %get3A_1793 = arith.constant 1 : i32
        %get3A_1794 = arith.index_cast %get3A_1793 : i32 to index
        %get3A_1795 = arith.index_cast %add3A_1792 : i32 to index
        %get3A_1796 = arith.constant 64 : index
        %get3A_1797 = tpu.vector_load %arg6[%get3A_1794, %get3A_1795, %get3A_1796] {strides = array<i32>} : memref<2x128x128xf32, #tpu.memory_space<vmem>>, vector<1x1x16xf32>,
        %get3A_1798 = vector.shape_cast %get3A_1797 : vector<1x1x16xf32> to vector<16xf32>
        %add3A_1799 = arith.addf %add3A_1788, %get3A_1798 : vector<16xf32>
        %mul3A_1800 = arith.constant 32 : i32
        %mul3A_1801 = arith.muli %scan3A_193, %mul3A_1800 : i32
        %add3A_1802 = arith.constant 17 : i32
        %add3A_1803 = arith.addi %mul3A_1801, %add3A_1802 : i32
        %get3A_1804 = arith.constant 1 : i32
        %get3A_1805 = arith.index_cast %get3A_1804 : i32 to index
        %get3A_1806 = arith.index_cast %add3A_1803 : i32 to index
        %get3A_1807 = arith.constant 64 : index
        %get3A_1808 = tpu.vector_load %arg6[%get3A_1805, %get3A_1806, %get3A_1807] {strides = array<i32>} : memref<2x128x128xf32, #tpu.memory_space<vmem>>, vector<1x1x16xf32>,
        %get3A_1809 = vector.shape_cast %get3A_1808 : vector<1x1x16xf32> to vector<16xf32>
        %add3A_1810 = arith.addf %add3A_1799, %get3A_1809 : vector<16xf32>
        %mul3A_1811 = arith.constant 32 : i32
        %mul3A_1812 = arith.muli %scan3A_193, %mul3A_1811 : i32
        %add3A_1813 = arith.constant 18 : i32
        %add3A_1814 = arith.addi %mul3A_1812, %add3A_1813 : i32
        %get3A_1815 = arith.constant 1 : i32
        %get3A_1816 = arith.index_cast %get3A_1815 : i32 to index
        %get3A_1817 = arith.index_cast %add3A_1814 : i32 to index
        %get3A_1818 = arith.constant 64 : index
        %get3A_1819 = tpu.vector_load %arg6[%get3A_1816, %get3A_1817, %get3A_1818] {strides = array<i32>} : memref<2x128x128xf32, #tpu.memory_space<vmem>>, vector<1x1x16xf32>,
        %get3A_1820 = vector.shape_cast %get3A_1819 : vector<1x1x16xf32> to vector<16xf32>
        %add3A_1821 = arith.addf %add3A_1810, %get3A_1820 : vector<16xf32>
        %mul3A_1822 = arith.constant 32 : i32
        %mul3A_1823 = arith.muli %scan3A_193, %mul3A_1822 : i32
        %add3A_1824 = arith.constant 19 : i32
        %add3A_1825 = arith.addi %mul3A_1823, %add3A_1824 : i32
        %get3A_1826 = arith.constant 1 : i32
        %get3A_1827 = arith.index_cast %get3A_1826 : i32 to index
        %get3A_1828 = arith.index_cast %add3A_1825 : i32 to index
        %get3A_1829 = arith.constant 64 : index
        %get3A_1830 = tpu.vector_load %arg6[%get3A_1827, %get3A_1828, %get3A_1829] {strides = array<i32>} : memref<2x128x128xf32, #tpu.memory_space<vmem>>, vector<1x1x16xf32>,
        %get3A_1831 = vector.shape_cast %get3A_1830 : vector<1x1x16xf32> to vector<16xf32>
        %add3A_1832 = arith.addf %add3A_1821, %get3A_1831 : vector<16xf32>
        %mul3A_1833 = arith.constant 32 : i32
        %mul3A_1834 = arith.muli %scan3A_193, %mul3A_1833 : i32
        %add3A_1835 = arith.constant 20 : i32
        %add3A_1836 = arith.addi %mul3A_1834, %add3A_1835 : i32
        %get3A_1837 = arith.constant 1 : i32
        %get3A_1838 = arith.index_cast %get3A_1837 : i32 to index
        %get3A_1839 = arith.index_cast %add3A_1836 : i32 to index
        %get3A_1840 = arith.constant 64 : index
        %get3A_1841 = tpu.vector_load %arg6[%get3A_1838, %get3A_1839, %get3A_1840] {strides = array<i32>} : memref<2x128x128xf32, #tpu.memory_space<vmem>>, vector<1x1x16xf32>,
        %get3A_1842 = vector.shape_cast %get3A_1841 : vector<1x1x16xf32> to vector<16xf32>
        %add3A_1843 = arith.addf %add3A_1832, %get3A_1842 : vector<16xf32>
        %mul3A_1844 = arith.constant 32 : i32
        %mul3A_1845 = arith.muli %scan3A_193, %mul3A_1844 : i32
        %add3A_1846 = arith.constant 21 : i32
        %add3A_1847 = arith.addi %mul3A_1845, %add3A_1846 : i32
        %get3A_1848 = arith.constant 1 : i32
        %get3A_1849 = arith.index_cast %get3A_1848 : i32 to index
        %get3A_1850 = arith.index_cast %add3A_1847 : i32 to index
        %get3A_1851 = arith.constant 64 : index
        %get3A_1852 = tpu.vector_load %arg6[%get3A_1849, %get3A_1850, %get3A_1851] {strides = array<i32>} : memref<2x128x128xf32, #tpu.memory_space<vmem>>, vector<1x1x16xf32>,
        %get3A_1853 = vector.shape_cast %get3A_1852 : vector<1x1x16xf32> to vector<16xf32>
        %add3A_1854 = arith.addf %add3A_1843, %get3A_1853 : vector<16xf32>
        %mul3A_1855 = arith.constant 32 : i32
        %mul3A_1856 = arith.muli %scan3A_193, %mul3A_1855 : i32
        %add3A_1857 = arith.constant 22 : i32
        %add3A_1858 = arith.addi %mul3A_1856, %add3A_1857 : i32
        %get3A_1859 = arith.constant 1 : i32
        %get3A_1860 = arith.index_cast %get3A_1859 : i32 to index
        %get3A_1861 = arith.index_cast %add3A_1858 : i32 to index
        %get3A_1862 = arith.constant 64 : index
        %get3A_1863 = tpu.vector_load %arg6[%get3A_1860, %get3A_1861, %get3A_1862] {strides = array<i32>} : memref<2x128x128xf32, #tpu.memory_space<vmem>>, vector<1x1x16xf32>,
        %get3A_1864 = vector.shape_cast %get3A_1863 : vector<1x1x16xf32> to vector<16xf32>
        %add3A_1865 = arith.addf %add3A_1854, %get3A_1864 : vector<16xf32>
        %mul3A_1866 = arith.constant 32 : i32
        %mul3A_1867 = arith.muli %scan3A_193, %mul3A_1866 : i32
        %add3A_1868 = arith.constant 23 : i32
        %add3A_1869 = arith.addi %mul3A_1867, %add3A_1868 : i32
        %get3A_1870 = arith.constant 1 : i32
        %get3A_1871 = arith.index_cast %get3A_1870 : i32 to index
        %get3A_1872 = arith.index_cast %add3A_1869 : i32 to index
        %get3A_1873 = arith.constant 64 : index
        %get3A_1874 = tpu.vector_load %arg6[%get3A_1871, %get3A_1872, %get3A_1873] {strides = array<i32>} : memref<2x128x128xf32, #tpu.memory_space<vmem>>, vector<1x1x16xf32>,
        %get3A_1875 = vector.shape_cast %get3A_1874 : vector<1x1x16xf32> to vector<16xf32>
        %add3A_1876 = arith.addf %add3A_1865, %get3A_1875 : vector<16xf32>
        %mul3A_1877 = arith.constant 32 : i32
        %mul3A_1878 = arith.muli %scan3A_193, %mul3A_1877 : i32
        %add3A_1879 = arith.constant 24 : i32
        %add3A_1880 = arith.addi %mul3A_1878, %add3A_1879 : i32
        %get3A_1881 = arith.constant 1 : i32
        %get3A_1882 = arith.index_cast %get3A_1881 : i32 to index
        %get3A_1883 = arith.index_cast %add3A_1880 : i32 to index
        %get3A_1884 = arith.constant 64 : index
        %get3A_1885 = tpu.vector_load %arg6[%get3A_1882, %get3A_1883, %get3A_1884] {strides = array<i32>} : memref<2x128x128xf32, #tpu.memory_space<vmem>>, vector<1x1x16xf32>,
        %get3A_1886 = vector.shape_cast %get3A_1885 : vector<1x1x16xf32> to vector<16xf32>
        %add3A_1887 = arith.addf %add3A_1876, %get3A_1886 : vector<16xf32>
        %mul3A_1888 = arith.constant 32 : i32
        %mul3A_1889 = arith.muli %scan3A_193, %mul3A_1888 : i32
        %add3A_1890 = arith.constant 25 : i32
        %add3A_1891 = arith.addi %mul3A_1889, %add3A_1890 : i32
        %get3A_1892 = arith.constant 1 : i32
        %get3A_1893 = arith.index_cast %get3A_1892 : i32 to index
        %get3A_1894 = arith.index_cast %add3A_1891 : i32 to index
        %get3A_1895 = arith.constant 64 : index
        %get3A_1896 = tpu.vector_load %arg6[%get3A_1893, %get3A_1894, %get3A_1895] {strides = array<i32>} : memref<2x128x128xf32, #tpu.memory_space<vmem>>, vector<1x1x16xf32>,
        %get3A_1897 = vector.shape_cast %get3A_1896 : vector<1x1x16xf32> to vector<16xf32>
        %add3A_1898 = arith.addf %add3A_1887, %get3A_1897 : vector<16xf32>
        %mul3A_1899 = arith.constant 32 : i32
        %mul3A_1900 = arith.muli %scan3A_193, %mul3A_1899 : i32
        %add3A_1901 = arith.constant 26 : i32
        %add3A_1902 = arith.addi %mul3A_1900, %add3A_1901 : i32
        %get3A_1903 = arith.constant 1 : i32
        %get3A_1904 = arith.index_cast %get3A_1903 : i32 to index
        %get3A_1905 = arith.index_cast %add3A_1902 : i32 to index
        %get3A_1906 = arith.constant 64 : index
        %get3A_1907 = tpu.vector_load %arg6[%get3A_1904, %get3A_1905, %get3A_1906] {strides = array<i32>} : memref<2x128x128xf32, #tpu.memory_space<vmem>>, vector<1x1x16xf32>,
        %get3A_1908 = vector.shape_cast %get3A_1907 : vector<1x1x16xf32> to vector<16xf32>
        %add3A_1909 = arith.addf %add3A_1898, %get3A_1908 : vector<16xf32>
        %mul3A_1910 = arith.constant 32 : i32
        %mul3A_1911 = arith.muli %scan3A_193, %mul3A_1910 : i32
        %add3A_1912 = arith.constant 27 : i32
        %add3A_1913 = arith.addi %mul3A_1911, %add3A_1912 : i32
        %get3A_1914 = arith.constant 1 : i32
        %get3A_1915 = arith.index_cast %get3A_1914 : i32 to index
        %get3A_1916 = arith.index_cast %add3A_1913 : i32 to index
        %get3A_1917 = arith.constant 64 : index
        %get3A_1918 = tpu.vector_load %arg6[%get3A_1915, %get3A_1916, %get3A_1917] {strides = array<i32>} : memref<2x128x128xf32, #tpu.memory_space<vmem>>, vector<1x1x16xf32>,
        %get3A_1919 = vector.shape_cast %get3A_1918 : vector<1x1x16xf32> to vector<16xf32>
        %add3A_1920 = arith.addf %add3A_1909, %get3A_1919 : vector<16xf32>
        %mul3A_1921 = arith.constant 32 : i32
        %mul3A_1922 = arith.muli %scan3A_193, %mul3A_1921 : i32
        %add3A_1923 = arith.constant 28 : i32
        %add3A_1924 = arith.addi %mul3A_1922, %add3A_1923 : i32
        %get3A_1925 = arith.constant 1 : i32
        %get3A_1926 = arith.index_cast %get3A_1925 : i32 to index
        %get3A_1927 = arith.index_cast %add3A_1924 : i32 to index
        %get3A_1928 = arith.constant 64 : index
        %get3A_1929 = tpu.vector_load %arg6[%get3A_1926, %get3A_1927, %get3A_1928] {strides = array<i32>} : memref<2x128x128xf32, #tpu.memory_space<vmem>>, vector<1x1x16xf32>,
        %get3A_1930 = vector.shape_cast %get3A_1929 : vector<1x1x16xf32> to vector<16xf32>
        %add3A_1931 = arith.addf %add3A_1920, %get3A_1930 : vector<16xf32>
        %mul3A_1932 = arith.constant 32 : i32
        %mul3A_1933 = arith.muli %scan3A_193, %mul3A_1932 : i32
        %add3A_1934 = arith.constant 29 : i32
        %add3A_1935 = arith.addi %mul3A_1933, %add3A_1934 : i32
        %get3A_1936 = arith.constant 1 : i32
        %get3A_1937 = arith.index_cast %get3A_1936 : i32 to index
        %get3A_1938 = arith.index_cast %add3A_1935 : i32 to index
        %get3A_1939 = arith.constant 64 : index
        %get3A_1940 = tpu.vector_load %arg6[%get3A_1937, %get3A_1938, %get3A_1939] {strides = array<i32>} : memref<2x128x128xf32, #tpu.memory_space<vmem>>, vector<1x1x16xf32>,
        %get3A_1941 = vector.shape_cast %get3A_1940 : vector<1x1x16xf32> to vector<16xf32>
        %add3A_1942 = arith.addf %add3A_1931, %get3A_1941 : vector<16xf32>
        %mul3A_1943 = arith.constant 32 : i32
        %mul3A_1944 = arith.muli %scan3A_193, %mul3A_1943 : i32
        %add3A_1945 = arith.constant 30 : i32
        %add3A_1946 = arith.addi %mul3A_1944, %add3A_1945 : i32
        %get3A_1947 = arith.constant 1 : i32
        %get3A_1948 = arith.index_cast %get3A_1947 : i32 to index
        %get3A_1949 = arith.index_cast %add3A_1946 : i32 to index
        %get3A_1950 = arith.constant 64 : index
        %get3A_1951 = tpu.vector_load %arg6[%get3A_1948, %get3A_1949, %get3A_1950] {strides = array<i32>} : memref<2x128x128xf32, #tpu.memory_space<vmem>>, vector<1x1x16xf32>,
        %get3A_1952 = vector.shape_cast %get3A_1951 : vector<1x1x16xf32> to vector<16xf32>
        %add3A_1953 = arith.addf %add3A_1942, %get3A_1952 : vector<16xf32>
        %mul3A_1954 = arith.constant 32 : i32
        %mul3A_1955 = arith.muli %scan3A_193, %mul3A_1954 : i32
        %add3A_1956 = arith.constant 31 : i32
        %add3A_1957 = arith.addi %mul3A_1955, %add3A_1956 : i32
        %get3A_1958 = arith.constant 1 : i32
        %get3A_1959 = arith.index_cast %get3A_1958 : i32 to index
        %get3A_1960 = arith.index_cast %add3A_1957 : i32 to index
        %get3A_1961 = arith.constant 64 : index
        %get3A_1962 = tpu.vector_load %arg6[%get3A_1959, %get3A_1960, %get3A_1961] {strides = array<i32>} : memref<2x128x128xf32, #tpu.memory_space<vmem>>, vector<1x1x16xf32>,
        %get3A_1963 = vector.shape_cast %get3A_1962 : vector<1x1x16xf32> to vector<16xf32>
        %add3A_1964 = arith.addf %add3A_1953, %get3A_1963 : vector<16xf32>
        %swap3A_1965 = arith.constant 1 : i32
        %swap3A_1966 = arith.index_cast %swap3A_1965 : i32 to index
        %swap3A_1967 = arith.index_cast %scan3A_193 : i32 to index
        %swap3A_1968 = arith.constant 64 : index
        %swap3A_1969 = tpu.vector_load %arg7[%swap3A_1966, %swap3A_1967, %swap3A_1968] {strides = array<i32>} : memref<2x4x128xf32, #tpu.memory_space<vmem>>, vector<1x1x16xf32>,
        %swap3A_1970 = vector.shape_cast %swap3A_1969 : vector<1x1x16xf32> to vector<16xf32>
        %swap3A_1971 = vector.shape_cast %add3A_1964 : vector<16xf32> to vector<1x1x16xf32>
        tpu.vector_store %arg7[%swap3A_1966, %swap3A_1967, %swap3A_1968], %swap3A_1971 {strides = array<i32>} : memref<2x4x128xf32, #tpu.memory_space<vmem>>, vector<1x1x16xf32>,
        %mul3A_1972 = arith.constant 32 : i32
        %mul3A_1973 = arith.muli %scan3A_193, %mul3A_1972 : i32
        %get3A_1974 = arith.constant 1 : i32
        %get3A_1975 = arith.index_cast %get3A_1974 : i32 to index
        %get3A_1976 = arith.index_cast %mul3A_1973 : i32 to index
        %get3A_1977 = arith.constant 80 : index
        %get3A_1978 = tpu.vector_load %arg6[%get3A_1975, %get3A_1976, %get3A_1977] {strides = array<i32>} : memref<2x128x128xf32, #tpu.memory_space<vmem>>, vector<1x1x16xf32>,
        %get3A_1979 = vector.shape_cast %get3A_1978 : vector<1x1x16xf32> to vector<16xf32>
        %mul3A_1980 = arith.constant 32 : i32
        %mul3A_1981 = arith.muli %scan3A_193, %mul3A_1980 : i32
        %add3A_1982 = arith.constant 1 : i32
        %add3A_1983 = arith.addi %mul3A_1981, %add3A_1982 : i32
        %get3A_1984 = arith.constant 1 : i32
        %get3A_1985 = arith.index_cast %get3A_1984 : i32 to index
        %get3A_1986 = arith.index_cast %add3A_1983 : i32 to index
        %get3A_1987 = arith.constant 80 : index
        %get3A_1988 = tpu.vector_load %arg6[%get3A_1985, %get3A_1986, %get3A_1987] {strides = array<i32>} : memref<2x128x128xf32, #tpu.memory_space<vmem>>, vector<1x1x16xf32>,
        %get3A_1989 = vector.shape_cast %get3A_1988 : vector<1x1x16xf32> to vector<16xf32>
        %add3A_1990 = arith.addf %get3A_1979, %get3A_1989 : vector<16xf32>
        %mul3A_1991 = arith.constant 32 : i32
        %mul3A_1992 = arith.muli %scan3A_193, %mul3A_1991 : i32
        %add3A_1993 = arith.constant 2 : i32
        %add3A_1994 = arith.addi %mul3A_1992, %add3A_1993 : i32
        %get3A_1995 = arith.constant 1 : i32
        %get3A_1996 = arith.index_cast %get3A_1995 : i32 to index
        %get3A_1997 = arith.index_cast %add3A_1994 : i32 to index
        %get3A_1998 = arith.constant 80 : index
        %get3A_1999 = tpu.vector_load %arg6[%get3A_1996, %get3A_1997, %get3A_1998] {strides = array<i32>} : memref<2x128x128xf32, #tpu.memory_space<vmem>>, vector<1x1x16xf32>,
        %get3A_2000 = vector.shape_cast %get3A_1999 : vector<1x1x16xf32> to vector<16xf32>
        %add3A_2001 = arith.addf %add3A_1990, %get3A_2000 : vector<16xf32>
        %mul3A_2002 = arith.constant 32 : i32
        %mul3A_2003 = arith.muli %scan3A_193, %mul3A_2002 : i32
        %add3A_2004 = arith.constant 3 : i32
        %add3A_2005 = arith.addi %mul3A_2003, %add3A_2004 : i32
        %get3A_2006 = arith.constant 1 : i32
        %get3A_2007 = arith.index_cast %get3A_2006 : i32 to index
        %get3A_2008 = arith.index_cast %add3A_2005 : i32 to index
        %get3A_2009 = arith.constant 80 : index
        %get3A_2010 = tpu.vector_load %arg6[%get3A_2007, %get3A_2008, %get3A_2009] {strides = array<i32>} : memref<2x128x128xf32, #tpu.memory_space<vmem>>, vector<1x1x16xf32>,
        %get3A_2011 = vector.shape_cast %get3A_2010 : vector<1x1x16xf32> to vector<16xf32>
        %add3A_2012 = arith.addf %add3A_2001, %get3A_2011 : vector<16xf32>
        %mul3A_2013 = arith.constant 32 : i32
        %mul3A_2014 = arith.muli %scan3A_193, %mul3A_2013 : i32
        %add3A_2015 = arith.constant 4 : i32
        %add3A_2016 = arith.addi %mul3A_2014, %add3A_2015 : i32
        %get3A_2017 = arith.constant 1 : i32
        %get3A_2018 = arith.index_cast %get3A_2017 : i32 to index
        %get3A_2019 = arith.index_cast %add3A_2016 : i32 to index
        %get3A_2020 = arith.constant 80 : index
        %get3A_2021 = tpu.vector_load %arg6[%get3A_2018, %get3A_2019, %get3A_2020] {strides = array<i32>} : memref<2x128x128xf32, #tpu.memory_space<vmem>>, vector<1x1x16xf32>,
        %get3A_2022 = vector.shape_cast %get3A_2021 : vector<1x1x16xf32> to vector<16xf32>
        %add3A_2023 = arith.addf %add3A_2012, %get3A_2022 : vector<16xf32>
        %mul3A_2024 = arith.constant 32 : i32
        %mul3A_2025 = arith.muli %scan3A_193, %mul3A_2024 : i32
        %add3A_2026 = arith.constant 5 : i32
        %add3A_2027 = arith.addi %mul3A_2025, %add3A_2026 : i32
        %get3A_2028 = arith.constant 1 : i32
        %get3A_2029 = arith.index_cast %get3A_2028 : i32 to index
        %get3A_2030 = arith.index_cast %add3A_2027 : i32 to index
        %get3A_2031 = arith.constant 80 : index
        %get3A_2032 = tpu.vector_load %arg6[%get3A_2029, %get3A_2030, %get3A_2031] {strides = array<i32>} : memref<2x128x128xf32, #tpu.memory_space<vmem>>, vector<1x1x16xf32>,
        %get3A_2033 = vector.shape_cast %get3A_2032 : vector<1x1x16xf32> to vector<16xf32>
        %add3A_2034 = arith.addf %add3A_2023, %get3A_2033 : vector<16xf32>
        %mul3A_2035 = arith.constant 32 : i32
        %mul3A_2036 = arith.muli %scan3A_193, %mul3A_2035 : i32
        %add3A_2037 = arith.constant 6 : i32
        %add3A_2038 = arith.addi %mul3A_2036, %add3A_2037 : i32
        %get3A_2039 = arith.constant 1 : i32
        %get3A_2040 = arith.index_cast %get3A_2039 : i32 to index
        %get3A_2041 = arith.index_cast %add3A_2038 : i32 to index
        %get3A_2042 = arith.constant 80 : index
        %get3A_2043 = tpu.vector_load %arg6[%get3A_2040, %get3A_2041, %get3A_2042] {strides = array<i32>} : memref<2x128x128xf32, #tpu.memory_space<vmem>>, vector<1x1x16xf32>,
        %get3A_2044 = vector.shape_cast %get3A_2043 : vector<1x1x16xf32> to vector<16xf32>
        %add3A_2045 = arith.addf %add3A_2034, %get3A_2044 : vector<16xf32>
        %mul3A_2046 = arith.constant 32 : i32
        %mul3A_2047 = arith.muli %scan3A_193, %mul3A_2046 : i32
        %add3A_2048 = arith.constant 7 : i32
        %add3A_2049 = arith.addi %mul3A_2047, %add3A_2048 : i32
        %get3A_2050 = arith.constant 1 : i32
        %get3A_2051 = arith.index_cast %get3A_2050 : i32 to index
        %get3A_2052 = arith.index_cast %add3A_2049 : i32 to index
        %get3A_2053 = arith.constant 80 : index
        %get3A_2054 = tpu.vector_load %arg6[%get3A_2051, %get3A_2052, %get3A_2053] {strides = array<i32>} : memref<2x128x128xf32, #tpu.memory_space<vmem>>, vector<1x1x16xf32>,
        %get3A_2055 = vector.shape_cast %get3A_2054 : vector<1x1x16xf32> to vector<16xf32>
        %add3A_2056 = arith.addf %add3A_2045, %get3A_2055 : vector<16xf32>
        %mul3A_2057 = arith.constant 32 : i32
        %mul3A_2058 = arith.muli %scan3A_193, %mul3A_2057 : i32
        %add3A_2059 = arith.constant 8 : i32
        %add3A_2060 = arith.addi %mul3A_2058, %add3A_2059 : i32
        %get3A_2061 = arith.constant 1 : i32
        %get3A_2062 = arith.index_cast %get3A_2061 : i32 to index
        %get3A_2063 = arith.index_cast %add3A_2060 : i32 to index
        %get3A_2064 = arith.constant 80 : index
        %get3A_2065 = tpu.vector_load %arg6[%get3A_2062, %get3A_2063, %get3A_2064] {strides = array<i32>} : memref<2x128x128xf32, #tpu.memory_space<vmem>>, vector<1x1x16xf32>,
        %get3A_2066 = vector.shape_cast %get3A_2065 : vector<1x1x16xf32> to vector<16xf32>
        %add3A_2067 = arith.addf %add3A_2056, %get3A_2066 : vector<16xf32>
        %mul3A_2068 = arith.constant 32 : i32
        %mul3A_2069 = arith.muli %scan3A_193, %mul3A_2068 : i32
        %add3A_2070 = arith.constant 9 : i32
        %add3A_2071 = arith.addi %mul3A_2069, %add3A_2070 : i32
        %get3A_2072 = arith.constant 1 : i32
        %get3A_2073 = arith.index_cast %get3A_2072 : i32 to index
        %get3A_2074 = arith.index_cast %add3A_2071 : i32 to index
        %get3A_2075 = arith.constant 80 : index
        %get3A_2076 = tpu.vector_load %arg6[%get3A_2073, %get3A_2074, %get3A_2075] {strides = array<i32>} : memref<2x128x128xf32, #tpu.memory_space<vmem>>, vector<1x1x16xf32>,
        %get3A_2077 = vector.shape_cast %get3A_2076 : vector<1x1x16xf32> to vector<16xf32>
        %add3A_2078 = arith.addf %add3A_2067, %get3A_2077 : vector<16xf32>
        %mul3A_2079 = arith.constant 32 : i32
        %mul3A_2080 = arith.muli %scan3A_193, %mul3A_2079 : i32
        %add3A_2081 = arith.constant 10 : i32
        %add3A_2082 = arith.addi %mul3A_2080, %add3A_2081 : i32
        %get3A_2083 = arith.constant 1 : i32
        %get3A_2084 = arith.index_cast %get3A_2083 : i32 to index
        %get3A_2085 = arith.index_cast %add3A_2082 : i32 to index
        %get3A_2086 = arith.constant 80 : index
        %get3A_2087 = tpu.vector_load %arg6[%get3A_2084, %get3A_2085, %get3A_2086] {strides = array<i32>} : memref<2x128x128xf32, #tpu.memory_space<vmem>>, vector<1x1x16xf32>,
        %get3A_2088 = vector.shape_cast %get3A_2087 : vector<1x1x16xf32> to vector<16xf32>
        %add3A_2089 = arith.addf %add3A_2078, %get3A_2088 : vector<16xf32>
        %mul3A_2090 = arith.constant 32 : i32
        %mul3A_2091 = arith.muli %scan3A_193, %mul3A_2090 : i32
        %add3A_2092 = arith.constant 11 : i32
        %add3A_2093 = arith.addi %mul3A_2091, %add3A_2092 : i32
        %get3A_2094 = arith.constant 1 : i32
        %get3A_2095 = arith.index_cast %get3A_2094 : i32 to index
        %get3A_2096 = arith.index_cast %add3A_2093 : i32 to index
        %get3A_2097 = arith.constant 80 : index
        %get3A_2098 = tpu.vector_load %arg6[%get3A_2095, %get3A_2096, %get3A_2097] {strides = array<i32>} : memref<2x128x128xf32, #tpu.memory_space<vmem>>, vector<1x1x16xf32>,
        %get3A_2099 = vector.shape_cast %get3A_2098 : vector<1x1x16xf32> to vector<16xf32>
        %add3A_2100 = arith.addf %add3A_2089, %get3A_2099 : vector<16xf32>
        %mul3A_2101 = arith.constant 32 : i32
        %mul3A_2102 = arith.muli %scan3A_193, %mul3A_2101 : i32
        %add3A_2103 = arith.constant 12 : i32
        %add3A_2104 = arith.addi %mul3A_2102, %add3A_2103 : i32
        %get3A_2105 = arith.constant 1 : i32
        %get3A_2106 = arith.index_cast %get3A_2105 : i32 to index
        %get3A_2107 = arith.index_cast %add3A_2104 : i32 to index
        %get3A_2108 = arith.constant 80 : index
        %get3A_2109 = tpu.vector_load %arg6[%get3A_2106, %get3A_2107, %get3A_2108] {strides = array<i32>} : memref<2x128x128xf32, #tpu.memory_space<vmem>>, vector<1x1x16xf32>,
        %get3A_2110 = vector.shape_cast %get3A_2109 : vector<1x1x16xf32> to vector<16xf32>
        %add3A_2111 = arith.addf %add3A_2100, %get3A_2110 : vector<16xf32>
        %mul3A_2112 = arith.constant 32 : i32
        %mul3A_2113 = arith.muli %scan3A_193, %mul3A_2112 : i32
        %add3A_2114 = arith.constant 13 : i32
        %add3A_2115 = arith.addi %mul3A_2113, %add3A_2114 : i32
        %get3A_2116 = arith.constant 1 : i32
        %get3A_2117 = arith.index_cast %get3A_2116 : i32 to index
        %get3A_2118 = arith.index_cast %add3A_2115 : i32 to index
        %get3A_2119 = arith.constant 80 : index
        %get3A_2120 = tpu.vector_load %arg6[%get3A_2117, %get3A_2118, %get3A_2119] {strides = array<i32>} : memref<2x128x128xf32, #tpu.memory_space<vmem>>, vector<1x1x16xf32>,
        %get3A_2121 = vector.shape_cast %get3A_2120 : vector<1x1x16xf32> to vector<16xf32>
        %add3A_2122 = arith.addf %add3A_2111, %get3A_2121 : vector<16xf32>
        %mul3A_2123 = arith.constant 32 : i32
        %mul3A_2124 = arith.muli %scan3A_193, %mul3A_2123 : i32
        %add3A_2125 = arith.constant 14 : i32
        %add3A_2126 = arith.addi %mul3A_2124, %add3A_2125 : i32
        %get3A_2127 = arith.constant 1 : i32
        %get3A_2128 = arith.index_cast %get3A_2127 : i32 to index
        %get3A_2129 = arith.index_cast %add3A_2126 : i32 to index
        %get3A_2130 = arith.constant 80 : index
        %get3A_2131 = tpu.vector_load %arg6[%get3A_2128, %get3A_2129, %get3A_2130] {strides = array<i32>} : memref<2x128x128xf32, #tpu.memory_space<vmem>>, vector<1x1x16xf32>,
        %get3A_2132 = vector.shape_cast %get3A_2131 : vector<1x1x16xf32> to vector<16xf32>
        %add3A_2133 = arith.addf %add3A_2122, %get3A_2132 : vector<16xf32>
        %mul3A_2134 = arith.constant 32 : i32
        %mul3A_2135 = arith.muli %scan3A_193, %mul3A_2134 : i32
        %add3A_2136 = arith.constant 15 : i32
        %add3A_2137 = arith.addi %mul3A_2135, %add3A_2136 : i32
        %get3A_2138 = arith.constant 1 : i32
        %get3A_2139 = arith.index_cast %get3A_2138 : i32 to index
        %get3A_2140 = arith.index_cast %add3A_2137 : i32 to index
        %get3A_2141 = arith.constant 80 : index
        %get3A_2142 = tpu.vector_load %arg6[%get3A_2139, %get3A_2140, %get3A_2141] {strides = array<i32>} : memref<2x128x128xf32, #tpu.memory_space<vmem>>, vector<1x1x16xf32>,
        %get3A_2143 = vector.shape_cast %get3A_2142 : vector<1x1x16xf32> to vector<16xf32>
        %add3A_2144 = arith.addf %add3A_2133, %get3A_2143 : vector<16xf32>
        %mul3A_2145 = arith.constant 32 : i32
        %mul3A_2146 = arith.muli %scan3A_193, %mul3A_2145 : i32
        %add3A_2147 = arith.constant 16 : i32
        %add3A_2148 = arith.addi %mul3A_2146, %add3A_2147 : i32
        %get3A_2149 = arith.constant 1 : i32
        %get3A_2150 = arith.index_cast %get3A_2149 : i32 to index
        %get3A_2151 = arith.index_cast %add3A_2148 : i32 to index
        %get3A_2152 = arith.constant 80 : index
        %get3A_2153 = tpu.vector_load %arg6[%get3A_2150, %get3A_2151, %get3A_2152] {strides = array<i32>} : memref<2x128x128xf32, #tpu.memory_space<vmem>>, vector<1x1x16xf32>,
        %get3A_2154 = vector.shape_cast %get3A_2153 : vector<1x1x16xf32> to vector<16xf32>
        %add3A_2155 = arith.addf %add3A_2144, %get3A_2154 : vector<16xf32>
        %mul3A_2156 = arith.constant 32 : i32
        %mul3A_2157 = arith.muli %scan3A_193, %mul3A_2156 : i32
        %add3A_2158 = arith.constant 17 : i32
        %add3A_2159 = arith.addi %mul3A_2157, %add3A_2158 : i32
        %get3A_2160 = arith.constant 1 : i32
        %get3A_2161 = arith.index_cast %get3A_2160 : i32 to index
        %get3A_2162 = arith.index_cast %add3A_2159 : i32 to index
        %get3A_2163 = arith.constant 80 : index
        %get3A_2164 = tpu.vector_load %arg6[%get3A_2161, %get3A_2162, %get3A_2163] {strides = array<i32>} : memref<2x128x128xf32, #tpu.memory_space<vmem>>, vector<1x1x16xf32>,
        %get3A_2165 = vector.shape_cast %get3A_2164 : vector<1x1x16xf32> to vector<16xf32>
        %add3A_2166 = arith.addf %add3A_2155, %get3A_2165 : vector<16xf32>
        %mul3A_2167 = arith.constant 32 : i32
        %mul3A_2168 = arith.muli %scan3A_193, %mul3A_2167 : i32
        %add3A_2169 = arith.constant 18 : i32
        %add3A_2170 = arith.addi %mul3A_2168, %add3A_2169 : i32
        %get3A_2171 = arith.constant 1 : i32
        %get3A_2172 = arith.index_cast %get3A_2171 : i32 to index
        %get3A_2173 = arith.index_cast %add3A_2170 : i32 to index
        %get3A_2174 = arith.constant 80 : index
        %get3A_2175 = tpu.vector_load %arg6[%get3A_2172, %get3A_2173, %get3A_2174] {strides = array<i32>} : memref<2x128x128xf32, #tpu.memory_space<vmem>>, vector<1x1x16xf32>,
        %get3A_2176 = vector.shape_cast %get3A_2175 : vector<1x1x16xf32> to vector<16xf32>
        %add3A_2177 = arith.addf %add3A_2166, %get3A_2176 : vector<16xf32>
        %mul3A_2178 = arith.constant 32 : i32
        %mul3A_2179 = arith.muli %scan3A_193, %mul3A_2178 : i32
        %add3A_2180 = arith.constant 19 : i32
        %add3A_2181 = arith.addi %mul3A_2179, %add3A_2180 : i32
        %get3A_2182 = arith.constant 1 : i32
        %get3A_2183 = arith.index_cast %get3A_2182 : i32 to index
        %get3A_2184 = arith.index_cast %add3A_2181 : i32 to index
        %get3A_2185 = arith.constant 80 : index
        %get3A_2186 = tpu.vector_load %arg6[%get3A_2183, %get3A_2184, %get3A_2185] {strides = array<i32>} : memref<2x128x128xf32, #tpu.memory_space<vmem>>, vector<1x1x16xf32>,
        %get3A_2187 = vector.shape_cast %get3A_2186 : vector<1x1x16xf32> to vector<16xf32>
        %add3A_2188 = arith.addf %add3A_2177, %get3A_2187 : vector<16xf32>
        %mul3A_2189 = arith.constant 32 : i32
        %mul3A_2190 = arith.muli %scan3A_193, %mul3A_2189 : i32
        %add3A_2191 = arith.constant 20 : i32
        %add3A_2192 = arith.addi %mul3A_2190, %add3A_2191 : i32
        %get3A_2193 = arith.constant 1 : i32
        %get3A_2194 = arith.index_cast %get3A_2193 : i32 to index
        %get3A_2195 = arith.index_cast %add3A_2192 : i32 to index
        %get3A_2196 = arith.constant 80 : index
        %get3A_2197 = tpu.vector_load %arg6[%get3A_2194, %get3A_2195, %get3A_2196] {strides = array<i32>} : memref<2x128x128xf32, #tpu.memory_space<vmem>>, vector<1x1x16xf32>,
        %get3A_2198 = vector.shape_cast %get3A_2197 : vector<1x1x16xf32> to vector<16xf32>
        %add3A_2199 = arith.addf %add3A_2188, %get3A_2198 : vector<16xf32>
        %mul3A_2200 = arith.constant 32 : i32
        %mul3A_2201 = arith.muli %scan3A_193, %mul3A_2200 : i32
        %add3A_2202 = arith.constant 21 : i32
        %add3A_2203 = arith.addi %mul3A_2201, %add3A_2202 : i32
        %get3A_2204 = arith.constant 1 : i32
        %get3A_2205 = arith.index_cast %get3A_2204 : i32 to index
        %get3A_2206 = arith.index_cast %add3A_2203 : i32 to index
        %get3A_2207 = arith.constant 80 : index
        %get3A_2208 = tpu.vector_load %arg6[%get3A_2205, %get3A_2206, %get3A_2207] {strides = array<i32>} : memref<2x128x128xf32, #tpu.memory_space<vmem>>, vector<1x1x16xf32>,
        %get3A_2209 = vector.shape_cast %get3A_2208 : vector<1x1x16xf32> to vector<16xf32>
        %add3A_2210 = arith.addf %add3A_2199, %get3A_2209 : vector<16xf32>
        %mul3A_2211 = arith.constant 32 : i32
        %mul3A_2212 = arith.muli %scan3A_193, %mul3A_2211 : i32
        %add3A_2213 = arith.constant 22 : i32
        %add3A_2214 = arith.addi %mul3A_2212, %add3A_2213 : i32
        %get3A_2215 = arith.constant 1 : i32
        %get3A_2216 = arith.index_cast %get3A_2215 : i32 to index
        %get3A_2217 = arith.index_cast %add3A_2214 : i32 to index
        %get3A_2218 = arith.constant 80 : index
        %get3A_2219 = tpu.vector_load %arg6[%get3A_2216, %get3A_2217, %get3A_2218] {strides = array<i32>} : memref<2x128x128xf32, #tpu.memory_space<vmem>>, vector<1x1x16xf32>,
        %get3A_2220 = vector.shape_cast %get3A_2219 : vector<1x1x16xf32> to vector<16xf32>
        %add3A_2221 = arith.addf %add3A_2210, %get3A_2220 : vector<16xf32>
        %mul3A_2222 = arith.constant 32 : i32
        %mul3A_2223 = arith.muli %scan3A_193, %mul3A_2222 : i32
        %add3A_2224 = arith.constant 23 : i32
        %add3A_2225 = arith.addi %mul3A_2223, %add3A_2224 : i32
        %get3A_2226 = arith.constant 1 : i32
        %get3A_2227 = arith.index_cast %get3A_2226 : i32 to index
        %get3A_2228 = arith.index_cast %add3A_2225 : i32 to index
        %get3A_2229 = arith.constant 80 : index
        %get3A_2230 = tpu.vector_load %arg6[%get3A_2227, %get3A_2228, %get3A_2229] {strides = array<i32>} : memref<2x128x128xf32, #tpu.memory_space<vmem>>, vector<1x1x16xf32>,
        %get3A_2231 = vector.shape_cast %get3A_2230 : vector<1x1x16xf32> to vector<16xf32>
        %add3A_2232 = arith.addf %add3A_2221, %get3A_2231 : vector<16xf32>
        %mul3A_2233 = arith.constant 32 : i32
        %mul3A_2234 = arith.muli %scan3A_193, %mul3A_2233 : i32
        %add3A_2235 = arith.constant 24 : i32
        %add3A_2236 = arith.addi %mul3A_2234, %add3A_2235 : i32
        %get3A_2237 = arith.constant 1 : i32
        %get3A_2238 = arith.index_cast %get3A_2237 : i32 to index
        %get3A_2239 = arith.index_cast %add3A_2236 : i32 to index
        %get3A_2240 = arith.constant 80 : index
        %get3A_2241 = tpu.vector_load %arg6[%get3A_2238, %get3A_2239, %get3A_2240] {strides = array<i32>} : memref<2x128x128xf32, #tpu.memory_space<vmem>>, vector<1x1x16xf32>,
        %get3A_2242 = vector.shape_cast %get3A_2241 : vector<1x1x16xf32> to vector<16xf32>
        %add3A_2243 = arith.addf %add3A_2232, %get3A_2242 : vector<16xf32>
        %mul3A_2244 = arith.constant 32 : i32
        %mul3A_2245 = arith.muli %scan3A_193, %mul3A_2244 : i32
        %add3A_2246 = arith.constant 25 : i32
        %add3A_2247 = arith.addi %mul3A_2245, %add3A_2246 : i32
        %get3A_2248 = arith.constant 1 : i32
        %get3A_2249 = arith.index_cast %get3A_2248 : i32 to index
        %get3A_2250 = arith.index_cast %add3A_2247 : i32 to index
        %get3A_2251 = arith.constant 80 : index
        %get3A_2252 = tpu.vector_load %arg6[%get3A_2249, %get3A_2250, %get3A_2251] {strides = array<i32>} : memref<2x128x128xf32, #tpu.memory_space<vmem>>, vector<1x1x16xf32>,
        %get3A_2253 = vector.shape_cast %get3A_2252 : vector<1x1x16xf32> to vector<16xf32>
        %add3A_2254 = arith.addf %add3A_2243, %get3A_2253 : vector<16xf32>
        %mul3A_2255 = arith.constant 32 : i32
        %mul3A_2256 = arith.muli %scan3A_193, %mul3A_2255 : i32
        %add3A_2257 = arith.constant 26 : i32
        %add3A_2258 = arith.addi %mul3A_2256, %add3A_2257 : i32
        %get3A_2259 = arith.constant 1 : i32
        %get3A_2260 = arith.index_cast %get3A_2259 : i32 to index
        %get3A_2261 = arith.index_cast %add3A_2258 : i32 to index
        %get3A_2262 = arith.constant 80 : index
        %get3A_2263 = tpu.vector_load %arg6[%get3A_2260, %get3A_2261, %get3A_2262] {strides = array<i32>} : memref<2x128x128xf32, #tpu.memory_space<vmem>>, vector<1x1x16xf32>,
        %get3A_2264 = vector.shape_cast %get3A_2263 : vector<1x1x16xf32> to vector<16xf32>
        %add3A_2265 = arith.addf %add3A_2254, %get3A_2264 : vector<16xf32>
        %mul3A_2266 = arith.constant 32 : i32
        %mul3A_2267 = arith.muli %scan3A_193, %mul3A_2266 : i32
        %add3A_2268 = arith.constant 27 : i32
        %add3A_2269 = arith.addi %mul3A_2267, %add3A_2268 : i32
        %get3A_2270 = arith.constant 1 : i32
        %get3A_2271 = arith.index_cast %get3A_2270 : i32 to index
        %get3A_2272 = arith.index_cast %add3A_2269 : i32 to index
        %get3A_2273 = arith.constant 80 : index
        %get3A_2274 = tpu.vector_load %arg6[%get3A_2271, %get3A_2272, %get3A_2273] {strides = array<i32>} : memref<2x128x128xf32, #tpu.memory_space<vmem>>, vector<1x1x16xf32>,
        %get3A_2275 = vector.shape_cast %get3A_2274 : vector<1x1x16xf32> to vector<16xf32>
        %add3A_2276 = arith.addf %add3A_2265, %get3A_2275 : vector<16xf32>
        %mul3A_2277 = arith.constant 32 : i32
        %mul3A_2278 = arith.muli %scan3A_193, %mul3A_2277 : i32
        %add3A_2279 = arith.constant 28 : i32
        %add3A_2280 = arith.addi %mul3A_2278, %add3A_2279 : i32
        %get3A_2281 = arith.constant 1 : i32
        %get3A_2282 = arith.index_cast %get3A_2281 : i32 to index
        %get3A_2283 = arith.index_cast %add3A_2280 : i32 to index
        %get3A_2284 = arith.constant 80 : index
        %get3A_2285 = tpu.vector_load %arg6[%get3A_2282, %get3A_2283, %get3A_2284] {strides = array<i32>} : memref<2x128x128xf32, #tpu.memory_space<vmem>>, vector<1x1x16xf32>,
        %get3A_2286 = vector.shape_cast %get3A_2285 : vector<1x1x16xf32> to vector<16xf32>
        %add3A_2287 = arith.addf %add3A_2276, %get3A_2286 : vector<16xf32>
        %mul3A_2288 = arith.constant 32 : i32
        %mul3A_2289 = arith.muli %scan3A_193, %mul3A_2288 : i32
        %add3A_2290 = arith.constant 29 : i32
        %add3A_2291 = arith.addi %mul3A_2289, %add3A_2290 : i32
        %get3A_2292 = arith.constant 1 : i32
        %get3A_2293 = arith.index_cast %get3A_2292 : i32 to index
        %get3A_2294 = arith.index_cast %add3A_2291 : i32 to index
        %get3A_2295 = arith.constant 80 : index
        %get3A_2296 = tpu.vector_load %arg6[%get3A_2293, %get3A_2294, %get3A_2295] {strides = array<i32>} : memref<2x128x128xf32, #tpu.memory_space<vmem>>, vector<1x1x16xf32>,
        %get3A_2297 = vector.shape_cast %get3A_2296 : vector<1x1x16xf32> to vector<16xf32>
        %add3A_2298 = arith.addf %add3A_2287, %get3A_2297 : vector<16xf32>
        %mul3A_2299 = arith.constant 32 : i32
        %mul3A_2300 = arith.muli %scan3A_193, %mul3A_2299 : i32
        %add3A_2301 = arith.constant 30 : i32
        %add3A_2302 = arith.addi %mul3A_2300, %add3A_2301 : i32
        %get3A_2303 = arith.constant 1 : i32
        %get3A_2304 = arith.index_cast %get3A_2303 : i32 to index
        %get3A_2305 = arith.index_cast %add3A_2302 : i32 to index
        %get3A_2306 = arith.constant 80 : index
        %get3A_2307 = tpu.vector_load %arg6[%get3A_2304, %get3A_2305, %get3A_2306] {strides = array<i32>} : memref<2x128x128xf32, #tpu.memory_space<vmem>>, vector<1x1x16xf32>,
        %get3A_2308 = vector.shape_cast %get3A_2307 : vector<1x1x16xf32> to vector<16xf32>
        %add3A_2309 = arith.addf %add3A_2298, %get3A_2308 : vector<16xf32>
        %mul3A_2310 = arith.constant 32 : i32
        %mul3A_2311 = arith.muli %scan3A_193, %mul3A_2310 : i32
        %add3A_2312 = arith.constant 31 : i32
        %add3A_2313 = arith.addi %mul3A_2311, %add3A_2312 : i32
        %get3A_2314 = arith.constant 1 : i32
        %get3A_2315 = arith.index_cast %get3A_2314 : i32 to index
        %get3A_2316 = arith.index_cast %add3A_2313 : i32 to index
        %get3A_2317 = arith.constant 80 : index
        %get3A_2318 = tpu.vector_load %arg6[%get3A_2315, %get3A_2316, %get3A_2317] {strides = array<i32>} : memref<2x128x128xf32, #tpu.memory_space<vmem>>, vector<1x1x16xf32>,
        %get3A_2319 = vector.shape_cast %get3A_2318 : vector<1x1x16xf32> to vector<16xf32>
        %add3A_2320 = arith.addf %add3A_2309, %get3A_2319 : vector<16xf32>
        %swap3A_2321 = arith.constant 1 : i32
        %swap3A_2322 = arith.index_cast %swap3A_2321 : i32 to index
        %swap3A_2323 = arith.index_cast %scan3A_193 : i32 to index
        %swap3A_2324 = arith.constant 80 : index
        %swap3A_2325 = tpu.vector_load %arg7[%swap3A_2322, %swap3A_2323, %swap3A_2324] {strides = array<i32>} : memref<2x4x128xf32, #tpu.memory_space<vmem>>, vector<1x1x16xf32>,
        %swap3A_2326 = vector.shape_cast %swap3A_2325 : vector<1x1x16xf32> to vector<16xf32>
        %swap3A_2327 = vector.shape_cast %add3A_2320 : vector<16xf32> to vector<1x1x16xf32>
        tpu.vector_store %arg7[%swap3A_2322, %swap3A_2323, %swap3A_2324], %swap3A_2327 {strides = array<i32>} : memref<2x4x128xf32, #tpu.memory_space<vmem>>, vector<1x1x16xf32>,
        %mul3A_2328 = arith.constant 32 : i32
        %mul3A_2329 = arith.muli %scan3A_193, %mul3A_2328 : i32
        %get3A_2330 = arith.constant 1 : i32
        %get3A_2331 = arith.index_cast %get3A_2330 : i32 to index
        %get3A_2332 = arith.index_cast %mul3A_2329 : i32 to index
        %get3A_2333 = arith.constant 96 : index
        %get3A_2334 = tpu.vector_load %arg6[%get3A_2331, %get3A_2332, %get3A_2333] {strides = array<i32>} : memref<2x128x128xf32, #tpu.memory_space<vmem>>, vector<1x1x16xf32>,
        %get3A_2335 = vector.shape_cast %get3A_2334 : vector<1x1x16xf32> to vector<16xf32>
        %mul3A_2336 = arith.constant 32 : i32
        %mul3A_2337 = arith.muli %scan3A_193, %mul3A_2336 : i32
        %add3A_2338 = arith.constant 1 : i32
        %add3A_2339 = arith.addi %mul3A_2337, %add3A_2338 : i32
        %get3A_2340 = arith.constant 1 : i32
        %get3A_2341 = arith.index_cast %get3A_2340 : i32 to index
        %get3A_2342 = arith.index_cast %add3A_2339 : i32 to index
        %get3A_2343 = arith.constant 96 : index
        %get3A_2344 = tpu.vector_load %arg6[%get3A_2341, %get3A_2342, %get3A_2343] {strides = array<i32>} : memref<2x128x128xf32, #tpu.memory_space<vmem>>, vector<1x1x16xf32>,
        %get3A_2345 = vector.shape_cast %get3A_2344 : vector<1x1x16xf32> to vector<16xf32>
        %add3A_2346 = arith.addf %get3A_2335, %get3A_2345 : vector<16xf32>
        %mul3A_2347 = arith.constant 32 : i32
        %mul3A_2348 = arith.muli %scan3A_193, %mul3A_2347 : i32
        %add3A_2349 = arith.constant 2 : i32
        %add3A_2350 = arith.addi %mul3A_2348, %add3A_2349 : i32
        %get3A_2351 = arith.constant 1 : i32
        %get3A_2352 = arith.index_cast %get3A_2351 : i32 to index
        %get3A_2353 = arith.index_cast %add3A_2350 : i32 to index
        %get3A_2354 = arith.constant 96 : index
        %get3A_2355 = tpu.vector_load %arg6[%get3A_2352, %get3A_2353, %get3A_2354] {strides = array<i32>} : memref<2x128x128xf32, #tpu.memory_space<vmem>>, vector<1x1x16xf32>,
        %get3A_2356 = vector.shape_cast %get3A_2355 : vector<1x1x16xf32> to vector<16xf32>
        %add3A_2357 = arith.addf %add3A_2346, %get3A_2356 : vector<16xf32>
        %mul3A_2358 = arith.constant 32 : i32
        %mul3A_2359 = arith.muli %scan3A_193, %mul3A_2358 : i32
        %add3A_2360 = arith.constant 3 : i32
        %add3A_2361 = arith.addi %mul3A_2359, %add3A_2360 : i32
        %get3A_2362 = arith.constant 1 : i32
        %get3A_2363 = arith.index_cast %get3A_2362 : i32 to index
        %get3A_2364 = arith.index_cast %add3A_2361 : i32 to index
        %get3A_2365 = arith.constant 96 : index
        %get3A_2366 = tpu.vector_load %arg6[%get3A_2363, %get3A_2364, %get3A_2365] {strides = array<i32>} : memref<2x128x128xf32, #tpu.memory_space<vmem>>, vector<1x1x16xf32>,
        %get3A_2367 = vector.shape_cast %get3A_2366 : vector<1x1x16xf32> to vector<16xf32>
        %add3A_2368 = arith.addf %add3A_2357, %get3A_2367 : vector<16xf32>
        %mul3A_2369 = arith.constant 32 : i32
        %mul3A_2370 = arith.muli %scan3A_193, %mul3A_2369 : i32
        %add3A_2371 = arith.constant 4 : i32
        %add3A_2372 = arith.addi %mul3A_2370, %add3A_2371 : i32
        %get3A_2373 = arith.constant 1 : i32
        %get3A_2374 = arith.index_cast %get3A_2373 : i32 to index
        %get3A_2375 = arith.index_cast %add3A_2372 : i32 to index
        %get3A_2376 = arith.constant 96 : index
        %get3A_2377 = tpu.vector_load %arg6[%get3A_2374, %get3A_2375, %get3A_2376] {strides = array<i32>} : memref<2x128x128xf32, #tpu.memory_space<vmem>>, vector<1x1x16xf32>,
        %get3A_2378 = vector.shape_cast %get3A_2377 : vector<1x1x16xf32> to vector<16xf32>
        %add3A_2379 = arith.addf %add3A_2368, %get3A_2378 : vector<16xf32>
        %mul3A_2380 = arith.constant 32 : i32
        %mul3A_2381 = arith.muli %scan3A_193, %mul3A_2380 : i32
        %add3A_2382 = arith.constant 5 : i32
        %add3A_2383 = arith.addi %mul3A_2381, %add3A_2382 : i32
        %get3A_2384 = arith.constant 1 : i32
        %get3A_2385 = arith.index_cast %get3A_2384 : i32 to index
        %get3A_2386 = arith.index_cast %add3A_2383 : i32 to index
        %get3A_2387 = arith.constant 96 : index
        %get3A_2388 = tpu.vector_load %arg6[%get3A_2385, %get3A_2386, %get3A_2387] {strides = array<i32>} : memref<2x128x128xf32, #tpu.memory_space<vmem>>, vector<1x1x16xf32>,
        %get3A_2389 = vector.shape_cast %get3A_2388 : vector<1x1x16xf32> to vector<16xf32>
        %add3A_2390 = arith.addf %add3A_2379, %get3A_2389 : vector<16xf32>
        %mul3A_2391 = arith.constant 32 : i32
        %mul3A_2392 = arith.muli %scan3A_193, %mul3A_2391 : i32
        %add3A_2393 = arith.constant 6 : i32
        %add3A_2394 = arith.addi %mul3A_2392, %add3A_2393 : i32
        %get3A_2395 = arith.constant 1 : i32
        %get3A_2396 = arith.index_cast %get3A_2395 : i32 to index
        %get3A_2397 = arith.index_cast %add3A_2394 : i32 to index
        %get3A_2398 = arith.constant 96 : index
        %get3A_2399 = tpu.vector_load %arg6[%get3A_2396, %get3A_2397, %get3A_2398] {strides = array<i32>} : memref<2x128x128xf32, #tpu.memory_space<vmem>>, vector<1x1x16xf32>,
        %get3A_2400 = vector.shape_cast %get3A_2399 : vector<1x1x16xf32> to vector<16xf32>
        %add3A_2401 = arith.addf %add3A_2390, %get3A_2400 : vector<16xf32>
        %mul3A_2402 = arith.constant 32 : i32
        %mul3A_2403 = arith.muli %scan3A_193, %mul3A_2402 : i32
        %add3A_2404 = arith.constant 7 : i32
        %add3A_2405 = arith.addi %mul3A_2403, %add3A_2404 : i32
        %get3A_2406 = arith.constant 1 : i32
        %get3A_2407 = arith.index_cast %get3A_2406 : i32 to index
        %get3A_2408 = arith.index_cast %add3A_2405 : i32 to index
        %get3A_2409 = arith.constant 96 : index
        %get3A_2410 = tpu.vector_load %arg6[%get3A_2407, %get3A_2408, %get3A_2409] {strides = array<i32>} : memref<2x128x128xf32, #tpu.memory_space<vmem>>, vector<1x1x16xf32>,
        %get3A_2411 = vector.shape_cast %get3A_2410 : vector<1x1x16xf32> to vector<16xf32>
        %add3A_2412 = arith.addf %add3A_2401, %get3A_2411 : vector<16xf32>
        %mul3A_2413 = arith.constant 32 : i32
        %mul3A_2414 = arith.muli %scan3A_193, %mul3A_2413 : i32
        %add3A_2415 = arith.constant 8 : i32
        %add3A_2416 = arith.addi %mul3A_2414, %add3A_2415 : i32
        %get3A_2417 = arith.constant 1 : i32
        %get3A_2418 = arith.index_cast %get3A_2417 : i32 to index
        %get3A_2419 = arith.index_cast %add3A_2416 : i32 to index
        %get3A_2420 = arith.constant 96 : index
        %get3A_2421 = tpu.vector_load %arg6[%get3A_2418, %get3A_2419, %get3A_2420] {strides = array<i32>} : memref<2x128x128xf32, #tpu.memory_space<vmem>>, vector<1x1x16xf32>,
        %get3A_2422 = vector.shape_cast %get3A_2421 : vector<1x1x16xf32> to vector<16xf32>
        %add3A_2423 = arith.addf %add3A_2412, %get3A_2422 : vector<16xf32>
        %mul3A_2424 = arith.constant 32 : i32
        %mul3A_2425 = arith.muli %scan3A_193, %mul3A_2424 : i32
        %add3A_2426 = arith.constant 9 : i32
        %add3A_2427 = arith.addi %mul3A_2425, %add3A_2426 : i32
        %get3A_2428 = arith.constant 1 : i32
        %get3A_2429 = arith.index_cast %get3A_2428 : i32 to index
        %get3A_2430 = arith.index_cast %add3A_2427 : i32 to index
        %get3A_2431 = arith.constant 96 : index
        %get3A_2432 = tpu.vector_load %arg6[%get3A_2429, %get3A_2430, %get3A_2431] {strides = array<i32>} : memref<2x128x128xf32, #tpu.memory_space<vmem>>, vector<1x1x16xf32>,
        %get3A_2433 = vector.shape_cast %get3A_2432 : vector<1x1x16xf32> to vector<16xf32>
        %add3A_2434 = arith.addf %add3A_2423, %get3A_2433 : vector<16xf32>
        %mul3A_2435 = arith.constant 32 : i32
        %mul3A_2436 = arith.muli %scan3A_193, %mul3A_2435 : i32
        %add3A_2437 = arith.constant 10 : i32
        %add3A_2438 = arith.addi %mul3A_2436, %add3A_2437 : i32
        %get3A_2439 = arith.constant 1 : i32
        %get3A_2440 = arith.index_cast %get3A_2439 : i32 to index
        %get3A_2441 = arith.index_cast %add3A_2438 : i32 to index
        %get3A_2442 = arith.constant 96 : index
        %get3A_2443 = tpu.vector_load %arg6[%get3A_2440, %get3A_2441, %get3A_2442] {strides = array<i32>} : memref<2x128x128xf32, #tpu.memory_space<vmem>>, vector<1x1x16xf32>,
        %get3A_2444 = vector.shape_cast %get3A_2443 : vector<1x1x16xf32> to vector<16xf32>
        %add3A_2445 = arith.addf %add3A_2434, %get3A_2444 : vector<16xf32>
        %mul3A_2446 = arith.constant 32 : i32
        %mul3A_2447 = arith.muli %scan3A_193, %mul3A_2446 : i32
        %add3A_2448 = arith.constant 11 : i32
        %add3A_2449 = arith.addi %mul3A_2447, %add3A_2448 : i32
        %get3A_2450 = arith.constant 1 : i32
        %get3A_2451 = arith.index_cast %get3A_2450 : i32 to index
        %get3A_2452 = arith.index_cast %add3A_2449 : i32 to index
        %get3A_2453 = arith.constant 96 : index
        %get3A_2454 = tpu.vector_load %arg6[%get3A_2451, %get3A_2452, %get3A_2453] {strides = array<i32>} : memref<2x128x128xf32, #tpu.memory_space<vmem>>, vector<1x1x16xf32>,
        %get3A_2455 = vector.shape_cast %get3A_2454 : vector<1x1x16xf32> to vector<16xf32>
        %add3A_2456 = arith.addf %add3A_2445, %get3A_2455 : vector<16xf32>
        %mul3A_2457 = arith.constant 32 : i32
        %mul3A_2458 = arith.muli %scan3A_193, %mul3A_2457 : i32
        %add3A_2459 = arith.constant 12 : i32
        %add3A_2460 = arith.addi %mul3A_2458, %add3A_2459 : i32
        %get3A_2461 = arith.constant 1 : i32
        %get3A_2462 = arith.index_cast %get3A_2461 : i32 to index
        %get3A_2463 = arith.index_cast %add3A_2460 : i32 to index
        %get3A_2464 = arith.constant 96 : index
        %get3A_2465 = tpu.vector_load %arg6[%get3A_2462, %get3A_2463, %get3A_2464] {strides = array<i32>} : memref<2x128x128xf32, #tpu.memory_space<vmem>>, vector<1x1x16xf32>,
        %get3A_2466 = vector.shape_cast %get3A_2465 : vector<1x1x16xf32> to vector<16xf32>
        %add3A_2467 = arith.addf %add3A_2456, %get3A_2466 : vector<16xf32>
        %mul3A_2468 = arith.constant 32 : i32
        %mul3A_2469 = arith.muli %scan3A_193, %mul3A_2468 : i32
        %add3A_2470 = arith.constant 13 : i32
        %add3A_2471 = arith.addi %mul3A_2469, %add3A_2470 : i32
        %get3A_2472 = arith.constant 1 : i32
        %get3A_2473 = arith.index_cast %get3A_2472 : i32 to index
        %get3A_2474 = arith.index_cast %add3A_2471 : i32 to index
        %get3A_2475 = arith.constant 96 : index
        %get3A_2476 = tpu.vector_load %arg6[%get3A_2473, %get3A_2474, %get3A_2475] {strides = array<i32>} : memref<2x128x128xf32, #tpu.memory_space<vmem>>, vector<1x1x16xf32>,
        %get3A_2477 = vector.shape_cast %get3A_2476 : vector<1x1x16xf32> to vector<16xf32>
        %add3A_2478 = arith.addf %add3A_2467, %get3A_2477 : vector<16xf32>
        %mul3A_2479 = arith.constant 32 : i32
        %mul3A_2480 = arith.muli %scan3A_193, %mul3A_2479 : i32
        %add3A_2481 = arith.constant 14 : i32
        %add3A_2482 = arith.addi %mul3A_2480, %add3A_2481 : i32
        %get3A_2483 = arith.constant 1 : i32
        %get3A_2484 = arith.index_cast %get3A_2483 : i32 to index
        %get3A_2485 = arith.index_cast %add3A_2482 : i32 to index
        %get3A_2486 = arith.constant 96 : index
        %get3A_2487 = tpu.vector_load %arg6[%get3A_2484, %get3A_2485, %get3A_2486] {strides = array<i32>} : memref<2x128x128xf32, #tpu.memory_space<vmem>>, vector<1x1x16xf32>,
        %get3A_2488 = vector.shape_cast %get3A_2487 : vector<1x1x16xf32> to vector<16xf32>
        %add3A_2489 = arith.addf %add3A_2478, %get3A_2488 : vector<16xf32>
        %mul3A_2490 = arith.constant 32 : i32
        %mul3A_2491 = arith.muli %scan3A_193, %mul3A_2490 : i32
        %add3A_2492 = arith.constant 15 : i32
        %add3A_2493 = arith.addi %mul3A_2491, %add3A_2492 : i32
        %get3A_2494 = arith.constant 1 : i32
        %get3A_2495 = arith.index_cast %get3A_2494 : i32 to index
        %get3A_2496 = arith.index_cast %add3A_2493 : i32 to index
        %get3A_2497 = arith.constant 96 : index
        %get3A_2498 = tpu.vector_load %arg6[%get3A_2495, %get3A_2496, %get3A_2497] {strides = array<i32>} : memref<2x128x128xf32, #tpu.memory_space<vmem>>, vector<1x1x16xf32>,
        %get3A_2499 = vector.shape_cast %get3A_2498 : vector<1x1x16xf32> to vector<16xf32>
        %add3A_2500 = arith.addf %add3A_2489, %get3A_2499 : vector<16xf32>
        %mul3A_2501 = arith.constant 32 : i32
        %mul3A_2502 = arith.muli %scan3A_193, %mul3A_2501 : i32
        %add3A_2503 = arith.constant 16 : i32
        %add3A_2504 = arith.addi %mul3A_2502, %add3A_2503 : i32
        %get3A_2505 = arith.constant 1 : i32
        %get3A_2506 = arith.index_cast %get3A_2505 : i32 to index
        %get3A_2507 = arith.index_cast %add3A_2504 : i32 to index
        %get3A_2508 = arith.constant 96 : index
        %get3A_2509 = tpu.vector_load %arg6[%get3A_2506, %get3A_2507, %get3A_2508] {strides = array<i32>} : memref<2x128x128xf32, #tpu.memory_space<vmem>>, vector<1x1x16xf32>,
        %get3A_2510 = vector.shape_cast %get3A_2509 : vector<1x1x16xf32> to vector<16xf32>
        %add3A_2511 = arith.addf %add3A_2500, %get3A_2510 : vector<16xf32>
        %mul3A_2512 = arith.constant 32 : i32
        %mul3A_2513 = arith.muli %scan3A_193, %mul3A_2512 : i32
        %add3A_2514 = arith.constant 17 : i32
        %add3A_2515 = arith.addi %mul3A_2513, %add3A_2514 : i32
        %get3A_2516 = arith.constant 1 : i32
        %get3A_2517 = arith.index_cast %get3A_2516 : i32 to index
        %get3A_2518 = arith.index_cast %add3A_2515 : i32 to index
        %get3A_2519 = arith.constant 96 : index
        %get3A_2520 = tpu.vector_load %arg6[%get3A_2517, %get3A_2518, %get3A_2519] {strides = array<i32>} : memref<2x128x128xf32, #tpu.memory_space<vmem>>, vector<1x1x16xf32>,
        %get3A_2521 = vector.shape_cast %get3A_2520 : vector<1x1x16xf32> to vector<16xf32>
        %add3A_2522 = arith.addf %add3A_2511, %get3A_2521 : vector<16xf32>
        %mul3A_2523 = arith.constant 32 : i32
        %mul3A_2524 = arith.muli %scan3A_193, %mul3A_2523 : i32
        %add3A_2525 = arith.constant 18 : i32
        %add3A_2526 = arith.addi %mul3A_2524, %add3A_2525 : i32
        %get3A_2527 = arith.constant 1 : i32
        %get3A_2528 = arith.index_cast %get3A_2527 : i32 to index
        %get3A_2529 = arith.index_cast %add3A_2526 : i32 to index
        %get3A_2530 = arith.constant 96 : index
        %get3A_2531 = tpu.vector_load %arg6[%get3A_2528, %get3A_2529, %get3A_2530] {strides = array<i32>} : memref<2x128x128xf32, #tpu.memory_space<vmem>>, vector<1x1x16xf32>,
        %get3A_2532 = vector.shape_cast %get3A_2531 : vector<1x1x16xf32> to vector<16xf32>
        %add3A_2533 = arith.addf %add3A_2522, %get3A_2532 : vector<16xf32>
        %mul3A_2534 = arith.constant 32 : i32
        %mul3A_2535 = arith.muli %scan3A_193, %mul3A_2534 : i32
        %add3A_2536 = arith.constant 19 : i32
        %add3A_2537 = arith.addi %mul3A_2535, %add3A_2536 : i32
        %get3A_2538 = arith.constant 1 : i32
        %get3A_2539 = arith.index_cast %get3A_2538 : i32 to index
        %get3A_2540 = arith.index_cast %add3A_2537 : i32 to index
        %get3A_2541 = arith.constant 96 : index
        %get3A_2542 = tpu.vector_load %arg6[%get3A_2539, %get3A_2540, %get3A_2541] {strides = array<i32>} : memref<2x128x128xf32, #tpu.memory_space<vmem>>, vector<1x1x16xf32>,
        %get3A_2543 = vector.shape_cast %get3A_2542 : vector<1x1x16xf32> to vector<16xf32>
        %add3A_2544 = arith.addf %add3A_2533, %get3A_2543 : vector<16xf32>
        %mul3A_2545 = arith.constant 32 : i32
        %mul3A_2546 = arith.muli %scan3A_193, %mul3A_2545 : i32
        %add3A_2547 = arith.constant 20 : i32
        %add3A_2548 = arith.addi %mul3A_2546, %add3A_2547 : i32
        %get3A_2549 = arith.constant 1 : i32
        %get3A_2550 = arith.index_cast %get3A_2549 : i32 to index
        %get3A_2551 = arith.index_cast %add3A_2548 : i32 to index
        %get3A_2552 = arith.constant 96 : index
        %get3A_2553 = tpu.vector_load %arg6[%get3A_2550, %get3A_2551, %get3A_2552] {strides = array<i32>} : memref<2x128x128xf32, #tpu.memory_space<vmem>>, vector<1x1x16xf32>,
        %get3A_2554 = vector.shape_cast %get3A_2553 : vector<1x1x16xf32> to vector<16xf32>
        %add3A_2555 = arith.addf %add3A_2544, %get3A_2554 : vector<16xf32>
        %mul3A_2556 = arith.constant 32 : i32
        %mul3A_2557 = arith.muli %scan3A_193, %mul3A_2556 : i32
        %add3A_2558 = arith.constant 21 : i32
        %add3A_2559 = arith.addi %mul3A_2557, %add3A_2558 : i32
        %get3A_2560 = arith.constant 1 : i32
        %get3A_2561 = arith.index_cast %get3A_2560 : i32 to index
        %get3A_2562 = arith.index_cast %add3A_2559 : i32 to index
        %get3A_2563 = arith.constant 96 : index
        %get3A_2564 = tpu.vector_load %arg6[%get3A_2561, %get3A_2562, %get3A_2563] {strides = array<i32>} : memref<2x128x128xf32, #tpu.memory_space<vmem>>, vector<1x1x16xf32>,
        %get3A_2565 = vector.shape_cast %get3A_2564 : vector<1x1x16xf32> to vector<16xf32>
        %add3A_2566 = arith.addf %add3A_2555, %get3A_2565 : vector<16xf32>
        %mul3A_2567 = arith.constant 32 : i32
        %mul3A_2568 = arith.muli %scan3A_193, %mul3A_2567 : i32
        %add3A_2569 = arith.constant 22 : i32
        %add3A_2570 = arith.addi %mul3A_2568, %add3A_2569 : i32
        %get3A_2571 = arith.constant 1 : i32
        %get3A_2572 = arith.index_cast %get3A_2571 : i32 to index
        %get3A_2573 = arith.index_cast %add3A_2570 : i32 to index
        %get3A_2574 = arith.constant 96 : index
        %get3A_2575 = tpu.vector_load %arg6[%get3A_2572, %get3A_2573, %get3A_2574] {strides = array<i32>} : memref<2x128x128xf32, #tpu.memory_space<vmem>>, vector<1x1x16xf32>,
        %get3A_2576 = vector.shape_cast %get3A_2575 : vector<1x1x16xf32> to vector<16xf32>
        %add3A_2577 = arith.addf %add3A_2566, %get3A_2576 : vector<16xf32>
        %mul3A_2578 = arith.constant 32 : i32
        %mul3A_2579 = arith.muli %scan3A_193, %mul3A_2578 : i32
        %add3A_2580 = arith.constant 23 : i32
        %add3A_2581 = arith.addi %mul3A_2579, %add3A_2580 : i32
        %get3A_2582 = arith.constant 1 : i32
        %get3A_2583 = arith.index_cast %get3A_2582 : i32 to index
        %get3A_2584 = arith.index_cast %add3A_2581 : i32 to index
        %get3A_2585 = arith.constant 96 : index
        %get3A_2586 = tpu.vector_load %arg6[%get3A_2583, %get3A_2584, %get3A_2585] {strides = array<i32>} : memref<2x128x128xf32, #tpu.memory_space<vmem>>, vector<1x1x16xf32>,
        %get3A_2587 = vector.shape_cast %get3A_2586 : vector<1x1x16xf32> to vector<16xf32>
        %add3A_2588 = arith.addf %add3A_2577, %get3A_2587 : vector<16xf32>
        %mul3A_2589 = arith.constant 32 : i32
        %mul3A_2590 = arith.muli %scan3A_193, %mul3A_2589 : i32
        %add3A_2591 = arith.constant 24 : i32
        %add3A_2592 = arith.addi %mul3A_2590, %add3A_2591 : i32
        %get3A_2593 = arith.constant 1 : i32
        %get3A_2594 = arith.index_cast %get3A_2593 : i32 to index
        %get3A_2595 = arith.index_cast %add3A_2592 : i32 to index
        %get3A_2596 = arith.constant 96 : index
        %get3A_2597 = tpu.vector_load %arg6[%get3A_2594, %get3A_2595, %get3A_2596] {strides = array<i32>} : memref<2x128x128xf32, #tpu.memory_space<vmem>>, vector<1x1x16xf32>,
        %get3A_2598 = vector.shape_cast %get3A_2597 : vector<1x1x16xf32> to vector<16xf32>
        %add3A_2599 = arith.addf %add3A_2588, %get3A_2598 : vector<16xf32>
        %mul3A_2600 = arith.constant 32 : i32
        %mul3A_2601 = arith.muli %scan3A_193, %mul3A_2600 : i32
        %add3A_2602 = arith.constant 25 : i32
        %add3A_2603 = arith.addi %mul3A_2601, %add3A_2602 : i32
        %get3A_2604 = arith.constant 1 : i32
        %get3A_2605 = arith.index_cast %get3A_2604 : i32 to index
        %get3A_2606 = arith.index_cast %add3A_2603 : i32 to index
        %get3A_2607 = arith.constant 96 : index
        %get3A_2608 = tpu.vector_load %arg6[%get3A_2605, %get3A_2606, %get3A_2607] {strides = array<i32>} : memref<2x128x128xf32, #tpu.memory_space<vmem>>, vector<1x1x16xf32>,
        %get3A_2609 = vector.shape_cast %get3A_2608 : vector<1x1x16xf32> to vector<16xf32>
        %add3A_2610 = arith.addf %add3A_2599, %get3A_2609 : vector<16xf32>
        %mul3A_2611 = arith.constant 32 : i32
        %mul3A_2612 = arith.muli %scan3A_193, %mul3A_2611 : i32
        %add3A_2613 = arith.constant 26 : i32
        %add3A_2614 = arith.addi %mul3A_2612, %add3A_2613 : i32
        %get3A_2615 = arith.constant 1 : i32
        %get3A_2616 = arith.index_cast %get3A_2615 : i32 to index
        %get3A_2617 = arith.index_cast %add3A_2614 : i32 to index
        %get3A_2618 = arith.constant 96 : index
        %get3A_2619 = tpu.vector_load %arg6[%get3A_2616, %get3A_2617, %get3A_2618] {strides = array<i32>} : memref<2x128x128xf32, #tpu.memory_space<vmem>>, vector<1x1x16xf32>,
        %get3A_2620 = vector.shape_cast %get3A_2619 : vector<1x1x16xf32> to vector<16xf32>
        %add3A_2621 = arith.addf %add3A_2610, %get3A_2620 : vector<16xf32>
        %mul3A_2622 = arith.constant 32 : i32
        %mul3A_2623 = arith.muli %scan3A_193, %mul3A_2622 : i32
        %add3A_2624 = arith.constant 27 : i32
        %add3A_2625 = arith.addi %mul3A_2623, %add3A_2624 : i32
        %get3A_2626 = arith.constant 1 : i32
        %get3A_2627 = arith.index_cast %get3A_2626 : i32 to index
        %get3A_2628 = arith.index_cast %add3A_2625 : i32 to index
        %get3A_2629 = arith.constant 96 : index
        %get3A_2630 = tpu.vector_load %arg6[%get3A_2627, %get3A_2628, %get3A_2629] {strides = array<i32>} : memref<2x128x128xf32, #tpu.memory_space<vmem>>, vector<1x1x16xf32>,
        %get3A_2631 = vector.shape_cast %get3A_2630 : vector<1x1x16xf32> to vector<16xf32>
        %add3A_2632 = arith.addf %add3A_2621, %get3A_2631 : vector<16xf32>
        %mul3A_2633 = arith.constant 32 : i32
        %mul3A_2634 = arith.muli %scan3A_193, %mul3A_2633 : i32
        %add3A_2635 = arith.constant 28 : i32
        %add3A_2636 = arith.addi %mul3A_2634, %add3A_2635 : i32
        %get3A_2637 = arith.constant 1 : i32
        %get3A_2638 = arith.index_cast %get3A_2637 : i32 to index
        %get3A_2639 = arith.index_cast %add3A_2636 : i32 to index
        %get3A_2640 = arith.constant 96 : index
        %get3A_2641 = tpu.vector_load %arg6[%get3A_2638, %get3A_2639, %get3A_2640] {strides = array<i32>} : memref<2x128x128xf32, #tpu.memory_space<vmem>>, vector<1x1x16xf32>,
        %get3A_2642 = vector.shape_cast %get3A_2641 : vector<1x1x16xf32> to vector<16xf32>
        %add3A_2643 = arith.addf %add3A_2632, %get3A_2642 : vector<16xf32>
        %mul3A_2644 = arith.constant 32 : i32
        %mul3A_2645 = arith.muli %scan3A_193, %mul3A_2644 : i32
        %add3A_2646 = arith.constant 29 : i32
        %add3A_2647 = arith.addi %mul3A_2645, %add3A_2646 : i32
        %get3A_2648 = arith.constant 1 : i32
        %get3A_2649 = arith.index_cast %get3A_2648 : i32 to index
        %get3A_2650 = arith.index_cast %add3A_2647 : i32 to index
        %get3A_2651 = arith.constant 96 : index
        %get3A_2652 = tpu.vector_load %arg6[%get3A_2649, %get3A_2650, %get3A_2651] {strides = array<i32>} : memref<2x128x128xf32, #tpu.memory_space<vmem>>, vector<1x1x16xf32>,
        %get3A_2653 = vector.shape_cast %get3A_2652 : vector<1x1x16xf32> to vector<16xf32>
        %add3A_2654 = arith.addf %add3A_2643, %get3A_2653 : vector<16xf32>
        %mul3A_2655 = arith.constant 32 : i32
        %mul3A_2656 = arith.muli %scan3A_193, %mul3A_2655 : i32
        %add3A_2657 = arith.constant 30 : i32
        %add3A_2658 = arith.addi %mul3A_2656, %add3A_2657 : i32
        %get3A_2659 = arith.constant 1 : i32
        %get3A_2660 = arith.index_cast %get3A_2659 : i32 to index
        %get3A_2661 = arith.index_cast %add3A_2658 : i32 to index
        %get3A_2662 = arith.constant 96 : index
        %get3A_2663 = tpu.vector_load %arg6[%get3A_2660, %get3A_2661, %get3A_2662] {strides = array<i32>} : memref<2x128x128xf32, #tpu.memory_space<vmem>>, vector<1x1x16xf32>,
        %get3A_2664 = vector.shape_cast %get3A_2663 : vector<1x1x16xf32> to vector<16xf32>
        %add3A_2665 = arith.addf %add3A_2654, %get3A_2664 : vector<16xf32>
        %mul3A_2666 = arith.constant 32 : i32
        %mul3A_2667 = arith.muli %scan3A_193, %mul3A_2666 : i32
        %add3A_2668 = arith.constant 31 : i32
        %add3A_2669 = arith.addi %mul3A_2667, %add3A_2668 : i32
        %get3A_2670 = arith.constant 1 : i32
        %get3A_2671 = arith.index_cast %get3A_2670 : i32 to index
        %get3A_2672 = arith.index_cast %add3A_2669 : i32 to index
        %get3A_2673 = arith.constant 96 : index
        %get3A_2674 = tpu.vector_load %arg6[%get3A_2671, %get3A_2672, %get3A_2673] {strides = array<i32>} : memref<2x128x128xf32, #tpu.memory_space<vmem>>, vector<1x1x16xf32>,
        %get3A_2675 = vector.shape_cast %get3A_2674 : vector<1x1x16xf32> to vector<16xf32>
        %add3A_2676 = arith.addf %add3A_2665, %get3A_2675 : vector<16xf32>
        %swap3A_2677 = arith.constant 1 : i32
        %swap3A_2678 = arith.index_cast %swap3A_2677 : i32 to index
        %swap3A_2679 = arith.index_cast %scan3A_193 : i32 to index
        %swap3A_2680 = arith.constant 96 : index
        %swap3A_2681 = tpu.vector_load %arg7[%swap3A_2678, %swap3A_2679, %swap3A_2680] {strides = array<i32>} : memref<2x4x128xf32, #tpu.memory_space<vmem>>, vector<1x1x16xf32>,
        %swap3A_2682 = vector.shape_cast %swap3A_2681 : vector<1x1x16xf32> to vector<16xf32>
        %swap3A_2683 = vector.shape_cast %add3A_2676 : vector<16xf32> to vector<1x1x16xf32>
        tpu.vector_store %arg7[%swap3A_2678, %swap3A_2679, %swap3A_2680], %swap3A_2683 {strides = array<i32>} : memref<2x4x128xf32, #tpu.memory_space<vmem>>, vector<1x1x16xf32>,
        %mul3A_2684 = arith.constant 32 : i32
        %mul3A_2685 = arith.muli %scan3A_193, %mul3A_2684 : i32
        %get3A_2686 = arith.constant 1 : i32
        %get3A_2687 = arith.index_cast %get3A_2686 : i32 to index
        %get3A_2688 = arith.index_cast %mul3A_2685 : i32 to index
        %get3A_2689 = arith.constant 112 : index
        %get3A_2690 = tpu.vector_load %arg6[%get3A_2687, %get3A_2688, %get3A_2689] {strides = array<i32>} : memref<2x128x128xf32, #tpu.memory_space<vmem>>, vector<1x1x16xf32>,
        %get3A_2691 = vector.shape_cast %get3A_2690 : vector<1x1x16xf32> to vector<16xf32>
        %mul3A_2692 = arith.constant 32 : i32
        %mul3A_2693 = arith.muli %scan3A_193, %mul3A_2692 : i32
        %add3A_2694 = arith.constant 1 : i32
        %add3A_2695 = arith.addi %mul3A_2693, %add3A_2694 : i32
        %get3A_2696 = arith.constant 1 : i32
        %get3A_2697 = arith.index_cast %get3A_2696 : i32 to index
        %get3A_2698 = arith.index_cast %add3A_2695 : i32 to index
        %get3A_2699 = arith.constant 112 : index
        %get3A_2700 = tpu.vector_load %arg6[%get3A_2697, %get3A_2698, %get3A_2699] {strides = array<i32>} : memref<2x128x128xf32, #tpu.memory_space<vmem>>, vector<1x1x16xf32>,
        %get3A_2701 = vector.shape_cast %get3A_2700 : vector<1x1x16xf32> to vector<16xf32>
        %add3A_2702 = arith.addf %get3A_2691, %get3A_2701 : vector<16xf32>
        %mul3A_2703 = arith.constant 32 : i32
        %mul3A_2704 = arith.muli %scan3A_193, %mul3A_2703 : i32
        %add3A_2705 = arith.constant 2 : i32
        %add3A_2706 = arith.addi %mul3A_2704, %add3A_2705 : i32
        %get3A_2707 = arith.constant 1 : i32
        %get3A_2708 = arith.index_cast %get3A_2707 : i32 to index
        %get3A_2709 = arith.index_cast %add3A_2706 : i32 to index
        %get3A_2710 = arith.constant 112 : index
        %get3A_2711 = tpu.vector_load %arg6[%get3A_2708, %get3A_2709, %get3A_2710] {strides = array<i32>} : memref<2x128x128xf32, #tpu.memory_space<vmem>>, vector<1x1x16xf32>,
        %get3A_2712 = vector.shape_cast %get3A_2711 : vector<1x1x16xf32> to vector<16xf32>
        %add3A_2713 = arith.addf %add3A_2702, %get3A_2712 : vector<16xf32>
        %mul3A_2714 = arith.constant 32 : i32
        %mul3A_2715 = arith.muli %scan3A_193, %mul3A_2714 : i32
        %add3A_2716 = arith.constant 3 : i32
        %add3A_2717 = arith.addi %mul3A_2715, %add3A_2716 : i32
        %get3A_2718 = arith.constant 1 : i32
        %get3A_2719 = arith.index_cast %get3A_2718 : i32 to index
        %get3A_2720 = arith.index_cast %add3A_2717 : i32 to index
        %get3A_2721 = arith.constant 112 : index
        %get3A_2722 = tpu.vector_load %arg6[%get3A_2719, %get3A_2720, %get3A_2721] {strides = array<i32>} : memref<2x128x128xf32, #tpu.memory_space<vmem>>, vector<1x1x16xf32>,
        %get3A_2723 = vector.shape_cast %get3A_2722 : vector<1x1x16xf32> to vector<16xf32>
        %add3A_2724 = arith.addf %add3A_2713, %get3A_2723 : vector<16xf32>
        %mul3A_2725 = arith.constant 32 : i32
        %mul3A_2726 = arith.muli %scan3A_193, %mul3A_2725 : i32
        %add3A_2727 = arith.constant 4 : i32
        %add3A_2728 = arith.addi %mul3A_2726, %add3A_2727 : i32
        %get3A_2729 = arith.constant 1 : i32
        %get3A_2730 = arith.index_cast %get3A_2729 : i32 to index
        %get3A_2731 = arith.index_cast %add3A_2728 : i32 to index
        %get3A_2732 = arith.constant 112 : index
        %get3A_2733 = tpu.vector_load %arg6[%get3A_2730, %get3A_2731, %get3A_2732] {strides = array<i32>} : memref<2x128x128xf32, #tpu.memory_space<vmem>>, vector<1x1x16xf32>,
        %get3A_2734 = vector.shape_cast %get3A_2733 : vector<1x1x16xf32> to vector<16xf32>
        %add3A_2735 = arith.addf %add3A_2724, %get3A_2734 : vector<16xf32>
        %mul3A_2736 = arith.constant 32 : i32
        %mul3A_2737 = arith.muli %scan3A_193, %mul3A_2736 : i32
        %add3A_2738 = arith.constant 5 : i32
        %add3A_2739 = arith.addi %mul3A_2737, %add3A_2738 : i32
        %get3A_2740 = arith.constant 1 : i32
        %get3A_2741 = arith.index_cast %get3A_2740 : i32 to index
        %get3A_2742 = arith.index_cast %add3A_2739 : i32 to index
        %get3A_2743 = arith.constant 112 : index
        %get3A_2744 = tpu.vector_load %arg6[%get3A_2741, %get3A_2742, %get3A_2743] {strides = array<i32>} : memref<2x128x128xf32, #tpu.memory_space<vmem>>, vector<1x1x16xf32>,
        %get3A_2745 = vector.shape_cast %get3A_2744 : vector<1x1x16xf32> to vector<16xf32>
        %add3A_2746 = arith.addf %add3A_2735, %get3A_2745 : vector<16xf32>
        %mul3A_2747 = arith.constant 32 : i32
        %mul3A_2748 = arith.muli %scan3A_193, %mul3A_2747 : i32
        %add3A_2749 = arith.constant 6 : i32
        %add3A_2750 = arith.addi %mul3A_2748, %add3A_2749 : i32
        %get3A_2751 = arith.constant 1 : i32
        %get3A_2752 = arith.index_cast %get3A_2751 : i32 to index
        %get3A_2753 = arith.index_cast %add3A_2750 : i32 to index
        %get3A_2754 = arith.constant 112 : index
        %get3A_2755 = tpu.vector_load %arg6[%get3A_2752, %get3A_2753, %get3A_2754] {strides = array<i32>} : memref<2x128x128xf32, #tpu.memory_space<vmem>>, vector<1x1x16xf32>,
        %get3A_2756 = vector.shape_cast %get3A_2755 : vector<1x1x16xf32> to vector<16xf32>
        %add3A_2757 = arith.addf %add3A_2746, %get3A_2756 : vector<16xf32>
        %mul3A_2758 = arith.constant 32 : i32
        %mul3A_2759 = arith.muli %scan3A_193, %mul3A_2758 : i32
        %add3A_2760 = arith.constant 7 : i32
        %add3A_2761 = arith.addi %mul3A_2759, %add3A_2760 : i32
        %get3A_2762 = arith.constant 1 : i32
        %get3A_2763 = arith.index_cast %get3A_2762 : i32 to index
        %get3A_2764 = arith.index_cast %add3A_2761 : i32 to index
        %get3A_2765 = arith.constant 112 : index
        %get3A_2766 = tpu.vector_load %arg6[%get3A_2763, %get3A_2764, %get3A_2765] {strides = array<i32>} : memref<2x128x128xf32, #tpu.memory_space<vmem>>, vector<1x1x16xf32>,
        %get3A_2767 = vector.shape_cast %get3A_2766 : vector<1x1x16xf32> to vector<16xf32>
        %add3A_2768 = arith.addf %add3A_2757, %get3A_2767 : vector<16xf32>
        %mul3A_2769 = arith.constant 32 : i32
        %mul3A_2770 = arith.muli %scan3A_193, %mul3A_2769 : i32
        %add3A_2771 = arith.constant 8 : i32
        %add3A_2772 = arith.addi %mul3A_2770, %add3A_2771 : i32
        %get3A_2773 = arith.constant 1 : i32
        %get3A_2774 = arith.index_cast %get3A_2773 : i32 to index
        %get3A_2775 = arith.index_cast %add3A_2772 : i32 to index
        %get3A_2776 = arith.constant 112 : index
        %get3A_2777 = tpu.vector_load %arg6[%get3A_2774, %get3A_2775, %get3A_2776] {strides = array<i32>} : memref<2x128x128xf32, #tpu.memory_space<vmem>>, vector<1x1x16xf32>,
        %get3A_2778 = vector.shape_cast %get3A_2777 : vector<1x1x16xf32> to vector<16xf32>
        %add3A_2779 = arith.addf %add3A_2768, %get3A_2778 : vector<16xf32>
        %mul3A_2780 = arith.constant 32 : i32
        %mul3A_2781 = arith.muli %scan3A_193, %mul3A_2780 : i32
        %add3A_2782 = arith.constant 9 : i32
        %add3A_2783 = arith.addi %mul3A_2781, %add3A_2782 : i32
        %get3A_2784 = arith.constant 1 : i32
        %get3A_2785 = arith.index_cast %get3A_2784 : i32 to index
        %get3A_2786 = arith.index_cast %add3A_2783 : i32 to index
        %get3A_2787 = arith.constant 112 : index
        %get3A_2788 = tpu.vector_load %arg6[%get3A_2785, %get3A_2786, %get3A_2787] {strides = array<i32>} : memref<2x128x128xf32, #tpu.memory_space<vmem>>, vector<1x1x16xf32>,
        %get3A_2789 = vector.shape_cast %get3A_2788 : vector<1x1x16xf32> to vector<16xf32>
        %add3A_2790 = arith.addf %add3A_2779, %get3A_2789 : vector<16xf32>
        %mul3A_2791 = arith.constant 32 : i32
        %mul3A_2792 = arith.muli %scan3A_193, %mul3A_2791 : i32
        %add3A_2793 = arith.constant 10 : i32
        %add3A_2794 = arith.addi %mul3A_2792, %add3A_2793 : i32
        %get3A_2795 = arith.constant 1 : i32
        %get3A_2796 = arith.index_cast %get3A_2795 : i32 to index
        %get3A_2797 = arith.index_cast %add3A_2794 : i32 to index
        %get3A_2798 = arith.constant 112 : index
        %get3A_2799 = tpu.vector_load %arg6[%get3A_2796, %get3A_2797, %get3A_2798] {strides = array<i32>} : memref<2x128x128xf32, #tpu.memory_space<vmem>>, vector<1x1x16xf32>,
        %get3A_2800 = vector.shape_cast %get3A_2799 : vector<1x1x16xf32> to vector<16xf32>
        %add3A_2801 = arith.addf %add3A_2790, %get3A_2800 : vector<16xf32>
        %mul3A_2802 = arith.constant 32 : i32
        %mul3A_2803 = arith.muli %scan3A_193, %mul3A_2802 : i32
        %add3A_2804 = arith.constant 11 : i32
        %add3A_2805 = arith.addi %mul3A_2803, %add3A_2804 : i32
        %get3A_2806 = arith.constant 1 : i32
        %get3A_2807 = arith.index_cast %get3A_2806 : i32 to index
        %get3A_2808 = arith.index_cast %add3A_2805 : i32 to index
        %get3A_2809 = arith.constant 112 : index
        %get3A_2810 = tpu.vector_load %arg6[%get3A_2807, %get3A_2808, %get3A_2809] {strides = array<i32>} : memref<2x128x128xf32, #tpu.memory_space<vmem>>, vector<1x1x16xf32>,
        %get3A_2811 = vector.shape_cast %get3A_2810 : vector<1x1x16xf32> to vector<16xf32>
        %add3A_2812 = arith.addf %add3A_2801, %get3A_2811 : vector<16xf32>
        %mul3A_2813 = arith.constant 32 : i32
        %mul3A_2814 = arith.muli %scan3A_193, %mul3A_2813 : i32
        %add3A_2815 = arith.constant 12 : i32
        %add3A_2816 = arith.addi %mul3A_2814, %add3A_2815 : i32
        %get3A_2817 = arith.constant 1 : i32
        %get3A_2818 = arith.index_cast %get3A_2817 : i32 to index
        %get3A_2819 = arith.index_cast %add3A_2816 : i32 to index
        %get3A_2820 = arith.constant 112 : index
        %get3A_2821 = tpu.vector_load %arg6[%get3A_2818, %get3A_2819, %get3A_2820] {strides = array<i32>} : memref<2x128x128xf32, #tpu.memory_space<vmem>>, vector<1x1x16xf32>,
        %get3A_2822 = vector.shape_cast %get3A_2821 : vector<1x1x16xf32> to vector<16xf32>
        %add3A_2823 = arith.addf %add3A_2812, %get3A_2822 : vector<16xf32>
        %mul3A_2824 = arith.constant 32 : i32
        %mul3A_2825 = arith.muli %scan3A_193, %mul3A_2824 : i32
        %add3A_2826 = arith.constant 13 : i32
        %add3A_2827 = arith.addi %mul3A_2825, %add3A_2826 : i32
        %get3A_2828 = arith.constant 1 : i32
        %get3A_2829 = arith.index_cast %get3A_2828 : i32 to index
        %get3A_2830 = arith.index_cast %add3A_2827 : i32 to index
        %get3A_2831 = arith.constant 112 : index
        %get3A_2832 = tpu.vector_load %arg6[%get3A_2829, %get3A_2830, %get3A_2831] {strides = array<i32>} : memref<2x128x128xf32, #tpu.memory_space<vmem>>, vector<1x1x16xf32>,
        %get3A_2833 = vector.shape_cast %get3A_2832 : vector<1x1x16xf32> to vector<16xf32>
        %add3A_2834 = arith.addf %add3A_2823, %get3A_2833 : vector<16xf32>
        %mul3A_2835 = arith.constant 32 : i32
        %mul3A_2836 = arith.muli %scan3A_193, %mul3A_2835 : i32
        %add3A_2837 = arith.constant 14 : i32
        %add3A_2838 = arith.addi %mul3A_2836, %add3A_2837 : i32
        %get3A_2839 = arith.constant 1 : i32
        %get3A_2840 = arith.index_cast %get3A_2839 : i32 to index
        %get3A_2841 = arith.index_cast %add3A_2838 : i32 to index
        %get3A_2842 = arith.constant 112 : index
        %get3A_2843 = tpu.vector_load %arg6[%get3A_2840, %get3A_2841, %get3A_2842] {strides = array<i32>} : memref<2x128x128xf32, #tpu.memory_space<vmem>>, vector<1x1x16xf32>,
        %get3A_2844 = vector.shape_cast %get3A_2843 : vector<1x1x16xf32> to vector<16xf32>
        %add3A_2845 = arith.addf %add3A_2834, %get3A_2844 : vector<16xf32>
        %mul3A_2846 = arith.constant 32 : i32
        %mul3A_2847 = arith.muli %scan3A_193, %mul3A_2846 : i32
        %add3A_2848 = arith.constant 15 : i32
        %add3A_2849 = arith.addi %mul3A_2847, %add3A_2848 : i32
        %get3A_2850 = arith.constant 1 : i32
        %get3A_2851 = arith.index_cast %get3A_2850 : i32 to index
        %get3A_2852 = arith.index_cast %add3A_2849 : i32 to index
        %get3A_2853 = arith.constant 112 : index
        %get3A_2854 = tpu.vector_load %arg6[%get3A_2851, %get3A_2852, %get3A_2853] {strides = array<i32>} : memref<2x128x128xf32, #tpu.memory_space<vmem>>, vector<1x1x16xf32>,
        %get3A_2855 = vector.shape_cast %get3A_2854 : vector<1x1x16xf32> to vector<16xf32>
        %add3A_2856 = arith.addf %add3A_2845, %get3A_2855 : vector<16xf32>
        %mul3A_2857 = arith.constant 32 : i32
        %mul3A_2858 = arith.muli %scan3A_193, %mul3A_2857 : i32
        %add3A_2859 = arith.constant 16 : i32
        %add3A_2860 = arith.addi %mul3A_2858, %add3A_2859 : i32
        %get3A_2861 = arith.constant 1 : i32
        %get3A_2862 = arith.index_cast %get3A_2861 : i32 to index
        %get3A_2863 = arith.index_cast %add3A_2860 : i32 to index
        %get3A_2864 = arith.constant 112 : index
        %get3A_2865 = tpu.vector_load %arg6[%get3A_2862, %get3A_2863, %get3A_2864] {strides = array<i32>} : memref<2x128x128xf32, #tpu.memory_space<vmem>>, vector<1x1x16xf32>,
        %get3A_2866 = vector.shape_cast %get3A_2865 : vector<1x1x16xf32> to vector<16xf32>
        %add3A_2867 = arith.addf %add3A_2856, %get3A_2866 : vector<16xf32>
        %mul3A_2868 = arith.constant 32 : i32
        %mul3A_2869 = arith.muli %scan3A_193, %mul3A_2868 : i32
        %add3A_2870 = arith.constant 17 : i32
        %add3A_2871 = arith.addi %mul3A_2869, %add3A_2870 : i32
        %get3A_2872 = arith.constant 1 : i32
        %get3A_2873 = arith.index_cast %get3A_2872 : i32 to index
        %get3A_2874 = arith.index_cast %add3A_2871 : i32 to index
        %get3A_2875 = arith.constant 112 : index
        %get3A_2876 = tpu.vector_load %arg6[%get3A_2873, %get3A_2874, %get3A_2875] {strides = array<i32>} : memref<2x128x128xf32, #tpu.memory_space<vmem>>, vector<1x1x16xf32>,
        %get3A_2877 = vector.shape_cast %get3A_2876 : vector<1x1x16xf32> to vector<16xf32>
        %add3A_2878 = arith.addf %add3A_2867, %get3A_2877 : vector<16xf32>
        %mul3A_2879 = arith.constant 32 : i32
        %mul3A_2880 = arith.muli %scan3A_193, %mul3A_2879 : i32
        %add3A_2881 = arith.constant 18 : i32
        %add3A_2882 = arith.addi %mul3A_2880, %add3A_2881 : i32
        %get3A_2883 = arith.constant 1 : i32
        %get3A_2884 = arith.index_cast %get3A_2883 : i32 to index
        %get3A_2885 = arith.index_cast %add3A_2882 : i32 to index
        %get3A_2886 = arith.constant 112 : index
        %get3A_2887 = tpu.vector_load %arg6[%get3A_2884, %get3A_2885, %get3A_2886] {strides = array<i32>} : memref<2x128x128xf32, #tpu.memory_space<vmem>>, vector<1x1x16xf32>,
        %get3A_2888 = vector.shape_cast %get3A_2887 : vector<1x1x16xf32> to vector<16xf32>
        %add3A_2889 = arith.addf %add3A_2878, %get3A_2888 : vector<16xf32>
        %mul3A_2890 = arith.constant 32 : i32
        %mul3A_2891 = arith.muli %scan3A_193, %mul3A_2890 : i32
        %add3A_2892 = arith.constant 19 : i32
        %add3A_2893 = arith.addi %mul3A_2891, %add3A_2892 : i32
        %get3A_2894 = arith.constant 1 : i32
        %get3A_2895 = arith.index_cast %get3A_2894 : i32 to index
        %get3A_2896 = arith.index_cast %add3A_2893 : i32 to index
        %get3A_2897 = arith.constant 112 : index
        %get3A_2898 = tpu.vector_load %arg6[%get3A_2895, %get3A_2896, %get3A_2897] {strides = array<i32>} : memref<2x128x128xf32, #tpu.memory_space<vmem>>, vector<1x1x16xf32>,
        %get3A_2899 = vector.shape_cast %get3A_2898 : vector<1x1x16xf32> to vector<16xf32>
        %add3A_2900 = arith.addf %add3A_2889, %get3A_2899 : vector<16xf32>
        %mul3A_2901 = arith.constant 32 : i32
        %mul3A_2902 = arith.muli %scan3A_193, %mul3A_2901 : i32
        %add3A_2903 = arith.constant 20 : i32
        %add3A_2904 = arith.addi %mul3A_2902, %add3A_2903 : i32
        %get3A_2905 = arith.constant 1 : i32
        %get3A_2906 = arith.index_cast %get3A_2905 : i32 to index
        %get3A_2907 = arith.index_cast %add3A_2904 : i32 to index
        %get3A_2908 = arith.constant 112 : index
        %get3A_2909 = tpu.vector_load %arg6[%get3A_2906, %get3A_2907, %get3A_2908] {strides = array<i32>} : memref<2x128x128xf32, #tpu.memory_space<vmem>>, vector<1x1x16xf32>,
        %get3A_2910 = vector.shape_cast %get3A_2909 : vector<1x1x16xf32> to vector<16xf32>
        %add3A_2911 = arith.addf %add3A_2900, %get3A_2910 : vector<16xf32>
        %mul3A_2912 = arith.constant 32 : i32
        %mul3A_2913 = arith.muli %scan3A_193, %mul3A_2912 : i32
        %add3A_2914 = arith.constant 21 : i32
        %add3A_2915 = arith.addi %mul3A_2913, %add3A_2914 : i32
        %get3A_2916 = arith.constant 1 : i32
        %get3A_2917 = arith.index_cast %get3A_2916 : i32 to index
        %get3A_2918 = arith.index_cast %add3A_2915 : i32 to index
        %get3A_2919 = arith.constant 112 : index
        %get3A_2920 = tpu.vector_load %arg6[%get3A_2917, %get3A_2918, %get3A_2919] {strides = array<i32>} : memref<2x128x128xf32, #tpu.memory_space<vmem>>, vector<1x1x16xf32>,
        %get3A_2921 = vector.shape_cast %get3A_2920 : vector<1x1x16xf32> to vector<16xf32>
        %add3A_2922 = arith.addf %add3A_2911, %get3A_2921 : vector<16xf32>
        %mul3A_2923 = arith.constant 32 : i32
        %mul3A_2924 = arith.muli %scan3A_193, %mul3A_2923 : i32
        %add3A_2925 = arith.constant 22 : i32
        %add3A_2926 = arith.addi %mul3A_2924, %add3A_2925 : i32
        %get3A_2927 = arith.constant 1 : i32
        %get3A_2928 = arith.index_cast %get3A_2927 : i32 to index
        %get3A_2929 = arith.index_cast %add3A_2926 : i32 to index
        %get3A_2930 = arith.constant 112 : index
        %get3A_2931 = tpu.vector_load %arg6[%get3A_2928, %get3A_2929, %get3A_2930] {strides = array<i32>} : memref<2x128x128xf32, #tpu.memory_space<vmem>>, vector<1x1x16xf32>,
        %get3A_2932 = vector.shape_cast %get3A_2931 : vector<1x1x16xf32> to vector<16xf32>
        %add3A_2933 = arith.addf %add3A_2922, %get3A_2932 : vector<16xf32>
        %mul3A_2934 = arith.constant 32 : i32
        %mul3A_2935 = arith.muli %scan3A_193, %mul3A_2934 : i32
        %add3A_2936 = arith.constant 23 : i32
        %add3A_2937 = arith.addi %mul3A_2935, %add3A_2936 : i32
        %get3A_2938 = arith.constant 1 : i32
        %get3A_2939 = arith.index_cast %get3A_2938 : i32 to index
        %get3A_2940 = arith.index_cast %add3A_2937 : i32 to index
        %get3A_2941 = arith.constant 112 : index
        %get3A_2942 = tpu.vector_load %arg6[%get3A_2939, %get3A_2940, %get3A_2941] {strides = array<i32>} : memref<2x128x128xf32, #tpu.memory_space<vmem>>, vector<1x1x16xf32>,
        %get3A_2943 = vector.shape_cast %get3A_2942 : vector<1x1x16xf32> to vector<16xf32>
        %add3A_2944 = arith.addf %add3A_2933, %get3A_2943 : vector<16xf32>
        %mul3A_2945 = arith.constant 32 : i32
        %mul3A_2946 = arith.muli %scan3A_193, %mul3A_2945 : i32
        %add3A_2947 = arith.constant 24 : i32
        %add3A_2948 = arith.addi %mul3A_2946, %add3A_2947 : i32
        %get3A_2949 = arith.constant 1 : i32
        %get3A_2950 = arith.index_cast %get3A_2949 : i32 to index
        %get3A_2951 = arith.index_cast %add3A_2948 : i32 to index
        %get3A_2952 = arith.constant 112 : index
        %get3A_2953 = tpu.vector_load %arg6[%get3A_2950, %get3A_2951, %get3A_2952] {strides = array<i32>} : memref<2x128x128xf32, #tpu.memory_space<vmem>>, vector<1x1x16xf32>,
        %get3A_2954 = vector.shape_cast %get3A_2953 : vector<1x1x16xf32> to vector<16xf32>
        %add3A_2955 = arith.addf %add3A_2944, %get3A_2954 : vector<16xf32>
        %mul3A_2956 = arith.constant 32 : i32
        %mul3A_2957 = arith.muli %scan3A_193, %mul3A_2956 : i32
        %add3A_2958 = arith.constant 25 : i32
        %add3A_2959 = arith.addi %mul3A_2957, %add3A_2958 : i32
        %get3A_2960 = arith.constant 1 : i32
        %get3A_2961 = arith.index_cast %get3A_2960 : i32 to index
        %get3A_2962 = arith.index_cast %add3A_2959 : i32 to index
        %get3A_2963 = arith.constant 112 : index
        %get3A_2964 = tpu.vector_load %arg6[%get3A_2961, %get3A_2962, %get3A_2963] {strides = array<i32>} : memref<2x128x128xf32, #tpu.memory_space<vmem>>, vector<1x1x16xf32>,
        %get3A_2965 = vector.shape_cast %get3A_2964 : vector<1x1x16xf32> to vector<16xf32>
        %add3A_2966 = arith.addf %add3A_2955, %get3A_2965 : vector<16xf32>
        %mul3A_2967 = arith.constant 32 : i32
        %mul3A_2968 = arith.muli %scan3A_193, %mul3A_2967 : i32
        %add3A_2969 = arith.constant 26 : i32
        %add3A_2970 = arith.addi %mul3A_2968, %add3A_2969 : i32
        %get3A_2971 = arith.constant 1 : i32
        %get3A_2972 = arith.index_cast %get3A_2971 : i32 to index
        %get3A_2973 = arith.index_cast %add3A_2970 : i32 to index
        %get3A_2974 = arith.constant 112 : index
        %get3A_2975 = tpu.vector_load %arg6[%get3A_2972, %get3A_2973, %get3A_2974] {strides = array<i32>} : memref<2x128x128xf32, #tpu.memory_space<vmem>>, vector<1x1x16xf32>,
        %get3A_2976 = vector.shape_cast %get3A_2975 : vector<1x1x16xf32> to vector<16xf32>
        %add3A_2977 = arith.addf %add3A_2966, %get3A_2976 : vector<16xf32>
        %mul3A_2978 = arith.constant 32 : i32
        %mul3A_2979 = arith.muli %scan3A_193, %mul3A_2978 : i32
        %add3A_2980 = arith.constant 27 : i32
        %add3A_2981 = arith.addi %mul3A_2979, %add3A_2980 : i32
        %get3A_2982 = arith.constant 1 : i32
        %get3A_2983 = arith.index_cast %get3A_2982 : i32 to index
        %get3A_2984 = arith.index_cast %add3A_2981 : i32 to index
        %get3A_2985 = arith.constant 112 : index
        %get3A_2986 = tpu.vector_load %arg6[%get3A_2983, %get3A_2984, %get3A_2985] {strides = array<i32>} : memref<2x128x128xf32, #tpu.memory_space<vmem>>, vector<1x1x16xf32>,
        %get3A_2987 = vector.shape_cast %get3A_2986 : vector<1x1x16xf32> to vector<16xf32>
        %add3A_2988 = arith.addf %add3A_2977, %get3A_2987 : vector<16xf32>
        %mul3A_2989 = arith.constant 32 : i32
        %mul3A_2990 = arith.muli %scan3A_193, %mul3A_2989 : i32
        %add3A_2991 = arith.constant 28 : i32
        %add3A_2992 = arith.addi %mul3A_2990, %add3A_2991 : i32
        %get3A_2993 = arith.constant 1 : i32
        %get3A_2994 = arith.index_cast %get3A_2993 : i32 to index
        %get3A_2995 = arith.index_cast %add3A_2992 : i32 to index
        %get3A_2996 = arith.constant 112 : index
        %get3A_2997 = tpu.vector_load %arg6[%get3A_2994, %get3A_2995, %get3A_2996] {strides = array<i32>} : memref<2x128x128xf32, #tpu.memory_space<vmem>>, vector<1x1x16xf32>,
        %get3A_2998 = vector.shape_cast %get3A_2997 : vector<1x1x16xf32> to vector<16xf32>
        %add3A_2999 = arith.addf %add3A_2988, %get3A_2998 : vector<16xf32>
        %mul3A_3000 = arith.constant 32 : i32
        %mul3A_3001 = arith.muli %scan3A_193, %mul3A_3000 : i32
        %add3A_3002 = arith.constant 29 : i32
        %add3A_3003 = arith.addi %mul3A_3001, %add3A_3002 : i32
        %get3A_3004 = arith.constant 1 : i32
        %get3A_3005 = arith.index_cast %get3A_3004 : i32 to index
        %get3A_3006 = arith.index_cast %add3A_3003 : i32 to index
        %get3A_3007 = arith.constant 112 : index
        %get3A_3008 = tpu.vector_load %arg6[%get3A_3005, %get3A_3006, %get3A_3007] {strides = array<i32>} : memref<2x128x128xf32, #tpu.memory_space<vmem>>, vector<1x1x16xf32>,
        %get3A_3009 = vector.shape_cast %get3A_3008 : vector<1x1x16xf32> to vector<16xf32>
        %add3A_3010 = arith.addf %add3A_2999, %get3A_3009 : vector<16xf32>
        %mul3A_3011 = arith.constant 32 : i32
        %mul3A_3012 = arith.muli %scan3A_193, %mul3A_3011 : i32
        %add3A_3013 = arith.constant 30 : i32
        %add3A_3014 = arith.addi %mul3A_3012, %add3A_3013 : i32
        %get3A_3015 = arith.constant 1 : i32
        %get3A_3016 = arith.index_cast %get3A_3015 : i32 to index
        %get3A_3017 = arith.index_cast %add3A_3014 : i32 to index
        %get3A_3018 = arith.constant 112 : index
        %get3A_3019 = tpu.vector_load %arg6[%get3A_3016, %get3A_3017, %get3A_3018] {strides = array<i32>} : memref<2x128x128xf32, #tpu.memory_space<vmem>>, vector<1x1x16xf32>,
        %get3A_3020 = vector.shape_cast %get3A_3019 : vector<1x1x16xf32> to vector<16xf32>
        %add3A_3021 = arith.addf %add3A_3010, %get3A_3020 : vector<16xf32>
        %mul3A_3022 = arith.constant 32 : i32
        %mul3A_3023 = arith.muli %scan3A_193, %mul3A_3022 : i32
        %add3A_3024 = arith.constant 31 : i32
        %add3A_3025 = arith.addi %mul3A_3023, %add3A_3024 : i32
        %get3A_3026 = arith.constant 1 : i32
        %get3A_3027 = arith.index_cast %get3A_3026 : i32 to index
        %get3A_3028 = arith.index_cast %add3A_3025 : i32 to index
        %get3A_3029 = arith.constant 112 : index
        %get3A_3030 = tpu.vector_load %arg6[%get3A_3027, %get3A_3028, %get3A_3029] {strides = array<i32>} : memref<2x128x128xf32, #tpu.memory_space<vmem>>, vector<1x1x16xf32>,
        %get3A_3031 = vector.shape_cast %get3A_3030 : vector<1x1x16xf32> to vector<16xf32>
        %add3A_3032 = arith.addf %add3A_3021, %get3A_3031 : vector<16xf32>
        %swap3A_3033 = arith.constant 1 : i32
        %swap3A_3034 = arith.index_cast %swap3A_3033 : i32 to index
        %swap3A_3035 = arith.index_cast %scan3A_193 : i32 to index
        %swap3A_3036 = arith.constant 112 : index
        %swap3A_3037 = tpu.vector_load %arg7[%swap3A_3034, %swap3A_3035, %swap3A_3036] {strides = array<i32>} : memref<2x4x128xf32, #tpu.memory_space<vmem>>, vector<1x1x16xf32>,
        %swap3A_3038 = vector.shape_cast %swap3A_3037 : vector<1x1x16xf32> to vector<16xf32>
        %swap3A_3039 = vector.shape_cast %add3A_3032 : vector<16xf32> to vector<1x1x16xf32>
        tpu.vector_store %arg7[%swap3A_3034, %swap3A_3035, %swap3A_3036], %swap3A_3039 {strides = array<i32>} : memref<2x4x128xf32, #tpu.memory_space<vmem>>, vector<1x1x16xf32>,
      }
      %scan3A_167 = arith.constant 4 : i32
      %mul3A_168 = arith.constant 4 : i32
      %mul3A_169 = arith.muli %add3A_138, %mul3A_168 : i32
      %add3A_170 = arith.addi %mul3A_2, %mul3A_169 : i32
      %multiple_of3A_171 = tpu.assume_multiple %add3A_170, 4 : i32
      %dma_start3A_172 = arith.constant 1 : i32
      %dma_start3A_173 = arith.constant 1 : i32
      %dma_start3A_174 = arith.constant 0 : i32
      %dma_start3A_175 = arith.constant 0 : i32
      %dma_start3A_176 = tpu.memref_slice %arg7[%dma_start3A_172, %dma_start3A_174, %dma_start3A_175] : memref<2x4x128xf32, #tpu.memory_space<vmem>> -> memref<1x4x128xf32, #tpu.memory_space<vmem>>
      %dma_start3A_177 = tpu.memref_squeeze %dma_start3A_176 : memref<1x4x128xf32, #tpu.memory_space<vmem>> -> memref<4x128xf32, #tpu.memory_space<vmem>>
      %dma_start3A_178 = arith.constant 0 : i32
      %dma_start3A_179 = tpu.memref_slice %arg4[%multiple_of3A_171, %dma_start3A_178] : memref<10240x128xf32, #tpu.memory_space<hbm>> -> memref<4x128xf32, #tpu.memory_space<hbm>>
      %dma_start3A_180 = tpu.memref_slice %arg10[%dma_start3A_173] : memref<2x!tpu.dma_semaphore, #tpu.memory_space<semaphore_mem>> -> memref<1x!tpu.dma_semaphore, #tpu.memory_space<semaphore_mem>>
      %dma_start3A_181 = tpu.memref_squeeze %dma_start3A_180 : memref<1x!tpu.dma_semaphore, #tpu.memory_space<semaphore_mem>> -> memref<!tpu.dma_semaphore, #tpu.memory_space<semaphore_mem>>
      %dma_start3A_182 = arith.constant 0 : i32
      %dma_start3A_183 = tpu.memref_slice %arg4[%multiple_of3A_171, %dma_start3A_182] : memref<10240x128xf32, #tpu.memory_space<hbm>> -> memref<4x128xf32, #tpu.memory_space<hbm>>
      %dma_start3A_184 = arith.constant 0 : i32
      %dma_start3A_185 = arith.constant 0 : i32
      %dma_start3A_186 = tpu.memref_slice %arg7[%dma_start3A_172, %dma_start3A_184, %dma_start3A_185] : memref<2x4x128xf32, #tpu.memory_space<vmem>> -> memref<1x4x128xf32, #tpu.memory_space<vmem>>
      %dma_start3A_187 = tpu.memref_squeeze %dma_start3A_186 : memref<1x4x128xf32, #tpu.memory_space<vmem>> -> memref<4x128xf32, #tpu.memory_space<vmem>>
      tpu.enqueue_dma source(%dma_start3A_187 : memref<4x128xf32, #tpu.memory_space<vmem>>) target(%dma_start3A_183 : memref<4x128xf32, #tpu.memory_space<hbm>>) target_semaphore(%dma_start3A_181 : memref<!tpu.dma_semaphore, #tpu.memory_space<semaphore_mem>>)
      %lt3A_188 = arith.constant 39 : i32
      %lt3A_189 = arith.cmpi slt, %scan3A_77, %lt3A_188 : i32
      %convert_element_type3A_190 = arith.extui %lt3A_189 : i1 to i32
      %cond3A_191 = arith.constant 0 : i32
      %cond3A_192 = arith.cmpi ne, %convert_element_type3A_190, %cond3A_191 : i32
      scf.if %cond3A_192 {
        %add3A_193 = arith.constant 2 : i32
        %add3A_194 = arith.addi %add3A_138, %add3A_193 : i32
        %mul3A_195 = arith.constant 128 : i32
        %mul3A_196 = arith.muli %add3A_194, %mul3A_195 : i32
        %multiple_of3A_197 = tpu.assume_multiple %mul3A_196, 128 : i32
        %dma_start3A_198 = arith.constant 1 : i32
        %dma_start3A_199 = arith.constant 1 : i32
        %dma_start3A_200 = arith.constant 0 : i32
        %dma_start3A_201 = arith.constant 0 : i32
        %dma_start3A_202 = tpu.memref_slice %arg6[%dma_start3A_198, %dma_start3A_200, %dma_start3A_201] : memref<2x128x128xf32, #tpu.memory_space<vmem>> -> memref<1x128x128xf32, #tpu.memory_space<vmem>>
        %dma_start3A_203 = tpu.memref_squeeze %dma_start3A_202 : memref<1x128x128xf32, #tpu.memory_space<vmem>> -> memref<128x128xf32, #tpu.memory_space<vmem>>
        %dma_start3A_204 = tpu.memref_slice %arg5[%multiple_of3A_197] : memref<10240xi32, #tpu.memory_space<vmem>> -> memref<128xi32, #tpu.memory_space<vmem>>
        %dma_start3A_205 = arith.constant 0 : i32
        %dma_start3A_206 = arith.constant 0 : i32
        %dma_start3A_207 = tpu.memref_slice %arg8[%dma_start3A_205, %dma_start3A_206] : memref<10240x128xf32, #tpu.memory_space<vmem_shared>> -> memref<10240x128xf32, #tpu.memory_space<vmem_shared>>
        %dma_start3A_208 = tpu.memref_slice %arg9[%dma_start3A_199] : memref<2x!tpu.dma_semaphore, #tpu.memory_space<semaphore_mem>> -> memref<1x!tpu.dma_semaphore, #tpu.memory_space<semaphore_mem>>
        %dma_start3A_209 = tpu.memref_squeeze %dma_start3A_208 : memref<1x!tpu.dma_semaphore, #tpu.memory_space<semaphore_mem>> -> memref<!tpu.dma_semaphore, #tpu.memory_space<semaphore_mem>>
        tpu.enqueue_indirect_dma source(%dma_start3A_207 : memref<10240x128xf32, #tpu.memory_space<vmem_shared>>) target(%dma_start3A_203 : memref<128x128xf32, #tpu.memory_space<vmem>>) offsets(%dma_start3A_204 : memref<128xi32, #tpu.memory_space<vmem>>) semaphore(%dma_start3A_209 : memref<!tpu.dma_semaphore, #tpu.memory_space<semaphore_mem>>)
      } else {
      }
    }
    %scan3A_41 = arith.constant 40 : i32
    %dma_wait3A = arith.constant 0 : i32
    %dma_wait3A_42 = arith.constant 0 : i32
    %dma_wait3A_43 = arith.constant 0 : i32
    %dma_wait3A_44 = arith.constant 0 : i32
    %dma_wait3A_45 = tpu.memref_slice %arg7[%dma_wait3A, %dma_wait3A_43, %dma_wait3A_44] : memref<2x4x128xf32, #tpu.memory_space<vmem>> -> memref<1x4x128xf32, #tpu.memory_space<vmem>>
    %dma_wait3A_46 = tpu.memref_squeeze %dma_wait3A_45 : memref<1x4x128xf32, #tpu.memory_space<vmem>> -> memref<4x128xf32, #tpu.memory_space<vmem>>
    %dma_wait3A_47 = arith.constant 0 : i32
    %dma_wait3A_48 = arith.constant 0 : i32
    %dma_wait3A_49 = tpu.memref_slice %arg4[%dma_wait3A_47, %dma_wait3A_48] : memref<10240x128xf32, #tpu.memory_space<hbm>> -> memref<4x128xf32, #tpu.memory_space<hbm>>
    %dma_wait3A_50 = tpu.memref_slice %arg10[%dma_wait3A_42] : memref<2x!tpu.dma_semaphore, #tpu.memory_space<semaphore_mem>> -> memref<1x!tpu.dma_semaphore, #tpu.memory_space<semaphore_mem>>
    %dma_wait3A_51 = tpu.memref_squeeze %dma_wait3A_50 : memref<1x!tpu.dma_semaphore, #tpu.memory_space<semaphore_mem>> -> memref<!tpu.dma_semaphore, #tpu.memory_space<semaphore_mem>>
    %dma_wait3A_52 = arith.constant 0 : i32
    %dma_wait3A_53 = arith.constant 0 : i32
    %dma_wait3A_54 = tpu.memref_slice %arg7[%dma_wait3A, %dma_wait3A_52, %dma_wait3A_53] : memref<2x4x128xf32, #tpu.memory_space<vmem>> -> memref<1x4x128xf32, #tpu.memory_space<vmem>>
    %dma_wait3A_55 = tpu.memref_squeeze %dma_wait3A_54 : memref<1x4x128xf32, #tpu.memory_space<vmem>> -> memref<4x128xf32, #tpu.memory_space<vmem>>
    %dma_wait3A_56 = arith.constant 0 : i32
    %dma_wait3A_57 = arith.constant 0 : i32
    %dma_wait3A_58 = tpu.memref_slice %arg4[%dma_wait3A_56, %dma_wait3A_57] : memref<10240x128xf32, #tpu.memory_space<hbm>> -> memref<4x128xf32, #tpu.memory_space<hbm>>
    tpu.wait_dma2 semaphore(%dma_wait3A_51 : memref<!tpu.dma_semaphore, #tpu.memory_space<semaphore_mem>>) src(%dma_wait3A_58 : memref<4x128xf32, #tpu.memory_space<hbm>>) dst(%dma_wait3A_55 : memref<4x128xf32, #tpu.memory_space<vmem>>)
    %dma_wait3A_59 = arith.constant 1 : i32
    %dma_wait3A_60 = arith.constant 1 : i32
    %dma_wait3A_61 = arith.constant 0 : i32
    %dma_wait3A_62 = arith.constant 0 : i32
    %dma_wait3A_63 = tpu.memref_slice %arg7[%dma_wait3A_59, %dma_wait3A_61, %dma_wait3A_62] : memref<2x4x128xf32, #tpu.memory_space<vmem>> -> memref<1x4x128xf32, #tpu.memory_space<vmem>>
    %dma_wait3A_64 = tpu.memref_squeeze %dma_wait3A_63 : memref<1x4x128xf32, #tpu.memory_space<vmem>> -> memref<4x128xf32, #tpu.memory_space<vmem>>
    %dma_wait3A_65 = arith.constant 0 : i32
    %dma_wait3A_66 = arith.constant 0 : i32
    %dma_wait3A_67 = tpu.memref_slice %arg4[%dma_wait3A_65, %dma_wait3A_66] : memref<10240x128xf32, #tpu.memory_space<hbm>> -> memref<4x128xf32, #tpu.memory_space<hbm>>
    %dma_wait3A_68 = tpu.memref_slice %arg10[%dma_wait3A_60] : memref<2x!tpu.dma_semaphore, #tpu.memory_space<semaphore_mem>> -> memref<1x!tpu.dma_semaphore, #tpu.memory_space<semaphore_mem>>
    %dma_wait3A_69 = tpu.memref_squeeze %dma_wait3A_68 : memref<1x!tpu.dma_semaphore, #tpu.memory_space<semaphore_mem>> -> memref<!tpu.dma_semaphore, #tpu.memory_space<semaphore_mem>>
    %dma_wait3A_70 = arith.constant 0 : i32
    %dma_wait3A_71 = arith.constant 0 : i32
    %dma_wait3A_72 = tpu.memref_slice %arg7[%dma_wait3A_59, %dma_wait3A_70, %dma_wait3A_71] : memref<2x4x128xf32, #tpu.memory_space<vmem>> -> memref<1x4x128xf32, #tpu.memory_space<vmem>>
    %dma_wait3A_73 = tpu.memref_squeeze %dma_wait3A_72 : memref<1x4x128xf32, #tpu.memory_space<vmem>> -> memref<4x128xf32, #tpu.memory_space<vmem>>
    %dma_wait3A_74 = arith.constant 0 : i32
    %dma_wait3A_75 = arith.constant 0 : i32
    %dma_wait3A_76 = tpu.memref_slice %arg4[%dma_wait3A_74, %dma_wait3A_75] : memref<10240x128xf32, #tpu.memory_space<hbm>> -> memref<4x128xf32, #tpu.memory_space<hbm>>
    tpu.wait_dma2 semaphore(%dma_wait3A_69 : memref<!tpu.dma_semaphore, #tpu.memory_space<semaphore_mem>>) src(%dma_wait3A_76 : memref<4x128xf32, #tpu.memory_space<hbm>>) dst(%dma_wait3A_73 : memref<4x128xf32, #tpu.memory_space<vmem>>)
    return
  }
}

module attributes {stable_mosaic.version = 14 : i64} {
  func.func @_mm_body(%arg0: i32, %arg1: memref<1000x128xf32, #tpu.memory_space<vmem>>, %arg2: memref<1000x128xf32, #tpu.memory_space<vmem>>, %arg3: memref<128x128xf32, #tpu.memory_space<vmem>>, %arg4: memref<1000x128xf32, #tpu.memory_space<vmem>>) attributes {dimension_semantics = [#tpu.dimension_semantics<arbitrary>], iteration_bounds = array<i64: 10>, scalar_prefetch = 0 : i64, scratch_operands = 0 : i64, tpu.core_type = #tpu.core_type<tc>, window_params = [{transform_indices = @transform_0, window_bounds = array<i64: 1000, 128>}, {transform_indices = @transform_1, window_bounds = array<i64: 1000, 128>}, {pipeline_mode = #tpu.pipeline_mode<synchronous>, transform_indices = @transform_2, window_bounds = array<i64: 128, 128>}, {transform_indices = @transform_3, window_bounds = array<i64: 1000, 128>}]} {
    %get3A = arith.constant 0 : index
    %get3A_0 = arith.constant 0 : index
    %get3A_1 = vector.load %arg1[%get3A, %get3A_0] : memref<1000x128xf32, #tpu.memory_space<vmem>>, vector<1000x128xf32>
    %get3A_2 = arith.constant 0 : index
    %get3A_3 = arith.constant 0 : index
    %get3A_4 = vector.load %arg2[%get3A_2, %get3A_3] : memref<1000x128xf32, #tpu.memory_space<vmem>>, vector<1000x128xf32>
    %add3A = arith.addf %get3A_1, %get3A_4 : vector<1000x128xf32>
    %get3A_5 = arith.constant 0 : index
    %get3A_6 = arith.constant 0 : index
    %get3A_7 = vector.load %arg3[%get3A_5, %get3A_6] : memref<128x128xf32, #tpu.memory_space<vmem>>, vector<128x128xf32>
    %dot_general3A = arith.constant dense<0.000000e+00> : vector<1000x128xf32>
    %dot_general3A_8 = tpu.matmul %add3A, %get3A_7, %dot_general3A {dimension_numbers = #tpu.dot_dimension_numbers<[1], [0], [0], [1], [0, 0, 1, 1], [], []>, transpose_lhs_hint = false} : vector<1000x128xf32>, vector<128x128xf32>, vector<1000x128xf32> -> vector<1000x128xf32>
    %gt3A = arith.constant 0.000000e+00 : f32
    %gt3A_9 = vector.broadcast %gt3A : f32 to vector<1000x128xf32>
    %gt3A_10 = arith.cmpf ogt, %dot_general3A_8, %gt3A_9 : vector<1000x128xf32>
    %min3A = arith.constant 0.000000e+00 : f32
    %min3A_11 = vector.broadcast %min3A : f32 to vector<1000x128xf32>
    %min3A_12 = arith.minimumf %dot_general3A_8, %min3A_11 : vector<1000x128xf32>
    %exp3A = math.exp %min3A_12 : vector<1000x128xf32>
    %sub3A = arith.constant 1.000000e+00 : f32
    %sub3A_13 = vector.broadcast %sub3A : f32 to vector<1000x128xf32>
    %sub3A_14 = arith.subf %exp3A, %sub3A_13 : vector<1000x128xf32>
    %select_n3A = arith.select %gt3A_10, %dot_general3A_8, %sub3A_14 : vector<1000x128xi1>, vector<1000x128xf32>
    %swap3A = arith.constant 0 : index
    %swap3A_15 = arith.constant 0 : index
    %swap3A_16 = vector.load %arg4[%swap3A, %swap3A_15] : memref<1000x128xf32, #tpu.memory_space<vmem>>, vector<1000x128xf32>
    tpu.vector_store %arg4[%swap3A, %swap3A_15], %select_n3A {strides = array<i32>} : memref<1000x128xf32, #tpu.memory_space<vmem>>, vector<1000x128xf32>,
    return
  }
  func.func @transform_0(%arg0: i32) -> (i32, i32) {
    %c0_i32 = arith.constant 0 : i32
    %c0_i32_0 = arith.constant 0 : i32
    return %arg0, %c0_i32 : i32, i32
  }
  func.func @transform_1(%arg0: i32) -> (i32, i32) {
    %c0_i32 = arith.constant 0 : i32
    %c0_i32_0 = arith.constant 0 : i32
    return %arg0, %c0_i32 : i32, i32
  }
  func.func @transform_2(%arg0: i32) -> (i32, i32) {
    %c0_i32 = arith.constant 0 : i32
    %c0_i32_0 = arith.constant 0 : i32
    %c0_i32_1 = arith.constant 0 : i32
    return %c0_i32, %c0_i32_0 : i32, i32
  }
  func.func @transform_3(%arg0: i32) -> (i32, i32) {
    %c0_i32 = arith.constant 0 : i32
    %c0_i32_0 = arith.constant 0 : i32
    return %arg0, %c0_i32 : i32, i32
  }
}

</mosaic_0001>

<sc_bundles>
// kernel: kernel.4.cloned.1.call-start
scs
__scs_entry_jumppad:
0x0: {  	(pc) =	sbr.rel $0x88, $3  }
0x1: {  	(tag) =	ssettag $0x0;
	lr =	simm.s32 $0x1  }
0x2: {  	[smem:$0x3F9E] =	sst lr;
	_ =	strace $0xD0000000  }
0x3: {  	_ = 	snop  }
0x4: {  	_ = 	snop  }
0x5: {  	_ = 	snop  }
0x6: {  	_ = 	snop  }
0x7: {  	_ = 	snop  }
__scs_overlays_trampoline_lowered:
0x8: {  	[smem:$0x3FAD] =	sst s0  }
0x9: {  	[smem:$0x3FAE] =	sst s1  }
0xa: {  	[smem:$0x3FAF] =	sst s2  }
0xb: {  	[smem:$0x3FB0] =	sst s3  }
0xc: {  	[smem:$0x3FB1] =	sst s4  }
0xd: {  	[smem:$0x3FB2] =	sst s5  }
0xe: {  	[smem:$0x3FB3] =	sst s6  }
0xf: {  	[smem:$0x3FB4] =	sst s7  }
0x10: {  	[smem:$0x3FB5] =	sst s8  }
0x11: {  	[smem:$0x3FB6] =	sst s9;
	s0 =	simm.s32 @!p0 $0x0  }
0x12: {  	s1 =	sld [smem:$0x3F9C];
	s0 =	simm.s32 @p0 $0x1  }
0x13: {  	[smem:$0x3FB7] =	sst s0;
	s0 =	simm.s32 @!p1 $0x0  }
0x14: {  	s2 =	sld [smem:$0x3F9B];
	s0 =	simm.s32 @p1 $0x1  }
0x15: {  	[smem:$0x3FB8] =	sst s0;
	s0 =	simm.s32 @!p2 $0x0  }
0x16: {  	s3 =	sld [smem:$0x3FDB];
	s0 =	simm.s32 @p2 $0x1  }
0x17: {  	s4 =	simm.s32 $0x1BF5;
	[smem:$0x3FBA] =	sst s0  }
0x18: {  	s0 =	sld [smem:$0x3F9D];
	_ =	swait.ge [sflag:s4], $0x0  }
0x19: {  	s7 =	sld [smem:$0x3F9E]  }
0x1a: {  	s8 =	sadd.s32 $0xFFFFE003, lr  }
0x1b: {  	s9 =	sadd.s32 $0xFFFFFEF7, lr;
	s5 =	simm.s32 $0xFFFFFFFF;
	p2 =	slt.u32 s8, $0xFFFFF086  }
0x1c: {  	p1 =	slt.u32 s9, $0xF7A;
	s5 =	simm.s32 @!p2 $0x0  }
0x1d: {  	s5 =	simm.s32 @p1 $0x1;
	p0 =	seq.s32 s7, s2  }
0x1e: {  	s7 =	smul.u32 @!p0 $0xF7A, s2;
	p2 =	seq.s32 @!p0 s5, $0x0  }
0x1f: {  	s9 =	smul.u32 $0xF7A, s1;
	s8 =	simm.s32 @!p0 $0x1BF5;
	p2 =	por !p2, p0  }
0x20: {  	[sflag:s8] =	ssyncset.s32 @!p0 $0xFFFFF086;
	s6 =	sadd.s32 @!p0 s3, s7;
	s7 =	simm.s32 @!p0 $0x108  }
0x21: {  	s3 =	sadd.s32 s3, s9;
	s6 =	sadd.s32 @!p0 $0x88, s6;
	s7 =	simm.s32 @p2 $0x1082  }
0x22: {  	[simem:s7], [sflag:s8] =	dma.local @!p0 [hbm:s6], $0xF7A  }
0x23: {  	s9 =	sor.u32 $0xD0000000, s2;
	s6 =	simm.s32 $0x108;
	_ =	swait.ge @!p0 [sflag:s8], $0x0  }
0x24: {  	s3 =	sadd.s32 $0x88, s3;
	s6 =	simm.s32 @!p1 $0x1082;
	[sflag:s4] =	ssyncset.s32 $0xFFFFF086  }
0x25: {  	[simem:s6], [sflag:s4] =	dma.local [hbm:s3], $0xF7A  }
0x26: {  	[smem:$0x3F9E] =	sst s1;
	(tag) =	ssettag s2;
	_ =	strace s9  }
0x27: {  	s1 =	sld [smem:$0x3FAE]  }
0x28: {  	s2 =	sld [smem:$0x3FAF]  }
0x29: {  	s4 =	sld [smem:$0x3FB1]  }
0x2a: {  	p0 =	seq.s32 s5, $0x0;
	s5 =	sld [smem:$0x3FB2]  }
0x2b: {  	s6 =	sld [smem:$0x3FB3]  }
0x2c: {  	s7 =	sld [smem:$0x3FB4]  }
0x2d: {  	s3 =	simm.s32 $0x108;
	s8 =	sld [smem:$0x3FB5]  }
0x2e: {  	s3 =	simm.s32 @!p0 $0x1082;
	s9 =	sld [smem:$0x3FB6]  }
0x2f: {  	lr =	sadd.s32 s0, s3;
	s0 =	sld [smem:$0x3FAD]  }
0x30: {  	s3 =	sld [smem:$0x3FB0]  }
0x31: {  	[smem:$0x3FB9] =	sst s10  }
0x32: {  	s10 =	sld [smem:$0x3FB7];
	_ =	sdelay $0x3  }
0x33: {  	p0 =	seq.s32 s10, $0x1;
	s10 =	sld [smem:$0x3FB9];
	_ =	sdelay $0x3  }
0x34: {  	[smem:$0x3FB9] =	sst s10  }
0x35: {  	s10 =	sld [smem:$0x3FB8];
	_ =	sdelay $0x3  }
0x36: {  	p1 =	seq.s32 s10, $0x1;
	s10 =	sld [smem:$0x3FB9];
	_ =	sdelay $0x3  }
0x37: {  	[smem:$0x3FB9] =	sst s10  }
0x38: {  	s10 =	sld [smem:$0x3FBA]  }
0x39: {  	_ = 	snop;
	(pc) =	sbr.ind lr, $3  }
0x3a: {  	_ = 	snop  }
0x3b: {  	_ = 	snop  }
0x3c: {  	p2 =	seq.s32 s10, $0x1;
	s10 =	sld [smem:$0x3FB9]  }
0x3d: {  	_ =	shalt  }
0x3e: {  	_ =	shalt  }
0x3f: {  	_ =	shalt  }
0x40: {  	_ =	shalt  }
0x41: {  	_ =	shalt  }
0x42: {  	_ =	shalt  }
0x43: {  	_ =	shalt  }
0x44: {  	_ =	shalt  }
0x45: {  	_ =	shalt  }
0x46: {  	_ =	shalt  }
0x47: {  	_ =	shalt  }
0x48: {  	_ =	shalt  }
0x49: {  	_ =	shalt  }
0x4a: {  	_ =	shalt  }
0x4b: {  	_ =	shalt  }
0x4c: {  	_ =	shalt  }
0x4d: {  	_ =	shalt  }
0x4e: {  	_ =	shalt  }
0x4f: {  	_ =	shalt  }
0x50: {  	_ =	shalt  }
0x51: {  	_ =	shalt  }
0x52: {  	_ =	shalt  }
0x53: {  	_ =	shalt  }
0x54: {  	_ =	shalt  }
0x55: {  	_ =	shalt  }
0x56: {  	_ =	shalt  }
0x57: {  	_ =	shalt  }
0x58: {  	_ =	shalt  }
0x59: {  	_ =	shalt  }
0x5a: {  	_ =	shalt  }
0x5b: {  	_ =	shalt  }
0x5c: {  	_ =	shalt  }
0x5d: {  	_ =	shalt  }
0x5e: {  	_ =	shalt  }
0x5f: {  	_ =	shalt  }
0x60: {  	_ =	shalt  }
0x61: {  	_ =	shalt  }
0x62: {  	_ =	shalt  }
0x63: {  	_ =	shalt  }
0x64: {  	_ =	shalt  }
0x65: {  	_ =	shalt  }
0x66: {  	_ =	shalt  }
0x67: {  	_ =	shalt  }
0x68: {  	_ =	shalt  }
0x69: {  	_ =	shalt  }
0x6a: {  	_ =	shalt  }
0x6b: {  	_ =	shalt  }
0x6c: {  	_ =	shalt  }
0x6d: {  	_ =	shalt  }
0x6e: {  	_ =	shalt  }
0x6f: {  	_ =	shalt  }
0x70: {  	_ =	shalt  }
0x71: {  	_ =	shalt  }
0x72: {  	_ =	shalt  }
0x73: {  	_ =	shalt  }
0x74: {  	_ =	shalt  }
0x75: {  	_ =	shalt  }
0x76: {  	_ =	shalt  }
0x77: {  	_ =	shalt  }
0x78: {  	_ =	shalt  }
0x79: {  	_ =	shalt  }
0x7a: {  	_ =	shalt  }
0x7b: {  	_ =	shalt  }
0x7c: {  	_ =	shalt  }
0x7d: {  	_ =	shalt  }
0x7e: {  	_ =	shalt  }
0x7f: {  	_ =	shalt  }
0x80: {  	_ =	shalt  }
0x81: {  	_ =	shalt  }
0x82: {  	_ =	shalt  }
0x83: {  	_ =	shalt  }
0x84: {  	_ =	shalt  }
0x85: {  	_ =	shalt  }
0x86: {  	_ =	shalt  }
0x87: {  	_ =	shalt  }
.Lfunc_end0:
.L_simem_size_0:
called_computation_lowered:
.L_overlay_start_0:
0x88: {  	s2 =	sld [smem:$0x3FD9]  }
0x89: {  	s3 =	sld [smem:$0x3FFE];
	_ =	sdelay $0x1  }
0x8a: {  	s1 =	srdreg.scid  }
0x8b: {  	s0 =	sand.u32 $0x1, s1  }
0x8c: {  	s17 =	sshll.u32 s0, $0xA;
	s2 =	sadd.s32 s3, s2  }
0x8d: {  	s2 =	sadd.s32 s2, s17  }
0x8e: {  	[smem:$0x3FC5] =	sst s2  }
0x8f: {  	_ = 	snop  }
0x90: {  	s2 =	sld [smem:$0x3FC9]  }
0x91: {  	s18 =	sld [smem:$0x3FD0];
	(tm) =	ssettm $0x1  }
0x92: {  	s4 =	sld [smem:$0x3FFB];
	_ =	sdelay $0x3  }
0x93: {  	_ =	strace s4  }
0x94: {  	s4 =	sld [smem:$0x3FFC];
	_ =	sdelay $0x3  }
0x95: {  	_ =	strace s4  }
0x96: {  	s4 =	sld [smem:$0x3FFD];
	_ =	sdelay $0x3  }
0x97: {  	_ =	strace s4  }
0x98: {  	_ =	strace $0x8FFFFFFF  }
0x99: {  	s19 =	sld [smem:$0x3FDB];
	_ =	sdelay $0x1  }
0x9a: {  	s5 =	simm.s32 $_scs_section_size  }
0x9b: {  	s6 =	simm.s32 $_size__tile_overlayer_lowered;
	s7 =	simm.s32 $_tile_overlayer_lowered  }
0x9c: {  	s22 =	simm.s32 $0x1BFF;
	s21 =	sshll.u32 s7, $0x1;
	s4 =	sadd.s32 s5, s19  }
0x9d: {  	s8 =	simm.s32 $0x0;
	s20 =	sshll.u32 s6, $0x1;
	s6 =	sadd.s32 s21, s4  }
0x9e: {  	[timem:s8], [sflag:s22] =	dma.local [hbm:s6], s20  }
0x9f: {  	_ =	swait.ge [sflag:s22], s20  }
0xa0: {  	s5 =	ssub.s32 $0x0, s20;
	[sflag:s22] =	ssyncset.done $0x0  }
0xa1: {  	[sflag:s22] =	ssyncadd.s32 s5;
	_ =	sdelay $0x1  }
0xa2: {  	s23 =	simm.s32 $0x1B8B  }
0xa3: {  	_ =	swait.ge [sflag:s23], $0x1  }
0xa4: {  	[sflag:s23] =	ssyncset.done $0x0  }
0xa5: {  	s25 =	simm.s32 $0x1B8E;
	s24 =	sld [smem:$0x3FFE];
	[sflag:s23] =	ssyncadd.s32 $0xFFFFFFFF  }
0xa6: {  	s26 =	simm.s32 $execute0_lowered;
	[smem:$0x3FD2] =	sst s25  }
0xa7: {  	s6 =	sshll.u32 s26, $0x1;
	_ =	strace $0x80000046;
	[dreg:$0x1] =	wrdreg $0xFFFFFFFF  }
0xa8: {  	s28 =	simm.s32 $_size_execute0_lowered;
	s4 =	sadd.s32 s4, s6;
	[dreg:$0x0] =	wrdreg $0x0  }
0xa9: {  	s6 =	sshll.u32 s28, $0x1;
	[dreg:$0x2] =	wrdreg s4  }
0xaa: {  	[dreg:$0x3] =	wrdreg s6  }
0xab: {  	[dreg:$0x4] =	wrdreg $0xC0  }
0xac: {  	_ =	task [dreg:s8], $0x5FFFF  }
0xad: {  	[dreg:$0x1] =	wrdreg $0xFFFFFFFF  }
0xae: {  	[dreg:$0x0] =	wrdreg $0x60  }
0xaf: {  	[dreg:$0x2] =	wrdreg s2  }
0xb0: {  	[dreg:$0x3] =	wrdreg s18  }
0xb1: {  	[dreg:$0x4] =	wrdreg s24  }
0xb2: {  	[dreg:$0x5] =	wrdreg $0xAC000  }
0xb3: {  	[dreg:$0x6] =	wrdreg $0x9  }
0xb4: {  	_ =	task.clear_ibuf [dreg:s8], $0x7FFFF;
	_ =	strace $0x90000046  }
0xb5: {  	s29 =	simm.s32 $0x9;
	_ =	strace $0x80000048  }
0xb6: {  	_ =	swait.ge [sflag:s29], $0x1  }
0xb7: {  	[sflag:s29] =	ssyncadd.s32 $0xFFFFFFFF  }
0xb8: {  	_ =	strace $0x90000048  }
0xb9: {  	_ =	sfence  }
0xba: {  	s30 =	sld [smem:$0x0];
	_ =	sdelay $0x2  }
0xbb: {  	s31 =	sshll.u32 s1, $0xD;
	s1 =	sshrl.u32 s1, $0x2  }
0xbc: {  	s3 =	sand.u32 $0x4000, s31;
	s1 =	sadd.s32 s1, s30  }
0xbd: {  	s0 =	sor.u32 s3, s0;
	s1 =	sshll.u32 s1, $0x11  }
0xbe: {  	s0 =	sor.u32 s1, s0  }
0xbf: {  	s0 =	sadd.s32 $0x8F2B, s0  }
0xc0: {  	[sflag:s0] =	ssyncadd.remote.s32 $0x1  }
0xc1: {  	_ =	sfence.sel $0xFFFF  }
0xc2: {  	[dreg:$0x0] =	wrdreg $0xFFFFFFFF;
	(pc) =	sbr.abs _section_cstart, $3  }
0xc3: {  	[dreg:$0x1] =	wrdreg $0xFFFFFFFF  }
0xc4: {  	_ =	task.clear_ibuf [dreg:s8], $0x2FFFF;
	_ =	strace $0x9FFFFFFF  }
0xc5: {  	(tm) =	ssettm $0x7FFFFFFF  }
tec
execute0_lowered:
.L_overlay_start_1:
0x0: {  	(tag) =	ssettag $0x1  }
0x1: {  	s6 =	rddreg [dreg:$0x0]  }
0x2: {  	s7 =	rddreg [dreg:$0x1]  }
0x3: {  	s4 =	rddreg [dreg:$0x2]  }
0x4: {  	s1 =	rddreg [dreg:$0x3]  }
0x5: {  	s0 =	rddreg [dreg:$0x4];
	s3 =	simm.s32 $0x0  }
0x6: {  	s5 =	srdreg.scid;
	s2 =	stileid.u32;
	s14 =	simm.s32 $0x5  }
0x7: {  	s15 =	simm.s32 $0x80;
	s16 =	simm.s32 $0x2800;
	s17 =	simm.s32 $0x6800  }
0x8: {  	s18 =	simm.s32 $0x1;
	s19 =	simm.s32 $0xA800;
	s20 =	simm.s32 $0x2  }
0x9: {  	s21 =	simm.s32 $0x4;
	s22 =	simm.s32 $0xAA00;
	s23 =	simm.s32 $0x3  }
0xa: {  	s24 =	simm.s32 $0x0;
	[smem:$0x7FF] =	sst s3;
	s5 =	sand.u32 $0x1, s5  }
0xb: {  	s4 =	sadd.s32 $0x1000, s4;
	s9 =	smul.u32 $0x50000, s2;
	s11 =	sshll.u32 s2, $0x1  }
0xc: {  	s12 =	smul.u32 $0x2800, s2;
	p0 =	seq.s32 s2, $0xF;
	_ =	strace $0x80000047  }
0xd: {  	s8 =	ssub.s32 $0x2, s5;
	s26 =	sor.u32 s5, s11;
	s11 =	sadd.s32 $0x12C000, s1  }
0xe: {  	s10 =	sshrl.u32 s8, $0x1;
	s28 =	sshrl.u32 s9, $0x2;
	s29 =	smul.u32 $0x500, s26  }
.Ltmp0:
0xf: {  	s5 =	sadd.s32 s6, s12;
	s6 =	sadd.s32 $0x25800, s6;
	(pc) =	sbr.rel .LBB2_1-.Ltmp0, $4  }
0x10: {  	s30 =	smul.u32 $0x1400, s26;
	s12 =	sshll.u32 @!p0 s2, $0x6;
	s11 =	sshrl.u32 @p0 s11, $0x3  }
0x11: {  	s10 =	ssub.s32 s8, s10;
	s13 =	sadd.s32 s28, s1;
	s8 =	smul.u32 $0x28, s26  }
0x12: {  	s12 =	sor.u32 @!p0 $0x1C05, s12;
	s7 =	sadd.s32 s7, s29;
	s31 =	sadd.s32 s30, s4  }
0x13: {  	s9 =	smax.u32 s10, $0x1;
	s13 =	sshrl.u32 @!p0 s13, $0x3;
	s10 =	sadd.s32 $0x40, s31  }
.LBB2_12:
0x14: {  	s24 =	sadd.s32 $0x1, s24  }
0x15: {  	_ =	swait.ge [sflag:s23], $0x200;
	p1 =	sne.s32 s24, s9  }
.Ltmp1:
0x16: {  	[sflag:s23] =	ssyncset.done $0x0;
	(pc) =	sbr.rel @!p1 .LBB2_13-.Ltmp1, $4  }
0x17: {  	[sflag:s23] =	ssyncadd.s32 $0xFFFFFE00  }
0x18: {  	_ =	swait.ge [sflag:s21], $0x200  }
0x19: {  	[sflag:s21] =	ssyncset.done $0x0  }
0x1a: {  	[sflag:s21] =	ssyncadd.s32 $0xFFFFFE00  }
.LBB2_1:
0x1b: {  	s25 =	simm.s32 @p0 $0x1FC5  }
0x1c: {  	[spmem:s11], [sflag:s25] =	dma.local @p0 [hbm:s6], $0x1900  }
0x1d: {  	s25 =	simm.s32 @p0 $0x5  }
0x1e: {  	_ =	swait.ge @p0 [sflag:s25], $0x1900  }
0x1f: {  	[sflag:s25] =	ssyncset.done @p0 $0x0  }
0x20: {  	[sflag:s25] =	ssyncadd.s32 @p0 $0xFFFFE700;
	s25 =	simm.s32 @!p0 $0x5  }
0x21: {  	[spmem:s13], [sflag:s12] =	dma.local @!p0 [hbm:s5], $0x2800  }
0x22: {  	_ =	swait.ge @!p0 [sflag:s25], $0x2800  }
0x23: {  	[sflag:s25] =	ssyncset.done @!p0 $0x0  }
0x24: {  	[sflag:s25] =	ssyncadd.s32 @!p0 $0xFFFFD800  }
0x25: {  	[tilespmem:s3], [sflag:$0x5] =	stream.linear.gather [hbm4b:s7+s3], $0x2800, $0x38;
	[tilespmem:$0x1EC00] =	vst v63  }
0x26: {  	_ =	swait.ge [sflag:s14], $0x2800  }
0x27: {  	[sflag:s14] =	ssyncset.done $0x0  }
0x28: {  	[sflag:s14] =	ssyncadd.s32 $0xFFFFD800  }
0x29: {  	[bflag:$0x0] =	sbarrier.arrive $0xFFFF  }
0x2a: {  	[tilespmem:s16], [sflag:$0x1] =	stream.indirect.gather [spmem:s1], $0x80, s3, s15, $0xb8;
	[tilespmem:$0x1EC00] =	vst v63  }
0x2b: {  	s25 =	simm.s32 $0x0  }
0x2c: {  	[tilespmem:s17], [sflag:$0x2] =	stream.indirect.gather [spmem:s1], $0x80, s15, s15, $0xb8;
	[tilespmem:$0x1EC00] =	vst v63  }
.LBB2_2:
0x2d: {  	_ =	swait.ge [sflag:s18], $0x4000  }
0x2e: {  	p1 =	seq.s32 s25, $0x0;
	[sflag:s18] =	ssyncset.done $0x0  }
0x2f: {  	s26 =	simm.s32 @!p1 $0x3;
	[sflag:s18] =	ssyncadd.s32 $0xFFFFC000  }
0x30: {  	_ =	swait.ge @!p1 [sflag:s26], $0x200  }
0x31: {  	[sflag:s26] =	ssyncset.done @!p1 $0x0  }
0x32: {  	[sflag:s26] =	ssyncadd.s32 @!p1 $0xFFFFFE00;
	s26 =	simm.s32 $0x0  }
.LBB2_3:
0x33: {  	s28 =	sshll.u32 s26, $0xC  }
0x34: {  	s28 =	sand.u32 $0x3FFFF000, s28  }
0x35: {  	v0 =	vld [tilespmem:s28+$0x2800]  }
0x36: {  	v1 =	vld [tilespmem:s28+$0x2880];
	_ =	sdelay $0x1  }
0x37: {  	v2 =	vld [tilespmem:s28+$0x2900];
	_ =	sdelay $0x1  }
0x38: {  	v3 =	vld [tilespmem:s28+$0x2980]  }
0x39: {  	v0 =	vadd.f32 v1, v0  }
0x3a: {  	v51 =	vld [tilespmem:s28+$0x2A00]  }
0x3b: {  	v0 =	vadd.f32 v2, v0  }
0x3c: {  	v52 =	vld [tilespmem:s28+$0x2A80]  }
0x3d: {  	v0 =	vadd.f32 v3, v0  }
0x3e: {  	v53 =	vld [tilespmem:s28+$0x2B00]  }
0x3f: {  	v0 =	vadd.f32 v51, v0  }
0x40: {  	v54 =	vld [tilespmem:s28+$0x2B80]  }
0x41: {  	v0 =	vadd.f32 v52, v0  }
0x42: {  	v55 =	vld [tilespmem:s28+$0x2C00]  }
0x43: {  	v0 =	vadd.f32 v53, v0  }
0x44: {  	v56 =	vld [tilespmem:s28+$0x2C80]  }
0x45: {  	v0 =	vadd.f32 v54, v0  }
0x46: {  	v57 =	vld [tilespmem:s28+$0x2D00]  }
0x47: {  	v0 =	vadd.f32 v55, v0  }
0x48: {  	v58 =	vld [tilespmem:s28+$0x2D80]  }
0x49: {  	v0 =	vadd.f32 v56, v0  }
0x4a: {  	v59 =	vld [tilespmem:s28+$0x2E00]  }
0x4b: {  	v0 =	vadd.f32 v57, v0  }
0x4c: {  	v60 =	vld [tilespmem:s28+$0x2E80]  }
0x4d: {  	v0 =	vadd.f32 v58, v0  }
0x4e: {  	v61 =	vld [tilespmem:s28+$0x2F00]  }
0x4f: {  	v0 =	vadd.f32 v59, v0  }
0x50: {  	v62 =	vld [tilespmem:s28+$0x2F80]  }
0x51: {  	v0 =	vadd.f32 v60, v0  }
0x52: {  	v63 =	vld [tilespmem:s28+$0x3000]  }
0x53: {  	v0 =	vadd.f32 v61, v0  }
0x54: {  	v6 =	vld [tilespmem:s28+$0x3080]  }
0x55: {  	v0 =	vadd.f32 v62, v0  }
0x56: {  	v7 =	vld [tilespmem:s28+$0x3100]  }
0x57: {  	v0 =	vadd.f32 v63, v0  }
0x58: {  	v8 =	vld [tilespmem:s28+$0x3180]  }
0x59: {  	v0 =	vadd.f32 v6, v0  }
0x5a: {  	v9 =	vld [tilespmem:s28+$0x3200]  }
0x5b: {  	v0 =	vadd.f32 v7, v0  }
0x5c: {  	v10 =	vld [tilespmem:s28+$0x3280]  }
0x5d: {  	v0 =	vadd.f32 v8, v0  }
0x5e: {  	v11 =	vld [tilespmem:s28+$0x3300]  }
0x5f: {  	v0 =	vadd.f32 v9, v0  }
0x60: {  	v12 =	vld [tilespmem:s28+$0x3380]  }
0x61: {  	v0 =	vadd.f32 v10, v0  }
0x62: {  	v13 =	vld [tilespmem:s28+$0x3400]  }
0x63: {  	v0 =	vadd.f32 v11, v0  }
0x64: {  	v14 =	vld [tilespmem:s28+$0x3480]  }
0x65: {  	v0 =	vadd.f32 v12, v0  }
0x66: {  	v15 =	vld [tilespmem:s28+$0x3500]  }
0x67: {  	v0 =	vadd.f32 v13, v0  }
0x68: {  	v16 =	vld [tilespmem:s28+$0x3580]  }
0x69: {  	v0 =	vadd.f32 v14, v0  }
0x6a: {  	v17 =	vld [tilespmem:s28+$0x3600]  }
0x6b: {  	v0 =	vadd.f32 v15, v0  }
0x6c: {  	v18 =	vld [tilespmem:s28+$0x3680]  }
0x6d: {  	v0 =	vadd.f32 v16, v0  }
0x6e: {  	v19 =	vld [tilespmem:s28+$0x3700]  }
0x6f: {  	v0 =	vadd.f32 v17, v0  }
0x70: {  	v20 =	vld [tilespmem:s28+$0x3780]  }
0x71: {  	v0 =	vadd.f32 v18, v0;
	_ =	sdelay $0x1  }
0x72: {  	v0 =	vadd.f32 v19, v0;
	_ =	sdelay $0x1  }
0x73: {  	s29 =	sshll.u32 s26, $0x7;
	v0 =	vadd.f32 v20, v0  }
0x74: {  	s29 =	sand.u32 $0x3FFFFF80, s29  }
0x75: {  	[tilespmem:s29+$0xA800] =	vst v0  }
0x76: {  	v0 =	vld [tilespmem:s28+$0x2810]  }
0x77: {  	v21 =	vld [tilespmem:s28+$0x2890];
	_ =	sdelay $0x1  }
0x78: {  	v22 =	vld [tilespmem:s28+$0x2910];
	_ =	sdelay $0x1  }
0x79: {  	v23 =	vld [tilespmem:s28+$0x2990]  }
0x7a: {  	v0 =	vadd.f32 v21, v0  }
0x7b: {  	v24 =	vld [tilespmem:s28+$0x2A10]  }
0x7c: {  	v0 =	vadd.f32 v22, v0  }
0x7d: {  	v25 =	vld [tilespmem:s28+$0x2A90]  }
0x7e: {  	v0 =	vadd.f32 v23, v0  }
0x7f: {  	v26 =	vld [tilespmem:s28+$0x2B10]  }
0x80: {  	v0 =	vadd.f32 v24, v0  }
0x81: {  	v27 =	vld [tilespmem:s28+$0x2B90]  }
0x82: {  	v0 =	vadd.f32 v25, v0  }
0x83: {  	v28 =	vld [tilespmem:s28+$0x2C10]  }
0x84: {  	v0 =	vadd.f32 v26, v0  }
0x85: {  	v29 =	vld [tilespmem:s28+$0x2C90]  }
0x86: {  	v0 =	vadd.f32 v27, v0  }
0x87: {  	v30 =	vld [tilespmem:s28+$0x2D10]  }
0x88: {  	v0 =	vadd.f32 v28, v0  }
0x89: {  	v31 =	vld [tilespmem:s28+$0x2D90]  }
0x8a: {  	v0 =	vadd.f32 v29, v0  }
0x8b: {  	v32 =	vld [tilespmem:s28+$0x2E10]  }
0x8c: {  	v0 =	vadd.f32 v30, v0  }
0x8d: {  	v33 =	vld [tilespmem:s28+$0x2E90]  }
0x8e: {  	v0 =	vadd.f32 v31, v0  }
0x8f: {  	v34 =	vld [tilespmem:s28+$0x2F10]  }
0x90: {  	v0 =	vadd.f32 v32, v0  }
0x91: {  	v35 =	vld [tilespmem:s28+$0x2F90]  }
0x92: {  	v0 =	vadd.f32 v33, v0  }
0x93: {  	v36 =	vld [tilespmem:s28+$0x3010]  }
0x94: {  	v0 =	vadd.f32 v34, v0  }
0x95: {  	v37 =	vld [tilespmem:s28+$0x3090]  }
0x96: {  	v0 =	vadd.f32 v35, v0  }
0x97: {  	v38 =	vld [tilespmem:s28+$0x3110]  }
0x98: {  	v0 =	vadd.f32 v36, v0  }
0x99: {  	v39 =	vld [tilespmem:s28+$0x3190]  }
0x9a: {  	v0 =	vadd.f32 v37, v0  }
0x9b: {  	v40 =	vld [tilespmem:s28+$0x3210]  }
0x9c: {  	v0 =	vadd.f32 v38, v0  }
0x9d: {  	v41 =	vld [tilespmem:s28+$0x3290]  }
0x9e: {  	v0 =	vadd.f32 v39, v0  }
0x9f: {  	v42 =	vld [tilespmem:s28+$0x3310]  }
0xa0: {  	v0 =	vadd.f32 v40, v0  }
0xa1: {  	v43 =	vld [tilespmem:s28+$0x3390]  }
0xa2: {  	v0 =	vadd.f32 v41, v0  }
0xa3: {  	v44 =	vld [tilespmem:s28+$0x3410]  }
0xa4: {  	v0 =	vadd.f32 v42, v0  }
0xa5: {  	v45 =	vld [tilespmem:s28+$0x3490]  }
0xa6: {  	v0 =	vadd.f32 v43, v0  }
0xa7: {  	v46 =	vld [tilespmem:s28+$0x3510]  }
0xa8: {  	v0 =	vadd.f32 v44, v0  }
0xa9: {  	v47 =	vld [tilespmem:s28+$0x3590]  }
0xaa: {  	v0 =	vadd.f32 v45, v0  }
0xab: {  	v48 =	vld [tilespmem:s28+$0x3610]  }
0xac: {  	v0 =	vadd.f32 v46, v0  }
0xad: {  	v49 =	vld [tilespmem:s28+$0x3690]  }
0xae: {  	v0 =	vadd.f32 v47, v0  }
0xaf: {  	v50 =	vld [tilespmem:s28+$0x3710]  }
0xb0: {  	v0 =	vadd.f32 v48, v0  }
0xb1: {  	v51 =	vld [tilespmem:s28+$0x3790]  }
0xb2: {  	v0 =	vadd.f32 v49, v0;
	_ =	sdelay $0x1  }
0xb3: {  	v0 =	vadd.f32 v50, v0;
	_ =	sdelay $0x1  }
0xb4: {  	v0 =	vadd.f32 v51, v0;
	_ =	sdelay $0x1  }
0xb5: {  	[tilespmem:s29+$0xA810] =	vst v0  }
0xb6: {  	v0 =	vld [tilespmem:s28+$0x2820]  }
0xb7: {  	v52 =	vld [tilespmem:s28+$0x28A0];
	_ =	sdelay $0x1  }
0xb8: {  	v53 =	vld [tilespmem:s28+$0x2920];
	_ =	sdelay $0x1  }
0xb9: {  	v54 =	vld [tilespmem:s28+$0x29A0]  }
0xba: {  	v0 =	vadd.f32 v52, v0  }
0xbb: {  	v55 =	vld [tilespmem:s28+$0x2A20]  }
0xbc: {  	v0 =	vadd.f32 v53, v0  }
0xbd: {  	v56 =	vld [tilespmem:s28+$0x2AA0]  }
0xbe: {  	v0 =	vadd.f32 v54, v0  }
0xbf: {  	v57 =	vld [tilespmem:s28+$0x2B20]  }
0xc0: {  	v0 =	vadd.f32 v55, v0  }
0xc1: {  	v58 =	vld [tilespmem:s28+$0x2BA0]  }
0xc2: {  	v0 =	vadd.f32 v56, v0  }
0xc3: {  	v59 =	vld [tilespmem:s28+$0x2C20]  }
0xc4: {  	v0 =	vadd.f32 v57, v0  }
0xc5: {  	v60 =	vld [tilespmem:s28+$0x2CA0]  }
0xc6: {  	v0 =	vadd.f32 v58, v0  }
0xc7: {  	v61 =	vld [tilespmem:s28+$0x2D20]  }
0xc8: {  	v0 =	vadd.f32 v59, v0  }
0xc9: {  	v62 =	vld [tilespmem:s28+$0x2DA0]  }
0xca: {  	v0 =	vadd.f32 v60, v0  }
0xcb: {  	v63 =	vld [tilespmem:s28+$0x2E20]  }
0xcc: {  	v0 =	vadd.f32 v61, v0  }
0xcd: {  	v6 =	vld [tilespmem:s28+$0x2EA0]  }
0xce: {  	v0 =	vadd.f32 v62, v0  }
0xcf: {  	v7 =	vld [tilespmem:s28+$0x2F20]  }
0xd0: {  	v0 =	vadd.f32 v63, v0  }
0xd1: {  	v8 =	vld [tilespmem:s28+$0x2FA0]  }
0xd2: {  	v0 =	vadd.f32 v6, v0  }
0xd3: {  	v9 =	vld [tilespmem:s28+$0x3020]  }
0xd4: {  	v0 =	vadd.f32 v7, v0  }
0xd5: {  	v10 =	vld [tilespmem:s28+$0x30A0]  }
0xd6: {  	v0 =	vadd.f32 v8, v0  }
0xd7: {  	v11 =	vld [tilespmem:s28+$0x3120]  }
0xd8: {  	v0 =	vadd.f32 v9, v0  }
0xd9: {  	v12 =	vld [tilespmem:s28+$0x31A0]  }
0xda: {  	v0 =	vadd.f32 v10, v0  }
0xdb: {  	v13 =	vld [tilespmem:s28+$0x3220]  }
0xdc: {  	v0 =	vadd.f32 v11, v0  }
0xdd: {  	v14 =	vld [tilespmem:s28+$0x32A0]  }
0xde: {  	v0 =	vadd.f32 v12, v0  }
0xdf: {  	v15 =	vld [tilespmem:s28+$0x3320]  }
0xe0: {  	v0 =	vadd.f32 v13, v0  }
0xe1: {  	v16 =	vld [tilespmem:s28+$0x33A0]  }
0xe2: {  	v0 =	vadd.f32 v14, v0  }
0xe3: {  	v17 =	vld [tilespmem:s28+$0x3420]  }
0xe4: {  	v0 =	vadd.f32 v15, v0  }
0xe5: {  	v18 =	vld [tilespmem:s28+$0x34A0]  }
0xe6: {  	v0 =	vadd.f32 v16, v0  }
0xe7: {  	v19 =	vld [tilespmem:s28+$0x3520]  }
0xe8: {  	v0 =	vadd.f32 v17, v0  }
0xe9: {  	v20 =	vld [tilespmem:s28+$0x35A0]  }
0xea: {  	v0 =	vadd.f32 v18, v0  }
0xeb: {  	v21 =	vld [tilespmem:s28+$0x3620]  }
0xec: {  	v0 =	vadd.f32 v19, v0  }
0xed: {  	v22 =	vld [tilespmem:s28+$0x36A0]  }
0xee: {  	v0 =	vadd.f32 v20, v0  }
0xef: {  	v23 =	vld [tilespmem:s28+$0x3720]  }
0xf0: {  	v0 =	vadd.f32 v21, v0  }
0xf1: {  	v24 =	vld [tilespmem:s28+$0x37A0]  }
0xf2: {  	v0 =	vadd.f32 v22, v0;
	_ =	sdelay $0x1  }
0xf3: {  	v0 =	vadd.f32 v23, v0;
	_ =	sdelay $0x1  }
0xf4: {  	v0 =	vadd.f32 v24, v0;
	_ =	sdelay $0x1  }
0xf5: {  	[tilespmem:s29+$0xA820] =	vst v0  }
0xf6: {  	v0 =	vld [tilespmem:s28+$0x2830]  }
0xf7: {  	v25 =	vld [tilespmem:s28+$0x28B0];
	_ =	sdelay $0x1  }
0xf8: {  	v26 =	vld [tilespmem:s28+$0x2930];
	_ =	sdelay $0x1  }
0xf9: {  	v27 =	vld [tilespmem:s28+$0x29B0]  }
0xfa: {  	v0 =	vadd.f32 v25, v0  }
0xfb: {  	v28 =	vld [tilespmem:s28+$0x2A30]  }
0xfc: {  	v0 =	vadd.f32 v26, v0  }
0xfd: {  	v29 =	vld [tilespmem:s28+$0x2AB0]  }
0xfe: {  	v0 =	vadd.f32 v27, v0  }
0xff: {  	v30 =	vld [tilespmem:s28+$0x2B30]  }
0x100: {  	v0 =	vadd.f32 v28, v0  }
0x101: {  	v31 =	vld [tilespmem:s28+$0x2BB0]  }
0x102: {  	v0 =	vadd.f32 v29, v0  }
0x103: {  	v32 =	vld [tilespmem:s28+$0x2C30]  }
0x104: {  	v0 =	vadd.f32 v30, v0  }
0x105: {  	v33 =	vld [tilespmem:s28+$0x2CB0]  }
0x106: {  	v0 =	vadd.f32 v31, v0  }
0x107: {  	v34 =	vld [tilespmem:s28+$0x2D30]  }
0x108: {  	v0 =	vadd.f32 v32, v0  }
0x109: {  	v35 =	vld [tilespmem:s28+$0x2DB0]  }
0x10a: {  	v0 =	vadd.f32 v33, v0  }
0x10b: {  	v36 =	vld [tilespmem:s28+$0x2E30]  }
0x10c: {  	v0 =	vadd.f32 v34, v0  }
0x10d: {  	v37 =	vld [tilespmem:s28+$0x2EB0]  }
0x10e: {  	v0 =	vadd.f32 v35, v0  }
0x10f: {  	v38 =	vld [tilespmem:s28+$0x2F30]  }
0x110: {  	v0 =	vadd.f32 v36, v0  }
0x111: {  	v39 =	vld [tilespmem:s28+$0x2FB0]  }
0x112: {  	v0 =	vadd.f32 v37, v0  }
0x113: {  	v40 =	vld [tilespmem:s28+$0x3030]  }
0x114: {  	v0 =	vadd.f32 v38, v0  }
0x115: {  	v41 =	vld [tilespmem:s28+$0x30B0]  }
0x116: {  	v0 =	vadd.f32 v39, v0  }
0x117: {  	v42 =	vld [tilespmem:s28+$0x3130]  }
0x118: {  	v0 =	vadd.f32 v40, v0  }
0x119: {  	v43 =	vld [tilespmem:s28+$0x31B0]  }
0x11a: {  	v0 =	vadd.f32 v41, v0  }
0x11b: {  	v44 =	vld [tilespmem:s28+$0x3230]  }
0x11c: {  	v0 =	vadd.f32 v42, v0  }
0x11d: {  	v45 =	vld [tilespmem:s28+$0x32B0]  }
0x11e: {  	v0 =	vadd.f32 v43, v0  }
0x11f: {  	v46 =	vld [tilespmem:s28+$0x3330]  }
0x120: {  	v0 =	vadd.f32 v44, v0  }
0x121: {  	v47 =	vld [tilespmem:s28+$0x33B0]  }
0x122: {  	v0 =	vadd.f32 v45, v0  }
0x123: {  	v48 =	vld [tilespmem:s28+$0x3430]  }
0x124: {  	v0 =	vadd.f32 v46, v0  }
0x125: {  	v49 =	vld [tilespmem:s28+$0x34B0]  }
0x126: {  	v0 =	vadd.f32 v47, v0  }
0x127: {  	v50 =	vld [tilespmem:s28+$0x3530]  }
0x128: {  	v0 =	vadd.f32 v48, v0  }
0x129: {  	v51 =	vld [tilespmem:s28+$0x35B0]  }
0x12a: {  	v0 =	vadd.f32 v49, v0  }
0x12b: {  	v52 =	vld [tilespmem:s28+$0x3630]  }
0x12c: {  	v0 =	vadd.f32 v50, v0  }
0x12d: {  	v53 =	vld [tilespmem:s28+$0x36B0]  }
0x12e: {  	v0 =	vadd.f32 v51, v0  }
0x12f: {  	v54 =	vld [tilespmem:s28+$0x3730]  }
0x130: {  	v0 =	vadd.f32 v52, v0  }
0x131: {  	v55 =	vld [tilespmem:s28+$0x37B0]  }
0x132: {  	v0 =	vadd.f32 v53, v0;
	_ =	sdelay $0x1  }
0x133: {  	v0 =	vadd.f32 v54, v0;
	_ =	sdelay $0x1  }
0x134: {  	v0 =	vadd.f32 v55, v0;
	_ =	sdelay $0x1  }
0x135: {  	[tilespmem:s29+$0xA830] =	vst v0  }
0x136: {  	v0 =	vld [tilespmem:s28+$0x2840]  }
0x137: {  	v56 =	vld [tilespmem:s28+$0x28C0];
	_ =	sdelay $0x1  }
0x138: {  	v57 =	vld [tilespmem:s28+$0x2940];
	_ =	sdelay $0x1  }
0x139: {  	v58 =	vld [tilespmem:s28+$0x29C0]  }
0x13a: {  	v0 =	vadd.f32 v56, v0  }
0x13b: {  	v59 =	vld [tilespmem:s28+$0x2A40]  }
0x13c: {  	v0 =	vadd.f32 v57, v0  }
0x13d: {  	v60 =	vld [tilespmem:s28+$0x2AC0]  }
0x13e: {  	v0 =	vadd.f32 v58, v0  }
0x13f: {  	v61 =	vld [tilespmem:s28+$0x2B40]  }
0x140: {  	v0 =	vadd.f32 v59, v0  }
0x141: {  	v62 =	vld [tilespmem:s28+$0x2BC0]  }
0x142: {  	v0 =	vadd.f32 v60, v0  }
0x143: {  	v63 =	vld [tilespmem:s28+$0x2C40]  }
0x144: {  	v0 =	vadd.f32 v61, v0  }
0x145: {  	v6 =	vld [tilespmem:s28+$0x2CC0]  }
0x146: {  	v0 =	vadd.f32 v62, v0  }
0x147: {  	v7 =	vld [tilespmem:s28+$0x2D40]  }
0x148: {  	v0 =	vadd.f32 v63, v0  }
0x149: {  	v8 =	vld [tilespmem:s28+$0x2DC0]  }
0x14a: {  	v0 =	vadd.f32 v6, v0  }
0x14b: {  	v9 =	vld [tilespmem:s28+$0x2E40]  }
0x14c: {  	v0 =	vadd.f32 v7, v0  }
0x14d: {  	v10 =	vld [tilespmem:s28+$0x2EC0]  }
0x14e: {  	v0 =	vadd.f32 v8, v0  }
0x14f: {  	v11 =	vld [tilespmem:s28+$0x2F40]  }
0x150: {  	v0 =	vadd.f32 v9, v0  }
0x151: {  	v12 =	vld [tilespmem:s28+$0x2FC0]  }
0x152: {  	v0 =	vadd.f32 v10, v0  }
0x153: {  	v13 =	vld [tilespmem:s28+$0x3040]  }
0x154: {  	v0 =	vadd.f32 v11, v0  }
0x155: {  	v14 =	vld [tilespmem:s28+$0x30C0]  }
0x156: {  	v0 =	vadd.f32 v12, v0  }
0x157: {  	v15 =	vld [tilespmem:s28+$0x3140]  }
0x158: {  	v0 =	vadd.f32 v13, v0  }
0x159: {  	v16 =	vld [tilespmem:s28+$0x31C0]  }
0x15a: {  	v0 =	vadd.f32 v14, v0  }
0x15b: {  	v17 =	vld [tilespmem:s28+$0x3240]  }
0x15c: {  	v0 =	vadd.f32 v15, v0  }
0x15d: {  	v18 =	vld [tilespmem:s28+$0x32C0]  }
0x15e: {  	v0 =	vadd.f32 v16, v0  }
0x15f: {  	v19 =	vld [tilespmem:s28+$0x3340]  }
0x160: {  	v0 =	vadd.f32 v17, v0  }
0x161: {  	v20 =	vld [tilespmem:s28+$0x33C0]  }
0x162: {  	v0 =	vadd.f32 v18, v0  }
0x163: {  	v21 =	vld [tilespmem:s28+$0x3440]  }
0x164: {  	v0 =	vadd.f32 v19, v0  }
0x165: {  	v22 =	vld [tilespmem:s28+$0x34C0]  }
0x166: {  	v0 =	vadd.f32 v20, v0  }
0x167: {  	v23 =	vld [tilespmem:s28+$0x3540]  }
0x168: {  	v0 =	vadd.f32 v21, v0  }
0x169: {  	v24 =	vld [tilespmem:s28+$0x35C0]  }
0x16a: {  	v0 =	vadd.f32 v22, v0  }
0x16b: {  	v25 =	vld [tilespmem:s28+$0x3640]  }
0x16c: {  	v0 =	vadd.f32 v23, v0  }
0x16d: {  	v26 =	vld [tilespmem:s28+$0x36C0]  }
0x16e: {  	v0 =	vadd.f32 v24, v0  }
0x16f: {  	v27 =	vld [tilespmem:s28+$0x3740]  }
0x170: {  	v0 =	vadd.f32 v25, v0  }
0x171: {  	v28 =	vld [tilespmem:s28+$0x37C0]  }
0x172: {  	v0 =	vadd.f32 v26, v0;
	_ =	sdelay $0x1  }
0x173: {  	v0 =	vadd.f32 v27, v0;
	_ =	sdelay $0x1  }
0x174: {  	v0 =	vadd.f32 v28, v0;
	_ =	sdelay $0x1  }
0x175: {  	[tilespmem:s29+$0xA840] =	vst v0  }
0x176: {  	v0 =	vld [tilespmem:s28+$0x2850]  }
0x177: {  	v29 =	vld [tilespmem:s28+$0x28D0];
	_ =	sdelay $0x1  }
0x178: {  	v30 =	vld [tilespmem:s28+$0x2950];
	_ =	sdelay $0x1  }
0x179: {  	v31 =	vld [tilespmem:s28+$0x29D0]  }
0x17a: {  	v0 =	vadd.f32 v29, v0  }
0x17b: {  	v32 =	vld [tilespmem:s28+$0x2A50]  }
0x17c: {  	v0 =	vadd.f32 v30, v0  }
0x17d: {  	v33 =	vld [tilespmem:s28+$0x2AD0]  }
0x17e: {  	v0 =	vadd.f32 v31, v0  }
0x17f: {  	v34 =	vld [tilespmem:s28+$0x2B50]  }
0x180: {  	v0 =	vadd.f32 v32, v0  }
0x181: {  	v35 =	vld [tilespmem:s28+$0x2BD0]  }
0x182: {  	v0 =	vadd.f32 v33, v0  }
0x183: {  	v36 =	vld [tilespmem:s28+$0x2C50]  }
0x184: {  	v0 =	vadd.f32 v34, v0  }
0x185: {  	v37 =	vld [tilespmem:s28+$0x2CD0]  }
0x186: {  	v0 =	vadd.f32 v35, v0  }
0x187: {  	v38 =	vld [tilespmem:s28+$0x2D50]  }
0x188: {  	v0 =	vadd.f32 v36, v0  }
0x189: {  	v39 =	vld [tilespmem:s28+$0x2DD0]  }
0x18a: {  	v0 =	vadd.f32 v37, v0  }
0x18b: {  	v40 =	vld [tilespmem:s28+$0x2E50]  }
0x18c: {  	v0 =	vadd.f32 v38, v0  }
0x18d: {  	v41 =	vld [tilespmem:s28+$0x2ED0]  }
0x18e: {  	v0 =	vadd.f32 v39, v0  }
0x18f: {  	v42 =	vld [tilespmem:s28+$0x2F50]  }
0x190: {  	v0 =	vadd.f32 v40, v0  }
0x191: {  	v43 =	vld [tilespmem:s28+$0x2FD0]  }
0x192: {  	v0 =	vadd.f32 v41, v0  }
0x193: {  	v44 =	vld [tilespmem:s28+$0x3050]  }
0x194: {  	v0 =	vadd.f32 v42, v0  }
0x195: {  	v45 =	vld [tilespmem:s28+$0x30D0]  }
0x196: {  	v0 =	vadd.f32 v43, v0  }
0x197: {  	v46 =	vld [tilespmem:s28+$0x3150]  }
0x198: {  	v0 =	vadd.f32 v44, v0  }
0x199: {  	v47 =	vld [tilespmem:s28+$0x31D0]  }
0x19a: {  	v0 =	vadd.f32 v45, v0  }
0x19b: {  	v48 =	vld [tilespmem:s28+$0x3250]  }
0x19c: {  	v0 =	vadd.f32 v46, v0  }
0x19d: {  	v49 =	vld [tilespmem:s28+$0x32D0]  }
0x19e: {  	v0 =	vadd.f32 v47, v0  }
0x19f: {  	v50 =	vld [tilespmem:s28+$0x3350]  }
0x1a0: {  	v0 =	vadd.f32 v48, v0  }
0x1a1: {  	v51 =	vld [tilespmem:s28+$0x33D0]  }
0x1a2: {  	v0 =	vadd.f32 v49, v0  }
0x1a3: {  	v52 =	vld [tilespmem:s28+$0x3450]  }
0x1a4: {  	v0 =	vadd.f32 v50, v0  }
0x1a5: {  	v53 =	vld [tilespmem:s28+$0x34D0]  }
0x1a6: {  	v0 =	vadd.f32 v51, v0  }
0x1a7: {  	v54 =	vld [tilespmem:s28+$0x3550]  }
0x1a8: {  	v0 =	vadd.f32 v52, v0  }
0x1a9: {  	v55 =	vld [tilespmem:s28+$0x35D0]  }
0x1aa: {  	v0 =	vadd.f32 v53, v0  }
0x1ab: {  	v56 =	vld [tilespmem:s28+$0x3650]  }
0x1ac: {  	v0 =	vadd.f32 v54, v0  }
0x1ad: {  	v57 =	vld [tilespmem:s28+$0x36D0]  }
0x1ae: {  	v0 =	vadd.f32 v55, v0  }
0x1af: {  	v58 =	vld [tilespmem:s28+$0x3750]  }
0x1b0: {  	v0 =	vadd.f32 v56, v0  }
0x1b1: {  	v59 =	vld [tilespmem:s28+$0x37D0]  }
0x1b2: {  	v0 =	vadd.f32 v57, v0;
	_ =	sdelay $0x1  }
0x1b3: {  	v0 =	vadd.f32 v58, v0;
	_ =	sdelay $0x1  }
0x1b4: {  	v0 =	vadd.f32 v59, v0;
	_ =	sdelay $0x1  }
0x1b5: {  	[tilespmem:s29+$0xA850] =	vst v0  }
0x1b6: {  	v0 =	vld [tilespmem:s28+$0x2860]  }
0x1b7: {  	v60 =	vld [tilespmem:s28+$0x28E0];
	_ =	sdelay $0x1  }
0x1b8: {  	v61 =	vld [tilespmem:s28+$0x2960];
	_ =	sdelay $0x1  }
0x1b9: {  	v62 =	vld [tilespmem:s28+$0x29E0]  }
0x1ba: {  	v0 =	vadd.f32 v60, v0  }
0x1bb: {  	v63 =	vld [tilespmem:s28+$0x2A60]  }
0x1bc: {  	v0 =	vadd.f32 v61, v0  }
0x1bd: {  	v6 =	vld [tilespmem:s28+$0x2AE0]  }
0x1be: {  	v0 =	vadd.f32 v62, v0  }
0x1bf: {  	v7 =	vld [tilespmem:s28+$0x2B60]  }
0x1c0: {  	v0 =	vadd.f32 v63, v0  }
0x1c1: {  	v8 =	vld [tilespmem:s28+$0x2BE0]  }
0x1c2: {  	v0 =	vadd.f32 v6, v0  }
0x1c3: {  	v9 =	vld [tilespmem:s28+$0x2C60]  }
0x1c4: {  	v0 =	vadd.f32 v7, v0  }
0x1c5: {  	v10 =	vld [tilespmem:s28+$0x2CE0]  }
0x1c6: {  	v0 =	vadd.f32 v8, v0  }
0x1c7: {  	v11 =	vld [tilespmem:s28+$0x2D60]  }
0x1c8: {  	v0 =	vadd.f32 v9, v0  }
0x1c9: {  	v12 =	vld [tilespmem:s28+$0x2DE0]  }
0x1ca: {  	v0 =	vadd.f32 v10, v0  }
0x1cb: {  	v13 =	vld [tilespmem:s28+$0x2E60]  }
0x1cc: {  	v0 =	vadd.f32 v11, v0  }
0x1cd: {  	v14 =	vld [tilespmem:s28+$0x2EE0]  }
0x1ce: {  	v0 =	vadd.f32 v12, v0  }
0x1cf: {  	v15 =	vld [tilespmem:s28+$0x2F60]  }
0x1d0: {  	v0 =	vadd.f32 v13, v0  }
0x1d1: {  	v16 =	vld [tilespmem:s28+$0x2FE0]  }
0x1d2: {  	v0 =	vadd.f32 v14, v0  }
0x1d3: {  	v17 =	vld [tilespmem:s28+$0x3060]  }
0x1d4: {  	v0 =	vadd.f32 v15, v0  }
0x1d5: {  	v18 =	vld [tilespmem:s28+$0x30E0]  }
0x1d6: {  	v0 =	vadd.f32 v16, v0  }
0x1d7: {  	v19 =	vld [tilespmem:s28+$0x3160]  }
0x1d8: {  	v0 =	vadd.f32 v17, v0  }
0x1d9: {  	v20 =	vld [tilespmem:s28+$0x31E0]  }
0x1da: {  	v0 =	vadd.f32 v18, v0  }
0x1db: {  	v21 =	vld [tilespmem:s28+$0x3260]  }
0x1dc: {  	v0 =	vadd.f32 v19, v0  }
0x1dd: {  	v22 =	vld [tilespmem:s28+$0x32E0]  }
0x1de: {  	v0 =	vadd.f32 v20, v0  }
0x1df: {  	v23 =	vld [tilespmem:s28+$0x3360]  }
0x1e0: {  	v0 =	vadd.f32 v21, v0  }
0x1e1: {  	v24 =	vld [tilespmem:s28+$0x33E0]  }
0x1e2: {  	v0 =	vadd.f32 v22, v0  }
0x1e3: {  	v25 =	vld [tilespmem:s28+$0x3460]  }
0x1e4: {  	v0 =	vadd.f32 v23, v0  }
0x1e5: {  	v26 =	vld [tilespmem:s28+$0x34E0]  }
0x1e6: {  	v0 =	vadd.f32 v24, v0  }
0x1e7: {  	v27 =	vld [tilespmem:s28+$0x3560]  }
0x1e8: {  	v0 =	vadd.f32 v25, v0  }
0x1e9: {  	v28 =	vld [tilespmem:s28+$0x35E0]  }
0x1ea: {  	v0 =	vadd.f32 v26, v0  }
0x1eb: {  	v29 =	vld [tilespmem:s28+$0x3660]  }
0x1ec: {  	v0 =	vadd.f32 v27, v0  }
0x1ed: {  	v30 =	vld [tilespmem:s28+$0x36E0]  }
0x1ee: {  	v0 =	vadd.f32 v28, v0  }
0x1ef: {  	v31 =	vld [tilespmem:s28+$0x3760]  }
0x1f0: {  	v0 =	vadd.f32 v29, v0  }
0x1f1: {  	v32 =	vld [tilespmem:s28+$0x37E0]  }
0x1f2: {  	v0 =	vadd.f32 v30, v0;
	_ =	sdelay $0x1  }
0x1f3: {  	v0 =	vadd.f32 v31, v0;
	_ =	sdelay $0x1  }
0x1f4: {  	v0 =	vadd.f32 v32, v0;
	_ =	sdelay $0x1  }
0x1f5: {  	[tilespmem:s29+$0xA860] =	vst v0  }
0x1f6: {  	v0 =	vld [tilespmem:s28+$0x2870]  }
0x1f7: {  	v33 =	vld [tilespmem:s28+$0x28F0];
	_ =	sdelay $0x1  }
0x1f8: {  	v34 =	vld [tilespmem:s28+$0x2970];
	_ =	sdelay $0x1  }
0x1f9: {  	v35 =	vld [tilespmem:s28+$0x29F0]  }
0x1fa: {  	v0 =	vadd.f32 v33, v0  }
0x1fb: {  	v36 =	vld [tilespmem:s28+$0x2A70]  }
0x1fc: {  	v0 =	vadd.f32 v34, v0  }
0x1fd: {  	v37 =	vld [tilespmem:s28+$0x2AF0]  }
0x1fe: {  	v0 =	vadd.f32 v35, v0  }
0x1ff: {  	v38 =	vld [tilespmem:s28+$0x2B70]  }
0x200: {  	v0 =	vadd.f32 v36, v0  }
0x201: {  	v39 =	vld [tilespmem:s28+$0x2BF0]  }
0x202: {  	v0 =	vadd.f32 v37, v0  }
0x203: {  	v40 =	vld [tilespmem:s28+$0x2C70]  }
0x204: {  	v0 =	vadd.f32 v38, v0  }
0x205: {  	v41 =	vld [tilespmem:s28+$0x2CF0]  }
0x206: {  	v0 =	vadd.f32 v39, v0  }
0x207: {  	v42 =	vld [tilespmem:s28+$0x2D70]  }
0x208: {  	v0 =	vadd.f32 v40, v0  }
0x209: {  	v43 =	vld [tilespmem:s28+$0x2DF0]  }
0x20a: {  	v0 =	vadd.f32 v41, v0  }
0x20b: {  	v44 =	vld [tilespmem:s28+$0x2E70]  }
0x20c: {  	v0 =	vadd.f32 v42, v0  }
0x20d: {  	v45 =	vld [tilespmem:s28+$0x2EF0]  }
0x20e: {  	v0 =	vadd.f32 v43, v0  }
0x20f: {  	v46 =	vld [tilespmem:s28+$0x2F70]  }
0x210: {  	v0 =	vadd.f32 v44, v0  }
0x211: {  	v47 =	vld [tilespmem:s28+$0x2FF0]  }
0x212: {  	v0 =	vadd.f32 v45, v0  }
0x213: {  	v48 =	vld [tilespmem:s28+$0x3070]  }
0x214: {  	v0 =	vadd.f32 v46, v0  }
0x215: {  	v49 =	vld [tilespmem:s28+$0x30F0]  }
0x216: {  	v0 =	vadd.f32 v47, v0  }
0x217: {  	v50 =	vld [tilespmem:s28+$0x3170]  }
0x218: {  	v0 =	vadd.f32 v48, v0  }
0x219: {  	v51 =	vld [tilespmem:s28+$0x31F0]  }
0x21a: {  	v0 =	vadd.f32 v49, v0  }
0x21b: {  	v52 =	vld [tilespmem:s28+$0x3270]  }
0x21c: {  	v0 =	vadd.f32 v50, v0  }
0x21d: {  	v53 =	vld [tilespmem:s28+$0x32F0]  }
0x21e: {  	v0 =	vadd.f32 v51, v0  }
0x21f: {  	v54 =	vld [tilespmem:s28+$0x3370]  }
0x220: {  	v0 =	vadd.f32 v52, v0  }
0x221: {  	v55 =	vld [tilespmem:s28+$0x33F0]  }
0x222: {  	v0 =	vadd.f32 v53, v0  }
0x223: {  	v56 =	vld [tilespmem:s28+$0x3470]  }
0x224: {  	v0 =	vadd.f32 v54, v0  }
0x225: {  	v57 =	vld [tilespmem:s28+$0x34F0]  }
0x226: {  	v0 =	vadd.f32 v55, v0  }
0x227: {  	v58 =	vld [tilespmem:s28+$0x3570]  }
0x228: {  	v0 =	vadd.f32 v56, v0  }
0x229: {  	v59 =	vld [tilespmem:s28+$0x35F0]  }
0x22a: {  	v0 =	vadd.f32 v57, v0  }
0x22b: {  	v60 =	vld [tilespmem:s28+$0x3670]  }
0x22c: {  	v0 =	vadd.f32 v58, v0  }
0x22d: {  	v61 =	vld [tilespmem:s28+$0x36F0]  }
0x22e: {  	v0 =	vadd.f32 v59, v0  }
0x22f: {  	v62 =	vld [tilespmem:s28+$0x3770]  }
0x230: {  	v0 =	vadd.f32 v60, v0  }
0x231: {  	v63 =	vld [tilespmem:s28+$0x37F0]  }
0x232: {  	v0 =	vadd.f32 v61, v0  }
0x233: {  	p2 =	sne.s32 s26, $0x3  }
.Ltmp2:
0x234: {  	v0 =	vadd.f32 v62, v0;
	(pc) =	sbr.rel @p2 .LBB2_3-.Ltmp2, $3  }
0x235: {  	_ = 	snop  }
0x236: {  	v0 =	vadd.f32 v63, v0;
	_ =	sdelay $0x1  }
0x237: {  	s26 =	sadd.s32 $0x1, s26;
	[tilespmem:s29+$0xA870] =	vst v0  }
0x238: {  	p2 =	sne.s32 s25, $0x27  }
.Ltmp3:
0x239: {  	_ = 	snop;
	(pc) =	sbr.rel @p2 .LBB2_6-.Ltmp3, $4  }
0x23a: {  	s26 =	sadd.s32 s8, s25  }
0x23b: {  	s26 =	sshll.u32 s26, $0x7  }
0x23c: {  	s26 =	sadd.s32 s4, s26  }
0x23d: {  	[hbm4b:s26+s3] =	stream.linear.scatter [tilespmem:s19], [sflag:$0x3], $0x200, $0x38;
	[tilespmem:$0x1EC00] =	vst v63  }
.Ltmp4:
0x23e: {  	(pc) =	sbr.rel .LBB2_7-.Ltmp4, $4  }
0x23f: {  	_ = 	snop  }
0x240: {  	_ =	swait.ge [sflag:s20], $0x4000  }
0x241: {  	[sflag:s20] =	ssyncset.done $0x0  }
0x242: {  	[sflag:s20] =	ssyncadd.s32 $0xFFFFC000  }
.LBB2_6:
0x243: {  	s26 =	sshll.u32 s25, $0x8  }
0x244: {  	s26 =	sand.u32 $0x3FFFFF00, s26  }
.Ltmp5:
0x245: {  	s26 =	sadd.s32 $0x100, s26;
	(pc) =	sbr.rel @p1 .LBB2_8-.Ltmp5, $4  }
0x246: {  	[tilespmem:s16], [sflag:$0x1] =	stream.indirect.gather [spmem:s1], $0x80, s26, s15, $0xb8;
	[tilespmem:$0x1EC00] =	vst v63  }
0x247: {  	_ =	swait.ge [sflag:s20], $0x4000  }
0x248: {  	[sflag:s20] =	ssyncset.done $0x0  }
0x249: {  	[sflag:s20] =	ssyncadd.s32 $0xFFFFC000  }
.LBB2_7:
0x24a: {  	_ =	swait.ge [sflag:s21], $0x200  }
0x24b: {  	[sflag:s21] =	ssyncset.done $0x0  }
0x24c: {  	[sflag:s21] =	ssyncadd.s32 $0xFFFFFE00  }
.LBB2_8:
0x24d: {  	s26 =	simm.s32 $0x0  }
.LBB2_9:
0x24e: {  	s28 =	sshll.u32 s26, $0xC  }
0x24f: {  	s28 =	sand.u32 $0x3FFFF000, s28  }
0x250: {  	v0 =	vld [tilespmem:s28+$0x6800]  }
0x251: {  	v1 =	vld [tilespmem:s28+$0x6880];
	_ =	sdelay $0x1  }
0x252: {  	v2 =	vld [tilespmem:s28+$0x6900];
	_ =	sdelay $0x1  }
0x253: {  	v3 =	vld [tilespmem:s28+$0x6980]  }
0x254: {  	v0 =	vadd.f32 v1, v0  }
0x255: {  	v51 =	vld [tilespmem:s28+$0x6A00]  }
0x256: {  	v0 =	vadd.f32 v2, v0  }
0x257: {  	v52 =	vld [tilespmem:s28+$0x6A80]  }
0x258: {  	v0 =	vadd.f32 v3, v0  }
0x259: {  	v53 =	vld [tilespmem:s28+$0x6B00]  }
0x25a: {  	v0 =	vadd.f32 v51, v0  }
0x25b: {  	v54 =	vld [tilespmem:s28+$0x6B80]  }
0x25c: {  	v0 =	vadd.f32 v52, v0  }
0x25d: {  	v55 =	vld [tilespmem:s28+$0x6C00]  }
0x25e: {  	v0 =	vadd.f32 v53, v0  }
0x25f: {  	v56 =	vld [tilespmem:s28+$0x6C80]  }
0x260: {  	v0 =	vadd.f32 v54, v0  }
0x261: {  	v57 =	vld [tilespmem:s28+$0x6D00]  }
0x262: {  	v0 =	vadd.f32 v55, v0  }
0x263: {  	v58 =	vld [tilespmem:s28+$0x6D80]  }
0x264: {  	v0 =	vadd.f32 v56, v0  }
0x265: {  	v59 =	vld [tilespmem:s28+$0x6E00]  }
0x266: {  	v0 =	vadd.f32 v57, v0  }
0x267: {  	v60 =	vld [tilespmem:s28+$0x6E80]  }
0x268: {  	v0 =	vadd.f32 v58, v0  }
0x269: {  	v61 =	vld [tilespmem:s28+$0x6F00]  }
0x26a: {  	v0 =	vadd.f32 v59, v0  }
0x26b: {  	v62 =	vld [tilespmem:s28+$0x6F80]  }
0x26c: {  	v0 =	vadd.f32 v60, v0  }
0x26d: {  	v63 =	vld [tilespmem:s28+$0x7000]  }
0x26e: {  	v0 =	vadd.f32 v61, v0  }
0x26f: {  	v6 =	vld [tilespmem:s28+$0x7080]  }
0x270: {  	v0 =	vadd.f32 v62, v0  }
0x271: {  	v7 =	vld [tilespmem:s28+$0x7100]  }
0x272: {  	v0 =	vadd.f32 v63, v0  }
0x273: {  	v8 =	vld [tilespmem:s28+$0x7180]  }
0x274: {  	v0 =	vadd.f32 v6, v0  }
0x275: {  	v9 =	vld [tilespmem:s28+$0x7200]  }
0x276: {  	v0 =	vadd.f32 v7, v0  }
0x277: {  	v10 =	vld [tilespmem:s28+$0x7280]  }
0x278: {  	v0 =	vadd.f32 v8, v0  }
0x279: {  	v11 =	vld [tilespmem:s28+$0x7300]  }
0x27a: {  	v0 =	vadd.f32 v9, v0  }
0x27b: {  	v12 =	vld [tilespmem:s28+$0x7380]  }
0x27c: {  	v0 =	vadd.f32 v10, v0  }
0x27d: {  	v13 =	vld [tilespmem:s28+$0x7400]  }
0x27e: {  	v0 =	vadd.f32 v11, v0  }
0x27f: {  	v14 =	vld [tilespmem:s28+$0x7480]  }
0x280: {  	v0 =	vadd.f32 v12, v0  }
0x281: {  	v15 =	vld [tilespmem:s28+$0x7500]  }
0x282: {  	v0 =	vadd.f32 v13, v0  }
0x283: {  	v16 =	vld [tilespmem:s28+$0x7580]  }
0x284: {  	v0 =	vadd.f32 v14, v0  }
0x285: {  	v17 =	vld [tilespmem:s28+$0x7600]  }
0x286: {  	v0 =	vadd.f32 v15, v0  }
0x287: {  	v18 =	vld [tilespmem:s28+$0x7680]  }
0x288: {  	v0 =	vadd.f32 v16, v0  }
0x289: {  	v19 =	vld [tilespmem:s28+$0x7700]  }
0x28a: {  	v0 =	vadd.f32 v17, v0  }
0x28b: {  	v20 =	vld [tilespmem:s28+$0x7780]  }
0x28c: {  	v0 =	vadd.f32 v18, v0;
	_ =	sdelay $0x1  }
0x28d: {  	v0 =	vadd.f32 v19, v0;
	_ =	sdelay $0x1  }
0x28e: {  	s29 =	sshll.u32 s26, $0x7;
	v0 =	vadd.f32 v20, v0  }
0x28f: {  	s29 =	sand.u32 $0x3FFFFF80, s29  }
0x290: {  	[tilespmem:s29+$0xAA00] =	vst v0  }
0x291: {  	v0 =	vld [tilespmem:s28+$0x6810]  }
0x292: {  	v21 =	vld [tilespmem:s28+$0x6890];
	_ =	sdelay $0x1  }
0x293: {  	v22 =	vld [tilespmem:s28+$0x6910];
	_ =	sdelay $0x1  }
0x294: {  	v23 =	vld [tilespmem:s28+$0x6990]  }
0x295: {  	v0 =	vadd.f32 v21, v0  }
0x296: {  	v24 =	vld [tilespmem:s28+$0x6A10]  }
0x297: {  	v0 =	vadd.f32 v22, v0  }
0x298: {  	v25 =	vld [tilespmem:s28+$0x6A90]  }
0x299: {  	v0 =	vadd.f32 v23, v0  }
0x29a: {  	v26 =	vld [tilespmem:s28+$0x6B10]  }
0x29b: {  	v0 =	vadd.f32 v24, v0  }
0x29c: {  	v27 =	vld [tilespmem:s28+$0x6B90]  }
0x29d: {  	v0 =	vadd.f32 v25, v0  }
0x29e: {  	v28 =	vld [tilespmem:s28+$0x6C10]  }
0x29f: {  	v0 =	vadd.f32 v26, v0  }
0x2a0: {  	v29 =	vld [tilespmem:s28+$0x6C90]  }
0x2a1: {  	v0 =	vadd.f32 v27, v0  }
0x2a2: {  	v30 =	vld [tilespmem:s28+$0x6D10]  }
0x2a3: {  	v0 =	vadd.f32 v28, v0  }
0x2a4: {  	v31 =	vld [tilespmem:s28+$0x6D90]  }
0x2a5: {  	v0 =	vadd.f32 v29, v0  }
0x2a6: {  	v32 =	vld [tilespmem:s28+$0x6E10]  }
0x2a7: {  	v0 =	vadd.f32 v30, v0  }
0x2a8: {  	v33 =	vld [tilespmem:s28+$0x6E90]  }
0x2a9: {  	v0 =	vadd.f32 v31, v0  }
0x2aa: {  	v34 =	vld [tilespmem:s28+$0x6F10]  }
0x2ab: {  	v0 =	vadd.f32 v32, v0  }
0x2ac: {  	v35 =	vld [tilespmem:s28+$0x6F90]  }
0x2ad: {  	v0 =	vadd.f32 v33, v0  }
0x2ae: {  	v36 =	vld [tilespmem:s28+$0x7010]  }
0x2af: {  	v0 =	vadd.f32 v34, v0  }
0x2b0: {  	v37 =	vld [tilespmem:s28+$0x7090]  }
0x2b1: {  	v0 =	vadd.f32 v35, v0  }
0x2b2: {  	v38 =	vld [tilespmem:s28+$0x7110]  }
0x2b3: {  	v0 =	vadd.f32 v36, v0  }
0x2b4: {  	v39 =	vld [tilespmem:s28+$0x7190]  }
0x2b5: {  	v0 =	vadd.f32 v37, v0  }
0x2b6: {  	v40 =	vld [tilespmem:s28+$0x7210]  }
0x2b7: {  	v0 =	vadd.f32 v38, v0  }
0x2b8: {  	v41 =	vld [tilespmem:s28+$0x7290]  }
0x2b9: {  	v0 =	vadd.f32 v39, v0  }
0x2ba: {  	v42 =	vld [tilespmem:s28+$0x7310]  }
0x2bb: {  	v0 =	vadd.f32 v40, v0  }
0x2bc: {  	v43 =	vld [tilespmem:s28+$0x7390]  }
0x2bd: {  	v0 =	vadd.f32 v41, v0  }
0x2be: {  	v44 =	vld [tilespmem:s28+$0x7410]  }
0x2bf: {  	v0 =	vadd.f32 v42, v0  }
0x2c0: {  	v45 =	vld [tilespmem:s28+$0x7490]  }
0x2c1: {  	v0 =	vadd.f32 v43, v0  }
0x2c2: {  	v46 =	vld [tilespmem:s28+$0x7510]  }
0x2c3: {  	v0 =	vadd.f32 v44, v0  }
0x2c4: {  	v47 =	vld [tilespmem:s28+$0x7590]  }
0x2c5: {  	v0 =	vadd.f32 v45, v0  }
0x2c6: {  	v48 =	vld [tilespmem:s28+$0x7610]  }
0x2c7: {  	v0 =	vadd.f32 v46, v0  }
0x2c8: {  	v49 =	vld [tilespmem:s28+$0x7690]  }
0x2c9: {  	v0 =	vadd.f32 v47, v0  }
0x2ca: {  	v50 =	vld [tilespmem:s28+$0x7710]  }
0x2cb: {  	v0 =	vadd.f32 v48, v0  }
0x2cc: {  	v51 =	vld [tilespmem:s28+$0x7790]  }
0x2cd: {  	v0 =	vadd.f32 v49, v0;
	_ =	sdelay $0x1  }
0x2ce: {  	v0 =	vadd.f32 v50, v0;
	_ =	sdelay $0x1  }
0x2cf: {  	v0 =	vadd.f32 v51, v0;
	_ =	sdelay $0x1  }
0x2d0: {  	[tilespmem:s29+$0xAA10] =	vst v0  }
0x2d1: {  	v0 =	vld [tilespmem:s28+$0x6820]  }
0x2d2: {  	v52 =	vld [tilespmem:s28+$0x68A0];
	_ =	sdelay $0x1  }
0x2d3: {  	v53 =	vld [tilespmem:s28+$0x6920];
	_ =	sdelay $0x1  }
0x2d4: {  	v54 =	vld [tilespmem:s28+$0x69A0]  }
0x2d5: {  	v0 =	vadd.f32 v52, v0  }
0x2d6: {  	v55 =	vld [tilespmem:s28+$0x6A20]  }
0x2d7: {  	v0 =	vadd.f32 v53, v0  }
0x2d8: {  	v56 =	vld [tilespmem:s28+$0x6AA0]  }
0x2d9: {  	v0 =	vadd.f32 v54, v0  }
0x2da: {  	v57 =	vld [tilespmem:s28+$0x6B20]  }
0x2db: {  	v0 =	vadd.f32 v55, v0  }
0x2dc: {  	v58 =	vld [tilespmem:s28+$0x6BA0]  }
0x2dd: {  	v0 =	vadd.f32 v56, v0  }
0x2de: {  	v59 =	vld [tilespmem:s28+$0x6C20]  }
0x2df: {  	v0 =	vadd.f32 v57, v0  }
0x2e0: {  	v60 =	vld [tilespmem:s28+$0x6CA0]  }
0x2e1: {  	v0 =	vadd.f32 v58, v0  }
0x2e2: {  	v61 =	vld [tilespmem:s28+$0x6D20]  }
0x2e3: {  	v0 =	vadd.f32 v59, v0  }
0x2e4: {  	v62 =	vld [tilespmem:s28+$0x6DA0]  }
0x2e5: {  	v0 =	vadd.f32 v60, v0  }
0x2e6: {  	v63 =	vld [tilespmem:s28+$0x6E20]  }
0x2e7: {  	v0 =	vadd.f32 v61, v0  }
0x2e8: {  	v6 =	vld [tilespmem:s28+$0x6EA0]  }
0x2e9: {  	v0 =	vadd.f32 v62, v0  }
0x2ea: {  	v7 =	vld [tilespmem:s28+$0x6F20]  }
0x2eb: {  	v0 =	vadd.f32 v63, v0  }
0x2ec: {  	v8 =	vld [tilespmem:s28+$0x6FA0]  }
0x2ed: {  	v0 =	vadd.f32 v6, v0  }
0x2ee: {  	v9 =	vld [tilespmem:s28+$0x7020]  }
0x2ef: {  	v0 =	vadd.f32 v7, v0  }
0x2f0: {  	v10 =	vld [tilespmem:s28+$0x70A0]  }
0x2f1: {  	v0 =	vadd.f32 v8, v0  }
0x2f2: {  	v11 =	vld [tilespmem:s28+$0x7120]  }
0x2f3: {  	v0 =	vadd.f32 v9, v0  }
0x2f4: {  	v12 =	vld [tilespmem:s28+$0x71A0]  }
0x2f5: {  	v0 =	vadd.f32 v10, v0  }
0x2f6: {  	v13 =	vld [tilespmem:s28+$0x7220]  }
0x2f7: {  	v0 =	vadd.f32 v11, v0  }
0x2f8: {  	v14 =	vld [tilespmem:s28+$0x72A0]  }
0x2f9: {  	v0 =	vadd.f32 v12, v0  }
0x2fa: {  	v15 =	vld [tilespmem:s28+$0x7320]  }
0x2fb: {  	v0 =	vadd.f32 v13, v0  }
0x2fc: {  	v16 =	vld [tilespmem:s28+$0x73A0]  }
0x2fd: {  	v0 =	vadd.f32 v14, v0  }
0x2fe: {  	v17 =	vld [tilespmem:s28+$0x7420]  }
0x2ff: {  	v0 =	vadd.f32 v15, v0  }
0x300: {  	v18 =	vld [tilespmem:s28+$0x74A0]  }
0x301: {  	v0 =	vadd.f32 v16, v0  }
0x302: {  	v19 =	vld [tilespmem:s28+$0x7520]  }
0x303: {  	v0 =	vadd.f32 v17, v0  }
0x304: {  	v20 =	vld [tilespmem:s28+$0x75A0]  }
0x305: {  	v0 =	vadd.f32 v18, v0  }
0x306: {  	v21 =	vld [tilespmem:s28+$0x7620]  }
0x307: {  	v0 =	vadd.f32 v19, v0  }
0x308: {  	v22 =	vld [tilespmem:s28+$0x76A0]  }
0x309: {  	v0 =	vadd.f32 v20, v0  }
0x30a: {  	v23 =	vld [tilespmem:s28+$0x7720]  }
0x30b: {  	v0 =	vadd.f32 v21, v0  }
0x30c: {  	v24 =	vld [tilespmem:s28+$0x77A0]  }
0x30d: {  	v0 =	vadd.f32 v22, v0;
	_ =	sdelay $0x1  }
0x30e: {  	v0 =	vadd.f32 v23, v0;
	_ =	sdelay $0x1  }
0x30f: {  	v0 =	vadd.f32 v24, v0;
	_ =	sdelay $0x1  }
0x310: {  	[tilespmem:s29+$0xAA20] =	vst v0  }
0x311: {  	v0 =	vld [tilespmem:s28+$0x6830]  }
0x312: {  	v25 =	vld [tilespmem:s28+$0x68B0];
	_ =	sdelay $0x1  }
0x313: {  	v26 =	vld [tilespmem:s28+$0x6930];
	_ =	sdelay $0x1  }
0x314: {  	v27 =	vld [tilespmem:s28+$0x69B0]  }
0x315: {  	v0 =	vadd.f32 v25, v0  }
0x316: {  	v28 =	vld [tilespmem:s28+$0x6A30]  }
0x317: {  	v0 =	vadd.f32 v26, v0  }
0x318: {  	v29 =	vld [tilespmem:s28+$0x6AB0]  }
0x319: {  	v0 =	vadd.f32 v27, v0  }
0x31a: {  	v30 =	vld [tilespmem:s28+$0x6B30]  }
0x31b: {  	v0 =	vadd.f32 v28, v0  }
0x31c: {  	v31 =	vld [tilespmem:s28+$0x6BB0]  }
0x31d: {  	v0 =	vadd.f32 v29, v0  }
0x31e: {  	v32 =	vld [tilespmem:s28+$0x6C30]  }
0x31f: {  	v0 =	vadd.f32 v30, v0  }
0x320: {  	v33 =	vld [tilespmem:s28+$0x6CB0]  }
0x321: {  	v0 =	vadd.f32 v31, v0  }
0x322: {  	v34 =	vld [tilespmem:s28+$0x6D30]  }
0x323: {  	v0 =	vadd.f32 v32, v0  }
0x324: {  	v35 =	vld [tilespmem:s28+$0x6DB0]  }
0x325: {  	v0 =	vadd.f32 v33, v0  }
0x326: {  	v36 =	vld [tilespmem:s28+$0x6E30]  }
0x327: {  	v0 =	vadd.f32 v34, v0  }
0x328: {  	v37 =	vld [tilespmem:s28+$0x6EB0]  }
0x329: {  	v0 =	vadd.f32 v35, v0  }
0x32a: {  	v38 =	vld [tilespmem:s28+$0x6F30]  }
0x32b: {  	v0 =	vadd.f32 v36, v0  }
0x32c: {  	v39 =	vld [tilespmem:s28+$0x6FB0]  }
0x32d: {  	v0 =	vadd.f32 v37, v0  }
0x32e: {  	v40 =	vld [tilespmem:s28+$0x7030]  }
0x32f: {  	v0 =	vadd.f32 v38, v0  }
0x330: {  	v41 =	vld [tilespmem:s28+$0x70B0]  }
0x331: {  	v0 =	vadd.f32 v39, v0  }
0x332: {  	v42 =	vld [tilespmem:s28+$0x7130]  }
0x333: {  	v0 =	vadd.f32 v40, v0  }
0x334: {  	v43 =	vld [tilespmem:s28+$0x71B0]  }
0x335: {  	v0 =	vadd.f32 v41, v0  }
0x336: {  	v44 =	vld [tilespmem:s28+$0x7230]  }
0x337: {  	v0 =	vadd.f32 v42, v0  }
0x338: {  	v45 =	vld [tilespmem:s28+$0x72B0]  }
0x339: {  	v0 =	vadd.f32 v43, v0  }
0x33a: {  	v46 =	vld [tilespmem:s28+$0x7330]  }
0x33b: {  	v0 =	vadd.f32 v44, v0  }
0x33c: {  	v47 =	vld [tilespmem:s28+$0x73B0]  }
0x33d: {  	v0 =	vadd.f32 v45, v0  }
0x33e: {  	v48 =	vld [tilespmem:s28+$0x7430]  }
0x33f: {  	v0 =	vadd.f32 v46, v0  }
0x340: {  	v49 =	vld [tilespmem:s28+$0x74B0]  }
0x341: {  	v0 =	vadd.f32 v47, v0  }
0x342: {  	v50 =	vld [tilespmem:s28+$0x7530]  }
0x343: {  	v0 =	vadd.f32 v48, v0  }
0x344: {  	v51 =	vld [tilespmem:s28+$0x75B0]  }
0x345: {  	v0 =	vadd.f32 v49, v0  }
0x346: {  	v52 =	vld [tilespmem:s28+$0x7630]  }
0x347: {  	v0 =	vadd.f32 v50, v0  }
0x348: {  	v53 =	vld [tilespmem:s28+$0x76B0]  }
0x349: {  	v0 =	vadd.f32 v51, v0  }
0x34a: {  	v54 =	vld [tilespmem:s28+$0x7730]  }
0x34b: {  	v0 =	vadd.f32 v52, v0  }
0x34c: {  	v55 =	vld [tilespmem:s28+$0x77B0]  }
0x34d: {  	v0 =	vadd.f32 v53, v0;
	_ =	sdelay $0x1  }
0x34e: {  	v0 =	vadd.f32 v54, v0;
	_ =	sdelay $0x1  }
0x34f: {  	v0 =	vadd.f32 v55, v0;
	_ =	sdelay $0x1  }
0x350: {  	[tilespmem:s29+$0xAA30] =	vst v0  }
0x351: {  	v0 =	vld [tilespmem:s28+$0x6840]  }
0x352: {  	v56 =	vld [tilespmem:s28+$0x68C0];
	_ =	sdelay $0x1  }
0x353: {  	v57 =	vld [tilespmem:s28+$0x6940];
	_ =	sdelay $0x1  }
0x354: {  	v58 =	vld [tilespmem:s28+$0x69C0]  }
0x355: {  	v0 =	vadd.f32 v56, v0  }
0x356: {  	v59 =	vld [tilespmem:s28+$0x6A40]  }
0x357: {  	v0 =	vadd.f32 v57, v0  }
0x358: {  	v60 =	vld [tilespmem:s28+$0x6AC0]  }
0x359: {  	v0 =	vadd.f32 v58, v0  }
0x35a: {  	v61 =	vld [tilespmem:s28+$0x6B40]  }
0x35b: {  	v0 =	vadd.f32 v59, v0  }
0x35c: {  	v62 =	vld [tilespmem:s28+$0x6BC0]  }
0x35d: {  	v0 =	vadd.f32 v60, v0  }
0x35e: {  	v63 =	vld [tilespmem:s28+$0x6C40]  }
0x35f: {  	v0 =	vadd.f32 v61, v0  }
0x360: {  	v6 =	vld [tilespmem:s28+$0x6CC0]  }
0x361: {  	v0 =	vadd.f32 v62, v0  }
0x362: {  	v7 =	vld [tilespmem:s28+$0x6D40]  }
0x363: {  	v0 =	vadd.f32 v63, v0  }
0x364: {  	v8 =	vld [tilespmem:s28+$0x6DC0]  }
0x365: {  	v0 =	vadd.f32 v6, v0  }
0x366: {  	v9 =	vld [tilespmem:s28+$0x6E40]  }
0x367: {  	v0 =	vadd.f32 v7, v0  }
0x368: {  	v10 =	vld [tilespmem:s28+$0x6EC0]  }
0x369: {  	v0 =	vadd.f32 v8, v0  }
0x36a: {  	v11 =	vld [tilespmem:s28+$0x6F40]  }
0x36b: {  	v0 =	vadd.f32 v9, v0  }
0x36c: {  	v12 =	vld [tilespmem:s28+$0x6FC0]  }
0x36d: {  	v0 =	vadd.f32 v10, v0  }
0x36e: {  	v13 =	vld [tilespmem:s28+$0x7040]  }
0x36f: {  	v0 =	vadd.f32 v11, v0  }
0x370: {  	v14 =	vld [tilespmem:s28+$0x70C0]  }
0x371: {  	v0 =	vadd.f32 v12, v0  }
0x372: {  	v15 =	vld [tilespmem:s28+$0x7140]  }
0x373: {  	v0 =	vadd.f32 v13, v0  }
0x374: {  	v16 =	vld [tilespmem:s28+$0x71C0]  }
0x375: {  	v0 =	vadd.f32 v14, v0  }
0x376: {  	v17 =	vld [tilespmem:s28+$0x7240]  }
0x377: {  	v0 =	vadd.f32 v15, v0  }
0x378: {  	v18 =	vld [tilespmem:s28+$0x72C0]  }
0x379: {  	v0 =	vadd.f32 v16, v0  }
0x37a: {  	v19 =	vld [tilespmem:s28+$0x7340]  }
0x37b: {  	v0 =	vadd.f32 v17, v0  }
0x37c: {  	v20 =	vld [tilespmem:s28+$0x73C0]  }
0x37d: {  	v0 =	vadd.f32 v18, v0  }
0x37e: {  	v21 =	vld [tilespmem:s28+$0x7440]  }
0x37f: {  	v0 =	vadd.f32 v19, v0  }
0x380: {  	v22 =	vld [tilespmem:s28+$0x74C0]  }
0x381: {  	v0 =	vadd.f32 v20, v0  }
0x382: {  	v23 =	vld [tilespmem:s28+$0x7540]  }
0x383: {  	v0 =	vadd.f32 v21, v0  }
0x384: {  	v24 =	vld [tilespmem:s28+$0x75C0]  }
0x385: {  	v0 =	vadd.f32 v22, v0  }
0x386: {  	v25 =	vld [tilespmem:s28+$0x7640]  }
0x387: {  	v0 =	vadd.f32 v23, v0  }
0x388: {  	v26 =	vld [tilespmem:s28+$0x76C0]  }
0x389: {  	v0 =	vadd.f32 v24, v0  }
0x38a: {  	v27 =	vld [tilespmem:s28+$0x7740]  }
0x38b: {  	v0 =	vadd.f32 v25, v0  }
0x38c: {  	v28 =	vld [tilespmem:s28+$0x77C0]  }
0x38d: {  	v0 =	vadd.f32 v26, v0;
	_ =	sdelay $0x1  }
0x38e: {  	v0 =	vadd.f32 v27, v0;
	_ =	sdelay $0x1  }
0x38f: {  	v0 =	vadd.f32 v28, v0;
	_ =	sdelay $0x1  }
0x390: {  	[tilespmem:s29+$0xAA40] =	vst v0  }
0x391: {  	v0 =	vld [tilespmem:s28+$0x6850]  }
0x392: {  	v29 =	vld [tilespmem:s28+$0x68D0];
	_ =	sdelay $0x1  }
0x393: {  	v30 =	vld [tilespmem:s28+$0x6950];
	_ =	sdelay $0x1  }
0x394: {  	v31 =	vld [tilespmem:s28+$0x69D0]  }
0x395: {  	v0 =	vadd.f32 v29, v0  }
0x396: {  	v32 =	vld [tilespmem:s28+$0x6A50]  }
0x397: {  	v0 =	vadd.f32 v30, v0  }
0x398: {  	v33 =	vld [tilespmem:s28+$0x6AD0]  }
0x399: {  	v0 =	vadd.f32 v31, v0  }
0x39a: {  	v34 =	vld [tilespmem:s28+$0x6B50]  }
0x39b: {  	v0 =	vadd.f32 v32, v0  }
0x39c: {  	v35 =	vld [tilespmem:s28+$0x6BD0]  }
0x39d: {  	v0 =	vadd.f32 v33, v0  }
0x39e: {  	v36 =	vld [tilespmem:s28+$0x6C50]  }
0x39f: {  	v0 =	vadd.f32 v34, v0  }
0x3a0: {  	v37 =	vld [tilespmem:s28+$0x6CD0]  }
0x3a1: {  	v0 =	vadd.f32 v35, v0  }
0x3a2: {  	v38 =	vld [tilespmem:s28+$0x6D50]  }
0x3a3: {  	v0 =	vadd.f32 v36, v0  }
0x3a4: {  	v39 =	vld [tilespmem:s28+$0x6DD0]  }
0x3a5: {  	v0 =	vadd.f32 v37, v0  }
0x3a6: {  	v40 =	vld [tilespmem:s28+$0x6E50]  }
0x3a7: {  	v0 =	vadd.f32 v38, v0  }
0x3a8: {  	v41 =	vld [tilespmem:s28+$0x6ED0]  }
0x3a9: {  	v0 =	vadd.f32 v39, v0  }
0x3aa: {  	v42 =	vld [tilespmem:s28+$0x6F50]  }
0x3ab: {  	v0 =	vadd.f32 v40, v0  }
0x3ac: {  	v43 =	vld [tilespmem:s28+$0x6FD0]  }
0x3ad: {  	v0 =	vadd.f32 v41, v0  }
0x3ae: {  	v44 =	vld [tilespmem:s28+$0x7050]  }
0x3af: {  	v0 =	vadd.f32 v42, v0  }
0x3b0: {  	v45 =	vld [tilespmem:s28+$0x70D0]  }
0x3b1: {  	v0 =	vadd.f32 v43, v0  }
0x3b2: {  	v46 =	vld [tilespmem:s28+$0x7150]  }
0x3b3: {  	v0 =	vadd.f32 v44, v0  }
0x3b4: {  	v47 =	vld [tilespmem:s28+$0x71D0]  }
0x3b5: {  	v0 =	vadd.f32 v45, v0  }
0x3b6: {  	v48 =	vld [tilespmem:s28+$0x7250]  }
0x3b7: {  	v0 =	vadd.f32 v46, v0  }
0x3b8: {  	v49 =	vld [tilespmem:s28+$0x72D0]  }
0x3b9: {  	v0 =	vadd.f32 v47, v0  }
0x3ba: {  	v50 =	vld [tilespmem:s28+$0x7350]  }
0x3bb: {  	v0 =	vadd.f32 v48, v0  }
0x3bc: {  	v51 =	vld [tilespmem:s28+$0x73D0]  }
0x3bd: {  	v0 =	vadd.f32 v49, v0  }
0x3be: {  	v52 =	vld [tilespmem:s28+$0x7450]  }
0x3bf: {  	v0 =	vadd.f32 v50, v0  }
0x3c0: {  	v53 =	vld [tilespmem:s28+$0x74D0]  }
0x3c1: {  	v0 =	vadd.f32 v51, v0  }
0x3c2: {  	v54 =	vld [tilespmem:s28+$0x7550]  }
0x3c3: {  	v0 =	vadd.f32 v52, v0  }
0x3c4: {  	v55 =	vld [tilespmem:s28+$0x75D0]  }
0x3c5: {  	v0 =	vadd.f32 v53, v0  }
0x3c6: {  	v56 =	vld [tilespmem:s28+$0x7650]  }
0x3c7: {  	v0 =	vadd.f32 v54, v0  }
0x3c8: {  	v57 =	vld [tilespmem:s28+$0x76D0]  }
0x3c9: {  	v0 =	vadd.f32 v55, v0  }
0x3ca: {  	v58 =	vld [tilespmem:s28+$0x7750]  }
0x3cb: {  	v0 =	vadd.f32 v56, v0  }
0x3cc: {  	v59 =	vld [tilespmem:s28+$0x77D0]  }
0x3cd: {  	v0 =	vadd.f32 v57, v0;
	_ =	sdelay $0x1  }
0x3ce: {  	v0 =	vadd.f32 v58, v0;
	_ =	sdelay $0x1  }
0x3cf: {  	v0 =	vadd.f32 v59, v0;
	_ =	sdelay $0x1  }
0x3d0: {  	[tilespmem:s29+$0xAA50] =	vst v0  }
0x3d1: {  	v0 =	vld [tilespmem:s28+$0x6860]  }
0x3d2: {  	v60 =	vld [tilespmem:s28+$0x68E0];
	_ =	sdelay $0x1  }
0x3d3: {  	v61 =	vld [tilespmem:s28+$0x6960];
	_ =	sdelay $0x1  }
0x3d4: {  	v62 =	vld [tilespmem:s28+$0x69E0]  }
0x3d5: {  	v0 =	vadd.f32 v60, v0  }
0x3d6: {  	v63 =	vld [tilespmem:s28+$0x6A60]  }
0x3d7: {  	v0 =	vadd.f32 v61, v0  }
0x3d8: {  	v6 =	vld [tilespmem:s28+$0x6AE0]  }
0x3d9: {  	v0 =	vadd.f32 v62, v0  }
0x3da: {  	v7 =	vld [tilespmem:s28+$0x6B60]  }
0x3db: {  	v0 =	vadd.f32 v63, v0  }
0x3dc: {  	v8 =	vld [tilespmem:s28+$0x6BE0]  }
0x3dd: {  	v0 =	vadd.f32 v6, v0  }
0x3de: {  	v9 =	vld [tilespmem:s28+$0x6C60]  }
0x3df: {  	v0 =	vadd.f32 v7, v0  }
0x3e0: {  	v10 =	vld [tilespmem:s28+$0x6CE0]  }
0x3e1: {  	v0 =	vadd.f32 v8, v0  }
0x3e2: {  	v11 =	vld [tilespmem:s28+$0x6D60]  }
0x3e3: {  	v0 =	vadd.f32 v9, v0  }
0x3e4: {  	v12 =	vld [tilespmem:s28+$0x6DE0]  }
0x3e5: {  	v0 =	vadd.f32 v10, v0  }
0x3e6: {  	v13 =	vld [tilespmem:s28+$0x6E60]  }
0x3e7: {  	v0 =	vadd.f32 v11, v0  }
0x3e8: {  	v14 =	vld [tilespmem:s28+$0x6EE0]  }
0x3e9: {  	v0 =	vadd.f32 v12, v0  }
0x3ea: {  	v15 =	vld [tilespmem:s28+$0x6F60]  }
0x3eb: {  	v0 =	vadd.f32 v13, v0  }
0x3ec: {  	v16 =	vld [tilespmem:s28+$0x6FE0]  }
0x3ed: {  	v0 =	vadd.f32 v14, v0  }
0x3ee: {  	v17 =	vld [tilespmem:s28+$0x7060]  }
0x3ef: {  	v0 =	vadd.f32 v15, v0  }
0x3f0: {  	v18 =	vld [tilespmem:s28+$0x70E0]  }
0x3f1: {  	v0 =	vadd.f32 v16, v0  }
0x3f2: {  	v19 =	vld [tilespmem:s28+$0x7160]  }
0x3f3: {  	v0 =	vadd.f32 v17, v0  }
0x3f4: {  	v20 =	vld [tilespmem:s28+$0x71E0]  }
0x3f5: {  	v0 =	vadd.f32 v18, v0  }
0x3f6: {  	v21 =	vld [tilespmem:s28+$0x7260]  }
0x3f7: {  	v0 =	vadd.f32 v19, v0  }
0x3f8: {  	v22 =	vld [tilespmem:s28+$0x72E0]  }
0x3f9: {  	v0 =	vadd.f32 v20, v0  }
0x3fa: {  	v23 =	vld [tilespmem:s28+$0x7360]  }
0x3fb: {  	v0 =	vadd.f32 v21, v0  }
0x3fc: {  	v24 =	vld [tilespmem:s28+$0x73E0]  }
0x3fd: {  	v0 =	vadd.f32 v22, v0  }
0x3fe: {  	v25 =	vld [tilespmem:s28+$0x7460]  }
0x3ff: {  	v0 =	vadd.f32 v23, v0  }
0x400: {  	v26 =	vld [tilespmem:s28+$0x74E0]  }
0x401: {  	v0 =	vadd.f32 v24, v0  }
0x402: {  	v27 =	vld [tilespmem:s28+$0x7560]  }
0x403: {  	v0 =	vadd.f32 v25, v0  }
0x404: {  	v28 =	vld [tilespmem:s28+$0x75E0]  }
0x405: {  	v0 =	vadd.f32 v26, v0  }
0x406: {  	v29 =	vld [tilespmem:s28+$0x7660]  }
0x407: {  	v0 =	vadd.f32 v27, v0  }
0x408: {  	v30 =	vld [tilespmem:s28+$0x76E0]  }
0x409: {  	v0 =	vadd.f32 v28, v0  }
0x40a: {  	v31 =	vld [tilespmem:s28+$0x7760]  }
0x40b: {  	v0 =	vadd.f32 v29, v0  }
0x40c: {  	v32 =	vld [tilespmem:s28+$0x77E0]  }
0x40d: {  	v0 =	vadd.f32 v30, v0;
	_ =	sdelay $0x1  }
0x40e: {  	v0 =	vadd.f32 v31, v0;
	_ =	sdelay $0x1  }
0x40f: {  	v0 =	vadd.f32 v32, v0;
	_ =	sdelay $0x1  }
0x410: {  	[tilespmem:s29+$0xAA60] =	vst v0  }
0x411: {  	v0 =	vld [tilespmem:s28+$0x6870]  }
0x412: {  	v33 =	vld [tilespmem:s28+$0x68F0];
	_ =	sdelay $0x1  }
0x413: {  	v34 =	vld [tilespmem:s28+$0x6970];
	_ =	sdelay $0x1  }
0x414: {  	v35 =	vld [tilespmem:s28+$0x69F0]  }
0x415: {  	v0 =	vadd.f32 v33, v0  }
0x416: {  	v36 =	vld [tilespmem:s28+$0x6A70]  }
0x417: {  	v0 =	vadd.f32 v34, v0  }
0x418: {  	v37 =	vld [tilespmem:s28+$0x6AF0]  }
0x419: {  	v0 =	vadd.f32 v35, v0  }
0x41a: {  	v38 =	vld [tilespmem:s28+$0x6B70]  }
0x41b: {  	v0 =	vadd.f32 v36, v0  }
0x41c: {  	v39 =	vld [tilespmem:s28+$0x6BF0]  }
0x41d: {  	v0 =	vadd.f32 v37, v0  }
0x41e: {  	v40 =	vld [tilespmem:s28+$0x6C70]  }
0x41f: {  	v0 =	vadd.f32 v38, v0  }
0x420: {  	v41 =	vld [tilespmem:s28+$0x6CF0]  }
0x421: {  	v0 =	vadd.f32 v39, v0  }
0x422: {  	v42 =	vld [tilespmem:s28+$0x6D70]  }
0x423: {  	v0 =	vadd.f32 v40, v0  }
0x424: {  	v43 =	vld [tilespmem:s28+$0x6DF0]  }
0x425: {  	v0 =	vadd.f32 v41, v0  }
0x426: {  	v44 =	vld [tilespmem:s28+$0x6E70]  }
0x427: {  	v0 =	vadd.f32 v42, v0  }
0x428: {  	v45 =	vld [tilespmem:s28+$0x6EF0]  }
0x429: {  	v0 =	vadd.f32 v43, v0  }
0x42a: {  	v46 =	vld [tilespmem:s28+$0x6F70]  }
0x42b: {  	v0 =	vadd.f32 v44, v0  }
0x42c: {  	v47 =	vld [tilespmem:s28+$0x6FF0]  }
0x42d: {  	v0 =	vadd.f32 v45, v0  }
0x42e: {  	v48 =	vld [tilespmem:s28+$0x7070]  }
0x42f: {  	v0 =	vadd.f32 v46, v0  }
0x430: {  	v49 =	vld [tilespmem:s28+$0x70F0]  }
0x431: {  	v0 =	vadd.f32 v47, v0  }
0x432: {  	v50 =	vld [tilespmem:s28+$0x7170]  }
0x433: {  	v0 =	vadd.f32 v48, v0  }
0x434: {  	v51 =	vld [tilespmem:s28+$0x71F0]  }
0x435: {  	v0 =	vadd.f32 v49, v0  }
0x436: {  	v52 =	vld [tilespmem:s28+$0x7270]  }
0x437: {  	v0 =	vadd.f32 v50, v0  }
0x438: {  	v53 =	vld [tilespmem:s28+$0x72F0]  }
0x439: {  	v0 =	vadd.f32 v51, v0  }
0x43a: {  	v54 =	vld [tilespmem:s28+$0x7370]  }
0x43b: {  	v0 =	vadd.f32 v52, v0  }
0x43c: {  	v55 =	vld [tilespmem:s28+$0x73F0]  }
0x43d: {  	v0 =	vadd.f32 v53, v0  }
0x43e: {  	v56 =	vld [tilespmem:s28+$0x7470]  }
0x43f: {  	v0 =	vadd.f32 v54, v0  }
0x440: {  	v57 =	vld [tilespmem:s28+$0x74F0]  }
0x441: {  	v0 =	vadd.f32 v55, v0  }
0x442: {  	v58 =	vld [tilespmem:s28+$0x7570]  }
0x443: {  	v0 =	vadd.f32 v56, v0  }
0x444: {  	v59 =	vld [tilespmem:s28+$0x75F0]  }
0x445: {  	v0 =	vadd.f32 v57, v0  }
0x446: {  	v60 =	vld [tilespmem:s28+$0x7670]  }
0x447: {  	v0 =	vadd.f32 v58, v0  }
0x448: {  	v61 =	vld [tilespmem:s28+$0x76F0]  }
0x449: {  	v0 =	vadd.f32 v59, v0  }
0x44a: {  	v62 =	vld [tilespmem:s28+$0x7770]  }
0x44b: {  	v0 =	vadd.f32 v60, v0  }
0x44c: {  	v63 =	vld [tilespmem:s28+$0x77F0]  }
0x44d: {  	v0 =	vadd.f32 v61, v0  }
0x44e: {  	p1 =	sne.s32 s26, $0x3  }
.Ltmp6:
0x44f: {  	v0 =	vadd.f32 v62, v0;
	(pc) =	sbr.rel @p1 .LBB2_9-.Ltmp6, $3  }
0x450: {  	_ = 	snop  }
0x451: {  	v0 =	vadd.f32 v63, v0;
	_ =	sdelay $0x1  }
0x452: {  	s26 =	sadd.s32 $0x1, s26;
	[tilespmem:s29+$0xAA70] =	vst v0  }
0x453: {  	p1 =	seq.s32 s25, $0x27  }
.Ltmp7:
0x454: {  	_ = 	snop;
	(pc) =	sbr.rel @p1 .LBB2_12-.Ltmp7, $4  }
0x455: {  	_ = 	snop  }
0x456: {  	s26 =	sshll.u32 s25, $0x7  }
0x457: {  	s26 =	sadd.s32 s10, s26  }
0x458: {  	[hbm4b:s26+s3] =	stream.linear.scatter [tilespmem:s22], [sflag:$0x4], $0x200, $0x38;
	[tilespmem:$0x1EC00] =	vst v63  }
.Ltmp8:
0x459: {  	(pc) =	sbr.rel .LBB2_2-.Ltmp8, $4  }
0x45a: {  	s26 =	sshll.u32 s25, $0x8  }
0x45b: {  	s26 =	sand.u32 $0x3FFFFF00, s26  }
0x45c: {  	s25 =	sadd.s32 $0x1, s25;
	s26 =	sadd.s32 $0x180, s26  }
0x45d: {  	[tilespmem:s17], [sflag:$0x2] =	stream.indirect.gather [spmem:s1], $0x80, s26, s15, $0xb8;
	[tilespmem:$0x1EC00] =	vst v63  }
.LBB2_13:
0x45e: {  	_ =	sfence.sel $0x180000  }
0x45f: {  	[bflag:$0x0] =	sbarrier.arrive $0xFFFF  }
0x460: {  	p0 =	sne.s32 s2, $0x0;
	_ =	strace $0x90000047  }
0x461: {  	s0 =	sadd.s32 @!p0 $0x100000, s0;
	[bflag:$0x2] =	sbarrier.arrive $0xFFFF  }
0x462: {  	[sflag:s0] =	ssyncadd.tile.s32 @!p0 $0x1;
	_ =	shalt  }
.Lfunc_end2:
_tile_overlayer_lowered:
.L_overlay_start_2:
0x463: {  	(tag) =	ssettag $0x2  }
0x464: {  	s0 =	rddreg [dreg:$0x0];
	s2 =	stileid.u32  }
0x465: {  	s1 =	rddreg [dreg:$0x1];
	p0 =	sne.s32 s2, $0x0  }
0x466: {  	s3 =	rddreg [dreg:$0x2];
	[bflag:$0x3] =	sbarrier.arrive $0xFFFF;
	s2 =	simm.s32 @!p0 $0x1C05  }
0x467: {  	[timem:s3], [sflag:s2] =	dma.local @!p0 [hbm:s0], s1  }
0x468: {  	s0 =	simm.s32 @!p0 $0x5  }
0x469: {  	_ =	swait.ge @!p0 [sflag:s0], s1  }
0x46a: {  	s1 =	ssub.s32 @!p0 $0x0, s1;
	[sflag:s0] =	ssyncset.done @!p0 $0x0  }
0x46b: {  	[sflag:s0] =	ssyncadd.s32 @!p0 s1  }
0x46c: {  	[bflag:$0x3] =	sbarrier.arrive $0xFFFF  }
0x46d: {  	_ =	shalt  }

</sc_bundles>
